<compile_context>
chip_gen: v7x
topology: tpu7x:2x2x1
jax: 0.10.2.dev20260603
libtpu: 0.0.44.dev20260713+nightly
codegen_flags: <defaults>
</compile_context>

<pallas_src>
import jax
import jax.numpy as jnp
from jax import lax
from jax.experimental import pallas as pl
from jax.experimental.pallas import tpu as pltpu
from jax.experimental.pallas import tpu_sc as plsc

N = 10000
NP = 10240
F = 128
E = 320000
NC, NS = 2, 16
NW = NC * NS
CHUNK = 64
NCH = 162
EPW = NCH * CHUNK
EP = NW * EPW
NBUF = 3
DRING = 6
CRING = 6
STRIPE = NP // NS
R = 5120
GRID = NP // R


def _fill_f32(ref, n, value):
    v = jnp.full((16,), value, dtype=jnp.float32)

    def body(i, _):
        ref[pl.ds(i * 16, 16)] = v
        return 0

    lax.fori_loop(0, n // 16, body, 0)


def _fill2_f32(ref, rows, value):
    v = jnp.full((16,), value, dtype=jnp.float32)

    def body(i, _):
        for j in range(8):
            ref[i, pl.ds(j * 16, 16)] = v
        return 0

    lax.fori_loop(0, rows, body, 0)


def _hist_body(col3_hbm, cnt_hbm, hist_sh, idxc_v, ones_v, tmp_v, *hsem):
    c = lax.axis_index("c")
    s = lax.axis_index("s")
    wid = c * NS + s

    pltpu.async_copy(col3_hbm.at[wid], idxc_v, hsem[0])
    _fill_f32(tmp_v, STRIPE, 0.0)
    pltpu.sync_copy(tmp_v, hist_sh.at[pl.ds(s * STRIPE, STRIPE)])
    _fill_f32(ones_v, CHUNK, 1.0)
    pltpu.make_async_copy(col3_hbm.at[wid], idxc_v, hsem[0]).wait()
    plsc.subcore_barrier()

    def group(k, _):
        for b in range(DRING):
            i = k * DRING + b

            @pl.when(k > 0)
            def _():
                pltpu.make_async_copy(ones_v, hist_sh.at[idxc_v.at[i]],
                                      hsem[b]).wait()

            pltpu.async_copy(ones_v, hist_sh.at[idxc_v.at[i]], hsem[b],
                             add=True)
        return 0

    lax.fori_loop(0, NCH // DRING, group, 0)
    for b in range(DRING):
        pltpu.make_async_copy(ones_v, hist_sh.at[idxc_v.at[0]], hsem[b]).wait()
    plsc.subcore_barrier()

    pltpu.sync_copy(hist_sh.at[pl.ds(s * STRIPE, STRIPE)], tmp_v)
    pltpu.sync_copy(tmp_v, cnt_hbm.at[c, pl.ds(s * STRIPE, STRIPE)])


_hist = pl.kernel(
    _hist_body,
    out_type=jax.ShapeDtypeStruct((NC, NP), jnp.float32),
    mesh=plsc.VectorSubcoreMesh(core_axis_name="c", subcore_axis_name="s"),
    scratch_types=[
        pltpu.VMEM_SHARED((NP,), jnp.float32),
        pltpu.VMEM((NCH, CHUNK), jnp.int32),
        pltpu.VMEM((CHUNK,), jnp.float32),
        pltpu.VMEM((STRIPE,), jnp.float32),
    ] + [pltpu.SemaphoreType.DMA] * DRING,
)


def _edge_body(row1_hbm, col1_hbm, h2_hbm, s_hbm, acc_sh, idxr_v, cidx_v,
               r0, r1, r2, *sems):
    c = lax.axis_index("c")
    s = lax.axis_index("s")
    wid = c * NS + s
    rows = [r0, r1, r2]
    gsem = sems[0:NBUF]
    csem = sems[NBUF:NBUF + CRING]
    zsem = sems[NBUF + CRING]
    bsem = sems[NBUF + CRING + 1]
    ebase = wid * EPW

    pltpu.async_copy(row1_hbm.at[pl.ds(ebase, EPW)], idxr_v, bsem)
    for d in range(CRING):
        pltpu.async_copy(col1_hbm.at[pl.ds(ebase + d * CHUNK, CHUNK)],
                         cidx_v.at[d], csem[d])
    _fill2_f32(rows[0], CHUNK, 0.0)
    for j in range(STRIPE // CHUNK):
        pltpu.async_copy(rows[0],
                         acc_sh.at[pl.ds(s * STRIPE + j * CHUNK, CHUNK)],
                         zsem)
    for j in range(STRIPE // CHUNK):
        pltpu.make_async_copy(
            rows[0], acc_sh.at[pl.ds(s * STRIPE + j * CHUNK, CHUNK)],
            zsem).wait()
    pltpu.make_async_copy(row1_hbm.at[pl.ds(ebase, EPW)], idxr_v,
                          bsem).wait()
    for b in range(NBUF):
        pltpu.async_copy(
            h2_hbm.at[idxr_v.at[pl.ds(b * CHUNK, CHUNK)]], rows[b], gsem[b])
    plsc.subcore_barrier()

    def group(k, _):
        for d in range(CRING):
            b = d % NBUF
            i = k * CRING + d
            pltpu.make_async_copy(
                col1_hbm.at[pl.ds(ebase, CHUNK)], cidx_v.at[d],
                csem[d]).wait()
            pltpu.make_async_copy(
                h2_hbm.at[idxr_v.at[pl.ds(i * CHUNK, CHUNK)]], rows[b],
                gsem[b]).wait()
            pltpu.sync_copy(rows[b], acc_sh.at[cidx_v.at[d]], add=True)

            @pl.when(i + NBUF < NCH)
            def _():
                pltpu.async_copy(
                    h2_hbm.at[idxr_v.at[pl.ds((i + NBUF) * CHUNK, CHUNK)]],
                    rows[b], gsem[b])

            @pl.when(i + CRING < NCH)
            def _():
                pltpu.async_copy(
                    col1_hbm.at[pl.ds(ebase + (i + CRING) * CHUNK, CHUNK)],
                    cidx_v.at[d], csem[d])
        return 0

    lax.fori_loop(0, NCH // CRING, group, 0)
    plsc.subcore_barrier()

    for j in range(STRIPE // CHUNK):
        r0b = s * STRIPE + j * CHUNK
        b = j % 2
        if j >= 2:
            prev = s * STRIPE + (j - 2) * CHUNK
            pltpu.make_async_copy(rows[b], s_hbm.at[c, pl.ds(prev, CHUNK)],
                                  gsem[b]).wait()
        pltpu.sync_copy(acc_sh.at[pl.ds(r0b, CHUNK)], rows[b])
        pltpu.async_copy(rows[b], s_hbm.at[c, pl.ds(r0b, CHUNK)], gsem[b])
    for j in range(STRIPE // CHUNK - 2, STRIPE // CHUNK):
        r0b = s * STRIPE + j * CHUNK
        pltpu.make_async_copy(rows[j % 2], s_hbm.at[c, pl.ds(r0b, CHUNK)],
                              gsem[j % 2]).wait()


_edges = pl.kernel(
    _edge_body,
    out_type=jax.ShapeDtypeStruct((NC, NP, F), jnp.float32),
    mesh=plsc.VectorSubcoreMesh(core_axis_name="c", subcore_axis_name="s"),
    scratch_types=[
        pltpu.VMEM_SHARED((NP, F), jnp.float32),
        pltpu.VMEM((EPW,), jnp.int32),
        pltpu.VMEM((CRING, CHUNK), jnp.int32),
    ] + [pltpu.VMEM((CHUNK, F), jnp.float32)] * NBUF
      + [pltpu.SemaphoreType.DMA] * (NBUF + CRING + 2),
)


def _eye128():
    a = lax.broadcasted_iota(jnp.int32, (F, F), 0)
    b = lax.broadcasted_iota(jnp.int32, (F, F), 1)
    return (a == b).astype(jnp.float32)


def _ln_mm_body(x_ref, g_ref, bt_ref, w_ref, cnt_ref, o_ref):
    xb = x_ref[...]
    mean = jnp.mean(xb, axis=1, keepdims=True)
    xc = xb - mean
    var = jnp.mean(xc * xc, axis=1, keepdims=True)
    h = xc * lax.rsqrt(var + 1e-5) * g_ref[...] + bt_ref[...]
    h = jnp.maximum(h, 0.0)
    hw = jnp.dot(h, w_ref[...], preferred_element_type=jnp.float32)
    cb = cnt_ref[...]
    dis = lax.rsqrt(cb[0] + cb[1] + 1.0)
    eye = _eye128()
    for r in range(R // F):
        diag = eye * dis[r][None, :]
        o_ref[r * F:(r + 1) * F, :] = jnp.dot(
            diag, hw[r * F:(r + 1) * F, :], preferred_element_type=jnp.float32)


def _final_body(s_ref, h2_ref, cnt_ref, b_ref, o_ref):
    sb = s_ref[...]
    t = sb[0] + sb[1] + h2_ref[...]
    cb = cnt_ref[...]
    dis = lax.rsqrt(cb[0] + cb[1] + 1.0)
    eye = _eye128()
    bias = b_ref[...]
    for r in range(R // F):
        diag = eye * dis[r][None, :]
        o_ref[r * F:(r + 1) * F, :] = jnp.dot(
            diag, t[r * F:(r + 1) * F, :], preferred_element_type=jnp.float32) + bias


@jax.jit
def kernel(x, edge_index, gamma, beta, W, b):
    edge_index = edge_index.astype(jnp.int32)
    npad = EP - E
    ar = jnp.arange(npad, dtype=jnp.int32)
    row1 = jnp.concatenate([edge_index[0], ar & 8191])
    col1 = jnp.concatenate([edge_index[1], N + (ar & 127)])
    col3 = col1.reshape(NW, NCH, CHUNK)
    cnt = _hist(col3)

    cnt3 = cnt.reshape(NC, NP // F, F)

    h2 = pl.pallas_call(
        _ln_mm_body,
        grid=(GRID,),
        in_specs=[
            pl.BlockSpec((R, F), lambda i: (i, 0)),
            pl.BlockSpec((1, F), lambda i: (0, 0)),
            pl.BlockSpec((1, F), lambda i: (0, 0)),
            pl.BlockSpec((F, F), lambda i: (0, 0)),
            pl.BlockSpec((NC, R // F, F), lambda i: (0, i, 0)),
        ],
        out_specs=pl.BlockSpec((R, F), lambda i: (i, 0)),
        out_shape=jax.ShapeDtypeStruct((NP, F), jnp.float32),
    )(x, gamma.reshape(1, F), beta.reshape(1, F), W, cnt3)

    s_part = _edges(row1, col1, h2)

    return pl.pallas_call(
        _final_body,
        grid=(GRID,),
        in_specs=[
            pl.BlockSpec((NC, R, F), lambda i: (0, i, 0)),
            pl.BlockSpec((R, F), lambda i: (i, 0)),
            pl.BlockSpec((NC, R // F, F), lambda i: (0, i, 0)),
            pl.BlockSpec((1, F), lambda i: (0, 0)),
        ],
        out_specs=pl.BlockSpec((R, F), lambda i: (i, 0)),
        out_shape=jax.ShapeDtypeStruct((N, F), jnp.float32),
    )(s_part, h2, cnt3, b.reshape(1, F))

# --- scband reference (transcript-rebuilt; emitter-appended) ---
"""Pipeline reference for scband-gcnconv-block-17145509446019 (READ-ONLY COPY).

The authoritative reference and input builder live on the scoring server;
editing this copy changes nothing except your own understanding.
"""

import jax, jax.numpy as jnp
import numpy as np

N_NODES = 10000
N_EDGES = 320000
F_IN = 128
F_OUT = 128


def setup_inputs(seed: int = 0) -> dict:
    key = jax.random.key(seed)
    k1, k2, k3 = jax.random.split(key, 3)
    x = jax.random.normal(k1, (N_NODES, F_IN), dtype=jnp.float32)
    edge_index = jax.random.randint(k2, (2, N_EDGES), 0, N_NODES, dtype=jnp.int32)
    # LayerNorm affine params
    gamma = jnp.ones((F_IN,), dtype=jnp.float32)
    beta = jnp.zeros((F_IN,), dtype=jnp.float32)
    # GCNConv linear weight [F_IN, F_OUT] and bias [F_OUT]
    W = jax.random.normal(k3, (F_IN, F_OUT), dtype=jnp.float32) * 0.05
    b = jnp.zeros((F_OUT,), dtype=jnp.float32)
    return {"x": x, "edge_index": edge_index, "gamma": gamma, "beta": beta, "W": W, "b": b}


def reference(x, edge_index, gamma, beta, W, b):
    N = x.shape[0]
    # 1) LayerNorm (elementwise affine) + ReLU
    eps = 1e-5
    mean = jnp.mean(x, axis=-1, keepdims=True)
    var = jnp.mean((x - mean) ** 2, axis=-1, keepdims=True)
    h = (x - mean) / jnp.sqrt(var + eps) * gamma + beta
    h = jax.nn.relu(h)
    # 2) GCNConv: linear transform first
    h = h @ W
    # add self loops (fill value 1.0, improved=False)
    loop = jnp.arange(N, dtype=edge_index.dtype)
    row = jnp.concatenate([edge_index[0], loop])  # source
    col = jnp.concatenate([edge_index[1], loop])  # target
    ew = jnp.ones(row.shape[0], dtype=h.dtype)
    # symmetric normalization: deg computed at target index
    deg = jax.ops.segment_sum(ew, col, num_segments=N)
    deg_inv_sqrt = jnp.where(deg > 0, jax.lax.rsqrt(jnp.maximum(deg, 1e-12)), 0.0)
    norm = deg_inv_sqrt[row] * deg_inv_sqrt[col]
    # message passing: gather from source, scale, scatter-add into target
    msg = h[row] * norm[:, None]
    out = jax.ops.segment_sum(msg, col, num_segments=N)
    return out + b

if __name__ == "__main__":
    import jax
    _d = setup_inputs()
    print(jax.jit(kernel)(*tuple(_d.values())))

</pallas_src>

<mosaic_0001>
#map = affine_map<(d0, d1) -> (0)>
#map1 = affine_map<(d0, d1) -> (0, 0)>
#map2 = affine_map<(d0, d1) -> (0, 0, 0)>
module attributes {stable_mosaic.version = 14 : i64} {
  func.func @_edge_body(%arg0: i32, %arg1: i32, %arg2: memref<331776xi32, #tpu.memory_space<hbm>>, %arg3: memref<331776xi32, #tpu.memory_space<hbm>>, %arg4: memref<10240x128xf32, #tpu.memory_space<hbm>>, %arg5: memref<2x10240x128xf32, #tpu.memory_space<hbm>>, %arg6: memref<10240x128xf32, #tpu.memory_space<vmem_shared>>, %arg7: memref<10368xi32, #tpu.memory_space<vmem>>, %arg8: memref<6x64xi32, #tpu.memory_space<vmem>>, %arg9: memref<64x128xf32, #tpu.memory_space<vmem>>, %arg10: memref<64x128xf32, #tpu.memory_space<vmem>>, %arg11: memref<64x128xf32, #tpu.memory_space<vmem>>, %arg12: memref<!tpu.dma_semaphore, #tpu.memory_space<semaphore_mem>>, %arg13: memref<!tpu.dma_semaphore, #tpu.memory_space<semaphore_mem>>, %arg14: memref<!tpu.dma_semaphore, #tpu.memory_space<semaphore_mem>>, %arg15: memref<!tpu.dma_semaphore, #tpu.memory_space<semaphore_mem>>, %arg16: memref<!tpu.dma_semaphore, #tpu.memory_space<semaphore_mem>>, %arg17: memref<!tpu.dma_semaphore, #tpu.memory_space<semaphore_mem>>, %arg18: memref<!tpu.dma_semaphore, #tpu.memory_space<semaphore_mem>>, %arg19: memref<!tpu.dma_semaphore, #tpu.memory_space<semaphore_mem>>, %arg20: memref<!tpu.dma_semaphore, #tpu.memory_space<semaphore_mem>>, %arg21: memref<!tpu.dma_semaphore, #tpu.memory_space<semaphore_mem>>, %arg22: memref<!tpu.dma_semaphore, #tpu.memory_space<semaphore_mem>>) attributes {dimension_semantics = [#tpu.dimension_semantics<core_parallel>, #tpu.dimension_semantics<subcore_parallel>], iteration_bounds = array<i64: 2, 16>, scalar_prefetch = 0 : i64, scratch_operands = 17 : i64, tpu.core_type = #tpu.core_type<sc_vector_subcore>, window_params = [{transform_indices = #map}, {transform_indices = #map}, {transform_indices = #map1}, {transform_indices = #map2}]} {
    %mul3A = arith.constant 16 : i32
    %mul3A_0 = arith.muli %arg0, %mul3A : i32
    %add3A = arith.addi %mul3A_0, %arg1 : i32
    %mul3A_1 = arith.constant 10368 : i32
    %mul3A_2 = arith.muli %add3A, %mul3A_1 : i32
    %dma_start3A = tpu.memref_slice %arg2[%mul3A_2] : memref<331776xi32, #tpu.memory_space<hbm>> -> memref<10368xi32, #tpu.memory_space<hbm>>
    %dma_start3A_3 = tpu.memref_slice %arg2[%mul3A_2] : memref<331776xi32, #tpu.memory_space<hbm>> -> memref<10368xi32, #tpu.memory_space<hbm>>
    tpu.enqueue_dma source(%dma_start3A_3 : memref<10368xi32, #tpu.memory_space<hbm>>) target(%arg7 : memref<10368xi32, #tpu.memory_space<vmem>>) target_semaphore(%arg22 : memref<!tpu.dma_semaphore, #tpu.memory_space<semaphore_mem>>)
    %add3A_4 = arith.constant 0 : i32
    %add3A_5 = arith.addi %mul3A_2, %add3A_4 : i32
    %dma_start3A_6 = arith.constant 0 : i32
    %dma_start3A_7 = arith.constant 0 : i32
    %dma_start3A_8 = tpu.memref_slice %arg8[%dma_start3A_6, %dma_start3A_7] : memref<6x64xi32, #tpu.memory_space<vmem>> -> memref<1x64xi32, #tpu.memory_space<vmem>>
    %dma_start3A_9 = tpu.memref_squeeze %dma_start3A_8 : memref<1x64xi32, #tpu.memory_space<vmem>> -> memref<64xi32, #tpu.memory_space<vmem>>
    %dma_start3A_10 = tpu.memref_slice %arg3[%add3A_5] : memref<331776xi32, #tpu.memory_space<hbm>> -> memref<64xi32, #tpu.memory_space<hbm>>
    %dma_start3A_11 = arith.constant 0 : i32
    %dma_start3A_12 = tpu.memref_slice %arg8[%dma_start3A_6, %dma_start3A_11] : memref<6x64xi32, #tpu.memory_space<vmem>> -> memref<1x64xi32, #tpu.memory_space<vmem>>
    %dma_start3A_13 = tpu.memref_squeeze %dma_start3A_12 : memref<1x64xi32, #tpu.memory_space<vmem>> -> memref<64xi32, #tpu.memory_space<vmem>>
    %dma_start3A_14 = tpu.memref_slice %arg3[%add3A_5] : memref<331776xi32, #tpu.memory_space<hbm>> -> memref<64xi32, #tpu.memory_space<hbm>>
    tpu.enqueue_dma source(%dma_start3A_14 : memref<64xi32, #tpu.memory_space<hbm>>) target(%dma_start3A_13 : memref<64xi32, #tpu.memory_space<vmem>>) target_semaphore(%arg15 : memref<!tpu.dma_semaphore, #tpu.memory_space<semaphore_mem>>)
    %add3A_15 = arith.constant 64 : i32
    %add3A_16 = arith.addi %mul3A_2, %add3A_15 : i32
    %dma_start3A_17 = arith.constant 1 : i32
    %dma_start3A_18 = arith.constant 0 : i32
    %dma_start3A_19 = tpu.memref_slice %arg8[%dma_start3A_17, %dma_start3A_18] : memref<6x64xi32, #tpu.memory_space<vmem>> -> memref<1x64xi32, #tpu.memory_space<vmem>>
    %dma_start3A_20 = tpu.memref_squeeze %dma_start3A_19 : memref<1x64xi32, #tpu.memory_space<vmem>> -> memref<64xi32, #tpu.memory_space<vmem>>
    %dma_start3A_21 = tpu.memref_slice %arg3[%add3A_16] : memref<331776xi32, #tpu.memory_space<hbm>> -> memref<64xi32, #tpu.memory_space<hbm>>
    %dma_start3A_22 = arith.constant 0 : i32
    %dma_start3A_23 = tpu.memref_slice %arg8[%dma_start3A_17, %dma_start3A_22] : memref<6x64xi32, #tpu.memory_space<vmem>> -> memref<1x64xi32, #tpu.memory_space<vmem>>
    %dma_start3A_24 = tpu.memref_squeeze %dma_start3A_23 : memref<1x64xi32, #tpu.memory_space<vmem>> -> memref<64xi32, #tpu.memory_space<vmem>>
    %dma_start3A_25 = tpu.memref_slice %arg3[%add3A_16] : memref<331776xi32, #tpu.memory_space<hbm>> -> memref<64xi32, #tpu.memory_space<hbm>>
    tpu.enqueue_dma source(%dma_start3A_25 : memref<64xi32, #tpu.memory_space<hbm>>) target(%dma_start3A_24 : memref<64xi32, #tpu.memory_space<vmem>>) target_semaphore(%arg16 : memref<!tpu.dma_semaphore, #tpu.memory_space<semaphore_mem>>)
    %add3A_26 = arith.constant 128 : i32
    %add3A_27 = arith.addi %mul3A_2, %add3A_26 : i32
    %dma_start3A_28 = arith.constant 2 : i32
    %dma_start3A_29 = arith.constant 0 : i32
    %dma_start3A_30 = tpu.memref_slice %arg8[%dma_start3A_28, %dma_start3A_29] : memref<6x64xi32, #tpu.memory_space<vmem>> -> memref<1x64xi32, #tpu.memory_space<vmem>>
    %dma_start3A_31 = tpu.memref_squeeze %dma_start3A_30 : memref<1x64xi32, #tpu.memory_space<vmem>> -> memref<64xi32, #tpu.memory_space<vmem>>
    %dma_start3A_32 = tpu.memref_slice %arg3[%add3A_27] : memref<331776xi32, #tpu.memory_space<hbm>> -> memref<64xi32, #tpu.memory_space<hbm>>
    %dma_start3A_33 = arith.constant 0 : i32
    %dma_start3A_34 = tpu.memref_slice %arg8[%dma_start3A_28, %dma_start3A_33] : memref<6x64xi32, #tpu.memory_space<vmem>> -> memref<1x64xi32, #tpu.memory_space<vmem>>
    %dma_start3A_35 = tpu.memref_squeeze %dma_start3A_34 : memref<1x64xi32, #tpu.memory_space<vmem>> -> memref<64xi32, #tpu.memory_space<vmem>>
    %dma_start3A_36 = tpu.memref_slice %arg3[%add3A_27] : memref<331776xi32, #tpu.memory_space<hbm>> -> memref<64xi32, #tpu.memory_space<hbm>>
    tpu.enqueue_dma source(%dma_start3A_36 : memref<64xi32, #tpu.memory_space<hbm>>) target(%dma_start3A_35 : memref<64xi32, #tpu.memory_space<vmem>>) target_semaphore(%arg17 : memref<!tpu.dma_semaphore, #tpu.memory_space<semaphore_mem>>)
    %add3A_37 = arith.constant 192 : i32
    %add3A_38 = arith.addi %mul3A_2, %add3A_37 : i32
    %dma_start3A_39 = arith.constant 3 : i32
    %dma_start3A_40 = arith.constant 0 : i32
    %dma_start3A_41 = tpu.memref_slice %arg8[%dma_start3A_39, %dma_start3A_40] : memref<6x64xi32, #tpu.memory_space<vmem>> -> memref<1x64xi32, #tpu.memory_space<vmem>>
    %dma_start3A_42 = tpu.memref_squeeze %dma_start3A_41 : memref<1x64xi32, #tpu.memory_space<vmem>> -> memref<64xi32, #tpu.memory_space<vmem>>
    %dma_start3A_43 = tpu.memref_slice %arg3[%add3A_38] : memref<331776xi32, #tpu.memory_space<hbm>> -> memref<64xi32, #tpu.memory_space<hbm>>
    %dma_start3A_44 = arith.constant 0 : i32
    %dma_start3A_45 = tpu.memref_slice %arg8[%dma_start3A_39, %dma_start3A_44] : memref<6x64xi32, #tpu.memory_space<vmem>> -> memref<1x64xi32, #tpu.memory_space<vmem>>
    %dma_start3A_46 = tpu.memref_squeeze %dma_start3A_45 : memref<1x64xi32, #tpu.memory_space<vmem>> -> memref<64xi32, #tpu.memory_space<vmem>>
    %dma_start3A_47 = tpu.memref_slice %arg3[%add3A_38] : memref<331776xi32, #tpu.memory_space<hbm>> -> memref<64xi32, #tpu.memory_space<hbm>>
    tpu.enqueue_dma source(%dma_start3A_47 : memref<64xi32, #tpu.memory_space<hbm>>) target(%dma_start3A_46 : memref<64xi32, #tpu.memory_space<vmem>>) target_semaphore(%arg18 : memref<!tpu.dma_semaphore, #tpu.memory_space<semaphore_mem>>)
    %add3A_48 = arith.constant 256 : i32
    %add3A_49 = arith.addi %mul3A_2, %add3A_48 : i32
    %dma_start3A_50 = arith.constant 4 : i32
    %dma_start3A_51 = arith.constant 0 : i32
    %dma_start3A_52 = tpu.memref_slice %arg8[%dma_start3A_50, %dma_start3A_51] : memref<6x64xi32, #tpu.memory_space<vmem>> -> memref<1x64xi32, #tpu.memory_space<vmem>>
    %dma_start3A_53 = tpu.memref_squeeze %dma_start3A_52 : memref<1x64xi32, #tpu.memory_space<vmem>> -> memref<64xi32, #tpu.memory_space<vmem>>
    %dma_start3A_54 = tpu.memref_slice %arg3[%add3A_49] : memref<331776xi32, #tpu.memory_space<hbm>> -> memref<64xi32, #tpu.memory_space<hbm>>
    %dma_start3A_55 = arith.constant 0 : i32
    %dma_start3A_56 = tpu.memref_slice %arg8[%dma_start3A_50, %dma_start3A_55] : memref<6x64xi32, #tpu.memory_space<vmem>> -> memref<1x64xi32, #tpu.memory_space<vmem>>
    %dma_start3A_57 = tpu.memref_squeeze %dma_start3A_56 : memref<1x64xi32, #tpu.memory_space<vmem>> -> memref<64xi32, #tpu.memory_space<vmem>>
    %dma_start3A_58 = tpu.memref_slice %arg3[%add3A_49] : memref<331776xi32, #tpu.memory_space<hbm>> -> memref<64xi32, #tpu.memory_space<hbm>>
    tpu.enqueue_dma source(%dma_start3A_58 : memref<64xi32, #tpu.memory_space<hbm>>) target(%dma_start3A_57 : memref<64xi32, #tpu.memory_space<vmem>>) target_semaphore(%arg19 : memref<!tpu.dma_semaphore, #tpu.memory_space<semaphore_mem>>)
    %add3A_59 = arith.constant 320 : i32
    %add3A_60 = arith.addi %mul3A_2, %add3A_59 : i32
    %dma_start3A_61 = arith.constant 5 : i32
    %dma_start3A_62 = arith.constant 0 : i32
    %dma_start3A_63 = tpu.memref_slice %arg8[%dma_start3A_61, %dma_start3A_62] : memref<6x64xi32, #tpu.memory_space<vmem>> -> memref<1x64xi32, #tpu.memory_space<vmem>>
    %dma_start3A_64 = tpu.memref_squeeze %dma_start3A_63 : memref<1x64xi32, #tpu.memory_space<vmem>> -> memref<64xi32, #tpu.memory_space<vmem>>
    %dma_start3A_65 = tpu.memref_slice %arg3[%add3A_60] : memref<331776xi32, #tpu.memory_space<hbm>> -> memref<64xi32, #tpu.memory_space<hbm>>
    %dma_start3A_66 = arith.constant 0 : i32
    %dma_start3A_67 = tpu.memref_slice %arg8[%dma_start3A_61, %dma_start3A_66] : memref<6x64xi32, #tpu.memory_space<vmem>> -> memref<1x64xi32, #tpu.memory_space<vmem>>
    %dma_start3A_68 = tpu.memref_squeeze %dma_start3A_67 : memref<1x64xi32, #tpu.memory_space<vmem>> -> memref<64xi32, #tpu.memory_space<vmem>>
    %dma_start3A_69 = tpu.memref_slice %arg3[%add3A_60] : memref<331776xi32, #tpu.memory_space<hbm>> -> memref<64xi32, #tpu.memory_space<hbm>>
    tpu.enqueue_dma source(%dma_start3A_69 : memref<64xi32, #tpu.memory_space<hbm>>) target(%dma_start3A_68 : memref<64xi32, #tpu.memory_space<vmem>>) target_semaphore(%arg20 : memref<!tpu.dma_semaphore, #tpu.memory_space<semaphore_mem>>)
    %broadcast_in_dim3A = arith.constant 0.000000e+00 : f32
    %broadcast_in_dim3A_70 = vector.broadcast %broadcast_in_dim3A : f32 to vector<16xf32>
    %scan3A = arith.constant 0 : i32
    %scan3A_71 = arith.constant 0 : i32
    %scan3A_72 = arith.constant 64 : i32
    %scan3A_73 = arith.addi %scan3A_71, %scan3A_72 : i32
    %scan3A_74 = arith.constant 1 : i32
    %scan3A_75 = scf.for %scan3A_461 = %scan3A_71 to %scan3A_73 step %scan3A_74 iter_args(%scan3A_462 = %scan3A) -> (i32)  : i32 {
      %swap3A = arith.index_cast %scan3A_461 : i32 to index
      %swap3A_463 = arith.constant 0 : index
      %swap3A_464 = tpu.vector_load %arg9[%swap3A, %swap3A_463] {strides = array<i32>} : memref<64x128xf32, #tpu.memory_space<vmem>>, vector<1x16xf32>,
      %swap3A_465 = vector.shape_cast %swap3A_464 : vector<1x16xf32> to vector<16xf32>
      %swap3A_466 = vector.shape_cast %broadcast_in_dim3A_70 : vector<16xf32> to vector<1x16xf32>
      tpu.vector_store %arg9[%swap3A, %swap3A_463], %swap3A_466 {strides = array<i32>} : memref<64x128xf32, #tpu.memory_space<vmem>>, vector<1x16xf32>,
      %swap3A_467 = arith.index_cast %scan3A_461 : i32 to index
      %swap3A_468 = arith.constant 16 : index
      %swap3A_469 = tpu.vector_load %arg9[%swap3A_467, %swap3A_468] {strides = array<i32>} : memref<64x128xf32, #tpu.memory_space<vmem>>, vector<1x16xf32>,
      %swap3A_470 = vector.shape_cast %swap3A_469 : vector<1x16xf32> to vector<16xf32>
      %swap3A_471 = vector.shape_cast %broadcast_in_dim3A_70 : vector<16xf32> to vector<1x16xf32>
      tpu.vector_store %arg9[%swap3A_467, %swap3A_468], %swap3A_471 {strides = array<i32>} : memref<64x128xf32, #tpu.memory_space<vmem>>, vector<1x16xf32>,
      %swap3A_472 = arith.index_cast %scan3A_461 : i32 to index
      %swap3A_473 = arith.constant 32 : index
      %swap3A_474 = tpu.vector_load %arg9[%swap3A_472, %swap3A_473] {strides = array<i32>} : memref<64x128xf32, #tpu.memory_space<vmem>>, vector<1x16xf32>,
      %swap3A_475 = vector.shape_cast %swap3A_474 : vector<1x16xf32> to vector<16xf32>
      %swap3A_476 = vector.shape_cast %broadcast_in_dim3A_70 : vector<16xf32> to vector<1x16xf32>
      tpu.vector_store %arg9[%swap3A_472, %swap3A_473], %swap3A_476 {strides = array<i32>} : memref<64x128xf32, #tpu.memory_space<vmem>>, vector<1x16xf32>,
      %swap3A_477 = arith.index_cast %scan3A_461 : i32 to index
      %swap3A_478 = arith.constant 48 : index
      %swap3A_479 = tpu.vector_load %arg9[%swap3A_477, %swap3A_478] {strides = array<i32>} : memref<64x128xf32, #tpu.memory_space<vmem>>, vector<1x16xf32>,
      %swap3A_480 = vector.shape_cast %swap3A_479 : vector<1x16xf32> to vector<16xf32>
      %swap3A_481 = vector.shape_cast %broadcast_in_dim3A_70 : vector<16xf32> to vector<1x16xf32>
      tpu.vector_store %arg9[%swap3A_477, %swap3A_478], %swap3A_481 {strides = array<i32>} : memref<64x128xf32, #tpu.memory_space<vmem>>, vector<1x16xf32>,
      %swap3A_482 = arith.index_cast %scan3A_461 : i32 to index
      %swap3A_483 = arith.constant 64 : index
      %swap3A_484 = tpu.vector_load %arg9[%swap3A_482, %swap3A_483] {strides = array<i32>} : memref<64x128xf32, #tpu.memory_space<vmem>>, vector<1x16xf32>,
      %swap3A_485 = vector.shape_cast %swap3A_484 : vector<1x16xf32> to vector<16xf32>
      %swap3A_486 = vector.shape_cast %broadcast_in_dim3A_70 : vector<16xf32> to vector<1x16xf32>
      tpu.vector_store %arg9[%swap3A_482, %swap3A_483], %swap3A_486 {strides = array<i32>} : memref<64x128xf32, #tpu.memory_space<vmem>>, vector<1x16xf32>,
      %swap3A_487 = arith.index_cast %scan3A_461 : i32 to index
      %swap3A_488 = arith.constant 80 : index
      %swap3A_489 = tpu.vector_load %arg9[%swap3A_487, %swap3A_488] {strides = array<i32>} : memref<64x128xf32, #tpu.memory_space<vmem>>, vector<1x16xf32>,
      %swap3A_490 = vector.shape_cast %swap3A_489 : vector<1x16xf32> to vector<16xf32>
      %swap3A_491 = vector.shape_cast %broadcast_in_dim3A_70 : vector<16xf32> to vector<1x16xf32>
      tpu.vector_store %arg9[%swap3A_487, %swap3A_488], %swap3A_491 {strides = array<i32>} : memref<64x128xf32, #tpu.memory_space<vmem>>, vector<1x16xf32>,
      %swap3A_492 = arith.index_cast %scan3A_461 : i32 to index
      %swap3A_493 = arith.constant 96 : index
      %swap3A_494 = tpu.vector_load %arg9[%swap3A_492, %swap3A_493] {strides = array<i32>} : memref<64x128xf32, #tpu.memory_space<vmem>>, vector<1x16xf32>,
      %swap3A_495 = vector.shape_cast %swap3A_494 : vector<1x16xf32> to vector<16xf32>
      %swap3A_496 = vector.shape_cast %broadcast_in_dim3A_70 : vector<16xf32> to vector<1x16xf32>
      tpu.vector_store %arg9[%swap3A_492, %swap3A_493], %swap3A_496 {strides = array<i32>} : memref<64x128xf32, #tpu.memory_space<vmem>>, vector<1x16xf32>,
      %swap3A_497 = arith.index_cast %scan3A_461 : i32 to index
      %swap3A_498 = arith.constant 112 : index
      %swap3A_499 = tpu.vector_load %arg9[%swap3A_497, %swap3A_498] {strides = array<i32>} : memref<64x128xf32, #tpu.memory_space<vmem>>, vector<1x16xf32>,
      %swap3A_500 = vector.shape_cast %swap3A_499 : vector<1x16xf32> to vector<16xf32>
      %swap3A_501 = vector.shape_cast %broadcast_in_dim3A_70 : vector<16xf32> to vector<1x16xf32>
      tpu.vector_store %arg9[%swap3A_497, %swap3A_498], %swap3A_501 {strides = array<i32>} : memref<64x128xf32, #tpu.memory_space<vmem>>, vector<1x16xf32>,
      %scan3A_502 = arith.constant 0 : i32
      scf.yield %scan3A_502 : i32
    }
    %scan3A_76 = arith.constant 64 : i32
    %mul3A_77 = arith.constant 640 : i32
    %mul3A_78 = arith.muli %arg1, %mul3A_77 : i32
    %add3A_79 = arith.constant 0 : i32
    %add3A_80 = arith.addi %mul3A_78, %add3A_79 : i32
    %dma_start3A_81 = arith.constant 0 : i32
    %dma_start3A_82 = tpu.memref_slice %arg6[%add3A_80, %dma_start3A_81] : memref<10240x128xf32, #tpu.memory_space<vmem_shared>> -> memref<64x128xf32, #tpu.memory_space<vmem_shared>>
    %dma_start3A_83 = arith.constant 0 : i32
    %dma_start3A_84 = tpu.memref_slice %arg6[%add3A_80, %dma_start3A_83] : memref<10240x128xf32, #tpu.memory_space<vmem_shared>> -> memref<64x128xf32, #tpu.memory_space<vmem_shared>>
    tpu.enqueue_dma source(%arg9 : memref<64x128xf32, #tpu.memory_space<vmem>>) target(%dma_start3A_84 : memref<64x128xf32, #tpu.memory_space<vmem_shared>>) target_semaphore(%arg21 : memref<!tpu.dma_semaphore, #tpu.memory_space<semaphore_mem>>)
    %mul3A_85 = arith.constant 640 : i32
    %mul3A_86 = arith.muli %arg1, %mul3A_85 : i32
    %add3A_87 = arith.constant 64 : i32
    %add3A_88 = arith.addi %mul3A_86, %add3A_87 : i32
    %dma_start3A_89 = arith.constant 0 : i32
    %dma_start3A_90 = tpu.memref_slice %arg6[%add3A_88, %dma_start3A_89] : memref<10240x128xf32, #tpu.memory_space<vmem_shared>> -> memref<64x128xf32, #tpu.memory_space<vmem_shared>>
    %dma_start3A_91 = arith.constant 0 : i32
    %dma_start3A_92 = tpu.memref_slice %arg6[%add3A_88, %dma_start3A_91] : memref<10240x128xf32, #tpu.memory_space<vmem_shared>> -> memref<64x128xf32, #tpu.memory_space<vmem_shared>>
    tpu.enqueue_dma source(%arg9 : memref<64x128xf32, #tpu.memory_space<vmem>>) target(%dma_start3A_92 : memref<64x128xf32, #tpu.memory_space<vmem_shared>>) target_semaphore(%arg21 : memref<!tpu.dma_semaphore, #tpu.memory_space<semaphore_mem>>)
    %mul3A_93 = arith.constant 640 : i32
    %mul3A_94 = arith.muli %arg1, %mul3A_93 : i32
    %add3A_95 = arith.constant 128 : i32
    %add3A_96 = arith.addi %mul3A_94, %add3A_95 : i32
    %dma_start3A_97 = arith.constant 0 : i32
    %dma_start3A_98 = tpu.memref_slice %arg6[%add3A_96, %dma_start3A_97] : memref<10240x128xf32, #tpu.memory_space<vmem_shared>> -> memref<64x128xf32, #tpu.memory_space<vmem_shared>>
    %dma_start3A_99 = arith.constant 0 : i32
    %dma_start3A_100 = tpu.memref_slice %arg6[%add3A_96, %dma_start3A_99] : memref<10240x128xf32, #tpu.memory_space<vmem_shared>> -> memref<64x128xf32, #tpu.memory_space<vmem_shared>>
    tpu.enqueue_dma source(%arg9 : memref<64x128xf32, #tpu.memory_space<vmem>>) target(%dma_start3A_100 : memref<64x128xf32, #tpu.memory_space<vmem_shared>>) target_semaphore(%arg21 : memref<!tpu.dma_semaphore, #tpu.memory_space<semaphore_mem>>)
    %mul3A_101 = arith.constant 640 : i32
    %mul3A_102 = arith.muli %arg1, %mul3A_101 : i32
    %add3A_103 = arith.constant 192 : i32
    %add3A_104 = arith.addi %mul3A_102, %add3A_103 : i32
    %dma_start3A_105 = arith.constant 0 : i32
    %dma_start3A_106 = tpu.memref_slice %arg6[%add3A_104, %dma_start3A_105] : memref<10240x128xf32, #tpu.memory_space<vmem_shared>> -> memref<64x128xf32, #tpu.memory_space<vmem_shared>>
    %dma_start3A_107 = arith.constant 0 : i32
    %dma_start3A_108 = tpu.memref_slice %arg6[%add3A_104, %dma_start3A_107] : memref<10240x128xf32, #tpu.memory_space<vmem_shared>> -> memref<64x128xf32, #tpu.memory_space<vmem_shared>>
    tpu.enqueue_dma source(%arg9 : memref<64x128xf32, #tpu.memory_space<vmem>>) target(%dma_start3A_108 : memref<64x128xf32, #tpu.memory_space<vmem_shared>>) target_semaphore(%arg21 : memref<!tpu.dma_semaphore, #tpu.memory_space<semaphore_mem>>)
    %mul3A_109 = arith.constant 640 : i32
    %mul3A_110 = arith.muli %arg1, %mul3A_109 : i32
    %add3A_111 = arith.constant 256 : i32
    %add3A_112 = arith.addi %mul3A_110, %add3A_111 : i32
    %dma_start3A_113 = arith.constant 0 : i32
    %dma_start3A_114 = tpu.memref_slice %arg6[%add3A_112, %dma_start3A_113] : memref<10240x128xf32, #tpu.memory_space<vmem_shared>> -> memref<64x128xf32, #tpu.memory_space<vmem_shared>>
    %dma_start3A_115 = arith.constant 0 : i32
    %dma_start3A_116 = tpu.memref_slice %arg6[%add3A_112, %dma_start3A_115] : memref<10240x128xf32, #tpu.memory_space<vmem_shared>> -> memref<64x128xf32, #tpu.memory_space<vmem_shared>>
    tpu.enqueue_dma source(%arg9 : memref<64x128xf32, #tpu.memory_space<vmem>>) target(%dma_start3A_116 : memref<64x128xf32, #tpu.memory_space<vmem_shared>>) target_semaphore(%arg21 : memref<!tpu.dma_semaphore, #tpu.memory_space<semaphore_mem>>)
    %mul3A_117 = arith.constant 640 : i32
    %mul3A_118 = arith.muli %arg1, %mul3A_117 : i32
    %add3A_119 = arith.constant 320 : i32
    %add3A_120 = arith.addi %mul3A_118, %add3A_119 : i32
    %dma_start3A_121 = arith.constant 0 : i32
    %dma_start3A_122 = tpu.memref_slice %arg6[%add3A_120, %dma_start3A_121] : memref<10240x128xf32, #tpu.memory_space<vmem_shared>> -> memref<64x128xf32, #tpu.memory_space<vmem_shared>>
    %dma_start3A_123 = arith.constant 0 : i32
    %dma_start3A_124 = tpu.memref_slice %arg6[%add3A_120, %dma_start3A_123] : memref<10240x128xf32, #tpu.memory_space<vmem_shared>> -> memref<64x128xf32, #tpu.memory_space<vmem_shared>>
    tpu.enqueue_dma source(%arg9 : memref<64x128xf32, #tpu.memory_space<vmem>>) target(%dma_start3A_124 : memref<64x128xf32, #tpu.memory_space<vmem_shared>>) target_semaphore(%arg21 : memref<!tpu.dma_semaphore, #tpu.memory_space<semaphore_mem>>)
    %mul3A_125 = arith.constant 640 : i32
    %mul3A_126 = arith.muli %arg1, %mul3A_125 : i32
    %add3A_127 = arith.constant 384 : i32
    %add3A_128 = arith.addi %mul3A_126, %add3A_127 : i32
    %dma_start3A_129 = arith.constant 0 : i32
    %dma_start3A_130 = tpu.memref_slice %arg6[%add3A_128, %dma_start3A_129] : memref<10240x128xf32, #tpu.memory_space<vmem_shared>> -> memref<64x128xf32, #tpu.memory_space<vmem_shared>>
    %dma_start3A_131 = arith.constant 0 : i32
    %dma_start3A_132 = tpu.memref_slice %arg6[%add3A_128, %dma_start3A_131] : memref<10240x128xf32, #tpu.memory_space<vmem_shared>> -> memref<64x128xf32, #tpu.memory_space<vmem_shared>>
    tpu.enqueue_dma source(%arg9 : memref<64x128xf32, #tpu.memory_space<vmem>>) target(%dma_start3A_132 : memref<64x128xf32, #tpu.memory_space<vmem_shared>>) target_semaphore(%arg21 : memref<!tpu.dma_semaphore, #tpu.memory_space<semaphore_mem>>)
    %mul3A_133 = arith.constant 640 : i32
    %mul3A_134 = arith.muli %arg1, %mul3A_133 : i32
    %add3A_135 = arith.constant 448 : i32
    %add3A_136 = arith.addi %mul3A_134, %add3A_135 : i32
    %dma_start3A_137 = arith.constant 0 : i32
    %dma_start3A_138 = tpu.memref_slice %arg6[%add3A_136, %dma_start3A_137] : memref<10240x128xf32, #tpu.memory_space<vmem_shared>> -> memref<64x128xf32, #tpu.memory_space<vmem_shared>>
    %dma_start3A_139 = arith.constant 0 : i32
    %dma_start3A_140 = tpu.memref_slice %arg6[%add3A_136, %dma_start3A_139] : memref<10240x128xf32, #tpu.memory_space<vmem_shared>> -> memref<64x128xf32, #tpu.memory_space<vmem_shared>>
    tpu.enqueue_dma source(%arg9 : memref<64x128xf32, #tpu.memory_space<vmem>>) target(%dma_start3A_140 : memref<64x128xf32, #tpu.memory_space<vmem_shared>>) target_semaphore(%arg21 : memref<!tpu.dma_semaphore, #tpu.memory_space<semaphore_mem>>)
    %mul3A_141 = arith.constant 640 : i32
    %mul3A_142 = arith.muli %arg1, %mul3A_141 : i32
    %add3A_143 = arith.constant 512 : i32
    %add3A_144 = arith.addi %mul3A_142, %add3A_143 : i32
    %dma_start3A_145 = arith.constant 0 : i32
    %dma_start3A_146 = tpu.memref_slice %arg6[%add3A_144, %dma_start3A_145] : memref<10240x128xf32, #tpu.memory_space<vmem_shared>> -> memref<64x128xf32, #tpu.memory_space<vmem_shared>>
    %dma_start3A_147 = arith.constant 0 : i32
    %dma_start3A_148 = tpu.memref_slice %arg6[%add3A_144, %dma_start3A_147] : memref<10240x128xf32, #tpu.memory_space<vmem_shared>> -> memref<64x128xf32, #tpu.memory_space<vmem_shared>>
    tpu.enqueue_dma source(%arg9 : memref<64x128xf32, #tpu.memory_space<vmem>>) target(%dma_start3A_148 : memref<64x128xf32, #tpu.memory_space<vmem_shared>>) target_semaphore(%arg21 : memref<!tpu.dma_semaphore, #tpu.memory_space<semaphore_mem>>)
    %mul3A_149 = arith.constant 640 : i32
    %mul3A_150 = arith.muli %arg1, %mul3A_149 : i32
    %add3A_151 = arith.constant 576 : i32
    %add3A_152 = arith.addi %mul3A_150, %add3A_151 : i32
    %dma_start3A_153 = arith.constant 0 : i32
    %dma_start3A_154 = tpu.memref_slice %arg6[%add3A_152, %dma_start3A_153] : memref<10240x128xf32, #tpu.memory_space<vmem_shared>> -> memref<64x128xf32, #tpu.memory_space<vmem_shared>>
    %dma_start3A_155 = arith.constant 0 : i32
    %dma_start3A_156 = tpu.memref_slice %arg6[%add3A_152, %dma_start3A_155] : memref<10240x128xf32, #tpu.memory_space<vmem_shared>> -> memref<64x128xf32, #tpu.memory_space<vmem_shared>>
    tpu.enqueue_dma source(%arg9 : memref<64x128xf32, #tpu.memory_space<vmem>>) target(%dma_start3A_156 : memref<64x128xf32, #tpu.memory_space<vmem_shared>>) target_semaphore(%arg21 : memref<!tpu.dma_semaphore, #tpu.memory_space<semaphore_mem>>)
    %mul3A_157 = arith.constant 640 : i32
    %mul3A_158 = arith.muli %arg1, %mul3A_157 : i32
    %add3A_159 = arith.constant 0 : i32
    %add3A_160 = arith.addi %mul3A_158, %add3A_159 : i32
    %dma_wait3A = arith.constant 0 : i32
    %dma_wait3A_161 = tpu.memref_slice %arg6[%add3A_160, %dma_wait3A] : memref<10240x128xf32, #tpu.memory_space<vmem_shared>> -> memref<64x128xf32, #tpu.memory_space<vmem_shared>>
    %dma_wait3A_162 = arith.constant 0 : i32
    %dma_wait3A_163 = tpu.memref_slice %arg6[%add3A_160, %dma_wait3A_162] : memref<10240x128xf32, #tpu.memory_space<vmem_shared>> -> memref<64x128xf32, #tpu.memory_space<vmem_shared>>
    tpu.wait_dma2 semaphore(%arg21 : memref<!tpu.dma_semaphore, #tpu.memory_space<semaphore_mem>>) src(%arg9 : memref<64x128xf32, #tpu.memory_space<vmem>>) dst(%dma_wait3A_163 : memref<64x128xf32, #tpu.memory_space<vmem_shared>>)
    %mul3A_164 = arith.constant 640 : i32
    %mul3A_165 = arith.muli %arg1, %mul3A_164 : i32
    %add3A_166 = arith.constant 64 : i32
    %add3A_167 = arith.addi %mul3A_165, %add3A_166 : i32
    %dma_wait3A_168 = arith.constant 0 : i32
    %dma_wait3A_169 = tpu.memref_slice %arg6[%add3A_167, %dma_wait3A_168] : memref<10240x128xf32, #tpu.memory_space<vmem_shared>> -> memref<64x128xf32, #tpu.memory_space<vmem_shared>>
    %dma_wait3A_170 = arith.constant 0 : i32
    %dma_wait3A_171 = tpu.memref_slice %arg6[%add3A_167, %dma_wait3A_170] : memref<10240x128xf32, #tpu.memory_space<vmem_shared>> -> memref<64x128xf32, #tpu.memory_space<vmem_shared>>
    tpu.wait_dma2 semaphore(%arg21 : memref<!tpu.dma_semaphore, #tpu.memory_space<semaphore_mem>>) src(%arg9 : memref<64x128xf32, #tpu.memory_space<vmem>>) dst(%dma_wait3A_171 : memref<64x128xf32, #tpu.memory_space<vmem_shared>>)
    %mul3A_172 = arith.constant 640 : i32
    %mul3A_173 = arith.muli %arg1, %mul3A_172 : i32
    %add3A_174 = arith.constant 128 : i32
    %add3A_175 = arith.addi %mul3A_173, %add3A_174 : i32
    %dma_wait3A_176 = arith.constant 0 : i32
    %dma_wait3A_177 = tpu.memref_slice %arg6[%add3A_175, %dma_wait3A_176] : memref<10240x128xf32, #tpu.memory_space<vmem_shared>> -> memref<64x128xf32, #tpu.memory_space<vmem_shared>>
    %dma_wait3A_178 = arith.constant 0 : i32
    %dma_wait3A_179 = tpu.memref_slice %arg6[%add3A_175, %dma_wait3A_178] : memref<10240x128xf32, #tpu.memory_space<vmem_shared>> -> memref<64x128xf32, #tpu.memory_space<vmem_shared>>
    tpu.wait_dma2 semaphore(%arg21 : memref<!tpu.dma_semaphore, #tpu.memory_space<semaphore_mem>>) src(%arg9 : memref<64x128xf32, #tpu.memory_space<vmem>>) dst(%dma_wait3A_179 : memref<64x128xf32, #tpu.memory_space<vmem_shared>>)
    %mul3A_180 = arith.constant 640 : i32
    %mul3A_181 = arith.muli %arg1, %mul3A_180 : i32
    %add3A_182 = arith.constant 192 : i32
    %add3A_183 = arith.addi %mul3A_181, %add3A_182 : i32
    %dma_wait3A_184 = arith.constant 0 : i32
    %dma_wait3A_185 = tpu.memref_slice %arg6[%add3A_183, %dma_wait3A_184] : memref<10240x128xf32, #tpu.memory_space<vmem_shared>> -> memref<64x128xf32, #tpu.memory_space<vmem_shared>>
    %dma_wait3A_186 = arith.constant 0 : i32
    %dma_wait3A_187 = tpu.memref_slice %arg6[%add3A_183, %dma_wait3A_186] : memref<10240x128xf32, #tpu.memory_space<vmem_shared>> -> memref<64x128xf32, #tpu.memory_space<vmem_shared>>
    tpu.wait_dma2 semaphore(%arg21 : memref<!tpu.dma_semaphore, #tpu.memory_space<semaphore_mem>>) src(%arg9 : memref<64x128xf32, #tpu.memory_space<vmem>>) dst(%dma_wait3A_187 : memref<64x128xf32, #tpu.memory_space<vmem_shared>>)
    %mul3A_188 = arith.constant 640 : i32
    %mul3A_189 = arith.muli %arg1, %mul3A_188 : i32
    %add3A_190 = arith.constant 256 : i32
    %add3A_191 = arith.addi %mul3A_189, %add3A_190 : i32
    %dma_wait3A_192 = arith.constant 0 : i32
    %dma_wait3A_193 = tpu.memref_slice %arg6[%add3A_191, %dma_wait3A_192] : memref<10240x128xf32, #tpu.memory_space<vmem_shared>> -> memref<64x128xf32, #tpu.memory_space<vmem_shared>>
    %dma_wait3A_194 = arith.constant 0 : i32
    %dma_wait3A_195 = tpu.memref_slice %arg6[%add3A_191, %dma_wait3A_194] : memref<10240x128xf32, #tpu.memory_space<vmem_shared>> -> memref<64x128xf32, #tpu.memory_space<vmem_shared>>
    tpu.wait_dma2 semaphore(%arg21 : memref<!tpu.dma_semaphore, #tpu.memory_space<semaphore_mem>>) src(%arg9 : memref<64x128xf32, #tpu.memory_space<vmem>>) dst(%dma_wait3A_195 : memref<64x128xf32, #tpu.memory_space<vmem_shared>>)
    %mul3A_196 = arith.constant 640 : i32
    %mul3A_197 = arith.muli %arg1, %mul3A_196 : i32
    %add3A_198 = arith.constant 320 : i32
    %add3A_199 = arith.addi %mul3A_197, %add3A_198 : i32
    %dma_wait3A_200 = arith.constant 0 : i32
    %dma_wait3A_201 = tpu.memref_slice %arg6[%add3A_199, %dma_wait3A_200] : memref<10240x128xf32, #tpu.memory_space<vmem_shared>> -> memref<64x128xf32, #tpu.memory_space<vmem_shared>>
    %dma_wait3A_202 = arith.constant 0 : i32
    %dma_wait3A_203 = tpu.memref_slice %arg6[%add3A_199, %dma_wait3A_202] : memref<10240x128xf32, #tpu.memory_space<vmem_shared>> -> memref<64x128xf32, #tpu.memory_space<vmem_shared>>
    tpu.wait_dma2 semaphore(%arg21 : memref<!tpu.dma_semaphore, #tpu.memory_space<semaphore_mem>>) src(%arg9 : memref<64x128xf32, #tpu.memory_space<vmem>>) dst(%dma_wait3A_203 : memref<64x128xf32, #tpu.memory_space<vmem_shared>>)
    %mul3A_204 = arith.constant 640 : i32
    %mul3A_205 = arith.muli %arg1, %mul3A_204 : i32
    %add3A_206 = arith.constant 384 : i32
    %add3A_207 = arith.addi %mul3A_205, %add3A_206 : i32
    %dma_wait3A_208 = arith.constant 0 : i32
    %dma_wait3A_209 = tpu.memref_slice %arg6[%add3A_207, %dma_wait3A_208] : memref<10240x128xf32, #tpu.memory_space<vmem_shared>> -> memref<64x128xf32, #tpu.memory_space<vmem_shared>>
    %dma_wait3A_210 = arith.constant 0 : i32
    %dma_wait3A_211 = tpu.memref_slice %arg6[%add3A_207, %dma_wait3A_210] : memref<10240x128xf32, #tpu.memory_space<vmem_shared>> -> memref<64x128xf32, #tpu.memory_space<vmem_shared>>
    tpu.wait_dma2 semaphore(%arg21 : memref<!tpu.dma_semaphore, #tpu.memory_space<semaphore_mem>>) src(%arg9 : memref<64x128xf32, #tpu.memory_space<vmem>>) dst(%dma_wait3A_211 : memref<64x128xf32, #tpu.memory_space<vmem_shared>>)
    %mul3A_212 = arith.constant 640 : i32
    %mul3A_213 = arith.muli %arg1, %mul3A_212 : i32
    %add3A_214 = arith.constant 448 : i32
    %add3A_215 = arith.addi %mul3A_213, %add3A_214 : i32
    %dma_wait3A_216 = arith.constant 0 : i32
    %dma_wait3A_217 = tpu.memref_slice %arg6[%add3A_215, %dma_wait3A_216] : memref<10240x128xf32, #tpu.memory_space<vmem_shared>> -> memref<64x128xf32, #tpu.memory_space<vmem_shared>>
    %dma_wait3A_218 = arith.constant 0 : i32
    %dma_wait3A_219 = tpu.memref_slice %arg6[%add3A_215, %dma_wait3A_218] : memref<10240x128xf32, #tpu.memory_space<vmem_shared>> -> memref<64x128xf32, #tpu.memory_space<vmem_shared>>
    tpu.wait_dma2 semaphore(%arg21 : memref<!tpu.dma_semaphore, #tpu.memory_space<semaphore_mem>>) src(%arg9 : memref<64x128xf32, #tpu.memory_space<vmem>>) dst(%dma_wait3A_219 : memref<64x128xf32, #tpu.memory_space<vmem_shared>>)
    %mul3A_220 = arith.constant 640 : i32
    %mul3A_221 = arith.muli %arg1, %mul3A_220 : i32
    %add3A_222 = arith.constant 512 : i32
    %add3A_223 = arith.addi %mul3A_221, %add3A_222 : i32
    %dma_wait3A_224 = arith.constant 0 : i32
    %dma_wait3A_225 = tpu.memref_slice %arg6[%add3A_223, %dma_wait3A_224] : memref<10240x128xf32, #tpu.memory_space<vmem_shared>> -> memref<64x128xf32, #tpu.memory_space<vmem_shared>>
    %dma_wait3A_226 = arith.constant 0 : i32
    %dma_wait3A_227 = tpu.memref_slice %arg6[%add3A_223, %dma_wait3A_226] : memref<10240x128xf32, #tpu.memory_space<vmem_shared>> -> memref<64x128xf32, #tpu.memory_space<vmem_shared>>
    tpu.wait_dma2 semaphore(%arg21 : memref<!tpu.dma_semaphore, #tpu.memory_space<semaphore_mem>>) src(%arg9 : memref<64x128xf32, #tpu.memory_space<vmem>>) dst(%dma_wait3A_227 : memref<64x128xf32, #tpu.memory_space<vmem_shared>>)
    %mul3A_228 = arith.constant 640 : i32
    %mul3A_229 = arith.muli %arg1, %mul3A_228 : i32
    %add3A_230 = arith.constant 576 : i32
    %add3A_231 = arith.addi %mul3A_229, %add3A_230 : i32
    %dma_wait3A_232 = arith.constant 0 : i32
    %dma_wait3A_233 = tpu.memref_slice %arg6[%add3A_231, %dma_wait3A_232] : memref<10240x128xf32, #tpu.memory_space<vmem_shared>> -> memref<64x128xf32, #tpu.memory_space<vmem_shared>>
    %dma_wait3A_234 = arith.constant 0 : i32
    %dma_wait3A_235 = tpu.memref_slice %arg6[%add3A_231, %dma_wait3A_234] : memref<10240x128xf32, #tpu.memory_space<vmem_shared>> -> memref<64x128xf32, #tpu.memory_space<vmem_shared>>
    tpu.wait_dma2 semaphore(%arg21 : memref<!tpu.dma_semaphore, #tpu.memory_space<semaphore_mem>>) src(%arg9 : memref<64x128xf32, #tpu.memory_space<vmem>>) dst(%dma_wait3A_235 : memref<64x128xf32, #tpu.memory_space<vmem_shared>>)
    %dma_wait3A_236 = tpu.memref_slice %arg2[%mul3A_2] : memref<331776xi32, #tpu.memory_space<hbm>> -> memref<10368xi32, #tpu.memory_space<hbm>>
    %dma_wait3A_237 = tpu.memref_slice %arg2[%mul3A_2] : memref<331776xi32, #tpu.memory_space<hbm>> -> memref<10368xi32, #tpu.memory_space<hbm>>
    tpu.wait_dma2 semaphore(%arg22 : memref<!tpu.dma_semaphore, #tpu.memory_space<semaphore_mem>>) src(%dma_wait3A_237 : memref<10368xi32, #tpu.memory_space<hbm>>) dst(%arg7 : memref<10368xi32, #tpu.memory_space<vmem>>)
    %dma_start3A_238 = arith.constant 0 : i32
    %dma_start3A_239 = tpu.memref_slice %arg7[%dma_start3A_238] : memref<10368xi32, #tpu.memory_space<vmem>> -> memref<64xi32, #tpu.memory_space<vmem>>
    %dma_start3A_240 = arith.constant 0 : i32
    %dma_start3A_241 = arith.constant 0 : i32
    %dma_start3A_242 = tpu.memref_slice %arg4[%dma_start3A_240, %dma_start3A_241] : memref<10240x128xf32, #tpu.memory_space<hbm>> -> memref<10240x128xf32, #tpu.memory_space<hbm>>
    tpu.enqueue_indirect_dma source(%dma_start3A_242 : memref<10240x128xf32, #tpu.memory_space<hbm>>) target(%arg9 : memref<64x128xf32, #tpu.memory_space<vmem>>) offsets(%dma_start3A_239 : memref<64xi32, #tpu.memory_space<vmem>>) semaphore(%arg12 : memref<!tpu.dma_semaphore, #tpu.memory_space<semaphore_mem>>)
    %dma_start3A_243 = arith.constant 64 : i32
    %dma_start3A_244 = tpu.memref_slice %arg7[%dma_start3A_243] : memref<10368xi32, #tpu.memory_space<vmem>> -> memref<64xi32, #tpu.memory_space<vmem>>
    %dma_start3A_245 = arith.constant 0 : i32
    %dma_start3A_246 = arith.constant 0 : i32
    %dma_start3A_247 = tpu.memref_slice %arg4[%dma_start3A_245, %dma_start3A_246] : memref<10240x128xf32, #tpu.memory_space<hbm>> -> memref<10240x128xf32, #tpu.memory_space<hbm>>
    tpu.enqueue_indirect_dma source(%dma_start3A_247 : memref<10240x128xf32, #tpu.memory_space<hbm>>) target(%arg10 : memref<64x128xf32, #tpu.memory_space<vmem>>) offsets(%dma_start3A_244 : memref<64xi32, #tpu.memory_space<vmem>>) semaphore(%arg13 : memref<!tpu.dma_semaphore, #tpu.memory_space<semaphore_mem>>)
    %dma_start3A_248 = arith.constant 128 : i32
    %dma_start3A_249 = tpu.memref_slice %arg7[%dma_start3A_248] : memref<10368xi32, #tpu.memory_space<vmem>> -> memref<64xi32, #tpu.memory_space<vmem>>
    %dma_start3A_250 = arith.constant 0 : i32
    %dma_start3A_251 = arith.constant 0 : i32
    %dma_start3A_252 = tpu.memref_slice %arg4[%dma_start3A_250, %dma_start3A_251] : memref<10240x128xf32, #tpu.memory_space<hbm>> -> memref<10240x128xf32, #tpu.memory_space<hbm>>
    tpu.enqueue_indirect_dma source(%dma_start3A_252 : memref<10240x128xf32, #tpu.memory_space<hbm>>) target(%arg11 : memref<64x128xf32, #tpu.memory_space<vmem>>) offsets(%dma_start3A_249 : memref<64xi32, #tpu.memory_space<vmem>>) semaphore(%arg14 : memref<!tpu.dma_semaphore, #tpu.memory_space<semaphore_mem>>)
    %barrier3A = arith.constant 0 : index
    tpu.barrier barrier_id(%barrier3A)
    %scan3A_253 = arith.constant 0 : i32
    %scan3A_254 = arith.constant 0 : i32
    %scan3A_255 = arith.constant 27 : i32
    %scan3A_256 = arith.addi %scan3A_254, %scan3A_255 : i32
    %scan3A_257 = arith.constant 1 : i32
    %scan3A_258 = scf.for %scan3A_461 = %scan3A_254 to %scan3A_256 step %scan3A_257 iter_args(%scan3A_462 = %scan3A_253) -> (i32)  : i32 {
      %mul3A_463 = arith.constant 6 : i32
      %mul3A_464 = arith.muli %scan3A_461, %mul3A_463 : i32
      %add3A_465 = arith.constant 0 : i32
      %add3A_466 = arith.addi %mul3A_464, %add3A_465 : i32
      %dma_wait3A_467 = arith.constant 0 : i32
      %dma_wait3A_468 = arith.constant 0 : i32
      %dma_wait3A_469 = tpu.memref_slice %arg8[%dma_wait3A_467, %dma_wait3A_468] : memref<6x64xi32, #tpu.memory_space<vmem>> -> memref<1x64xi32, #tpu.memory_space<vmem>>
      %dma_wait3A_470 = tpu.memref_squeeze %dma_wait3A_469 : memref<1x64xi32, #tpu.memory_space<vmem>> -> memref<64xi32, #tpu.memory_space<vmem>>
      %dma_wait3A_471 = tpu.memref_slice %arg3[%mul3A_2] : memref<331776xi32, #tpu.memory_space<hbm>> -> memref<64xi32, #tpu.memory_space<hbm>>
      %dma_wait3A_472 = arith.constant 0 : i32
      %dma_wait3A_473 = tpu.memref_slice %arg8[%dma_wait3A_467, %dma_wait3A_472] : memref<6x64xi32, #tpu.memory_space<vmem>> -> memref<1x64xi32, #tpu.memory_space<vmem>>
      %dma_wait3A_474 = tpu.memref_squeeze %dma_wait3A_473 : memref<1x64xi32, #tpu.memory_space<vmem>> -> memref<64xi32, #tpu.memory_space<vmem>>
      %dma_wait3A_475 = tpu.memref_slice %arg3[%mul3A_2] : memref<331776xi32, #tpu.memory_space<hbm>> -> memref<64xi32, #tpu.memory_space<hbm>>
      tpu.wait_dma2 semaphore(%arg15 : memref<!tpu.dma_semaphore, #tpu.memory_space<semaphore_mem>>) src(%dma_wait3A_475 : memref<64xi32, #tpu.memory_space<hbm>>) dst(%dma_wait3A_474 : memref<64xi32, #tpu.memory_space<vmem>>)
      %mul3A_476 = arith.constant 64 : i32
      %mul3A_477 = arith.muli %add3A_466, %mul3A_476 : i32
      %dma_wait3A_478 = tpu.memref_slice %arg7[%mul3A_477] : memref<10368xi32, #tpu.memory_space<vmem>> -> memref<64xi32, #tpu.memory_space<vmem>>
      %dma_wait3A_479 = arith.constant 0 : i32
      %dma_wait3A_480 = arith.constant 0 : i32
      %dma_wait3A_481 = tpu.memref_slice %arg4[%dma_wait3A_479, %dma_wait3A_480] : memref<10240x128xf32, #tpu.memory_space<hbm>> -> memref<10240x128xf32, #tpu.memory_space<hbm>>
      tpu.wait_indirect_dma semaphore(%arg12 : memref<!tpu.dma_semaphore, #tpu.memory_space<semaphore_mem>>) src(%dma_wait3A_481 : memref<10240x128xf32, #tpu.memory_space<hbm>>) dst(%arg9 : memref<64x128xf32, #tpu.memory_space<vmem>>)
      %run_scoped3A = arith.constant 0 : i32
      "tpu.region"() ({
        %run_scoped3A_664 = tpu.sem_alloc : memref<!tpu.dma_semaphore, #tpu.memory_space<semaphore_mem>>
        %dma_start3A_665 = arith.constant 0 : i32
        %dma_start3A_666 = tpu.memref_slice %arg8[%run_scoped3A, %dma_start3A_665] : memref<6x64xi32, #tpu.memory_space<vmem>> -> memref<1x64xi32, #tpu.memory_space<vmem>>
        %dma_start3A_667 = tpu.memref_squeeze %dma_start3A_666 : memref<1x64xi32, #tpu.memory_space<vmem>> -> memref<64xi32, #tpu.memory_space<vmem>>
        %dma_start3A_668 = arith.constant 0 : i32
        %dma_start3A_669 = arith.constant 0 : i32
        %dma_start3A_670 = tpu.memref_slice %arg6[%dma_start3A_668, %dma_start3A_669] : memref<10240x128xf32, #tpu.memory_space<vmem_shared>> -> memref<10240x128xf32, #tpu.memory_space<vmem_shared>>
        tpu.enqueue_indirect_dma source(%arg9 : memref<64x128xf32, #tpu.memory_space<vmem>>) target(%dma_start3A_670 : memref<10240x128xf32, #tpu.memory_space<vmem_shared>>) offsets(%dma_start3A_667 : memref<64xi32, #tpu.memory_space<vmem>>) semaphore(%run_scoped3A_664 : memref<!tpu.dma_semaphore, #tpu.memory_space<semaphore_mem>>) {add = true}
        %dma_wait3A_671 = arith.constant 0 : i32
        %dma_wait3A_672 = tpu.memref_slice %arg8[%run_scoped3A, %dma_wait3A_671] : memref<6x64xi32, #tpu.memory_space<vmem>> -> memref<1x64xi32, #tpu.memory_space<vmem>>
        %dma_wait3A_673 = tpu.memref_squeeze %dma_wait3A_672 : memref<1x64xi32, #tpu.memory_space<vmem>> -> memref<64xi32, #tpu.memory_space<vmem>>
        %dma_wait3A_674 = arith.constant 0 : i32
        %dma_wait3A_675 = arith.constant 0 : i32
        %dma_wait3A_676 = tpu.memref_slice %arg6[%dma_wait3A_674, %dma_wait3A_675] : memref<10240x128xf32, #tpu.memory_space<vmem_shared>> -> memref<10240x128xf32, #tpu.memory_space<vmem_shared>>
        tpu.wait_indirect_dma semaphore(%run_scoped3A_664 : memref<!tpu.dma_semaphore, #tpu.memory_space<semaphore_mem>>) src(%arg9 : memref<64x128xf32, #tpu.memory_space<vmem>>) dst(%dma_wait3A_676 : memref<10240x128xf32, #tpu.memory_space<vmem_shared>>)
        tpu.yield
      }) : () -> ()
      %add3A_482 = arith.constant 3 : i32
      %add3A_483 = arith.addi %add3A_466, %add3A_482 : i32
      %lt3A = arith.constant 162 : i32
      %lt3A_484 = arith.cmpi slt, %add3A_483, %lt3A : i32
      %convert_element_type3A = arith.extui %lt3A_484 : i1 to i32
      %cond3A = arith.constant 0 : i32
      %cond3A_485 = arith.cmpi ne, %convert_element_type3A, %cond3A : i32
      scf.if %cond3A_485 {
        %add3A_664 = arith.constant 3 : i32
        %add3A_665 = arith.addi %add3A_466, %add3A_664 : i32
        %mul3A_666 = arith.constant 64 : i32
        %mul3A_667 = arith.muli %add3A_665, %mul3A_666 : i32
        %dma_start3A_668 = tpu.memref_slice %arg7[%mul3A_667] : memref<10368xi32, #tpu.memory_space<vmem>> -> memref<64xi32, #tpu.memory_space<vmem>>
        %dma_start3A_669 = arith.constant 0 : i32
        %dma_start3A_670 = arith.constant 0 : i32
        %dma_start3A_671 = tpu.memref_slice %arg4[%dma_start3A_669, %dma_start3A_670] : memref<10240x128xf32, #tpu.memory_space<hbm>> -> memref<10240x128xf32, #tpu.memory_space<hbm>>
        tpu.enqueue_indirect_dma source(%dma_start3A_671 : memref<10240x128xf32, #tpu.memory_space<hbm>>) target(%arg9 : memref<64x128xf32, #tpu.memory_space<vmem>>) offsets(%dma_start3A_668 : memref<64xi32, #tpu.memory_space<vmem>>) semaphore(%arg12 : memref<!tpu.dma_semaphore, #tpu.memory_space<semaphore_mem>>)
      } else {
      }
      %add3A_486 = arith.constant 6 : i32
      %add3A_487 = arith.addi %add3A_466, %add3A_486 : i32
      %lt3A_488 = arith.constant 162 : i32
      %lt3A_489 = arith.cmpi slt, %add3A_487, %lt3A_488 : i32
      %convert_element_type3A_490 = arith.extui %lt3A_489 : i1 to i32
      %cond3A_491 = arith.constant 0 : i32
      %cond3A_492 = arith.cmpi ne, %convert_element_type3A_490, %cond3A_491 : i32
      scf.if %cond3A_492 {
        %add3A_664 = arith.constant 6 : i32
        %add3A_665 = arith.addi %add3A_466, %add3A_664 : i32
        %mul3A_666 = arith.constant 64 : i32
        %mul3A_667 = arith.muli %add3A_665, %mul3A_666 : i32
        %add3A_668 = arith.addi %mul3A_2, %mul3A_667 : i32
        %dma_start3A_669 = arith.constant 0 : i32
        %dma_start3A_670 = arith.constant 0 : i32
        %dma_start3A_671 = tpu.memref_slice %arg8[%dma_start3A_669, %dma_start3A_670] : memref<6x64xi32, #tpu.memory_space<vmem>> -> memref<1x64xi32, #tpu.memory_space<vmem>>
        %dma_start3A_672 = tpu.memref_squeeze %dma_start3A_671 : memref<1x64xi32, #tpu.memory_space<vmem>> -> memref<64xi32, #tpu.memory_space<vmem>>
        %dma_start3A_673 = tpu.memref_slice %arg3[%add3A_668] : memref<331776xi32, #tpu.memory_space<hbm>> -> memref<64xi32, #tpu.memory_space<hbm>>
        %dma_start3A_674 = arith.constant 0 : i32
        %dma_start3A_675 = tpu.memref_slice %arg8[%dma_start3A_669, %dma_start3A_674] : memref<6x64xi32, #tpu.memory_space<vmem>> -> memref<1x64xi32, #tpu.memory_space<vmem>>
        %dma_start3A_676 = tpu.memref_squeeze %dma_start3A_675 : memref<1x64xi32, #tpu.memory_space<vmem>> -> memref<64xi32, #tpu.memory_space<vmem>>
        %dma_start3A_677 = tpu.memref_slice %arg3[%add3A_668] : memref<331776xi32, #tpu.memory_space<hbm>> -> memref<64xi32, #tpu.memory_space<hbm>>
        tpu.enqueue_dma source(%dma_start3A_677 : memref<64xi32, #tpu.memory_space<hbm>>) target(%dma_start3A_676 : memref<64xi32, #tpu.memory_space<vmem>>) target_semaphore(%arg15 : memref<!tpu.dma_semaphore, #tpu.memory_space<semaphore_mem>>)
      } else {
      }
      %mul3A_493 = arith.constant 6 : i32
      %mul3A_494 = arith.muli %scan3A_461, %mul3A_493 : i32
      %add3A_495 = arith.constant 1 : i32
      %add3A_496 = arith.addi %mul3A_494, %add3A_495 : i32
      %dma_wait3A_497 = arith.constant 1 : i32
      %dma_wait3A_498 = arith.constant 0 : i32
      %dma_wait3A_499 = tpu.memref_slice %arg8[%dma_wait3A_497, %dma_wait3A_498] : memref<6x64xi32, #tpu.memory_space<vmem>> -> memref<1x64xi32, #tpu.memory_space<vmem>>
      %dma_wait3A_500 = tpu.memref_squeeze %dma_wait3A_499 : memref<1x64xi32, #tpu.memory_space<vmem>> -> memref<64xi32, #tpu.memory_space<vmem>>
      %dma_wait3A_501 = tpu.memref_slice %arg3[%mul3A_2] : memref<331776xi32, #tpu.memory_space<hbm>> -> memref<64xi32, #tpu.memory_space<hbm>>
      %dma_wait3A_502 = arith.constant 0 : i32
      %dma_wait3A_503 = tpu.memref_slice %arg8[%dma_wait3A_497, %dma_wait3A_502] : memref<6x64xi32, #tpu.memory_space<vmem>> -> memref<1x64xi32, #tpu.memory_space<vmem>>
      %dma_wait3A_504 = tpu.memref_squeeze %dma_wait3A_503 : memref<1x64xi32, #tpu.memory_space<vmem>> -> memref<64xi32, #tpu.memory_space<vmem>>
      %dma_wait3A_505 = tpu.memref_slice %arg3[%mul3A_2] : memref<331776xi32, #tpu.memory_space<hbm>> -> memref<64xi32, #tpu.memory_space<hbm>>
      tpu.wait_dma2 semaphore(%arg16 : memref<!tpu.dma_semaphore, #tpu.memory_space<semaphore_mem>>) src(%dma_wait3A_505 : memref<64xi32, #tpu.memory_space<hbm>>) dst(%dma_wait3A_504 : memref<64xi32, #tpu.memory_space<vmem>>)
      %mul3A_506 = arith.constant 64 : i32
      %mul3A_507 = arith.muli %add3A_496, %mul3A_506 : i32
      %dma_wait3A_508 = tpu.memref_slice %arg7[%mul3A_507] : memref<10368xi32, #tpu.memory_space<vmem>> -> memref<64xi32, #tpu.memory_space<vmem>>
      %dma_wait3A_509 = arith.constant 0 : i32
      %dma_wait3A_510 = arith.constant 0 : i32
      %dma_wait3A_511 = tpu.memref_slice %arg4[%dma_wait3A_509, %dma_wait3A_510] : memref<10240x128xf32, #tpu.memory_space<hbm>> -> memref<10240x128xf32, #tpu.memory_space<hbm>>
      tpu.wait_indirect_dma semaphore(%arg13 : memref<!tpu.dma_semaphore, #tpu.memory_space<semaphore_mem>>) src(%dma_wait3A_511 : memref<10240x128xf32, #tpu.memory_space<hbm>>) dst(%arg10 : memref<64x128xf32, #tpu.memory_space<vmem>>)
      %run_scoped3A_512 = arith.constant 1 : i32
      "tpu.region"() ({
        %run_scoped3A_664 = tpu.sem_alloc : memref<!tpu.dma_semaphore, #tpu.memory_space<semaphore_mem>>
        %dma_start3A_665 = arith.constant 0 : i32
        %dma_start3A_666 = tpu.memref_slice %arg8[%run_scoped3A_512, %dma_start3A_665] : memref<6x64xi32, #tpu.memory_space<vmem>> -> memref<1x64xi32, #tpu.memory_space<vmem>>
        %dma_start3A_667 = tpu.memref_squeeze %dma_start3A_666 : memref<1x64xi32, #tpu.memory_space<vmem>> -> memref<64xi32, #tpu.memory_space<vmem>>
        %dma_start3A_668 = arith.constant 0 : i32
        %dma_start3A_669 = arith.constant 0 : i32
        %dma_start3A_670 = tpu.memref_slice %arg6[%dma_start3A_668, %dma_start3A_669] : memref<10240x128xf32, #tpu.memory_space<vmem_shared>> -> memref<10240x128xf32, #tpu.memory_space<vmem_shared>>
        tpu.enqueue_indirect_dma source(%arg10 : memref<64x128xf32, #tpu.memory_space<vmem>>) target(%dma_start3A_670 : memref<10240x128xf32, #tpu.memory_space<vmem_shared>>) offsets(%dma_start3A_667 : memref<64xi32, #tpu.memory_space<vmem>>) semaphore(%run_scoped3A_664 : memref<!tpu.dma_semaphore, #tpu.memory_space<semaphore_mem>>) {add = true}
        %dma_wait3A_671 = arith.constant 0 : i32
        %dma_wait3A_672 = tpu.memref_slice %arg8[%run_scoped3A_512, %dma_wait3A_671] : memref<6x64xi32, #tpu.memory_space<vmem>> -> memref<1x64xi32, #tpu.memory_space<vmem>>
        %dma_wait3A_673 = tpu.memref_squeeze %dma_wait3A_672 : memref<1x64xi32, #tpu.memory_space<vmem>> -> memref<64xi32, #tpu.memory_space<vmem>>
        %dma_wait3A_674 = arith.constant 0 : i32
        %dma_wait3A_675 = arith.constant 0 : i32
        %dma_wait3A_676 = tpu.memref_slice %arg6[%dma_wait3A_674, %dma_wait3A_675] : memref<10240x128xf32, #tpu.memory_space<vmem_shared>> -> memref<10240x128xf32, #tpu.memory_space<vmem_shared>>
        tpu.wait_indirect_dma semaphore(%run_scoped3A_664 : memref<!tpu.dma_semaphore, #tpu.memory_space<semaphore_mem>>) src(%arg10 : memref<64x128xf32, #tpu.memory_space<vmem>>) dst(%dma_wait3A_676 : memref<10240x128xf32, #tpu.memory_space<vmem_shared>>)
        tpu.yield
      }) : () -> ()
      %add3A_513 = arith.constant 3 : i32
      %add3A_514 = arith.addi %add3A_496, %add3A_513 : i32
      %lt3A_515 = arith.constant 162 : i32
      %lt3A_516 = arith.cmpi slt, %add3A_514, %lt3A_515 : i32
      %convert_element_type3A_517 = arith.extui %lt3A_516 : i1 to i32
      %cond3A_518 = arith.constant 0 : i32
      %cond3A_519 = arith.cmpi ne, %convert_element_type3A_517, %cond3A_518 : i32
      scf.if %cond3A_519 {
        %add3A_664 = arith.constant 3 : i32
        %add3A_665 = arith.addi %add3A_496, %add3A_664 : i32
        %mul3A_666 = arith.constant 64 : i32
        %mul3A_667 = arith.muli %add3A_665, %mul3A_666 : i32
        %dma_start3A_668 = tpu.memref_slice %arg7[%mul3A_667] : memref<10368xi32, #tpu.memory_space<vmem>> -> memref<64xi32, #tpu.memory_space<vmem>>
        %dma_start3A_669 = arith.constant 0 : i32
        %dma_start3A_670 = arith.constant 0 : i32
        %dma_start3A_671 = tpu.memref_slice %arg4[%dma_start3A_669, %dma_start3A_670] : memref<10240x128xf32, #tpu.memory_space<hbm>> -> memref<10240x128xf32, #tpu.memory_space<hbm>>
        tpu.enqueue_indirect_dma source(%dma_start3A_671 : memref<10240x128xf32, #tpu.memory_space<hbm>>) target(%arg10 : memref<64x128xf32, #tpu.memory_space<vmem>>) offsets(%dma_start3A_668 : memref<64xi32, #tpu.memory_space<vmem>>) semaphore(%arg13 : memref<!tpu.dma_semaphore, #tpu.memory_space<semaphore_mem>>)
      } else {
      }
      %add3A_520 = arith.constant 6 : i32
      %add3A_521 = arith.addi %add3A_496, %add3A_520 : i32
      %lt3A_522 = arith.constant 162 : i32
      %lt3A_523 = arith.cmpi slt, %add3A_521, %lt3A_522 : i32
      %convert_element_type3A_524 = arith.extui %lt3A_523 : i1 to i32
      %cond3A_525 = arith.constant 0 : i32
      %cond3A_526 = arith.cmpi ne, %convert_element_type3A_524, %cond3A_525 : i32
      scf.if %cond3A_526 {
        %add3A_664 = arith.constant 6 : i32
        %add3A_665 = arith.addi %add3A_496, %add3A_664 : i32
        %mul3A_666 = arith.constant 64 : i32
        %mul3A_667 = arith.muli %add3A_665, %mul3A_666 : i32
        %add3A_668 = arith.addi %mul3A_2, %mul3A_667 : i32
        %dma_start3A_669 = arith.constant 1 : i32
        %dma_start3A_670 = arith.constant 0 : i32
        %dma_start3A_671 = tpu.memref_slice %arg8[%dma_start3A_669, %dma_start3A_670] : memref<6x64xi32, #tpu.memory_space<vmem>> -> memref<1x64xi32, #tpu.memory_space<vmem>>
        %dma_start3A_672 = tpu.memref_squeeze %dma_start3A_671 : memref<1x64xi32, #tpu.memory_space<vmem>> -> memref<64xi32, #tpu.memory_space<vmem>>
        %dma_start3A_673 = tpu.memref_slice %arg3[%add3A_668] : memref<331776xi32, #tpu.memory_space<hbm>> -> memref<64xi32, #tpu.memory_space<hbm>>
        %dma_start3A_674 = arith.constant 0 : i32
        %dma_start3A_675 = tpu.memref_slice %arg8[%dma_start3A_669, %dma_start3A_674] : memref<6x64xi32, #tpu.memory_space<vmem>> -> memref<1x64xi32, #tpu.memory_space<vmem>>
        %dma_start3A_676 = tpu.memref_squeeze %dma_start3A_675 : memref<1x64xi32, #tpu.memory_space<vmem>> -> memref<64xi32, #tpu.memory_space<vmem>>
        %dma_start3A_677 = tpu.memref_slice %arg3[%add3A_668] : memref<331776xi32, #tpu.memory_space<hbm>> -> memref<64xi32, #tpu.memory_space<hbm>>
        tpu.enqueue_dma source(%dma_start3A_677 : memref<64xi32, #tpu.memory_space<hbm>>) target(%dma_start3A_676 : memref<64xi32, #tpu.memory_space<vmem>>) target_semaphore(%arg16 : memref<!tpu.dma_semaphore, #tpu.memory_space<semaphore_mem>>)
      } else {
      }
      %mul3A_527 = arith.constant 6 : i32
      %mul3A_528 = arith.muli %scan3A_461, %mul3A_527 : i32
      %add3A_529 = arith.constant 2 : i32
      %add3A_530 = arith.addi %mul3A_528, %add3A_529 : i32
      %dma_wait3A_531 = arith.constant 2 : i32
      %dma_wait3A_532 = arith.constant 0 : i32
      %dma_wait3A_533 = tpu.memref_slice %arg8[%dma_wait3A_531, %dma_wait3A_532] : memref<6x64xi32, #tpu.memory_space<vmem>> -> memref<1x64xi32, #tpu.memory_space<vmem>>
      %dma_wait3A_534 = tpu.memref_squeeze %dma_wait3A_533 : memref<1x64xi32, #tpu.memory_space<vmem>> -> memref<64xi32, #tpu.memory_space<vmem>>
      %dma_wait3A_535 = tpu.memref_slice %arg3[%mul3A_2] : memref<331776xi32, #tpu.memory_space<hbm>> -> memref<64xi32, #tpu.memory_space<hbm>>
      %dma_wait3A_536 = arith.constant 0 : i32
      %dma_wait3A_537 = tpu.memref_slice %arg8[%dma_wait3A_531, %dma_wait3A_536] : memref<6x64xi32, #tpu.memory_space<vmem>> -> memref<1x64xi32, #tpu.memory_space<vmem>>
      %dma_wait3A_538 = tpu.memref_squeeze %dma_wait3A_537 : memref<1x64xi32, #tpu.memory_space<vmem>> -> memref<64xi32, #tpu.memory_space<vmem>>
      %dma_wait3A_539 = tpu.memref_slice %arg3[%mul3A_2] : memref<331776xi32, #tpu.memory_space<hbm>> -> memref<64xi32, #tpu.memory_space<hbm>>
      tpu.wait_dma2 semaphore(%arg17 : memref<!tpu.dma_semaphore, #tpu.memory_space<semaphore_mem>>) src(%dma_wait3A_539 : memref<64xi32, #tpu.memory_space<hbm>>) dst(%dma_wait3A_538 : memref<64xi32, #tpu.memory_space<vmem>>)
      %mul3A_540 = arith.constant 64 : i32
      %mul3A_541 = arith.muli %add3A_530, %mul3A_540 : i32
      %dma_wait3A_542 = tpu.memref_slice %arg7[%mul3A_541] : memref<10368xi32, #tpu.memory_space<vmem>> -> memref<64xi32, #tpu.memory_space<vmem>>
      %dma_wait3A_543 = arith.constant 0 : i32
      %dma_wait3A_544 = arith.constant 0 : i32
      %dma_wait3A_545 = tpu.memref_slice %arg4[%dma_wait3A_543, %dma_wait3A_544] : memref<10240x128xf32, #tpu.memory_space<hbm>> -> memref<10240x128xf32, #tpu.memory_space<hbm>>
      tpu.wait_indirect_dma semaphore(%arg14 : memref<!tpu.dma_semaphore, #tpu.memory_space<semaphore_mem>>) src(%dma_wait3A_545 : memref<10240x128xf32, #tpu.memory_space<hbm>>) dst(%arg11 : memref<64x128xf32, #tpu.memory_space<vmem>>)
      %run_scoped3A_546 = arith.constant 2 : i32
      "tpu.region"() ({
        %run_scoped3A_664 = tpu.sem_alloc : memref<!tpu.dma_semaphore, #tpu.memory_space<semaphore_mem>>
        %dma_start3A_665 = arith.constant 0 : i32
        %dma_start3A_666 = tpu.memref_slice %arg8[%run_scoped3A_546, %dma_start3A_665] : memref<6x64xi32, #tpu.memory_space<vmem>> -> memref<1x64xi32, #tpu.memory_space<vmem>>
        %dma_start3A_667 = tpu.memref_squeeze %dma_start3A_666 : memref<1x64xi32, #tpu.memory_space<vmem>> -> memref<64xi32, #tpu.memory_space<vmem>>
        %dma_start3A_668 = arith.constant 0 : i32
        %dma_start3A_669 = arith.constant 0 : i32
        %dma_start3A_670 = tpu.memref_slice %arg6[%dma_start3A_668, %dma_start3A_669] : memref<10240x128xf32, #tpu.memory_space<vmem_shared>> -> memref<10240x128xf32, #tpu.memory_space<vmem_shared>>
        tpu.enqueue_indirect_dma source(%arg11 : memref<64x128xf32, #tpu.memory_space<vmem>>) target(%dma_start3A_670 : memref<10240x128xf32, #tpu.memory_space<vmem_shared>>) offsets(%dma_start3A_667 : memref<64xi32, #tpu.memory_space<vmem>>) semaphore(%run_scoped3A_664 : memref<!tpu.dma_semaphore, #tpu.memory_space<semaphore_mem>>) {add = true}
        %dma_wait3A_671 = arith.constant 0 : i32
        %dma_wait3A_672 = tpu.memref_slice %arg8[%run_scoped3A_546, %dma_wait3A_671] : memref<6x64xi32, #tpu.memory_space<vmem>> -> memref<1x64xi32, #tpu.memory_space<vmem>>
        %dma_wait3A_673 = tpu.memref_squeeze %dma_wait3A_672 : memref<1x64xi32, #tpu.memory_space<vmem>> -> memref<64xi32, #tpu.memory_space<vmem>>
        %dma_wait3A_674 = arith.constant 0 : i32
        %dma_wait3A_675 = arith.constant 0 : i32
        %dma_wait3A_676 = tpu.memref_slice %arg6[%dma_wait3A_674, %dma_wait3A_675] : memref<10240x128xf32, #tpu.memory_space<vmem_shared>> -> memref<10240x128xf32, #tpu.memory_space<vmem_shared>>
        tpu.wait_indirect_dma semaphore(%run_scoped3A_664 : memref<!tpu.dma_semaphore, #tpu.memory_space<semaphore_mem>>) src(%arg11 : memref<64x128xf32, #tpu.memory_space<vmem>>) dst(%dma_wait3A_676 : memref<10240x128xf32, #tpu.memory_space<vmem_shared>>)
        tpu.yield
      }) : () -> ()
      %add3A_547 = arith.constant 3 : i32
      %add3A_548 = arith.addi %add3A_530, %add3A_547 : i32
      %lt3A_549 = arith.constant 162 : i32
      %lt3A_550 = arith.cmpi slt, %add3A_548, %lt3A_549 : i32
      %convert_element_type3A_551 = arith.extui %lt3A_550 : i1 to i32
      %cond3A_552 = arith.constant 0 : i32
      %cond3A_553 = arith.cmpi ne, %convert_element_type3A_551, %cond3A_552 : i32
      scf.if %cond3A_553 {
        %add3A_664 = arith.constant 3 : i32
        %add3A_665 = arith.addi %add3A_530, %add3A_664 : i32
        %mul3A_666 = arith.constant 64 : i32
        %mul3A_667 = arith.muli %add3A_665, %mul3A_666 : i32
        %dma_start3A_668 = tpu.memref_slice %arg7[%mul3A_667] : memref<10368xi32, #tpu.memory_space<vmem>> -> memref<64xi32, #tpu.memory_space<vmem>>
        %dma_start3A_669 = arith.constant 0 : i32
        %dma_start3A_670 = arith.constant 0 : i32
        %dma_start3A_671 = tpu.memref_slice %arg4[%dma_start3A_669, %dma_start3A_670] : memref<10240x128xf32, #tpu.memory_space<hbm>> -> memref<10240x128xf32, #tpu.memory_space<hbm>>
        tpu.enqueue_indirect_dma source(%dma_start3A_671 : memref<10240x128xf32, #tpu.memory_space<hbm>>) target(%arg11 : memref<64x128xf32, #tpu.memory_space<vmem>>) offsets(%dma_start3A_668 : memref<64xi32, #tpu.memory_space<vmem>>) semaphore(%arg14 : memref<!tpu.dma_semaphore, #tpu.memory_space<semaphore_mem>>)
      } else {
      }
      %add3A_554 = arith.constant 6 : i32
      %add3A_555 = arith.addi %add3A_530, %add3A_554 : i32
      %lt3A_556 = arith.constant 162 : i32
      %lt3A_557 = arith.cmpi slt, %add3A_555, %lt3A_556 : i32
      %convert_element_type3A_558 = arith.extui %lt3A_557 : i1 to i32
      %cond3A_559 = arith.constant 0 : i32
      %cond3A_560 = arith.cmpi ne, %convert_element_type3A_558, %cond3A_559 : i32
      scf.if %cond3A_560 {
        %add3A_664 = arith.constant 6 : i32
        %add3A_665 = arith.addi %add3A_530, %add3A_664 : i32
        %mul3A_666 = arith.constant 64 : i32
        %mul3A_667 = arith.muli %add3A_665, %mul3A_666 : i32
        %add3A_668 = arith.addi %mul3A_2, %mul3A_667 : i32
        %dma_start3A_669 = arith.constant 2 : i32
        %dma_start3A_670 = arith.constant 0 : i32
        %dma_start3A_671 = tpu.memref_slice %arg8[%dma_start3A_669, %dma_start3A_670] : memref<6x64xi32, #tpu.memory_space<vmem>> -> memref<1x64xi32, #tpu.memory_space<vmem>>
        %dma_start3A_672 = tpu.memref_squeeze %dma_start3A_671 : memref<1x64xi32, #tpu.memory_space<vmem>> -> memref<64xi32, #tpu.memory_space<vmem>>
        %dma_start3A_673 = tpu.memref_slice %arg3[%add3A_668] : memref<331776xi32, #tpu.memory_space<hbm>> -> memref<64xi32, #tpu.memory_space<hbm>>
        %dma_start3A_674 = arith.constant 0 : i32
        %dma_start3A_675 = tpu.memref_slice %arg8[%dma_start3A_669, %dma_start3A_674] : memref<6x64xi32, #tpu.memory_space<vmem>> -> memref<1x64xi32, #tpu.memory_space<vmem>>
        %dma_start3A_676 = tpu.memref_squeeze %dma_start3A_675 : memref<1x64xi32, #tpu.memory_space<vmem>> -> memref<64xi32, #tpu.memory_space<vmem>>
        %dma_start3A_677 = tpu.memref_slice %arg3[%add3A_668] : memref<331776xi32, #tpu.memory_space<hbm>> -> memref<64xi32, #tpu.memory_space<hbm>>
        tpu.enqueue_dma source(%dma_start3A_677 : memref<64xi32, #tpu.memory_space<hbm>>) target(%dma_start3A_676 : memref<64xi32, #tpu.memory_space<vmem>>) target_semaphore(%arg17 : memref<!tpu.dma_semaphore, #tpu.memory_space<semaphore_mem>>)
      } else {
      }
      %mul3A_561 = arith.constant 6 : i32
      %mul3A_562 = arith.muli %scan3A_461, %mul3A_561 : i32
      %add3A_563 = arith.constant 3 : i32
      %add3A_564 = arith.addi %mul3A_562, %add3A_563 : i32
      %dma_wait3A_565 = arith.constant 3 : i32
      %dma_wait3A_566 = arith.constant 0 : i32
      %dma_wait3A_567 = tpu.memref_slice %arg8[%dma_wait3A_565, %dma_wait3A_566] : memref<6x64xi32, #tpu.memory_space<vmem>> -> memref<1x64xi32, #tpu.memory_space<vmem>>
      %dma_wait3A_568 = tpu.memref_squeeze %dma_wait3A_567 : memref<1x64xi32, #tpu.memory_space<vmem>> -> memref<64xi32, #tpu.memory_space<vmem>>
      %dma_wait3A_569 = tpu.memref_slice %arg3[%mul3A_2] : memref<331776xi32, #tpu.memory_space<hbm>> -> memref<64xi32, #tpu.memory_space<hbm>>
      %dma_wait3A_570 = arith.constant 0 : i32
      %dma_wait3A_571 = tpu.memref_slice %arg8[%dma_wait3A_565, %dma_wait3A_570] : memref<6x64xi32, #tpu.memory_space<vmem>> -> memref<1x64xi32, #tpu.memory_space<vmem>>
      %dma_wait3A_572 = tpu.memref_squeeze %dma_wait3A_571 : memref<1x64xi32, #tpu.memory_space<vmem>> -> memref<64xi32, #tpu.memory_space<vmem>>
      %dma_wait3A_573 = tpu.memref_slice %arg3[%mul3A_2] : memref<331776xi32, #tpu.memory_space<hbm>> -> memref<64xi32, #tpu.memory_space<hbm>>
      tpu.wait_dma2 semaphore(%arg18 : memref<!tpu.dma_semaphore, #tpu.memory_space<semaphore_mem>>) src(%dma_wait3A_573 : memref<64xi32, #tpu.memory_space<hbm>>) dst(%dma_wait3A_572 : memref<64xi32, #tpu.memory_space<vmem>>)
      %mul3A_574 = arith.constant 64 : i32
      %mul3A_575 = arith.muli %add3A_564, %mul3A_574 : i32
      %dma_wait3A_576 = tpu.memref_slice %arg7[%mul3A_575] : memref<10368xi32, #tpu.memory_space<vmem>> -> memref<64xi32, #tpu.memory_space<vmem>>
      %dma_wait3A_577 = arith.constant 0 : i32
      %dma_wait3A_578 = arith.constant 0 : i32
      %dma_wait3A_579 = tpu.memref_slice %arg4[%dma_wait3A_577, %dma_wait3A_578] : memref<10240x128xf32, #tpu.memory_space<hbm>> -> memref<10240x128xf32, #tpu.memory_space<hbm>>
      tpu.wait_indirect_dma semaphore(%arg12 : memref<!tpu.dma_semaphore, #tpu.memory_space<semaphore_mem>>) src(%dma_wait3A_579 : memref<10240x128xf32, #tpu.memory_space<hbm>>) dst(%arg9 : memref<64x128xf32, #tpu.memory_space<vmem>>)
      %run_scoped3A_580 = arith.constant 3 : i32
      "tpu.region"() ({
        %run_scoped3A_664 = tpu.sem_alloc : memref<!tpu.dma_semaphore, #tpu.memory_space<semaphore_mem>>
        %dma_start3A_665 = arith.constant 0 : i32
        %dma_start3A_666 = tpu.memref_slice %arg8[%run_scoped3A_580, %dma_start3A_665] : memref<6x64xi32, #tpu.memory_space<vmem>> -> memref<1x64xi32, #tpu.memory_space<vmem>>
        %dma_start3A_667 = tpu.memref_squeeze %dma_start3A_666 : memref<1x64xi32, #tpu.memory_space<vmem>> -> memref<64xi32, #tpu.memory_space<vmem>>
        %dma_start3A_668 = arith.constant 0 : i32
        %dma_start3A_669 = arith.constant 0 : i32
        %dma_start3A_670 = tpu.memref_slice %arg6[%dma_start3A_668, %dma_start3A_669] : memref<10240x128xf32, #tpu.memory_space<vmem_shared>> -> memref<10240x128xf32, #tpu.memory_space<vmem_shared>>
        tpu.enqueue_indirect_dma source(%arg9 : memref<64x128xf32, #tpu.memory_space<vmem>>) target(%dma_start3A_670 : memref<10240x128xf32, #tpu.memory_space<vmem_shared>>) offsets(%dma_start3A_667 : memref<64xi32, #tpu.memory_space<vmem>>) semaphore(%run_scoped3A_664 : memref<!tpu.dma_semaphore, #tpu.memory_space<semaphore_mem>>) {add = true}
        %dma_wait3A_671 = arith.constant 0 : i32
        %dma_wait3A_672 = tpu.memref_slice %arg8[%run_scoped3A_580, %dma_wait3A_671] : memref<6x64xi32, #tpu.memory_space<vmem>> -> memref<1x64xi32, #tpu.memory_space<vmem>>
        %dma_wait3A_673 = tpu.memref_squeeze %dma_wait3A_672 : memref<1x64xi32, #tpu.memory_space<vmem>> -> memref<64xi32, #tpu.memory_space<vmem>>
        %dma_wait3A_674 = arith.constant 0 : i32
        %dma_wait3A_675 = arith.constant 0 : i32
        %dma_wait3A_676 = tpu.memref_slice %arg6[%dma_wait3A_674, %dma_wait3A_675] : memref<10240x128xf32, #tpu.memory_space<vmem_shared>> -> memref<10240x128xf32, #tpu.memory_space<vmem_shared>>
        tpu.wait_indirect_dma semaphore(%run_scoped3A_664 : memref<!tpu.dma_semaphore, #tpu.memory_space<semaphore_mem>>) src(%arg9 : memref<64x128xf32, #tpu.memory_space<vmem>>) dst(%dma_wait3A_676 : memref<10240x128xf32, #tpu.memory_space<vmem_shared>>)
        tpu.yield
      }) : () -> ()
      %add3A_581 = arith.constant 3 : i32
      %add3A_582 = arith.addi %add3A_564, %add3A_581 : i32
      %lt3A_583 = arith.constant 162 : i32
      %lt3A_584 = arith.cmpi slt, %add3A_582, %lt3A_583 : i32
      %convert_element_type3A_585 = arith.extui %lt3A_584 : i1 to i32
      %cond3A_586 = arith.constant 0 : i32
      %cond3A_587 = arith.cmpi ne, %convert_element_type3A_585, %cond3A_586 : i32
      scf.if %cond3A_587 {
        %add3A_664 = arith.constant 3 : i32
        %add3A_665 = arith.addi %add3A_564, %add3A_664 : i32
        %mul3A_666 = arith.constant 64 : i32
        %mul3A_667 = arith.muli %add3A_665, %mul3A_666 : i32
        %dma_start3A_668 = tpu.memref_slice %arg7[%mul3A_667] : memref<10368xi32, #tpu.memory_space<vmem>> -> memref<64xi32, #tpu.memory_space<vmem>>
        %dma_start3A_669 = arith.constant 0 : i32
        %dma_start3A_670 = arith.constant 0 : i32
        %dma_start3A_671 = tpu.memref_slice %arg4[%dma_start3A_669, %dma_start3A_670] : memref<10240x128xf32, #tpu.memory_space<hbm>> -> memref<10240x128xf32, #tpu.memory_space<hbm>>
        tpu.enqueue_indirect_dma source(%dma_start3A_671 : memref<10240x128xf32, #tpu.memory_space<hbm>>) target(%arg9 : memref<64x128xf32, #tpu.memory_space<vmem>>) offsets(%dma_start3A_668 : memref<64xi32, #tpu.memory_space<vmem>>) semaphore(%arg12 : memref<!tpu.dma_semaphore, #tpu.memory_space<semaphore_mem>>)
      } else {
      }
      %add3A_588 = arith.constant 6 : i32
      %add3A_589 = arith.addi %add3A_564, %add3A_588 : i32
      %lt3A_590 = arith.constant 162 : i32
      %lt3A_591 = arith.cmpi slt, %add3A_589, %lt3A_590 : i32
      %convert_element_type3A_592 = arith.extui %lt3A_591 : i1 to i32
      %cond3A_593 = arith.constant 0 : i32
      %cond3A_594 = arith.cmpi ne, %convert_element_type3A_592, %cond3A_593 : i32
      scf.if %cond3A_594 {
        %add3A_664 = arith.constant 6 : i32
        %add3A_665 = arith.addi %add3A_564, %add3A_664 : i32
        %mul3A_666 = arith.constant 64 : i32
        %mul3A_667 = arith.muli %add3A_665, %mul3A_666 : i32
        %add3A_668 = arith.addi %mul3A_2, %mul3A_667 : i32
        %dma_start3A_669 = arith.constant 3 : i32
        %dma_start3A_670 = arith.constant 0 : i32
        %dma_start3A_671 = tpu.memref_slice %arg8[%dma_start3A_669, %dma_start3A_670] : memref<6x64xi32, #tpu.memory_space<vmem>> -> memref<1x64xi32, #tpu.memory_space<vmem>>
        %dma_start3A_672 = tpu.memref_squeeze %dma_start3A_671 : memref<1x64xi32, #tpu.memory_space<vmem>> -> memref<64xi32, #tpu.memory_space<vmem>>
        %dma_start3A_673 = tpu.memref_slice %arg3[%add3A_668] : memref<331776xi32, #tpu.memory_space<hbm>> -> memref<64xi32, #tpu.memory_space<hbm>>
        %dma_start3A_674 = arith.constant 0 : i32
        %dma_start3A_675 = tpu.memref_slice %arg8[%dma_start3A_669, %dma_start3A_674] : memref<6x64xi32, #tpu.memory_space<vmem>> -> memref<1x64xi32, #tpu.memory_space<vmem>>
        %dma_start3A_676 = tpu.memref_squeeze %dma_start3A_675 : memref<1x64xi32, #tpu.memory_space<vmem>> -> memref<64xi32, #tpu.memory_space<vmem>>
        %dma_start3A_677 = tpu.memref_slice %arg3[%add3A_668] : memref<331776xi32, #tpu.memory_space<hbm>> -> memref<64xi32, #tpu.memory_space<hbm>>
        tpu.enqueue_dma source(%dma_start3A_677 : memref<64xi32, #tpu.memory_space<hbm>>) target(%dma_start3A_676 : memref<64xi32, #tpu.memory_space<vmem>>) target_semaphore(%arg18 : memref<!tpu.dma_semaphore, #tpu.memory_space<semaphore_mem>>)
      } else {
      }
      %mul3A_595 = arith.constant 6 : i32
      %mul3A_596 = arith.muli %scan3A_461, %mul3A_595 : i32
      %add3A_597 = arith.constant 4 : i32
      %add3A_598 = arith.addi %mul3A_596, %add3A_597 : i32
      %dma_wait3A_599 = arith.constant 4 : i32
      %dma_wait3A_600 = arith.constant 0 : i32
      %dma_wait3A_601 = tpu.memref_slice %arg8[%dma_wait3A_599, %dma_wait3A_600] : memref<6x64xi32, #tpu.memory_space<vmem>> -> memref<1x64xi32, #tpu.memory_space<vmem>>
      %dma_wait3A_602 = tpu.memref_squeeze %dma_wait3A_601 : memref<1x64xi32, #tpu.memory_space<vmem>> -> memref<64xi32, #tpu.memory_space<vmem>>
      %dma_wait3A_603 = tpu.memref_slice %arg3[%mul3A_2] : memref<331776xi32, #tpu.memory_space<hbm>> -> memref<64xi32, #tpu.memory_space<hbm>>
      %dma_wait3A_604 = arith.constant 0 : i32
      %dma_wait3A_605 = tpu.memref_slice %arg8[%dma_wait3A_599, %dma_wait3A_604] : memref<6x64xi32, #tpu.memory_space<vmem>> -> memref<1x64xi32, #tpu.memory_space<vmem>>
      %dma_wait3A_606 = tpu.memref_squeeze %dma_wait3A_605 : memref<1x64xi32, #tpu.memory_space<vmem>> -> memref<64xi32, #tpu.memory_space<vmem>>
      %dma_wait3A_607 = tpu.memref_slice %arg3[%mul3A_2] : memref<331776xi32, #tpu.memory_space<hbm>> -> memref<64xi32, #tpu.memory_space<hbm>>
      tpu.wait_dma2 semaphore(%arg19 : memref<!tpu.dma_semaphore, #tpu.memory_space<semaphore_mem>>) src(%dma_wait3A_607 : memref<64xi32, #tpu.memory_space<hbm>>) dst(%dma_wait3A_606 : memref<64xi32, #tpu.memory_space<vmem>>)
      %mul3A_608 = arith.constant 64 : i32
      %mul3A_609 = arith.muli %add3A_598, %mul3A_608 : i32
      %dma_wait3A_610 = tpu.memref_slice %arg7[%mul3A_609] : memref<10368xi32, #tpu.memory_space<vmem>> -> memref<64xi32, #tpu.memory_space<vmem>>
      %dma_wait3A_611 = arith.constant 0 : i32
      %dma_wait3A_612 = arith.constant 0 : i32
      %dma_wait3A_613 = tpu.memref_slice %arg4[%dma_wait3A_611, %dma_wait3A_612] : memref<10240x128xf32, #tpu.memory_space<hbm>> -> memref<10240x128xf32, #tpu.memory_space<hbm>>
      tpu.wait_indirect_dma semaphore(%arg13 : memref<!tpu.dma_semaphore, #tpu.memory_space<semaphore_mem>>) src(%dma_wait3A_613 : memref<10240x128xf32, #tpu.memory_space<hbm>>) dst(%arg10 : memref<64x128xf32, #tpu.memory_space<vmem>>)
      %run_scoped3A_614 = arith.constant 4 : i32
      "tpu.region"() ({
        %run_scoped3A_664 = tpu.sem_alloc : memref<!tpu.dma_semaphore, #tpu.memory_space<semaphore_mem>>
        %dma_start3A_665 = arith.constant 0 : i32
        %dma_start3A_666 = tpu.memref_slice %arg8[%run_scoped3A_614, %dma_start3A_665] : memref<6x64xi32, #tpu.memory_space<vmem>> -> memref<1x64xi32, #tpu.memory_space<vmem>>
        %dma_start3A_667 = tpu.memref_squeeze %dma_start3A_666 : memref<1x64xi32, #tpu.memory_space<vmem>> -> memref<64xi32, #tpu.memory_space<vmem>>
        %dma_start3A_668 = arith.constant 0 : i32
        %dma_start3A_669 = arith.constant 0 : i32
        %dma_start3A_670 = tpu.memref_slice %arg6[%dma_start3A_668, %dma_start3A_669] : memref<10240x128xf32, #tpu.memory_space<vmem_shared>> -> memref<10240x128xf32, #tpu.memory_space<vmem_shared>>
        tpu.enqueue_indirect_dma source(%arg10 : memref<64x128xf32, #tpu.memory_space<vmem>>) target(%dma_start3A_670 : memref<10240x128xf32, #tpu.memory_space<vmem_shared>>) offsets(%dma_start3A_667 : memref<64xi32, #tpu.memory_space<vmem>>) semaphore(%run_scoped3A_664 : memref<!tpu.dma_semaphore, #tpu.memory_space<semaphore_mem>>) {add = true}
        %dma_wait3A_671 = arith.constant 0 : i32
        %dma_wait3A_672 = tpu.memref_slice %arg8[%run_scoped3A_614, %dma_wait3A_671] : memref<6x64xi32, #tpu.memory_space<vmem>> -> memref<1x64xi32, #tpu.memory_space<vmem>>
        %dma_wait3A_673 = tpu.memref_squeeze %dma_wait3A_672 : memref<1x64xi32, #tpu.memory_space<vmem>> -> memref<64xi32, #tpu.memory_space<vmem>>
        %dma_wait3A_674 = arith.constant 0 : i32
        %dma_wait3A_675 = arith.constant 0 : i32
        %dma_wait3A_676 = tpu.memref_slice %arg6[%dma_wait3A_674, %dma_wait3A_675] : memref<10240x128xf32, #tpu.memory_space<vmem_shared>> -> memref<10240x128xf32, #tpu.memory_space<vmem_shared>>
        tpu.wait_indirect_dma semaphore(%run_scoped3A_664 : memref<!tpu.dma_semaphore, #tpu.memory_space<semaphore_mem>>) src(%arg10 : memref<64x128xf32, #tpu.memory_space<vmem>>) dst(%dma_wait3A_676 : memref<10240x128xf32, #tpu.memory_space<vmem_shared>>)
        tpu.yield
      }) : () -> ()
      %add3A_615 = arith.constant 3 : i32
      %add3A_616 = arith.addi %add3A_598, %add3A_615 : i32
      %lt3A_617 = arith.constant 162 : i32
      %lt3A_618 = arith.cmpi slt, %add3A_616, %lt3A_617 : i32
      %convert_element_type3A_619 = arith.extui %lt3A_618 : i1 to i32
      %cond3A_620 = arith.constant 0 : i32
      %cond3A_621 = arith.cmpi ne, %convert_element_type3A_619, %cond3A_620 : i32
      scf.if %cond3A_621 {
        %add3A_664 = arith.constant 3 : i32
        %add3A_665 = arith.addi %add3A_598, %add3A_664 : i32
        %mul3A_666 = arith.constant 64 : i32
        %mul3A_667 = arith.muli %add3A_665, %mul3A_666 : i32
        %dma_start3A_668 = tpu.memref_slice %arg7[%mul3A_667] : memref<10368xi32, #tpu.memory_space<vmem>> -> memref<64xi32, #tpu.memory_space<vmem>>
        %dma_start3A_669 = arith.constant 0 : i32
        %dma_start3A_670 = arith.constant 0 : i32
        %dma_start3A_671 = tpu.memref_slice %arg4[%dma_start3A_669, %dma_start3A_670] : memref<10240x128xf32, #tpu.memory_space<hbm>> -> memref<10240x128xf32, #tpu.memory_space<hbm>>
        tpu.enqueue_indirect_dma source(%dma_start3A_671 : memref<10240x128xf32, #tpu.memory_space<hbm>>) target(%arg10 : memref<64x128xf32, #tpu.memory_space<vmem>>) offsets(%dma_start3A_668 : memref<64xi32, #tpu.memory_space<vmem>>) semaphore(%arg13 : memref<!tpu.dma_semaphore, #tpu.memory_space<semaphore_mem>>)
      } else {
      }
      %add3A_622 = arith.constant 6 : i32
      %add3A_623 = arith.addi %add3A_598, %add3A_622 : i32
      %lt3A_624 = arith.constant 162 : i32
      %lt3A_625 = arith.cmpi slt, %add3A_623, %lt3A_624 : i32
      %convert_element_type3A_626 = arith.extui %lt3A_625 : i1 to i32
      %cond3A_627 = arith.constant 0 : i32
      %cond3A_628 = arith.cmpi ne, %convert_element_type3A_626, %cond3A_627 : i32
      scf.if %cond3A_628 {
        %add3A_664 = arith.constant 6 : i32
        %add3A_665 = arith.addi %add3A_598, %add3A_664 : i32
        %mul3A_666 = arith.constant 64 : i32
        %mul3A_667 = arith.muli %add3A_665, %mul3A_666 : i32
        %add3A_668 = arith.addi %mul3A_2, %mul3A_667 : i32
        %dma_start3A_669 = arith.constant 4 : i32
        %dma_start3A_670 = arith.constant 0 : i32
        %dma_start3A_671 = tpu.memref_slice %arg8[%dma_start3A_669, %dma_start3A_670] : memref<6x64xi32, #tpu.memory_space<vmem>> -> memref<1x64xi32, #tpu.memory_space<vmem>>
        %dma_start3A_672 = tpu.memref_squeeze %dma_start3A_671 : memref<1x64xi32, #tpu.memory_space<vmem>> -> memref<64xi32, #tpu.memory_space<vmem>>
        %dma_start3A_673 = tpu.memref_slice %arg3[%add3A_668] : memref<331776xi32, #tpu.memory_space<hbm>> -> memref<64xi32, #tpu.memory_space<hbm>>
        %dma_start3A_674 = arith.constant 0 : i32
        %dma_start3A_675 = tpu.memref_slice %arg8[%dma_start3A_669, %dma_start3A_674] : memref<6x64xi32, #tpu.memory_space<vmem>> -> memref<1x64xi32, #tpu.memory_space<vmem>>
        %dma_start3A_676 = tpu.memref_squeeze %dma_start3A_675 : memref<1x64xi32, #tpu.memory_space<vmem>> -> memref<64xi32, #tpu.memory_space<vmem>>
        %dma_start3A_677 = tpu.memref_slice %arg3[%add3A_668] : memref<331776xi32, #tpu.memory_space<hbm>> -> memref<64xi32, #tpu.memory_space<hbm>>
        tpu.enqueue_dma source(%dma_start3A_677 : memref<64xi32, #tpu.memory_space<hbm>>) target(%dma_start3A_676 : memref<64xi32, #tpu.memory_space<vmem>>) target_semaphore(%arg19 : memref<!tpu.dma_semaphore, #tpu.memory_space<semaphore_mem>>)
      } else {
      }
      %mul3A_629 = arith.constant 6 : i32
      %mul3A_630 = arith.muli %scan3A_461, %mul3A_629 : i32
      %add3A_631 = arith.constant 5 : i32
      %add3A_632 = arith.addi %mul3A_630, %add3A_631 : i32
      %dma_wait3A_633 = arith.constant 5 : i32
      %dma_wait3A_634 = arith.constant 0 : i32
      %dma_wait3A_635 = tpu.memref_slice %arg8[%dma_wait3A_633, %dma_wait3A_634] : memref<6x64xi32, #tpu.memory_space<vmem>> -> memref<1x64xi32, #tpu.memory_space<vmem>>
      %dma_wait3A_636 = tpu.memref_squeeze %dma_wait3A_635 : memref<1x64xi32, #tpu.memory_space<vmem>> -> memref<64xi32, #tpu.memory_space<vmem>>
      %dma_wait3A_637 = tpu.memref_slice %arg3[%mul3A_2] : memref<331776xi32, #tpu.memory_space<hbm>> -> memref<64xi32, #tpu.memory_space<hbm>>
      %dma_wait3A_638 = arith.constant 0 : i32
      %dma_wait3A_639 = tpu.memref_slice %arg8[%dma_wait3A_633, %dma_wait3A_638] : memref<6x64xi32, #tpu.memory_space<vmem>> -> memref<1x64xi32, #tpu.memory_space<vmem>>
      %dma_wait3A_640 = tpu.memref_squeeze %dma_wait3A_639 : memref<1x64xi32, #tpu.memory_space<vmem>> -> memref<64xi32, #tpu.memory_space<vmem>>
      %dma_wait3A_641 = tpu.memref_slice %arg3[%mul3A_2] : memref<331776xi32, #tpu.memory_space<hbm>> -> memref<64xi32, #tpu.memory_space<hbm>>
      tpu.wait_dma2 semaphore(%arg20 : memref<!tpu.dma_semaphore, #tpu.memory_space<semaphore_mem>>) src(%dma_wait3A_641 : memref<64xi32, #tpu.memory_space<hbm>>) dst(%dma_wait3A_640 : memref<64xi32, #tpu.memory_space<vmem>>)
      %mul3A_642 = arith.constant 64 : i32
      %mul3A_643 = arith.muli %add3A_632, %mul3A_642 : i32
      %dma_wait3A_644 = tpu.memref_slice %arg7[%mul3A_643] : memref<10368xi32, #tpu.memory_space<vmem>> -> memref<64xi32, #tpu.memory_space<vmem>>
      %dma_wait3A_645 = arith.constant 0 : i32
      %dma_wait3A_646 = arith.constant 0 : i32
      %dma_wait3A_647 = tpu.memref_slice %arg4[%dma_wait3A_645, %dma_wait3A_646] : memref<10240x128xf32, #tpu.memory_space<hbm>> -> memref<10240x128xf32, #tpu.memory_space<hbm>>
      tpu.wait_indirect_dma semaphore(%arg14 : memref<!tpu.dma_semaphore, #tpu.memory_space<semaphore_mem>>) src(%dma_wait3A_647 : memref<10240x128xf32, #tpu.memory_space<hbm>>) dst(%arg11 : memref<64x128xf32, #tpu.memory_space<vmem>>)
      %run_scoped3A_648 = arith.constant 5 : i32
      "tpu.region"() ({
        %run_scoped3A_664 = tpu.sem_alloc : memref<!tpu.dma_semaphore, #tpu.memory_space<semaphore_mem>>
        %dma_start3A_665 = arith.constant 0 : i32
        %dma_start3A_666 = tpu.memref_slice %arg8[%run_scoped3A_648, %dma_start3A_665] : memref<6x64xi32, #tpu.memory_space<vmem>> -> memref<1x64xi32, #tpu.memory_space<vmem>>
        %dma_start3A_667 = tpu.memref_squeeze %dma_start3A_666 : memref<1x64xi32, #tpu.memory_space<vmem>> -> memref<64xi32, #tpu.memory_space<vmem>>
        %dma_start3A_668 = arith.constant 0 : i32
        %dma_start3A_669 = arith.constant 0 : i32
        %dma_start3A_670 = tpu.memref_slice %arg6[%dma_start3A_668, %dma_start3A_669] : memref<10240x128xf32, #tpu.memory_space<vmem_shared>> -> memref<10240x128xf32, #tpu.memory_space<vmem_shared>>
        tpu.enqueue_indirect_dma source(%arg11 : memref<64x128xf32, #tpu.memory_space<vmem>>) target(%dma_start3A_670 : memref<10240x128xf32, #tpu.memory_space<vmem_shared>>) offsets(%dma_start3A_667 : memref<64xi32, #tpu.memory_space<vmem>>) semaphore(%run_scoped3A_664 : memref<!tpu.dma_semaphore, #tpu.memory_space<semaphore_mem>>) {add = true}
        %dma_wait3A_671 = arith.constant 0 : i32
        %dma_wait3A_672 = tpu.memref_slice %arg8[%run_scoped3A_648, %dma_wait3A_671] : memref<6x64xi32, #tpu.memory_space<vmem>> -> memref<1x64xi32, #tpu.memory_space<vmem>>
        %dma_wait3A_673 = tpu.memref_squeeze %dma_wait3A_672 : memref<1x64xi32, #tpu.memory_space<vmem>> -> memref<64xi32, #tpu.memory_space<vmem>>
        %dma_wait3A_674 = arith.constant 0 : i32
        %dma_wait3A_675 = arith.constant 0 : i32
        %dma_wait3A_676 = tpu.memref_slice %arg6[%dma_wait3A_674, %dma_wait3A_675] : memref<10240x128xf32, #tpu.memory_space<vmem_shared>> -> memref<10240x128xf32, #tpu.memory_space<vmem_shared>>
        tpu.wait_indirect_dma semaphore(%run_scoped3A_664 : memref<!tpu.dma_semaphore, #tpu.memory_space<semaphore_mem>>) src(%arg11 : memref<64x128xf32, #tpu.memory_space<vmem>>) dst(%dma_wait3A_676 : memref<10240x128xf32, #tpu.memory_space<vmem_shared>>)
        tpu.yield
      }) : () -> ()
      %add3A_649 = arith.constant 3 : i32
      %add3A_650 = arith.addi %add3A_632, %add3A_649 : i32
      %lt3A_651 = arith.constant 162 : i32
      %lt3A_652 = arith.cmpi slt, %add3A_650, %lt3A_651 : i32
      %convert_element_type3A_653 = arith.extui %lt3A_652 : i1 to i32
      %cond3A_654 = arith.constant 0 : i32
      %cond3A_655 = arith.cmpi ne, %convert_element_type3A_653, %cond3A_654 : i32
      scf.if %cond3A_655 {
        %add3A_664 = arith.constant 3 : i32
        %add3A_665 = arith.addi %add3A_632, %add3A_664 : i32
        %mul3A_666 = arith.constant 64 : i32
        %mul3A_667 = arith.muli %add3A_665, %mul3A_666 : i32
        %dma_start3A_668 = tpu.memref_slice %arg7[%mul3A_667] : memref<10368xi32, #tpu.memory_space<vmem>> -> memref<64xi32, #tpu.memory_space<vmem>>
        %dma_start3A_669 = arith.constant 0 : i32
        %dma_start3A_670 = arith.constant 0 : i32
        %dma_start3A_671 = tpu.memref_slice %arg4[%dma_start3A_669, %dma_start3A_670] : memref<10240x128xf32, #tpu.memory_space<hbm>> -> memref<10240x128xf32, #tpu.memory_space<hbm>>
        tpu.enqueue_indirect_dma source(%dma_start3A_671 : memref<10240x128xf32, #tpu.memory_space<hbm>>) target(%arg11 : memref<64x128xf32, #tpu.memory_space<vmem>>) offsets(%dma_start3A_668 : memref<64xi32, #tpu.memory_space<vmem>>) semaphore(%arg14 : memref<!tpu.dma_semaphore, #tpu.memory_space<semaphore_mem>>)
      } else {
      }
      %add3A_656 = arith.constant 6 : i32
      %add3A_657 = arith.addi %add3A_632, %add3A_656 : i32
      %lt3A_658 = arith.constant 162 : i32
      %lt3A_659 = arith.cmpi slt, %add3A_657, %lt3A_658 : i32
      %convert_element_type3A_660 = arith.extui %lt3A_659 : i1 to i32
      %cond3A_661 = arith.constant 0 : i32
      %cond3A_662 = arith.cmpi ne, %convert_element_type3A_660, %cond3A_661 : i32
      scf.if %cond3A_662 {
        %add3A_664 = arith.constant 6 : i32
        %add3A_665 = arith.addi %add3A_632, %add3A_664 : i32
        %mul3A_666 = arith.constant 64 : i32
        %mul3A_667 = arith.muli %add3A_665, %mul3A_666 : i32
        %add3A_668 = arith.addi %mul3A_2, %mul3A_667 : i32
        %dma_start3A_669 = arith.constant 5 : i32
        %dma_start3A_670 = arith.constant 0 : i32
        %dma_start3A_671 = tpu.memref_slice %arg8[%dma_start3A_669, %dma_start3A_670] : memref<6x64xi32, #tpu.memory_space<vmem>> -> memref<1x64xi32, #tpu.memory_space<vmem>>
        %dma_start3A_672 = tpu.memref_squeeze %dma_start3A_671 : memref<1x64xi32, #tpu.memory_space<vmem>> -> memref<64xi32, #tpu.memory_space<vmem>>
        %dma_start3A_673 = tpu.memref_slice %arg3[%add3A_668] : memref<331776xi32, #tpu.memory_space<hbm>> -> memref<64xi32, #tpu.memory_space<hbm>>
        %dma_start3A_674 = arith.constant 0 : i32
        %dma_start3A_675 = tpu.memref_slice %arg8[%dma_start3A_669, %dma_start3A_674] : memref<6x64xi32, #tpu.memory_space<vmem>> -> memref<1x64xi32, #tpu.memory_space<vmem>>
        %dma_start3A_676 = tpu.memref_squeeze %dma_start3A_675 : memref<1x64xi32, #tpu.memory_space<vmem>> -> memref<64xi32, #tpu.memory_space<vmem>>
        %dma_start3A_677 = tpu.memref_slice %arg3[%add3A_668] : memref<331776xi32, #tpu.memory_space<hbm>> -> memref<64xi32, #tpu.memory_space<hbm>>
        tpu.enqueue_dma source(%dma_start3A_677 : memref<64xi32, #tpu.memory_space<hbm>>) target(%dma_start3A_676 : memref<64xi32, #tpu.memory_space<vmem>>) target_semaphore(%arg20 : memref<!tpu.dma_semaphore, #tpu.memory_space<semaphore_mem>>)
      } else {
      }
      %scan3A_663 = arith.constant 0 : i32
      scf.yield %scan3A_663 : i32
    }
    %scan3A_259 = arith.constant 27 : i32
    %barrier3A_260 = arith.constant 0 : index
    tpu.barrier barrier_id(%barrier3A_260)
    %mul3A_261 = arith.constant 640 : i32
    %mul3A_262 = arith.muli %arg1, %mul3A_261 : i32
    %add3A_263 = arith.constant 0 : i32
    %add3A_264 = arith.addi %mul3A_262, %add3A_263 : i32
    "tpu.region"() ({
      %run_scoped3A = tpu.sem_alloc : memref<!tpu.dma_semaphore, #tpu.memory_space<semaphore_mem>>
      %dma_start3A_461 = arith.constant 0 : i32
      %dma_start3A_462 = tpu.memref_slice %arg6[%add3A_264, %dma_start3A_461] : memref<10240x128xf32, #tpu.memory_space<vmem_shared>> -> memref<64x128xf32, #tpu.memory_space<vmem_shared>>
      %dma_start3A_463 = arith.constant 0 : i32
      %dma_start3A_464 = tpu.memref_slice %arg6[%add3A_264, %dma_start3A_463] : memref<10240x128xf32, #tpu.memory_space<vmem_shared>> -> memref<64x128xf32, #tpu.memory_space<vmem_shared>>
      tpu.enqueue_dma source(%dma_start3A_464 : memref<64x128xf32, #tpu.memory_space<vmem_shared>>) target(%arg9 : memref<64x128xf32, #tpu.memory_space<vmem>>) target_semaphore(%run_scoped3A : memref<!tpu.dma_semaphore, #tpu.memory_space<semaphore_mem>>)
      %dma_wait3A_465 = arith.constant 0 : i32
      %dma_wait3A_466 = tpu.memref_slice %arg6[%add3A_264, %dma_wait3A_465] : memref<10240x128xf32, #tpu.memory_space<vmem_shared>> -> memref<64x128xf32, #tpu.memory_space<vmem_shared>>
      %dma_wait3A_467 = arith.constant 0 : i32
      %dma_wait3A_468 = tpu.memref_slice %arg6[%add3A_264, %dma_wait3A_467] : memref<10240x128xf32, #tpu.memory_space<vmem_shared>> -> memref<64x128xf32, #tpu.memory_space<vmem_shared>>
      tpu.wait_dma2 semaphore(%run_scoped3A : memref<!tpu.dma_semaphore, #tpu.memory_space<semaphore_mem>>) src(%dma_wait3A_468 : memref<64x128xf32, #tpu.memory_space<vmem_shared>>) dst(%arg9 : memref<64x128xf32, #tpu.memory_space<vmem>>)
      tpu.yield
    }) : () -> ()
    %dma_start3A_265 = arith.constant 0 : i32
    %dma_start3A_266 = tpu.memref_slice %arg5[%arg0, %add3A_264, %dma_start3A_265] : memref<2x10240x128xf32, #tpu.memory_space<hbm>> -> memref<1x64x128xf32, #tpu.memory_space<hbm>>
    %dma_start3A_267 = tpu.memref_squeeze %dma_start3A_266 : memref<1x64x128xf32, #tpu.memory_space<hbm>> -> memref<64x128xf32, #tpu.memory_space<hbm>>
    %dma_start3A_268 = arith.constant 0 : i32
    %dma_start3A_269 = tpu.memref_slice %arg5[%arg0, %add3A_264, %dma_start3A_268] : memref<2x10240x128xf32, #tpu.memory_space<hbm>> -> memref<1x64x128xf32, #tpu.memory_space<hbm>>
    %dma_start3A_270 = tpu.memref_squeeze %dma_start3A_269 : memref<1x64x128xf32, #tpu.memory_space<hbm>> -> memref<64x128xf32, #tpu.memory_space<hbm>>
    tpu.enqueue_dma source(%arg9 : memref<64x128xf32, #tpu.memory_space<vmem>>) target(%dma_start3A_270 : memref<64x128xf32, #tpu.memory_space<hbm>>) target_semaphore(%arg12 : memref<!tpu.dma_semaphore, #tpu.memory_space<semaphore_mem>>)
    %mul3A_271 = arith.constant 640 : i32
    %mul3A_272 = arith.muli %arg1, %mul3A_271 : i32
    %add3A_273 = arith.constant 64 : i32
    %add3A_274 = arith.addi %mul3A_272, %add3A_273 : i32
    "tpu.region"() ({
      %run_scoped3A = tpu.sem_alloc : memref<!tpu.dma_semaphore, #tpu.memory_space<semaphore_mem>>
      %dma_start3A_461 = arith.constant 0 : i32
      %dma_start3A_462 = tpu.memref_slice %arg6[%add3A_274, %dma_start3A_461] : memref<10240x128xf32, #tpu.memory_space<vmem_shared>> -> memref<64x128xf32, #tpu.memory_space<vmem_shared>>
      %dma_start3A_463 = arith.constant 0 : i32
      %dma_start3A_464 = tpu.memref_slice %arg6[%add3A_274, %dma_start3A_463] : memref<10240x128xf32, #tpu.memory_space<vmem_shared>> -> memref<64x128xf32, #tpu.memory_space<vmem_shared>>
      tpu.enqueue_dma source(%dma_start3A_464 : memref<64x128xf32, #tpu.memory_space<vmem_shared>>) target(%arg10 : memref<64x128xf32, #tpu.memory_space<vmem>>) target_semaphore(%run_scoped3A : memref<!tpu.dma_semaphore, #tpu.memory_space<semaphore_mem>>)
      %dma_wait3A_465 = arith.constant 0 : i32
      %dma_wait3A_466 = tpu.memref_slice %arg6[%add3A_274, %dma_wait3A_465] : memref<10240x128xf32, #tpu.memory_space<vmem_shared>> -> memref<64x128xf32, #tpu.memory_space<vmem_shared>>
      %dma_wait3A_467 = arith.constant 0 : i32
      %dma_wait3A_468 = tpu.memref_slice %arg6[%add3A_274, %dma_wait3A_467] : memref<10240x128xf32, #tpu.memory_space<vmem_shared>> -> memref<64x128xf32, #tpu.memory_space<vmem_shared>>
      tpu.wait_dma2 semaphore(%run_scoped3A : memref<!tpu.dma_semaphore, #tpu.memory_space<semaphore_mem>>) src(%dma_wait3A_468 : memref<64x128xf32, #tpu.memory_space<vmem_shared>>) dst(%arg10 : memref<64x128xf32, #tpu.memory_space<vmem>>)
      tpu.yield
    }) : () -> ()
    %dma_start3A_275 = arith.constant 0 : i32
    %dma_start3A_276 = tpu.memref_slice %arg5[%arg0, %add3A_274, %dma_start3A_275] : memref<2x10240x128xf32, #tpu.memory_space<hbm>> -> memref<1x64x128xf32, #tpu.memory_space<hbm>>
    %dma_start3A_277 = tpu.memref_squeeze %dma_start3A_276 : memref<1x64x128xf32, #tpu.memory_space<hbm>> -> memref<64x128xf32, #tpu.memory_space<hbm>>
    %dma_start3A_278 = arith.constant 0 : i32
    %dma_start3A_279 = tpu.memref_slice %arg5[%arg0, %add3A_274, %dma_start3A_278] : memref<2x10240x128xf32, #tpu.memory_space<hbm>> -> memref<1x64x128xf32, #tpu.memory_space<hbm>>
    %dma_start3A_280 = tpu.memref_squeeze %dma_start3A_279 : memref<1x64x128xf32, #tpu.memory_space<hbm>> -> memref<64x128xf32, #tpu.memory_space<hbm>>
    tpu.enqueue_dma source(%arg10 : memref<64x128xf32, #tpu.memory_space<vmem>>) target(%dma_start3A_280 : memref<64x128xf32, #tpu.memory_space<hbm>>) target_semaphore(%arg13 : memref<!tpu.dma_semaphore, #tpu.memory_space<semaphore_mem>>)
    %mul3A_281 = arith.constant 640 : i32
    %mul3A_282 = arith.muli %arg1, %mul3A_281 : i32
    %add3A_283 = arith.constant 128 : i32
    %add3A_284 = arith.addi %mul3A_282, %add3A_283 : i32
    %mul3A_285 = arith.constant 640 : i32
    %mul3A_286 = arith.muli %arg1, %mul3A_285 : i32
    %add3A_287 = arith.constant 0 : i32
    %add3A_288 = arith.addi %mul3A_286, %add3A_287 : i32
    %dma_wait3A_289 = arith.constant 0 : i32
    %dma_wait3A_290 = tpu.memref_slice %arg5[%arg0, %add3A_288, %dma_wait3A_289] : memref<2x10240x128xf32, #tpu.memory_space<hbm>> -> memref<1x64x128xf32, #tpu.memory_space<hbm>>
    %dma_wait3A_291 = tpu.memref_squeeze %dma_wait3A_290 : memref<1x64x128xf32, #tpu.memory_space<hbm>> -> memref<64x128xf32, #tpu.memory_space<hbm>>
    %dma_wait3A_292 = arith.constant 0 : i32
    %dma_wait3A_293 = tpu.memref_slice %arg5[%arg0, %add3A_288, %dma_wait3A_292] : memref<2x10240x128xf32, #tpu.memory_space<hbm>> -> memref<1x64x128xf32, #tpu.memory_space<hbm>>
    %dma_wait3A_294 = tpu.memref_squeeze %dma_wait3A_293 : memref<1x64x128xf32, #tpu.memory_space<hbm>> -> memref<64x128xf32, #tpu.memory_space<hbm>>
    tpu.wait_dma2 semaphore(%arg12 : memref<!tpu.dma_semaphore, #tpu.memory_space<semaphore_mem>>) src(%arg9 : memref<64x128xf32, #tpu.memory_space<vmem>>) dst(%dma_wait3A_294 : memref<64x128xf32, #tpu.memory_space<hbm>>)
    "tpu.region"() ({
      %run_scoped3A = tpu.sem_alloc : memref<!tpu.dma_semaphore, #tpu.memory_space<semaphore_mem>>
      %dma_start3A_461 = arith.constant 0 : i32
      %dma_start3A_462 = tpu.memref_slice %arg6[%add3A_284, %dma_start3A_461] : memref<10240x128xf32, #tpu.memory_space<vmem_shared>> -> memref<64x128xf32, #tpu.memory_space<vmem_shared>>
      %dma_start3A_463 = arith.constant 0 : i32
      %dma_start3A_464 = tpu.memref_slice %arg6[%add3A_284, %dma_start3A_463] : memref<10240x128xf32, #tpu.memory_space<vmem_shared>> -> memref<64x128xf32, #tpu.memory_space<vmem_shared>>
      tpu.enqueue_dma source(%dma_start3A_464 : memref<64x128xf32, #tpu.memory_space<vmem_shared>>) target(%arg9 : memref<64x128xf32, #tpu.memory_space<vmem>>) target_semaphore(%run_scoped3A : memref<!tpu.dma_semaphore, #tpu.memory_space<semaphore_mem>>)
      %dma_wait3A_465 = arith.constant 0 : i32
      %dma_wait3A_466 = tpu.memref_slice %arg6[%add3A_284, %dma_wait3A_465] : memref<10240x128xf32, #tpu.memory_space<vmem_shared>> -> memref<64x128xf32, #tpu.memory_space<vmem_shared>>
      %dma_wait3A_467 = arith.constant 0 : i32
      %dma_wait3A_468 = tpu.memref_slice %arg6[%add3A_284, %dma_wait3A_467] : memref<10240x128xf32, #tpu.memory_space<vmem_shared>> -> memref<64x128xf32, #tpu.memory_space<vmem_shared>>
      tpu.wait_dma2 semaphore(%run_scoped3A : memref<!tpu.dma_semaphore, #tpu.memory_space<semaphore_mem>>) src(%dma_wait3A_468 : memref<64x128xf32, #tpu.memory_space<vmem_shared>>) dst(%arg9 : memref<64x128xf32, #tpu.memory_space<vmem>>)
      tpu.yield
    }) : () -> ()
    %dma_start3A_295 = arith.constant 0 : i32
    %dma_start3A_296 = tpu.memref_slice %arg5[%arg0, %add3A_284, %dma_start3A_295] : memref<2x10240x128xf32, #tpu.memory_space<hbm>> -> memref<1x64x128xf32, #tpu.memory_space<hbm>>
    %dma_start3A_297 = tpu.memref_squeeze %dma_start3A_296 : memref<1x64x128xf32, #tpu.memory_space<hbm>> -> memref<64x128xf32, #tpu.memory_space<hbm>>
    %dma_start3A_298 = arith.constant 0 : i32
    %dma_start3A_299 = tpu.memref_slice %arg5[%arg0, %add3A_284, %dma_start3A_298] : memref<2x10240x128xf32, #tpu.memory_space<hbm>> -> memref<1x64x128xf32, #tpu.memory_space<hbm>>
    %dma_start3A_300 = tpu.memref_squeeze %dma_start3A_299 : memref<1x64x128xf32, #tpu.memory_space<hbm>> -> memref<64x128xf32, #tpu.memory_space<hbm>>
    tpu.enqueue_dma source(%arg9 : memref<64x128xf32, #tpu.memory_space<vmem>>) target(%dma_start3A_300 : memref<64x128xf32, #tpu.memory_space<hbm>>) target_semaphore(%arg12 : memref<!tpu.dma_semaphore, #tpu.memory_space<semaphore_mem>>)
    %mul3A_301 = arith.constant 640 : i32
    %mul3A_302 = arith.muli %arg1, %mul3A_301 : i32
    %add3A_303 = arith.constant 192 : i32
    %add3A_304 = arith.addi %mul3A_302, %add3A_303 : i32
    %mul3A_305 = arith.constant 640 : i32
    %mul3A_306 = arith.muli %arg1, %mul3A_305 : i32
    %add3A_307 = arith.constant 64 : i32
    %add3A_308 = arith.addi %mul3A_306, %add3A_307 : i32
    %dma_wait3A_309 = arith.constant 0 : i32
    %dma_wait3A_310 = tpu.memref_slice %arg5[%arg0, %add3A_308, %dma_wait3A_309] : memref<2x10240x128xf32, #tpu.memory_space<hbm>> -> memref<1x64x128xf32, #tpu.memory_space<hbm>>
    %dma_wait3A_311 = tpu.memref_squeeze %dma_wait3A_310 : memref<1x64x128xf32, #tpu.memory_space<hbm>> -> memref<64x128xf32, #tpu.memory_space<hbm>>
    %dma_wait3A_312 = arith.constant 0 : i32
    %dma_wait3A_313 = tpu.memref_slice %arg5[%arg0, %add3A_308, %dma_wait3A_312] : memref<2x10240x128xf32, #tpu.memory_space<hbm>> -> memref<1x64x128xf32, #tpu.memory_space<hbm>>
    %dma_wait3A_314 = tpu.memref_squeeze %dma_wait3A_313 : memref<1x64x128xf32, #tpu.memory_space<hbm>> -> memref<64x128xf32, #tpu.memory_space<hbm>>
    tpu.wait_dma2 semaphore(%arg13 : memref<!tpu.dma_semaphore, #tpu.memory_space<semaphore_mem>>) src(%arg10 : memref<64x128xf32, #tpu.memory_space<vmem>>) dst(%dma_wait3A_314 : memref<64x128xf32, #tpu.memory_space<hbm>>)
    "tpu.region"() ({
      %run_scoped3A = tpu.sem_alloc : memref<!tpu.dma_semaphore, #tpu.memory_space<semaphore_mem>>
      %dma_start3A_461 = arith.constant 0 : i32
      %dma_start3A_462 = tpu.memref_slice %arg6[%add3A_304, %dma_start3A_461] : memref<10240x128xf32, #tpu.memory_space<vmem_shared>> -> memref<64x128xf32, #tpu.memory_space<vmem_shared>>
      %dma_start3A_463 = arith.constant 0 : i32
      %dma_start3A_464 = tpu.memref_slice %arg6[%add3A_304, %dma_start3A_463] : memref<10240x128xf32, #tpu.memory_space<vmem_shared>> -> memref<64x128xf32, #tpu.memory_space<vmem_shared>>
      tpu.enqueue_dma source(%dma_start3A_464 : memref<64x128xf32, #tpu.memory_space<vmem_shared>>) target(%arg10 : memref<64x128xf32, #tpu.memory_space<vmem>>) target_semaphore(%run_scoped3A : memref<!tpu.dma_semaphore, #tpu.memory_space<semaphore_mem>>)
      %dma_wait3A_465 = arith.constant 0 : i32
      %dma_wait3A_466 = tpu.memref_slice %arg6[%add3A_304, %dma_wait3A_465] : memref<10240x128xf32, #tpu.memory_space<vmem_shared>> -> memref<64x128xf32, #tpu.memory_space<vmem_shared>>
      %dma_wait3A_467 = arith.constant 0 : i32
      %dma_wait3A_468 = tpu.memref_slice %arg6[%add3A_304, %dma_wait3A_467] : memref<10240x128xf32, #tpu.memory_space<vmem_shared>> -> memref<64x128xf32, #tpu.memory_space<vmem_shared>>
      tpu.wait_dma2 semaphore(%run_scoped3A : memref<!tpu.dma_semaphore, #tpu.memory_space<semaphore_mem>>) src(%dma_wait3A_468 : memref<64x128xf32, #tpu.memory_space<vmem_shared>>) dst(%arg10 : memref<64x128xf32, #tpu.memory_space<vmem>>)
      tpu.yield
    }) : () -> ()
    %dma_start3A_315 = arith.constant 0 : i32
    %dma_start3A_316 = tpu.memref_slice %arg5[%arg0, %add3A_304, %dma_start3A_315] : memref<2x10240x128xf32, #tpu.memory_space<hbm>> -> memref<1x64x128xf32, #tpu.memory_space<hbm>>
    %dma_start3A_317 = tpu.memref_squeeze %dma_start3A_316 : memref<1x64x128xf32, #tpu.memory_space<hbm>> -> memref<64x128xf32, #tpu.memory_space<hbm>>
    %dma_start3A_318 = arith.constant 0 : i32
    %dma_start3A_319 = tpu.memref_slice %arg5[%arg0, %add3A_304, %dma_start3A_318] : memref<2x10240x128xf32, #tpu.memory_space<hbm>> -> memref<1x64x128xf32, #tpu.memory_space<hbm>>
    %dma_start3A_320 = tpu.memref_squeeze %dma_start3A_319 : memref<1x64x128xf32, #tpu.memory_space<hbm>> -> memref<64x128xf32, #tpu.memory_space<hbm>>
    tpu.enqueue_dma source(%arg10 : memref<64x128xf32, #tpu.memory_space<vmem>>) target(%dma_start3A_320 : memref<64x128xf32, #tpu.memory_space<hbm>>) target_semaphore(%arg13 : memref<!tpu.dma_semaphore, #tpu.memory_space<semaphore_mem>>)
    %mul3A_321 = arith.constant 640 : i32
    %mul3A_322 = arith.muli %arg1, %mul3A_321 : i32
    %add3A_323 = arith.constant 256 : i32
    %add3A_324 = arith.addi %mul3A_322, %add3A_323 : i32
    %mul3A_325 = arith.constant 640 : i32
    %mul3A_326 = arith.muli %arg1, %mul3A_325 : i32
    %add3A_327 = arith.constant 128 : i32
    %add3A_328 = arith.addi %mul3A_326, %add3A_327 : i32
    %dma_wait3A_329 = arith.constant 0 : i32
    %dma_wait3A_330 = tpu.memref_slice %arg5[%arg0, %add3A_328, %dma_wait3A_329] : memref<2x10240x128xf32, #tpu.memory_space<hbm>> -> memref<1x64x128xf32, #tpu.memory_space<hbm>>
    %dma_wait3A_331 = tpu.memref_squeeze %dma_wait3A_330 : memref<1x64x128xf32, #tpu.memory_space<hbm>> -> memref<64x128xf32, #tpu.memory_space<hbm>>
    %dma_wait3A_332 = arith.constant 0 : i32
    %dma_wait3A_333 = tpu.memref_slice %arg5[%arg0, %add3A_328, %dma_wait3A_332] : memref<2x10240x128xf32, #tpu.memory_space<hbm>> -> memref<1x64x128xf32, #tpu.memory_space<hbm>>
    %dma_wait3A_334 = tpu.memref_squeeze %dma_wait3A_333 : memref<1x64x128xf32, #tpu.memory_space<hbm>> -> memref<64x128xf32, #tpu.memory_space<hbm>>
    tpu.wait_dma2 semaphore(%arg12 : memref<!tpu.dma_semaphore, #tpu.memory_space<semaphore_mem>>) src(%arg9 : memref<64x128xf32, #tpu.memory_space<vmem>>) dst(%dma_wait3A_334 : memref<64x128xf32, #tpu.memory_space<hbm>>)
    "tpu.region"() ({
      %run_scoped3A = tpu.sem_alloc : memref<!tpu.dma_semaphore, #tpu.memory_space<semaphore_mem>>
      %dma_start3A_461 = arith.constant 0 : i32
      %dma_start3A_462 = tpu.memref_slice %arg6[%add3A_324, %dma_start3A_461] : memref<10240x128xf32, #tpu.memory_space<vmem_shared>> -> memref<64x128xf32, #tpu.memory_space<vmem_shared>>
      %dma_start3A_463 = arith.constant 0 : i32
      %dma_start3A_464 = tpu.memref_slice %arg6[%add3A_324, %dma_start3A_463] : memref<10240x128xf32, #tpu.memory_space<vmem_shared>> -> memref<64x128xf32, #tpu.memory_space<vmem_shared>>
      tpu.enqueue_dma source(%dma_start3A_464 : memref<64x128xf32, #tpu.memory_space<vmem_shared>>) target(%arg9 : memref<64x128xf32, #tpu.memory_space<vmem>>) target_semaphore(%run_scoped3A : memref<!tpu.dma_semaphore, #tpu.memory_space<semaphore_mem>>)
      %dma_wait3A_465 = arith.constant 0 : i32
      %dma_wait3A_466 = tpu.memref_slice %arg6[%add3A_324, %dma_wait3A_465] : memref<10240x128xf32, #tpu.memory_space<vmem_shared>> -> memref<64x128xf32, #tpu.memory_space<vmem_shared>>
      %dma_wait3A_467 = arith.constant 0 : i32
      %dma_wait3A_468 = tpu.memref_slice %arg6[%add3A_324, %dma_wait3A_467] : memref<10240x128xf32, #tpu.memory_space<vmem_shared>> -> memref<64x128xf32, #tpu.memory_space<vmem_shared>>
      tpu.wait_dma2 semaphore(%run_scoped3A : memref<!tpu.dma_semaphore, #tpu.memory_space<semaphore_mem>>) src(%dma_wait3A_468 : memref<64x128xf32, #tpu.memory_space<vmem_shared>>) dst(%arg9 : memref<64x128xf32, #tpu.memory_space<vmem>>)
      tpu.yield
    }) : () -> ()
    %dma_start3A_335 = arith.constant 0 : i32
    %dma_start3A_336 = tpu.memref_slice %arg5[%arg0, %add3A_324, %dma_start3A_335] : memref<2x10240x128xf32, #tpu.memory_space<hbm>> -> memref<1x64x128xf32, #tpu.memory_space<hbm>>
    %dma_start3A_337 = tpu.memref_squeeze %dma_start3A_336 : memref<1x64x128xf32, #tpu.memory_space<hbm>> -> memref<64x128xf32, #tpu.memory_space<hbm>>
    %dma_start3A_338 = arith.constant 0 : i32
    %dma_start3A_339 = tpu.memref_slice %arg5[%arg0, %add3A_324, %dma_start3A_338] : memref<2x10240x128xf32, #tpu.memory_space<hbm>> -> memref<1x64x128xf32, #tpu.memory_space<hbm>>
    %dma_start3A_340 = tpu.memref_squeeze %dma_start3A_339 : memref<1x64x128xf32, #tpu.memory_space<hbm>> -> memref<64x128xf32, #tpu.memory_space<hbm>>
    tpu.enqueue_dma source(%arg9 : memref<64x128xf32, #tpu.memory_space<vmem>>) target(%dma_start3A_340 : memref<64x128xf32, #tpu.memory_space<hbm>>) target_semaphore(%arg12 : memref<!tpu.dma_semaphore, #tpu.memory_space<semaphore_mem>>)
    %mul3A_341 = arith.constant 640 : i32
    %mul3A_342 = arith.muli %arg1, %mul3A_341 : i32
    %add3A_343 = arith.constant 320 : i32
    %add3A_344 = arith.addi %mul3A_342, %add3A_343 : i32
    %mul3A_345 = arith.constant 640 : i32
    %mul3A_346 = arith.muli %arg1, %mul3A_345 : i32
    %add3A_347 = arith.constant 192 : i32
    %add3A_348 = arith.addi %mul3A_346, %add3A_347 : i32
    %dma_wait3A_349 = arith.constant 0 : i32
    %dma_wait3A_350 = tpu.memref_slice %arg5[%arg0, %add3A_348, %dma_wait3A_349] : memref<2x10240x128xf32, #tpu.memory_space<hbm>> -> memref<1x64x128xf32, #tpu.memory_space<hbm>>
    %dma_wait3A_351 = tpu.memref_squeeze %dma_wait3A_350 : memref<1x64x128xf32, #tpu.memory_space<hbm>> -> memref<64x128xf32, #tpu.memory_space<hbm>>
    %dma_wait3A_352 = arith.constant 0 : i32
    %dma_wait3A_353 = tpu.memref_slice %arg5[%arg0, %add3A_348, %dma_wait3A_352] : memref<2x10240x128xf32, #tpu.memory_space<hbm>> -> memref<1x64x128xf32, #tpu.memory_space<hbm>>
    %dma_wait3A_354 = tpu.memref_squeeze %dma_wait3A_353 : memref<1x64x128xf32, #tpu.memory_space<hbm>> -> memref<64x128xf32, #tpu.memory_space<hbm>>
    tpu.wait_dma2 semaphore(%arg13 : memref<!tpu.dma_semaphore, #tpu.memory_space<semaphore_mem>>) src(%arg10 : memref<64x128xf32, #tpu.memory_space<vmem>>) dst(%dma_wait3A_354 : memref<64x128xf32, #tpu.memory_space<hbm>>)
    "tpu.region"() ({
      %run_scoped3A = tpu.sem_alloc : memref<!tpu.dma_semaphore, #tpu.memory_space<semaphore_mem>>
      %dma_start3A_461 = arith.constant 0 : i32
      %dma_start3A_462 = tpu.memref_slice %arg6[%add3A_344, %dma_start3A_461] : memref<10240x128xf32, #tpu.memory_space<vmem_shared>> -> memref<64x128xf32, #tpu.memory_space<vmem_shared>>
      %dma_start3A_463 = arith.constant 0 : i32
      %dma_start3A_464 = tpu.memref_slice %arg6[%add3A_344, %dma_start3A_463] : memref<10240x128xf32, #tpu.memory_space<vmem_shared>> -> memref<64x128xf32, #tpu.memory_space<vmem_shared>>
      tpu.enqueue_dma source(%dma_start3A_464 : memref<64x128xf32, #tpu.memory_space<vmem_shared>>) target(%arg10 : memref<64x128xf32, #tpu.memory_space<vmem>>) target_semaphore(%run_scoped3A : memref<!tpu.dma_semaphore, #tpu.memory_space<semaphore_mem>>)
      %dma_wait3A_465 = arith.constant 0 : i32
      %dma_wait3A_466 = tpu.memref_slice %arg6[%add3A_344, %dma_wait3A_465] : memref<10240x128xf32, #tpu.memory_space<vmem_shared>> -> memref<64x128xf32, #tpu.memory_space<vmem_shared>>
      %dma_wait3A_467 = arith.constant 0 : i32
      %dma_wait3A_468 = tpu.memref_slice %arg6[%add3A_344, %dma_wait3A_467] : memref<10240x128xf32, #tpu.memory_space<vmem_shared>> -> memref<64x128xf32, #tpu.memory_space<vmem_shared>>
      tpu.wait_dma2 semaphore(%run_scoped3A : memref<!tpu.dma_semaphore, #tpu.memory_space<semaphore_mem>>) src(%dma_wait3A_468 : memref<64x128xf32, #tpu.memory_space<vmem_shared>>) dst(%arg10 : memref<64x128xf32, #tpu.memory_space<vmem>>)
      tpu.yield
    }) : () -> ()
    %dma_start3A_355 = arith.constant 0 : i32
    %dma_start3A_356 = tpu.memref_slice %arg5[%arg0, %add3A_344, %dma_start3A_355] : memref<2x10240x128xf32, #tpu.memory_space<hbm>> -> memref<1x64x128xf32, #tpu.memory_space<hbm>>
    %dma_start3A_357 = tpu.memref_squeeze %dma_start3A_356 : memref<1x64x128xf32, #tpu.memory_space<hbm>> -> memref<64x128xf32, #tpu.memory_space<hbm>>
    %dma_start3A_358 = arith.constant 0 : i32
    %dma_start3A_359 = tpu.memref_slice %arg5[%arg0, %add3A_344, %dma_start3A_358] : memref<2x10240x128xf32, #tpu.memory_space<hbm>> -> memref<1x64x128xf32, #tpu.memory_space<hbm>>
    %dma_start3A_360 = tpu.memref_squeeze %dma_start3A_359 : memref<1x64x128xf32, #tpu.memory_space<hbm>> -> memref<64x128xf32, #tpu.memory_space<hbm>>
    tpu.enqueue_dma source(%arg10 : memref<64x128xf32, #tpu.memory_space<vmem>>) target(%dma_start3A_360 : memref<64x128xf32, #tpu.memory_space<hbm>>) target_semaphore(%arg13 : memref<!tpu.dma_semaphore, #tpu.memory_space<semaphore_mem>>)
    %mul3A_361 = arith.constant 640 : i32
    %mul3A_362 = arith.muli %arg1, %mul3A_361 : i32
    %add3A_363 = arith.constant 384 : i32
    %add3A_364 = arith.addi %mul3A_362, %add3A_363 : i32
    %mul3A_365 = arith.constant 640 : i32
    %mul3A_366 = arith.muli %arg1, %mul3A_365 : i32
    %add3A_367 = arith.constant 256 : i32
    %add3A_368 = arith.addi %mul3A_366, %add3A_367 : i32
    %dma_wait3A_369 = arith.constant 0 : i32
    %dma_wait3A_370 = tpu.memref_slice %arg5[%arg0, %add3A_368, %dma_wait3A_369] : memref<2x10240x128xf32, #tpu.memory_space<hbm>> -> memref<1x64x128xf32, #tpu.memory_space<hbm>>
    %dma_wait3A_371 = tpu.memref_squeeze %dma_wait3A_370 : memref<1x64x128xf32, #tpu.memory_space<hbm>> -> memref<64x128xf32, #tpu.memory_space<hbm>>
    %dma_wait3A_372 = arith.constant 0 : i32
    %dma_wait3A_373 = tpu.memref_slice %arg5[%arg0, %add3A_368, %dma_wait3A_372] : memref<2x10240x128xf32, #tpu.memory_space<hbm>> -> memref<1x64x128xf32, #tpu.memory_space<hbm>>
    %dma_wait3A_374 = tpu.memref_squeeze %dma_wait3A_373 : memref<1x64x128xf32, #tpu.memory_space<hbm>> -> memref<64x128xf32, #tpu.memory_space<hbm>>
    tpu.wait_dma2 semaphore(%arg12 : memref<!tpu.dma_semaphore, #tpu.memory_space<semaphore_mem>>) src(%arg9 : memref<64x128xf32, #tpu.memory_space<vmem>>) dst(%dma_wait3A_374 : memref<64x128xf32, #tpu.memory_space<hbm>>)
    "tpu.region"() ({
      %run_scoped3A = tpu.sem_alloc : memref<!tpu.dma_semaphore, #tpu.memory_space<semaphore_mem>>
      %dma_start3A_461 = arith.constant 0 : i32
      %dma_start3A_462 = tpu.memref_slice %arg6[%add3A_364, %dma_start3A_461] : memref<10240x128xf32, #tpu.memory_space<vmem_shared>> -> memref<64x128xf32, #tpu.memory_space<vmem_shared>>
      %dma_start3A_463 = arith.constant 0 : i32
      %dma_start3A_464 = tpu.memref_slice %arg6[%add3A_364, %dma_start3A_463] : memref<10240x128xf32, #tpu.memory_space<vmem_shared>> -> memref<64x128xf32, #tpu.memory_space<vmem_shared>>
      tpu.enqueue_dma source(%dma_start3A_464 : memref<64x128xf32, #tpu.memory_space<vmem_shared>>) target(%arg9 : memref<64x128xf32, #tpu.memory_space<vmem>>) target_semaphore(%run_scoped3A : memref<!tpu.dma_semaphore, #tpu.memory_space<semaphore_mem>>)
      %dma_wait3A_465 = arith.constant 0 : i32
      %dma_wait3A_466 = tpu.memref_slice %arg6[%add3A_364, %dma_wait3A_465] : memref<10240x128xf32, #tpu.memory_space<vmem_shared>> -> memref<64x128xf32, #tpu.memory_space<vmem_shared>>
      %dma_wait3A_467 = arith.constant 0 : i32
      %dma_wait3A_468 = tpu.memref_slice %arg6[%add3A_364, %dma_wait3A_467] : memref<10240x128xf32, #tpu.memory_space<vmem_shared>> -> memref<64x128xf32, #tpu.memory_space<vmem_shared>>
      tpu.wait_dma2 semaphore(%run_scoped3A : memref<!tpu.dma_semaphore, #tpu.memory_space<semaphore_mem>>) src(%dma_wait3A_468 : memref<64x128xf32, #tpu.memory_space<vmem_shared>>) dst(%arg9 : memref<64x128xf32, #tpu.memory_space<vmem>>)
      tpu.yield
    }) : () -> ()
    %dma_start3A_375 = arith.constant 0 : i32
    %dma_start3A_376 = tpu.memref_slice %arg5[%arg0, %add3A_364, %dma_start3A_375] : memref<2x10240x128xf32, #tpu.memory_space<hbm>> -> memref<1x64x128xf32, #tpu.memory_space<hbm>>
    %dma_start3A_377 = tpu.memref_squeeze %dma_start3A_376 : memref<1x64x128xf32, #tpu.memory_space<hbm>> -> memref<64x128xf32, #tpu.memory_space<hbm>>
    %dma_start3A_378 = arith.constant 0 : i32
    %dma_start3A_379 = tpu.memref_slice %arg5[%arg0, %add3A_364, %dma_start3A_378] : memref<2x10240x128xf32, #tpu.memory_space<hbm>> -> memref<1x64x128xf32, #tpu.memory_space<hbm>>
    %dma_start3A_380 = tpu.memref_squeeze %dma_start3A_379 : memref<1x64x128xf32, #tpu.memory_space<hbm>> -> memref<64x128xf32, #tpu.memory_space<hbm>>
    tpu.enqueue_dma source(%arg9 : memref<64x128xf32, #tpu.memory_space<vmem>>) target(%dma_start3A_380 : memref<64x128xf32, #tpu.memory_space<hbm>>) target_semaphore(%arg12 : memref<!tpu.dma_semaphore, #tpu.memory_space<semaphore_mem>>)
    %mul3A_381 = arith.constant 640 : i32
    %mul3A_382 = arith.muli %arg1, %mul3A_381 : i32
    %add3A_383 = arith.constant 448 : i32
    %add3A_384 = arith.addi %mul3A_382, %add3A_383 : i32
    %mul3A_385 = arith.constant 640 : i32
    %mul3A_386 = arith.muli %arg1, %mul3A_385 : i32
    %add3A_387 = arith.constant 320 : i32
    %add3A_388 = arith.addi %mul3A_386, %add3A_387 : i32
    %dma_wait3A_389 = arith.constant 0 : i32
    %dma_wait3A_390 = tpu.memref_slice %arg5[%arg0, %add3A_388, %dma_wait3A_389] : memref<2x10240x128xf32, #tpu.memory_space<hbm>> -> memref<1x64x128xf32, #tpu.memory_space<hbm>>
    %dma_wait3A_391 = tpu.memref_squeeze %dma_wait3A_390 : memref<1x64x128xf32, #tpu.memory_space<hbm>> -> memref<64x128xf32, #tpu.memory_space<hbm>>
    %dma_wait3A_392 = arith.constant 0 : i32
    %dma_wait3A_393 = tpu.memref_slice %arg5[%arg0, %add3A_388, %dma_wait3A_392] : memref<2x10240x128xf32, #tpu.memory_space<hbm>> -> memref<1x64x128xf32, #tpu.memory_space<hbm>>
    %dma_wait3A_394 = tpu.memref_squeeze %dma_wait3A_393 : memref<1x64x128xf32, #tpu.memory_space<hbm>> -> memref<64x128xf32, #tpu.memory_space<hbm>>
    tpu.wait_dma2 semaphore(%arg13 : memref<!tpu.dma_semaphore, #tpu.memory_space<semaphore_mem>>) src(%arg10 : memref<64x128xf32, #tpu.memory_space<vmem>>) dst(%dma_wait3A_394 : memref<64x128xf32, #tpu.memory_space<hbm>>)
    "tpu.region"() ({
      %run_scoped3A = tpu.sem_alloc : memref<!tpu.dma_semaphore, #tpu.memory_space<semaphore_mem>>
      %dma_start3A_461 = arith.constant 0 : i32
      %dma_start3A_462 = tpu.memref_slice %arg6[%add3A_384, %dma_start3A_461] : memref<10240x128xf32, #tpu.memory_space<vmem_shared>> -> memref<64x128xf32, #tpu.memory_space<vmem_shared>>
      %dma_start3A_463 = arith.constant 0 : i32
      %dma_start3A_464 = tpu.memref_slice %arg6[%add3A_384, %dma_start3A_463] : memref<10240x128xf32, #tpu.memory_space<vmem_shared>> -> memref<64x128xf32, #tpu.memory_space<vmem_shared>>
      tpu.enqueue_dma source(%dma_start3A_464 : memref<64x128xf32, #tpu.memory_space<vmem_shared>>) target(%arg10 : memref<64x128xf32, #tpu.memory_space<vmem>>) target_semaphore(%run_scoped3A : memref<!tpu.dma_semaphore, #tpu.memory_space<semaphore_mem>>)
      %dma_wait3A_465 = arith.constant 0 : i32
      %dma_wait3A_466 = tpu.memref_slice %arg6[%add3A_384, %dma_wait3A_465] : memref<10240x128xf32, #tpu.memory_space<vmem_shared>> -> memref<64x128xf32, #tpu.memory_space<vmem_shared>>
      %dma_wait3A_467 = arith.constant 0 : i32
      %dma_wait3A_468 = tpu.memref_slice %arg6[%add3A_384, %dma_wait3A_467] : memref<10240x128xf32, #tpu.memory_space<vmem_shared>> -> memref<64x128xf32, #tpu.memory_space<vmem_shared>>
      tpu.wait_dma2 semaphore(%run_scoped3A : memref<!tpu.dma_semaphore, #tpu.memory_space<semaphore_mem>>) src(%dma_wait3A_468 : memref<64x128xf32, #tpu.memory_space<vmem_shared>>) dst(%arg10 : memref<64x128xf32, #tpu.memory_space<vmem>>)
      tpu.yield
    }) : () -> ()
    %dma_start3A_395 = arith.constant 0 : i32
    %dma_start3A_396 = tpu.memref_slice %arg5[%arg0, %add3A_384, %dma_start3A_395] : memref<2x10240x128xf32, #tpu.memory_space<hbm>> -> memref<1x64x128xf32, #tpu.memory_space<hbm>>
    %dma_start3A_397 = tpu.memref_squeeze %dma_start3A_396 : memref<1x64x128xf32, #tpu.memory_space<hbm>> -> memref<64x128xf32, #tpu.memory_space<hbm>>
    %dma_start3A_398 = arith.constant 0 : i32
    %dma_start3A_399 = tpu.memref_slice %arg5[%arg0, %add3A_384, %dma_start3A_398] : memref<2x10240x128xf32, #tpu.memory_space<hbm>> -> memref<1x64x128xf32, #tpu.memory_space<hbm>>
    %dma_start3A_400 = tpu.memref_squeeze %dma_start3A_399 : memref<1x64x128xf32, #tpu.memory_space<hbm>> -> memref<64x128xf32, #tpu.memory_space<hbm>>
    tpu.enqueue_dma source(%arg10 : memref<64x128xf32, #tpu.memory_space<vmem>>) target(%dma_start3A_400 : memref<64x128xf32, #tpu.memory_space<hbm>>) target_semaphore(%arg13 : memref<!tpu.dma_semaphore, #tpu.memory_space<semaphore_mem>>)
    %mul3A_401 = arith.constant 640 : i32
    %mul3A_402 = arith.muli %arg1, %mul3A_401 : i32
    %add3A_403 = arith.constant 512 : i32
    %add3A_404 = arith.addi %mul3A_402, %add3A_403 : i32
    %mul3A_405 = arith.constant 640 : i32
    %mul3A_406 = arith.muli %arg1, %mul3A_405 : i32
    %add3A_407 = arith.constant 384 : i32
    %add3A_408 = arith.addi %mul3A_406, %add3A_407 : i32
    %dma_wait3A_409 = arith.constant 0 : i32
    %dma_wait3A_410 = tpu.memref_slice %arg5[%arg0, %add3A_408, %dma_wait3A_409] : memref<2x10240x128xf32, #tpu.memory_space<hbm>> -> memref<1x64x128xf32, #tpu.memory_space<hbm>>
    %dma_wait3A_411 = tpu.memref_squeeze %dma_wait3A_410 : memref<1x64x128xf32, #tpu.memory_space<hbm>> -> memref<64x128xf32, #tpu.memory_space<hbm>>
    %dma_wait3A_412 = arith.constant 0 : i32
    %dma_wait3A_413 = tpu.memref_slice %arg5[%arg0, %add3A_408, %dma_wait3A_412] : memref<2x10240x128xf32, #tpu.memory_space<hbm>> -> memref<1x64x128xf32, #tpu.memory_space<hbm>>
    %dma_wait3A_414 = tpu.memref_squeeze %dma_wait3A_413 : memref<1x64x128xf32, #tpu.memory_space<hbm>> -> memref<64x128xf32, #tpu.memory_space<hbm>>
    tpu.wait_dma2 semaphore(%arg12 : memref<!tpu.dma_semaphore, #tpu.memory_space<semaphore_mem>>) src(%arg9 : memref<64x128xf32, #tpu.memory_space<vmem>>) dst(%dma_wait3A_414 : memref<64x128xf32, #tpu.memory_space<hbm>>)
    "tpu.region"() ({
      %run_scoped3A = tpu.sem_alloc : memref<!tpu.dma_semaphore, #tpu.memory_space<semaphore_mem>>
      %dma_start3A_461 = arith.constant 0 : i32
      %dma_start3A_462 = tpu.memref_slice %arg6[%add3A_404, %dma_start3A_461] : memref<10240x128xf32, #tpu.memory_space<vmem_shared>> -> memref<64x128xf32, #tpu.memory_space<vmem_shared>>
      %dma_start3A_463 = arith.constant 0 : i32
      %dma_start3A_464 = tpu.memref_slice %arg6[%add3A_404, %dma_start3A_463] : memref<10240x128xf32, #tpu.memory_space<vmem_shared>> -> memref<64x128xf32, #tpu.memory_space<vmem_shared>>
      tpu.enqueue_dma source(%dma_start3A_464 : memref<64x128xf32, #tpu.memory_space<vmem_shared>>) target(%arg9 : memref<64x128xf32, #tpu.memory_space<vmem>>) target_semaphore(%run_scoped3A : memref<!tpu.dma_semaphore, #tpu.memory_space<semaphore_mem>>)
      %dma_wait3A_465 = arith.constant 0 : i32
      %dma_wait3A_466 = tpu.memref_slice %arg6[%add3A_404, %dma_wait3A_465] : memref<10240x128xf32, #tpu.memory_space<vmem_shared>> -> memref<64x128xf32, #tpu.memory_space<vmem_shared>>
      %dma_wait3A_467 = arith.constant 0 : i32
      %dma_wait3A_468 = tpu.memref_slice %arg6[%add3A_404, %dma_wait3A_467] : memref<10240x128xf32, #tpu.memory_space<vmem_shared>> -> memref<64x128xf32, #tpu.memory_space<vmem_shared>>
      tpu.wait_dma2 semaphore(%run_scoped3A : memref<!tpu.dma_semaphore, #tpu.memory_space<semaphore_mem>>) src(%dma_wait3A_468 : memref<64x128xf32, #tpu.memory_space<vmem_shared>>) dst(%arg9 : memref<64x128xf32, #tpu.memory_space<vmem>>)
      tpu.yield
    }) : () -> ()
    %dma_start3A_415 = arith.constant 0 : i32
    %dma_start3A_416 = tpu.memref_slice %arg5[%arg0, %add3A_404, %dma_start3A_415] : memref<2x10240x128xf32, #tpu.memory_space<hbm>> -> memref<1x64x128xf32, #tpu.memory_space<hbm>>
    %dma_start3A_417 = tpu.memref_squeeze %dma_start3A_416 : memref<1x64x128xf32, #tpu.memory_space<hbm>> -> memref<64x128xf32, #tpu.memory_space<hbm>>
    %dma_start3A_418 = arith.constant 0 : i32
    %dma_start3A_419 = tpu.memref_slice %arg5[%arg0, %add3A_404, %dma_start3A_418] : memref<2x10240x128xf32, #tpu.memory_space<hbm>> -> memref<1x64x128xf32, #tpu.memory_space<hbm>>
    %dma_start3A_420 = tpu.memref_squeeze %dma_start3A_419 : memref<1x64x128xf32, #tpu.memory_space<hbm>> -> memref<64x128xf32, #tpu.memory_space<hbm>>
    tpu.enqueue_dma source(%arg9 : memref<64x128xf32, #tpu.memory_space<vmem>>) target(%dma_start3A_420 : memref<64x128xf32, #tpu.memory_space<hbm>>) target_semaphore(%arg12 : memref<!tpu.dma_semaphore, #tpu.memory_space<semaphore_mem>>)
    %mul3A_421 = arith.constant 640 : i32
    %mul3A_422 = arith.muli %arg1, %mul3A_421 : i32
    %add3A_423 = arith.constant 576 : i32
    %add3A_424 = arith.addi %mul3A_422, %add3A_423 : i32
    %mul3A_425 = arith.constant 640 : i32
    %mul3A_426 = arith.muli %arg1, %mul3A_425 : i32
    %add3A_427 = arith.constant 448 : i32
    %add3A_428 = arith.addi %mul3A_426, %add3A_427 : i32
    %dma_wait3A_429 = arith.constant 0 : i32
    %dma_wait3A_430 = tpu.memref_slice %arg5[%arg0, %add3A_428, %dma_wait3A_429] : memref<2x10240x128xf32, #tpu.memory_space<hbm>> -> memref<1x64x128xf32, #tpu.memory_space<hbm>>
    %dma_wait3A_431 = tpu.memref_squeeze %dma_wait3A_430 : memref<1x64x128xf32, #tpu.memory_space<hbm>> -> memref<64x128xf32, #tpu.memory_space<hbm>>
    %dma_wait3A_432 = arith.constant 0 : i32
    %dma_wait3A_433 = tpu.memref_slice %arg5[%arg0, %add3A_428, %dma_wait3A_432] : memref<2x10240x128xf32, #tpu.memory_space<hbm>> -> memref<1x64x128xf32, #tpu.memory_space<hbm>>
    %dma_wait3A_434 = tpu.memref_squeeze %dma_wait3A_433 : memref<1x64x128xf32, #tpu.memory_space<hbm>> -> memref<64x128xf32, #tpu.memory_space<hbm>>
    tpu.wait_dma2 semaphore(%arg13 : memref<!tpu.dma_semaphore, #tpu.memory_space<semaphore_mem>>) src(%arg10 : memref<64x128xf32, #tpu.memory_space<vmem>>) dst(%dma_wait3A_434 : memref<64x128xf32, #tpu.memory_space<hbm>>)
    "tpu.region"() ({
      %run_scoped3A = tpu.sem_alloc : memref<!tpu.dma_semaphore, #tpu.memory_space<semaphore_mem>>
      %dma_start3A_461 = arith.constant 0 : i32
      %dma_start3A_462 = tpu.memref_slice %arg6[%add3A_424, %dma_start3A_461] : memref<10240x128xf32, #tpu.memory_space<vmem_shared>> -> memref<64x128xf32, #tpu.memory_space<vmem_shared>>
      %dma_start3A_463 = arith.constant 0 : i32
      %dma_start3A_464 = tpu.memref_slice %arg6[%add3A_424, %dma_start3A_463] : memref<10240x128xf32, #tpu.memory_space<vmem_shared>> -> memref<64x128xf32, #tpu.memory_space<vmem_shared>>
      tpu.enqueue_dma source(%dma_start3A_464 : memref<64x128xf32, #tpu.memory_space<vmem_shared>>) target(%arg10 : memref<64x128xf32, #tpu.memory_space<vmem>>) target_semaphore(%run_scoped3A : memref<!tpu.dma_semaphore, #tpu.memory_space<semaphore_mem>>)
      %dma_wait3A_465 = arith.constant 0 : i32
      %dma_wait3A_466 = tpu.memref_slice %arg6[%add3A_424, %dma_wait3A_465] : memref<10240x128xf32, #tpu.memory_space<vmem_shared>> -> memref<64x128xf32, #tpu.memory_space<vmem_shared>>
      %dma_wait3A_467 = arith.constant 0 : i32
      %dma_wait3A_468 = tpu.memref_slice %arg6[%add3A_424, %dma_wait3A_467] : memref<10240x128xf32, #tpu.memory_space<vmem_shared>> -> memref<64x128xf32, #tpu.memory_space<vmem_shared>>
      tpu.wait_dma2 semaphore(%run_scoped3A : memref<!tpu.dma_semaphore, #tpu.memory_space<semaphore_mem>>) src(%dma_wait3A_468 : memref<64x128xf32, #tpu.memory_space<vmem_shared>>) dst(%arg10 : memref<64x128xf32, #tpu.memory_space<vmem>>)
      tpu.yield
    }) : () -> ()
    %dma_start3A_435 = arith.constant 0 : i32
    %dma_start3A_436 = tpu.memref_slice %arg5[%arg0, %add3A_424, %dma_start3A_435] : memref<2x10240x128xf32, #tpu.memory_space<hbm>> -> memref<1x64x128xf32, #tpu.memory_space<hbm>>
    %dma_start3A_437 = tpu.memref_squeeze %dma_start3A_436 : memref<1x64x128xf32, #tpu.memory_space<hbm>> -> memref<64x128xf32, #tpu.memory_space<hbm>>
    %dma_start3A_438 = arith.constant 0 : i32
    %dma_start3A_439 = tpu.memref_slice %arg5[%arg0, %add3A_424, %dma_start3A_438] : memref<2x10240x128xf32, #tpu.memory_space<hbm>> -> memref<1x64x128xf32, #tpu.memory_space<hbm>>
    %dma_start3A_440 = tpu.memref_squeeze %dma_start3A_439 : memref<1x64x128xf32, #tpu.memory_space<hbm>> -> memref<64x128xf32, #tpu.memory_space<hbm>>
    tpu.enqueue_dma source(%arg10 : memref<64x128xf32, #tpu.memory_space<vmem>>) target(%dma_start3A_440 : memref<64x128xf32, #tpu.memory_space<hbm>>) target_semaphore(%arg13 : memref<!tpu.dma_semaphore, #tpu.memory_space<semaphore_mem>>)
    %mul3A_441 = arith.constant 640 : i32
    %mul3A_442 = arith.muli %arg1, %mul3A_441 : i32
    %add3A_443 = arith.constant 512 : i32
    %add3A_444 = arith.addi %mul3A_442, %add3A_443 : i32
    %dma_wait3A_445 = arith.constant 0 : i32
    %dma_wait3A_446 = tpu.memref_slice %arg5[%arg0, %add3A_444, %dma_wait3A_445] : memref<2x10240x128xf32, #tpu.memory_space<hbm>> -> memref<1x64x128xf32, #tpu.memory_space<hbm>>
    %dma_wait3A_447 = tpu.memref_squeeze %dma_wait3A_446 : memref<1x64x128xf32, #tpu.memory_space<hbm>> -> memref<64x128xf32, #tpu.memory_space<hbm>>
    %dma_wait3A_448 = arith.constant 0 : i32
    %dma_wait3A_449 = tpu.memref_slice %arg5[%arg0, %add3A_444, %dma_wait3A_448] : memref<2x10240x128xf32, #tpu.memory_space<hbm>> -> memref<1x64x128xf32, #tpu.memory_space<hbm>>
    %dma_wait3A_450 = tpu.memref_squeeze %dma_wait3A_449 : memref<1x64x128xf32, #tpu.memory_space<hbm>> -> memref<64x128xf32, #tpu.memory_space<hbm>>
    tpu.wait_dma2 semaphore(%arg12 : memref<!tpu.dma_semaphore, #tpu.memory_space<semaphore_mem>>) src(%arg9 : memref<64x128xf32, #tpu.memory_space<vmem>>) dst(%dma_wait3A_450 : memref<64x128xf32, #tpu.memory_space<hbm>>)
    %mul3A_451 = arith.constant 640 : i32
    %mul3A_452 = arith.muli %arg1, %mul3A_451 : i32
    %add3A_453 = arith.constant 576 : i32
    %add3A_454 = arith.addi %mul3A_452, %add3A_453 : i32
    %dma_wait3A_455 = arith.constant 0 : i32
    %dma_wait3A_456 = tpu.memref_slice %arg5[%arg0, %add3A_454, %dma_wait3A_455] : memref<2x10240x128xf32, #tpu.memory_space<hbm>> -> memref<1x64x128xf32, #tpu.memory_space<hbm>>
    %dma_wait3A_457 = tpu.memref_squeeze %dma_wait3A_456 : memref<1x64x128xf32, #tpu.memory_space<hbm>> -> memref<64x128xf32, #tpu.memory_space<hbm>>
    %dma_wait3A_458 = arith.constant 0 : i32
    %dma_wait3A_459 = tpu.memref_slice %arg5[%arg0, %add3A_454, %dma_wait3A_458] : memref<2x10240x128xf32, #tpu.memory_space<hbm>> -> memref<1x64x128xf32, #tpu.memory_space<hbm>>
    %dma_wait3A_460 = tpu.memref_squeeze %dma_wait3A_459 : memref<1x64x128xf32, #tpu.memory_space<hbm>> -> memref<64x128xf32, #tpu.memory_space<hbm>>
    tpu.wait_dma2 semaphore(%arg13 : memref<!tpu.dma_semaphore, #tpu.memory_space<semaphore_mem>>) src(%arg10 : memref<64x128xf32, #tpu.memory_space<vmem>>) dst(%dma_wait3A_460 : memref<64x128xf32, #tpu.memory_space<hbm>>)
    return
  }
}

#map = affine_map<(d0, d1) -> (0, 0, 0)>
#map1 = affine_map<(d0, d1) -> (0, 0)>
module attributes {stable_mosaic.version = 14 : i64} {
  func.func @_hist_body(%arg0: i32, %arg1: i32, %arg2: memref<32x162x64xi32, #tpu.memory_space<hbm>>, %arg3: memref<2x10240xf32, #tpu.memory_space<hbm>>, %arg4: memref<10240xf32, #tpu.memory_space<vmem_shared>>, %arg5: memref<162x64xi32, #tpu.memory_space<vmem>>, %arg6: memref<64xf32, #tpu.memory_space<vmem>>, %arg7: memref<640xf32, #tpu.memory_space<vmem>>, %arg8: memref<!tpu.dma_semaphore, #tpu.memory_space<semaphore_mem>>, %arg9: memref<!tpu.dma_semaphore, #tpu.memory_space<semaphore_mem>>, %arg10: memref<!tpu.dma_semaphore, #tpu.memory_space<semaphore_mem>>, %arg11: memref<!tpu.dma_semaphore, #tpu.memory_space<semaphore_mem>>, %arg12: memref<!tpu.dma_semaphore, #tpu.memory_space<semaphore_mem>>, %arg13: memref<!tpu.dma_semaphore, #tpu.memory_space<semaphore_mem>>) attributes {dimension_semantics = [#tpu.dimension_semantics<core_parallel>, #tpu.dimension_semantics<subcore_parallel>], iteration_bounds = array<i64: 2, 16>, scalar_prefetch = 0 : i64, scratch_operands = 10 : i64, tpu.core_type = #tpu.core_type<sc_vector_subcore>, window_params = [{transform_indices = #map}, {transform_indices = #map1}]} {
    %mul3A = arith.constant 16 : i32
    %mul3A_0 = arith.muli %arg0, %mul3A : i32
    %add3A = arith.addi %mul3A_0, %arg1 : i32
    %dma_start3A = arith.constant 0 : i32
    %dma_start3A_1 = arith.constant 0 : i32
    %dma_start3A_2 = tpu.memref_slice %arg2[%add3A, %dma_start3A, %dma_start3A_1] : memref<32x162x64xi32, #tpu.memory_space<hbm>> -> memref<1x162x64xi32, #tpu.memory_space<hbm>>
    %dma_start3A_3 = tpu.memref_squeeze %dma_start3A_2 : memref<1x162x64xi32, #tpu.memory_space<hbm>> -> memref<162x64xi32, #tpu.memory_space<hbm>>
    %dma_start3A_4 = arith.constant 0 : i32
    %dma_start3A_5 = arith.constant 0 : i32
    %dma_start3A_6 = tpu.memref_slice %arg2[%add3A, %dma_start3A_4, %dma_start3A_5] : memref<32x162x64xi32, #tpu.memory_space<hbm>> -> memref<1x162x64xi32, #tpu.memory_space<hbm>>
    %dma_start3A_7 = tpu.memref_squeeze %dma_start3A_6 : memref<1x162x64xi32, #tpu.memory_space<hbm>> -> memref<162x64xi32, #tpu.memory_space<hbm>>
    tpu.enqueue_dma source(%dma_start3A_7 : memref<162x64xi32, #tpu.memory_space<hbm>>) target(%arg5 : memref<162x64xi32, #tpu.memory_space<vmem>>) target_semaphore(%arg8 : memref<!tpu.dma_semaphore, #tpu.memory_space<semaphore_mem>>)
    %broadcast_in_dim3A = arith.constant 0.000000e+00 : f32
    %broadcast_in_dim3A_8 = vector.broadcast %broadcast_in_dim3A : f32 to vector<16xf32>
    %scan3A = arith.constant 0 : i32
    %scan3A_9 = arith.constant 0 : i32
    %scan3A_10 = arith.constant 40 : i32
    %scan3A_11 = arith.addi %scan3A_9, %scan3A_10 : i32
    %scan3A_12 = arith.constant 1 : i32
    %scan3A_13 = scf.for %scan3A_81 = %scan3A_9 to %scan3A_11 step %scan3A_12 iter_args(%scan3A_82 = %scan3A) -> (i32)  : i32 {
      %mul3A_83 = arith.constant 16 : i32
      %mul3A_84 = arith.muli %scan3A_81, %mul3A_83 : i32
      %swap3A = arith.index_cast %mul3A_84 : i32 to index
      %swap3A_85 = tpu.vector_load %arg7[%swap3A] {strides = array<i32>} : memref<640xf32, #tpu.memory_space<vmem>>, vector<16xf32>,
      %swap3A_86 = vector.shape_cast %swap3A_85 : vector<16xf32> to vector<16xf32>
      %swap3A_87 = vector.shape_cast %broadcast_in_dim3A_8 : vector<16xf32> to vector<16xf32>
      tpu.vector_store %arg7[%swap3A], %swap3A_87 {strides = array<i32>} : memref<640xf32, #tpu.memory_space<vmem>>, vector<16xf32>,
      %scan3A_88 = arith.constant 0 : i32
      scf.yield %scan3A_88 : i32
    }
    %scan3A_14 = arith.constant 40 : i32
    %mul3A_15 = arith.constant 640 : i32
    %mul3A_16 = arith.muli %arg1, %mul3A_15 : i32
    "tpu.region"() ({
      %run_scoped3A = tpu.sem_alloc : memref<!tpu.dma_semaphore, #tpu.memory_space<semaphore_mem>>
      %dma_start3A_81 = tpu.memref_slice %arg4[%mul3A_16] : memref<10240xf32, #tpu.memory_space<vmem_shared>> -> memref<640xf32, #tpu.memory_space<vmem_shared>>
      %dma_start3A_82 = tpu.memref_slice %arg4[%mul3A_16] : memref<10240xf32, #tpu.memory_space<vmem_shared>> -> memref<640xf32, #tpu.memory_space<vmem_shared>>
      tpu.enqueue_dma source(%arg7 : memref<640xf32, #tpu.memory_space<vmem>>) target(%dma_start3A_82 : memref<640xf32, #tpu.memory_space<vmem_shared>>) target_semaphore(%run_scoped3A : memref<!tpu.dma_semaphore, #tpu.memory_space<semaphore_mem>>)
      %dma_wait3A_83 = tpu.memref_slice %arg4[%mul3A_16] : memref<10240xf32, #tpu.memory_space<vmem_shared>> -> memref<640xf32, #tpu.memory_space<vmem_shared>>
      %dma_wait3A_84 = tpu.memref_slice %arg4[%mul3A_16] : memref<10240xf32, #tpu.memory_space<vmem_shared>> -> memref<640xf32, #tpu.memory_space<vmem_shared>>
      tpu.wait_dma2 semaphore(%run_scoped3A : memref<!tpu.dma_semaphore, #tpu.memory_space<semaphore_mem>>) src(%arg7 : memref<640xf32, #tpu.memory_space<vmem>>) dst(%dma_wait3A_84 : memref<640xf32, #tpu.memory_space<vmem_shared>>)
      tpu.yield
    }) : () -> ()
    %broadcast_in_dim3A_17 = arith.constant 1.000000e+00 : f32
    %broadcast_in_dim3A_18 = vector.broadcast %broadcast_in_dim3A_17 : f32 to vector<16xf32>
    %scan3A_19 = arith.constant 0 : i32
    %scan3A_20 = arith.constant 0 : i32
    %scan3A_21 = arith.constant 4 : i32
    %scan3A_22 = arith.addi %scan3A_20, %scan3A_21 : i32
    %scan3A_23 = arith.constant 1 : i32
    %scan3A_24 = scf.for %scan3A_81 = %scan3A_20 to %scan3A_22 step %scan3A_23 iter_args(%scan3A_82 = %scan3A_19) -> (i32)  : i32 {
      %mul3A_83 = arith.constant 16 : i32
      %mul3A_84 = arith.muli %scan3A_81, %mul3A_83 : i32
      %swap3A = arith.index_cast %mul3A_84 : i32 to index
      %swap3A_85 = tpu.vector_load %arg6[%swap3A] {strides = array<i32>} : memref<64xf32, #tpu.memory_space<vmem>>, vector<16xf32>,
      %swap3A_86 = vector.shape_cast %swap3A_85 : vector<16xf32> to vector<16xf32>
      %swap3A_87 = vector.shape_cast %broadcast_in_dim3A_18 : vector<16xf32> to vector<16xf32>
      tpu.vector_store %arg6[%swap3A], %swap3A_87 {strides = array<i32>} : memref<64xf32, #tpu.memory_space<vmem>>, vector<16xf32>,
      %scan3A_88 = arith.constant 0 : i32
      scf.yield %scan3A_88 : i32
    }
    %scan3A_25 = arith.constant 4 : i32
    %dma_wait3A = arith.constant 0 : i32
    %dma_wait3A_26 = arith.constant 0 : i32
    %dma_wait3A_27 = tpu.memref_slice %arg2[%add3A, %dma_wait3A, %dma_wait3A_26] : memref<32x162x64xi32, #tpu.memory_space<hbm>> -> memref<1x162x64xi32, #tpu.memory_space<hbm>>
    %dma_wait3A_28 = tpu.memref_squeeze %dma_wait3A_27 : memref<1x162x64xi32, #tpu.memory_space<hbm>> -> memref<162x64xi32, #tpu.memory_space<hbm>>
    %dma_wait3A_29 = arith.constant 0 : i32
    %dma_wait3A_30 = arith.constant 0 : i32
    %dma_wait3A_31 = tpu.memref_slice %arg2[%add3A, %dma_wait3A_29, %dma_wait3A_30] : memref<32x162x64xi32, #tpu.memory_space<hbm>> -> memref<1x162x64xi32, #tpu.memory_space<hbm>>
    %dma_wait3A_32 = tpu.memref_squeeze %dma_wait3A_31 : memref<1x162x64xi32, #tpu.memory_space<hbm>> -> memref<162x64xi32, #tpu.memory_space<hbm>>
    tpu.wait_dma2 semaphore(%arg8 : memref<!tpu.dma_semaphore, #tpu.memory_space<semaphore_mem>>) src(%dma_wait3A_32 : memref<162x64xi32, #tpu.memory_space<hbm>>) dst(%arg5 : memref<162x64xi32, #tpu.memory_space<vmem>>)
    %barrier3A = arith.constant 0 : index
    tpu.barrier barrier_id(%barrier3A)
    %scan3A_33 = arith.constant 0 : i32
    %scan3A_34 = arith.constant 0 : i32
    %scan3A_35 = arith.constant 27 : i32
    %scan3A_36 = arith.addi %scan3A_34, %scan3A_35 : i32
    %scan3A_37 = arith.constant 1 : i32
    %scan3A_38 = scf.for %scan3A_81 = %scan3A_34 to %scan3A_36 step %scan3A_37 iter_args(%scan3A_82 = %scan3A_33) -> (i32)  : i32 {
      %mul3A_83 = arith.constant 6 : i32
      %mul3A_84 = arith.muli %scan3A_81, %mul3A_83 : i32
      %add3A_85 = arith.constant 0 : i32
      %add3A_86 = arith.addi %mul3A_84, %add3A_85 : i32
      %gt3A = arith.constant 0 : i32
      %gt3A_87 = arith.cmpi sgt, %scan3A_81, %gt3A : i32
      %convert_element_type3A = arith.extui %gt3A_87 : i1 to i32
      %cond3A = arith.constant 0 : i32
      %cond3A_88 = arith.cmpi ne, %convert_element_type3A, %cond3A : i32
      scf.if %cond3A_88 {
        %dma_wait3A_165 = arith.constant 0 : i32
        %dma_wait3A_166 = tpu.memref_slice %arg5[%add3A_86, %dma_wait3A_165] : memref<162x64xi32, #tpu.memory_space<vmem>> -> memref<1x64xi32, #tpu.memory_space<vmem>>
        %dma_wait3A_167 = tpu.memref_squeeze %dma_wait3A_166 : memref<1x64xi32, #tpu.memory_space<vmem>> -> memref<64xi32, #tpu.memory_space<vmem>>
        %dma_wait3A_168 = arith.constant 0 : i32
        %dma_wait3A_169 = tpu.memref_slice %arg4[%dma_wait3A_168] : memref<10240xf32, #tpu.memory_space<vmem_shared>> -> memref<10240xf32, #tpu.memory_space<vmem_shared>>
        tpu.wait_indirect_dma semaphore(%arg8 : memref<!tpu.dma_semaphore, #tpu.memory_space<semaphore_mem>>) src(%arg6 : memref<64xf32, #tpu.memory_space<vmem>>) dst(%dma_wait3A_169 : memref<10240xf32, #tpu.memory_space<vmem_shared>>)
      } else {
      }
      %dma_start3A_89 = arith.constant 0 : i32
      %dma_start3A_90 = tpu.memref_slice %arg5[%add3A_86, %dma_start3A_89] : memref<162x64xi32, #tpu.memory_space<vmem>> -> memref<1x64xi32, #tpu.memory_space<vmem>>
      %dma_start3A_91 = tpu.memref_squeeze %dma_start3A_90 : memref<1x64xi32, #tpu.memory_space<vmem>> -> memref<64xi32, #tpu.memory_space<vmem>>
      %dma_start3A_92 = arith.constant 0 : i32
      %dma_start3A_93 = tpu.memref_slice %arg4[%dma_start3A_92] : memref<10240xf32, #tpu.memory_space<vmem_shared>> -> memref<10240xf32, #tpu.memory_space<vmem_shared>>
      tpu.enqueue_indirect_dma source(%arg6 : memref<64xf32, #tpu.memory_space<vmem>>) target(%dma_start3A_93 : memref<10240xf32, #tpu.memory_space<vmem_shared>>) offsets(%dma_start3A_91 : memref<64xi32, #tpu.memory_space<vmem>>) semaphore(%arg8 : memref<!tpu.dma_semaphore, #tpu.memory_space<semaphore_mem>>) {add = true}
      %mul3A_94 = arith.constant 6 : i32
      %mul3A_95 = arith.muli %scan3A_81, %mul3A_94 : i32
      %add3A_96 = arith.constant 1 : i32
      %add3A_97 = arith.addi %mul3A_95, %add3A_96 : i32
      %gt3A_98 = arith.constant 0 : i32
      %gt3A_99 = arith.cmpi sgt, %scan3A_81, %gt3A_98 : i32
      %convert_element_type3A_100 = arith.extui %gt3A_99 : i1 to i32
      %cond3A_101 = arith.constant 0 : i32
      %cond3A_102 = arith.cmpi ne, %convert_element_type3A_100, %cond3A_101 : i32
      scf.if %cond3A_102 {
        %dma_wait3A_165 = arith.constant 0 : i32
        %dma_wait3A_166 = tpu.memref_slice %arg5[%add3A_97, %dma_wait3A_165] : memref<162x64xi32, #tpu.memory_space<vmem>> -> memref<1x64xi32, #tpu.memory_space<vmem>>
        %dma_wait3A_167 = tpu.memref_squeeze %dma_wait3A_166 : memref<1x64xi32, #tpu.memory_space<vmem>> -> memref<64xi32, #tpu.memory_space<vmem>>
        %dma_wait3A_168 = arith.constant 0 : i32
        %dma_wait3A_169 = tpu.memref_slice %arg4[%dma_wait3A_168] : memref<10240xf32, #tpu.memory_space<vmem_shared>> -> memref<10240xf32, #tpu.memory_space<vmem_shared>>
        tpu.wait_indirect_dma semaphore(%arg9 : memref<!tpu.dma_semaphore, #tpu.memory_space<semaphore_mem>>) src(%arg6 : memref<64xf32, #tpu.memory_space<vmem>>) dst(%dma_wait3A_169 : memref<10240xf32, #tpu.memory_space<vmem_shared>>)
      } else {
      }
      %dma_start3A_103 = arith.constant 0 : i32
      %dma_start3A_104 = tpu.memref_slice %arg5[%add3A_97, %dma_start3A_103] : memref<162x64xi32, #tpu.memory_space<vmem>> -> memref<1x64xi32, #tpu.memory_space<vmem>>
      %dma_start3A_105 = tpu.memref_squeeze %dma_start3A_104 : memref<1x64xi32, #tpu.memory_space<vmem>> -> memref<64xi32, #tpu.memory_space<vmem>>
      %dma_start3A_106 = arith.constant 0 : i32
      %dma_start3A_107 = tpu.memref_slice %arg4[%dma_start3A_106] : memref<10240xf32, #tpu.memory_space<vmem_shared>> -> memref<10240xf32, #tpu.memory_space<vmem_shared>>
      tpu.enqueue_indirect_dma source(%arg6 : memref<64xf32, #tpu.memory_space<vmem>>) target(%dma_start3A_107 : memref<10240xf32, #tpu.memory_space<vmem_shared>>) offsets(%dma_start3A_105 : memref<64xi32, #tpu.memory_space<vmem>>) semaphore(%arg9 : memref<!tpu.dma_semaphore, #tpu.memory_space<semaphore_mem>>) {add = true}
      %mul3A_108 = arith.constant 6 : i32
      %mul3A_109 = arith.muli %scan3A_81, %mul3A_108 : i32
      %add3A_110 = arith.constant 2 : i32
      %add3A_111 = arith.addi %mul3A_109, %add3A_110 : i32
      %gt3A_112 = arith.constant 0 : i32
      %gt3A_113 = arith.cmpi sgt, %scan3A_81, %gt3A_112 : i32
      %convert_element_type3A_114 = arith.extui %gt3A_113 : i1 to i32
      %cond3A_115 = arith.constant 0 : i32
      %cond3A_116 = arith.cmpi ne, %convert_element_type3A_114, %cond3A_115 : i32
      scf.if %cond3A_116 {
        %dma_wait3A_165 = arith.constant 0 : i32
        %dma_wait3A_166 = tpu.memref_slice %arg5[%add3A_111, %dma_wait3A_165] : memref<162x64xi32, #tpu.memory_space<vmem>> -> memref<1x64xi32, #tpu.memory_space<vmem>>
        %dma_wait3A_167 = tpu.memref_squeeze %dma_wait3A_166 : memref<1x64xi32, #tpu.memory_space<vmem>> -> memref<64xi32, #tpu.memory_space<vmem>>
        %dma_wait3A_168 = arith.constant 0 : i32
        %dma_wait3A_169 = tpu.memref_slice %arg4[%dma_wait3A_168] : memref<10240xf32, #tpu.memory_space<vmem_shared>> -> memref<10240xf32, #tpu.memory_space<vmem_shared>>
        tpu.wait_indirect_dma semaphore(%arg10 : memref<!tpu.dma_semaphore, #tpu.memory_space<semaphore_mem>>) src(%arg6 : memref<64xf32, #tpu.memory_space<vmem>>) dst(%dma_wait3A_169 : memref<10240xf32, #tpu.memory_space<vmem_shared>>)
      } else {
      }
      %dma_start3A_117 = arith.constant 0 : i32
      %dma_start3A_118 = tpu.memref_slice %arg5[%add3A_111, %dma_start3A_117] : memref<162x64xi32, #tpu.memory_space<vmem>> -> memref<1x64xi32, #tpu.memory_space<vmem>>
      %dma_start3A_119 = tpu.memref_squeeze %dma_start3A_118 : memref<1x64xi32, #tpu.memory_space<vmem>> -> memref<64xi32, #tpu.memory_space<vmem>>
      %dma_start3A_120 = arith.constant 0 : i32
      %dma_start3A_121 = tpu.memref_slice %arg4[%dma_start3A_120] : memref<10240xf32, #tpu.memory_space<vmem_shared>> -> memref<10240xf32, #tpu.memory_space<vmem_shared>>
      tpu.enqueue_indirect_dma source(%arg6 : memref<64xf32, #tpu.memory_space<vmem>>) target(%dma_start3A_121 : memref<10240xf32, #tpu.memory_space<vmem_shared>>) offsets(%dma_start3A_119 : memref<64xi32, #tpu.memory_space<vmem>>) semaphore(%arg10 : memref<!tpu.dma_semaphore, #tpu.memory_space<semaphore_mem>>) {add = true}
      %mul3A_122 = arith.constant 6 : i32
      %mul3A_123 = arith.muli %scan3A_81, %mul3A_122 : i32
      %add3A_124 = arith.constant 3 : i32
      %add3A_125 = arith.addi %mul3A_123, %add3A_124 : i32
      %gt3A_126 = arith.constant 0 : i32
      %gt3A_127 = arith.cmpi sgt, %scan3A_81, %gt3A_126 : i32
      %convert_element_type3A_128 = arith.extui %gt3A_127 : i1 to i32
      %cond3A_129 = arith.constant 0 : i32
      %cond3A_130 = arith.cmpi ne, %convert_element_type3A_128, %cond3A_129 : i32
      scf.if %cond3A_130 {
        %dma_wait3A_165 = arith.constant 0 : i32
        %dma_wait3A_166 = tpu.memref_slice %arg5[%add3A_125, %dma_wait3A_165] : memref<162x64xi32, #tpu.memory_space<vmem>> -> memref<1x64xi32, #tpu.memory_space<vmem>>
        %dma_wait3A_167 = tpu.memref_squeeze %dma_wait3A_166 : memref<1x64xi32, #tpu.memory_space<vmem>> -> memref<64xi32, #tpu.memory_space<vmem>>
        %dma_wait3A_168 = arith.constant 0 : i32
        %dma_wait3A_169 = tpu.memref_slice %arg4[%dma_wait3A_168] : memref<10240xf32, #tpu.memory_space<vmem_shared>> -> memref<10240xf32, #tpu.memory_space<vmem_shared>>
        tpu.wait_indirect_dma semaphore(%arg11 : memref<!tpu.dma_semaphore, #tpu.memory_space<semaphore_mem>>) src(%arg6 : memref<64xf32, #tpu.memory_space<vmem>>) dst(%dma_wait3A_169 : memref<10240xf32, #tpu.memory_space<vmem_shared>>)
      } else {
      }
      %dma_start3A_131 = arith.constant 0 : i32
      %dma_start3A_132 = tpu.memref_slice %arg5[%add3A_125, %dma_start3A_131] : memref<162x64xi32, #tpu.memory_space<vmem>> -> memref<1x64xi32, #tpu.memory_space<vmem>>
      %dma_start3A_133 = tpu.memref_squeeze %dma_start3A_132 : memref<1x64xi32, #tpu.memory_space<vmem>> -> memref<64xi32, #tpu.memory_space<vmem>>
      %dma_start3A_134 = arith.constant 0 : i32
      %dma_start3A_135 = tpu.memref_slice %arg4[%dma_start3A_134] : memref<10240xf32, #tpu.memory_space<vmem_shared>> -> memref<10240xf32, #tpu.memory_space<vmem_shared>>
      tpu.enqueue_indirect_dma source(%arg6 : memref<64xf32, #tpu.memory_space<vmem>>) target(%dma_start3A_135 : memref<10240xf32, #tpu.memory_space<vmem_shared>>) offsets(%dma_start3A_133 : memref<64xi32, #tpu.memory_space<vmem>>) semaphore(%arg11 : memref<!tpu.dma_semaphore, #tpu.memory_space<semaphore_mem>>) {add = true}
      %mul3A_136 = arith.constant 6 : i32
      %mul3A_137 = arith.muli %scan3A_81, %mul3A_136 : i32
      %add3A_138 = arith.constant 4 : i32
      %add3A_139 = arith.addi %mul3A_137, %add3A_138 : i32
      %gt3A_140 = arith.constant 0 : i32
      %gt3A_141 = arith.cmpi sgt, %scan3A_81, %gt3A_140 : i32
      %convert_element_type3A_142 = arith.extui %gt3A_141 : i1 to i32
      %cond3A_143 = arith.constant 0 : i32
      %cond3A_144 = arith.cmpi ne, %convert_element_type3A_142, %cond3A_143 : i32
      scf.if %cond3A_144 {
        %dma_wait3A_165 = arith.constant 0 : i32
        %dma_wait3A_166 = tpu.memref_slice %arg5[%add3A_139, %dma_wait3A_165] : memref<162x64xi32, #tpu.memory_space<vmem>> -> memref<1x64xi32, #tpu.memory_space<vmem>>
        %dma_wait3A_167 = tpu.memref_squeeze %dma_wait3A_166 : memref<1x64xi32, #tpu.memory_space<vmem>> -> memref<64xi32, #tpu.memory_space<vmem>>
        %dma_wait3A_168 = arith.constant 0 : i32
        %dma_wait3A_169 = tpu.memref_slice %arg4[%dma_wait3A_168] : memref<10240xf32, #tpu.memory_space<vmem_shared>> -> memref<10240xf32, #tpu.memory_space<vmem_shared>>
        tpu.wait_indirect_dma semaphore(%arg12 : memref<!tpu.dma_semaphore, #tpu.memory_space<semaphore_mem>>) src(%arg6 : memref<64xf32, #tpu.memory_space<vmem>>) dst(%dma_wait3A_169 : memref<10240xf32, #tpu.memory_space<vmem_shared>>)
      } else {
      }
      %dma_start3A_145 = arith.constant 0 : i32
      %dma_start3A_146 = tpu.memref_slice %arg5[%add3A_139, %dma_start3A_145] : memref<162x64xi32, #tpu.memory_space<vmem>> -> memref<1x64xi32, #tpu.memory_space<vmem>>
      %dma_start3A_147 = tpu.memref_squeeze %dma_start3A_146 : memref<1x64xi32, #tpu.memory_space<vmem>> -> memref<64xi32, #tpu.memory_space<vmem>>
      %dma_start3A_148 = arith.constant 0 : i32
      %dma_start3A_149 = tpu.memref_slice %arg4[%dma_start3A_148] : memref<10240xf32, #tpu.memory_space<vmem_shared>> -> memref<10240xf32, #tpu.memory_space<vmem_shared>>
      tpu.enqueue_indirect_dma source(%arg6 : memref<64xf32, #tpu.memory_space<vmem>>) target(%dma_start3A_149 : memref<10240xf32, #tpu.memory_space<vmem_shared>>) offsets(%dma_start3A_147 : memref<64xi32, #tpu.memory_space<vmem>>) semaphore(%arg12 : memref<!tpu.dma_semaphore, #tpu.memory_space<semaphore_mem>>) {add = true}
      %mul3A_150 = arith.constant 6 : i32
      %mul3A_151 = arith.muli %scan3A_81, %mul3A_150 : i32
      %add3A_152 = arith.constant 5 : i32
      %add3A_153 = arith.addi %mul3A_151, %add3A_152 : i32
      %gt3A_154 = arith.constant 0 : i32
      %gt3A_155 = arith.cmpi sgt, %scan3A_81, %gt3A_154 : i32
      %convert_element_type3A_156 = arith.extui %gt3A_155 : i1 to i32
      %cond3A_157 = arith.constant 0 : i32
      %cond3A_158 = arith.cmpi ne, %convert_element_type3A_156, %cond3A_157 : i32
      scf.if %cond3A_158 {
        %dma_wait3A_165 = arith.constant 0 : i32
        %dma_wait3A_166 = tpu.memref_slice %arg5[%add3A_153, %dma_wait3A_165] : memref<162x64xi32, #tpu.memory_space<vmem>> -> memref<1x64xi32, #tpu.memory_space<vmem>>
        %dma_wait3A_167 = tpu.memref_squeeze %dma_wait3A_166 : memref<1x64xi32, #tpu.memory_space<vmem>> -> memref<64xi32, #tpu.memory_space<vmem>>
        %dma_wait3A_168 = arith.constant 0 : i32
        %dma_wait3A_169 = tpu.memref_slice %arg4[%dma_wait3A_168] : memref<10240xf32, #tpu.memory_space<vmem_shared>> -> memref<10240xf32, #tpu.memory_space<vmem_shared>>
        tpu.wait_indirect_dma semaphore(%arg13 : memref<!tpu.dma_semaphore, #tpu.memory_space<semaphore_mem>>) src(%arg6 : memref<64xf32, #tpu.memory_space<vmem>>) dst(%dma_wait3A_169 : memref<10240xf32, #tpu.memory_space<vmem_shared>>)
      } else {
      }
      %dma_start3A_159 = arith.constant 0 : i32
      %dma_start3A_160 = tpu.memref_slice %arg5[%add3A_153, %dma_start3A_159] : memref<162x64xi32, #tpu.memory_space<vmem>> -> memref<1x64xi32, #tpu.memory_space<vmem>>
      %dma_start3A_161 = tpu.memref_squeeze %dma_start3A_160 : memref<1x64xi32, #tpu.memory_space<vmem>> -> memref<64xi32, #tpu.memory_space<vmem>>
      %dma_start3A_162 = arith.constant 0 : i32
      %dma_start3A_163 = tpu.memref_slice %arg4[%dma_start3A_162] : memref<10240xf32, #tpu.memory_space<vmem_shared>> -> memref<10240xf32, #tpu.memory_space<vmem_shared>>
      tpu.enqueue_indirect_dma source(%arg6 : memref<64xf32, #tpu.memory_space<vmem>>) target(%dma_start3A_163 : memref<10240xf32, #tpu.memory_space<vmem_shared>>) offsets(%dma_start3A_161 : memref<64xi32, #tpu.memory_space<vmem>>) semaphore(%arg13 : memref<!tpu.dma_semaphore, #tpu.memory_space<semaphore_mem>>) {add = true}
      %scan3A_164 = arith.constant 0 : i32
      scf.yield %scan3A_164 : i32
    }
    %scan3A_39 = arith.constant 27 : i32
    %dma_wait3A_40 = arith.constant 0 : i32
    %dma_wait3A_41 = arith.constant 0 : i32
    %dma_wait3A_42 = tpu.memref_slice %arg5[%dma_wait3A_40, %dma_wait3A_41] : memref<162x64xi32, #tpu.memory_space<vmem>> -> memref<1x64xi32, #tpu.memory_space<vmem>>
    %dma_wait3A_43 = tpu.memref_squeeze %dma_wait3A_42 : memref<1x64xi32, #tpu.memory_space<vmem>> -> memref<64xi32, #tpu.memory_space<vmem>>
    %dma_wait3A_44 = arith.constant 0 : i32
    %dma_wait3A_45 = tpu.memref_slice %arg4[%dma_wait3A_44] : memref<10240xf32, #tpu.memory_space<vmem_shared>> -> memref<10240xf32, #tpu.memory_space<vmem_shared>>
    tpu.wait_indirect_dma semaphore(%arg8 : memref<!tpu.dma_semaphore, #tpu.memory_space<semaphore_mem>>) src(%arg6 : memref<64xf32, #tpu.memory_space<vmem>>) dst(%dma_wait3A_45 : memref<10240xf32, #tpu.memory_space<vmem_shared>>)
    %dma_wait3A_46 = arith.constant 0 : i32
    %dma_wait3A_47 = arith.constant 0 : i32
    %dma_wait3A_48 = tpu.memref_slice %arg5[%dma_wait3A_46, %dma_wait3A_47] : memref<162x64xi32, #tpu.memory_space<vmem>> -> memref<1x64xi32, #tpu.memory_space<vmem>>
    %dma_wait3A_49 = tpu.memref_squeeze %dma_wait3A_48 : memref<1x64xi32, #tpu.memory_space<vmem>> -> memref<64xi32, #tpu.memory_space<vmem>>
    %dma_wait3A_50 = arith.constant 0 : i32
    %dma_wait3A_51 = tpu.memref_slice %arg4[%dma_wait3A_50] : memref<10240xf32, #tpu.memory_space<vmem_shared>> -> memref<10240xf32, #tpu.memory_space<vmem_shared>>
    tpu.wait_indirect_dma semaphore(%arg9 : memref<!tpu.dma_semaphore, #tpu.memory_space<semaphore_mem>>) src(%arg6 : memref<64xf32, #tpu.memory_space<vmem>>) dst(%dma_wait3A_51 : memref<10240xf32, #tpu.memory_space<vmem_shared>>)
    %dma_wait3A_52 = arith.constant 0 : i32
    %dma_wait3A_53 = arith.constant 0 : i32
    %dma_wait3A_54 = tpu.memref_slice %arg5[%dma_wait3A_52, %dma_wait3A_53] : memref<162x64xi32, #tpu.memory_space<vmem>> -> memref<1x64xi32, #tpu.memory_space<vmem>>
    %dma_wait3A_55 = tpu.memref_squeeze %dma_wait3A_54 : memref<1x64xi32, #tpu.memory_space<vmem>> -> memref<64xi32, #tpu.memory_space<vmem>>
    %dma_wait3A_56 = arith.constant 0 : i32
    %dma_wait3A_57 = tpu.memref_slice %arg4[%dma_wait3A_56] : memref<10240xf32, #tpu.memory_space<vmem_shared>> -> memref<10240xf32, #tpu.memory_space<vmem_shared>>
    tpu.wait_indirect_dma semaphore(%arg10 : memref<!tpu.dma_semaphore, #tpu.memory_space<semaphore_mem>>) src(%arg6 : memref<64xf32, #tpu.memory_space<vmem>>) dst(%dma_wait3A_57 : memref<10240xf32, #tpu.memory_space<vmem_shared>>)
    %dma_wait3A_58 = arith.constant 0 : i32
    %dma_wait3A_59 = arith.constant 0 : i32
    %dma_wait3A_60 = tpu.memref_slice %arg5[%dma_wait3A_58, %dma_wait3A_59] : memref<162x64xi32, #tpu.memory_space<vmem>> -> memref<1x64xi32, #tpu.memory_space<vmem>>
    %dma_wait3A_61 = tpu.memref_squeeze %dma_wait3A_60 : memref<1x64xi32, #tpu.memory_space<vmem>> -> memref<64xi32, #tpu.memory_space<vmem>>
    %dma_wait3A_62 = arith.constant 0 : i32
    %dma_wait3A_63 = tpu.memref_slice %arg4[%dma_wait3A_62] : memref<10240xf32, #tpu.memory_space<vmem_shared>> -> memref<10240xf32, #tpu.memory_space<vmem_shared>>
    tpu.wait_indirect_dma semaphore(%arg11 : memref<!tpu.dma_semaphore, #tpu.memory_space<semaphore_mem>>) src(%arg6 : memref<64xf32, #tpu.memory_space<vmem>>) dst(%dma_wait3A_63 : memref<10240xf32, #tpu.memory_space<vmem_shared>>)
    %dma_wait3A_64 = arith.constant 0 : i32
    %dma_wait3A_65 = arith.constant 0 : i32
    %dma_wait3A_66 = tpu.memref_slice %arg5[%dma_wait3A_64, %dma_wait3A_65] : memref<162x64xi32, #tpu.memory_space<vmem>> -> memref<1x64xi32, #tpu.memory_space<vmem>>
    %dma_wait3A_67 = tpu.memref_squeeze %dma_wait3A_66 : memref<1x64xi32, #tpu.memory_space<vmem>> -> memref<64xi32, #tpu.memory_space<vmem>>
    %dma_wait3A_68 = arith.constant 0 : i32
    %dma_wait3A_69 = tpu.memref_slice %arg4[%dma_wait3A_68] : memref<10240xf32, #tpu.memory_space<vmem_shared>> -> memref<10240xf32, #tpu.memory_space<vmem_shared>>
    tpu.wait_indirect_dma semaphore(%arg12 : memref<!tpu.dma_semaphore, #tpu.memory_space<semaphore_mem>>) src(%arg6 : memref<64xf32, #tpu.memory_space<vmem>>) dst(%dma_wait3A_69 : memref<10240xf32, #tpu.memory_space<vmem_shared>>)
    %dma_wait3A_70 = arith.constant 0 : i32
    %dma_wait3A_71 = arith.constant 0 : i32
    %dma_wait3A_72 = tpu.memref_slice %arg5[%dma_wait3A_70, %dma_wait3A_71] : memref<162x64xi32, #tpu.memory_space<vmem>> -> memref<1x64xi32, #tpu.memory_space<vmem>>
    %dma_wait3A_73 = tpu.memref_squeeze %dma_wait3A_72 : memref<1x64xi32, #tpu.memory_space<vmem>> -> memref<64xi32, #tpu.memory_space<vmem>>
    %dma_wait3A_74 = arith.constant 0 : i32
    %dma_wait3A_75 = tpu.memref_slice %arg4[%dma_wait3A_74] : memref<10240xf32, #tpu.memory_space<vmem_shared>> -> memref<10240xf32, #tpu.memory_space<vmem_shared>>
    tpu.wait_indirect_dma semaphore(%arg13 : memref<!tpu.dma_semaphore, #tpu.memory_space<semaphore_mem>>) src(%arg6 : memref<64xf32, #tpu.memory_space<vmem>>) dst(%dma_wait3A_75 : memref<10240xf32, #tpu.memory_space<vmem_shared>>)
    %barrier3A_76 = arith.constant 0 : index
    tpu.barrier barrier_id(%barrier3A_76)
    %mul3A_77 = arith.constant 640 : i32
    %mul3A_78 = arith.muli %arg1, %mul3A_77 : i32
    "tpu.region"() ({
      %run_scoped3A = tpu.sem_alloc : memref<!tpu.dma_semaphore, #tpu.memory_space<semaphore_mem>>
      %dma_start3A_81 = tpu.memref_slice %arg4[%mul3A_78] : memref<10240xf32, #tpu.memory_space<vmem_shared>> -> memref<640xf32, #tpu.memory_space<vmem_shared>>
      %dma_start3A_82 = tpu.memref_slice %arg4[%mul3A_78] : memref<10240xf32, #tpu.memory_space<vmem_shared>> -> memref<640xf32, #tpu.memory_space<vmem_shared>>
      tpu.enqueue_dma source(%dma_start3A_82 : memref<640xf32, #tpu.memory_space<vmem_shared>>) target(%arg7 : memref<640xf32, #tpu.memory_space<vmem>>) target_semaphore(%run_scoped3A : memref<!tpu.dma_semaphore, #tpu.memory_space<semaphore_mem>>)
      %dma_wait3A_83 = tpu.memref_slice %arg4[%mul3A_78] : memref<10240xf32, #tpu.memory_space<vmem_shared>> -> memref<640xf32, #tpu.memory_space<vmem_shared>>
      %dma_wait3A_84 = tpu.memref_slice %arg4[%mul3A_78] : memref<10240xf32, #tpu.memory_space<vmem_shared>> -> memref<640xf32, #tpu.memory_space<vmem_shared>>
      tpu.wait_dma2 semaphore(%run_scoped3A : memref<!tpu.dma_semaphore, #tpu.memory_space<semaphore_mem>>) src(%dma_wait3A_84 : memref<640xf32, #tpu.memory_space<vmem_shared>>) dst(%arg7 : memref<640xf32, #tpu.memory_space<vmem>>)
      tpu.yield
    }) : () -> ()
    %mul3A_79 = arith.constant 640 : i32
    %mul3A_80 = arith.muli %arg1, %mul3A_79 : i32
    "tpu.region"() ({
      %run_scoped3A = tpu.sem_alloc : memref<!tpu.dma_semaphore, #tpu.memory_space<semaphore_mem>>
      %dma_start3A_81 = tpu.memref_slice %arg3[%arg0, %mul3A_80] : memref<2x10240xf32, #tpu.memory_space<hbm>> -> memref<1x640xf32, #tpu.memory_space<hbm>>
      %dma_start3A_82 = tpu.memref_squeeze %dma_start3A_81 : memref<1x640xf32, #tpu.memory_space<hbm>> -> memref<640xf32, #tpu.memory_space<hbm>>
      %dma_start3A_83 = tpu.memref_slice %arg3[%arg0, %mul3A_80] : memref<2x10240xf32, #tpu.memory_space<hbm>> -> memref<1x640xf32, #tpu.memory_space<hbm>>
      %dma_start3A_84 = tpu.memref_squeeze %dma_start3A_83 : memref<1x640xf32, #tpu.memory_space<hbm>> -> memref<640xf32, #tpu.memory_space<hbm>>
      tpu.enqueue_dma source(%arg7 : memref<640xf32, #tpu.memory_space<vmem>>) target(%dma_start3A_84 : memref<640xf32, #tpu.memory_space<hbm>>) target_semaphore(%run_scoped3A : memref<!tpu.dma_semaphore, #tpu.memory_space<semaphore_mem>>)
      %dma_wait3A_85 = tpu.memref_slice %arg3[%arg0, %mul3A_80] : memref<2x10240xf32, #tpu.memory_space<hbm>> -> memref<1x640xf32, #tpu.memory_space<hbm>>
      %dma_wait3A_86 = tpu.memref_squeeze %dma_wait3A_85 : memref<1x640xf32, #tpu.memory_space<hbm>> -> memref<640xf32, #tpu.memory_space<hbm>>
      %dma_wait3A_87 = tpu.memref_slice %arg3[%arg0, %mul3A_80] : memref<2x10240xf32, #tpu.memory_space<hbm>> -> memref<1x640xf32, #tpu.memory_space<hbm>>
      %dma_wait3A_88 = tpu.memref_squeeze %dma_wait3A_87 : memref<1x640xf32, #tpu.memory_space<hbm>> -> memref<640xf32, #tpu.memory_space<hbm>>
      tpu.wait_dma2 semaphore(%run_scoped3A : memref<!tpu.dma_semaphore, #tpu.memory_space<semaphore_mem>>) src(%arg7 : memref<640xf32, #tpu.memory_space<vmem>>) dst(%dma_wait3A_88 : memref<640xf32, #tpu.memory_space<hbm>>)
      tpu.yield
    }) : () -> ()
    return
  }
}

module attributes {stable_mosaic.version = 14 : i64} {
  func.func @_ln_mm_body(%arg0: i32, %arg1: memref<5120x128xf32, #tpu.memory_space<vmem>>, %arg2: memref<1x128xf32, #tpu.memory_space<vmem>>, %arg3: memref<1x128xf32, #tpu.memory_space<vmem>>, %arg4: memref<128x128xf32, #tpu.memory_space<vmem>>, %arg5: memref<2x40x128xf32, #tpu.memory_space<vmem>>, %arg6: memref<5120x128xf32, #tpu.memory_space<vmem>>) attributes {dimension_semantics = [#tpu.dimension_semantics<arbitrary>], iteration_bounds = array<i64: 2>, scalar_prefetch = 0 : i64, scratch_operands = 0 : i64, tpu.core_type = #tpu.core_type<tc>, window_params = [{transform_indices = @transform_0, window_bounds = array<i64: 5120, 128>}, {pipeline_mode = #tpu.pipeline_mode<synchronous>, transform_indices = @transform_1, window_bounds = array<i64: 1, 128>}, {pipeline_mode = #tpu.pipeline_mode<synchronous>, transform_indices = @transform_2, window_bounds = array<i64: 1, 128>}, {pipeline_mode = #tpu.pipeline_mode<synchronous>, transform_indices = @transform_3, window_bounds = array<i64: 128, 128>}, {transform_indices = @transform_4, window_bounds = array<i64: 2, 40, 128>}, {transform_indices = @transform_5, window_bounds = array<i64: 5120, 128>}]} {
    %get3A = arith.constant 0 : index
    %get3A_0 = arith.constant 0 : index
    %get3A_1 = vector.load %arg1[%get3A, %get3A_0] : memref<5120x128xf32, #tpu.memory_space<vmem>>, vector<5120x128xf32>
    %reduce_sum3A = arith.constant dense<0.000000e+00> : vector<5120xf32>
    %reduce_sum3A_2 = vector.multi_reduction <add>, %get3A_1, %reduce_sum3A [1] : vector<5120x128xf32> to vector<5120xf32>
    %broadcast_in_dim3A = vector.shape_cast %reduce_sum3A_2 : vector<5120xf32> to vector<5120x1xf32>
    %div3A = arith.constant 1.280000e+02 : f32
    %div3A_3 = vector.broadcast %div3A : f32 to vector<5120x1xf32>
    %div3A_4 = arith.divf %broadcast_in_dim3A, %div3A_3 : vector<5120x1xf32>
    %sub3A = vector.broadcast %div3A_4 : vector<5120x1xf32> to vector<5120x128xf32>
    %sub3A_5 = arith.subf %get3A_1, %sub3A : vector<5120x128xf32>
    %mul3A = arith.mulf %sub3A_5, %sub3A_5 : vector<5120x128xf32>
    %reduce_sum3A_6 = arith.constant dense<0.000000e+00> : vector<5120xf32>
    %reduce_sum3A_7 = vector.multi_reduction <add>, %mul3A, %reduce_sum3A_6 [1] : vector<5120x128xf32> to vector<5120xf32>
    %broadcast_in_dim3A_8 = vector.shape_cast %reduce_sum3A_7 : vector<5120xf32> to vector<5120x1xf32>
    %div3A_9 = arith.constant 1.280000e+02 : f32
    %div3A_10 = vector.broadcast %div3A_9 : f32 to vector<5120x1xf32>
    %div3A_11 = arith.divf %broadcast_in_dim3A_8, %div3A_10 : vector<5120x1xf32>
    %add3A = arith.constant 9.99999974E-6 : f32
    %add3A_12 = vector.broadcast %add3A : f32 to vector<5120x1xf32>
    %add3A_13 = arith.addf %div3A_11, %add3A_12 : vector<5120x1xf32>
    %rsqrt3A = math.rsqrt %add3A_13 : vector<5120x1xf32>
    %mul3A_14 = vector.broadcast %rsqrt3A : vector<5120x1xf32> to vector<5120x128xf32>
    %mul3A_15 = arith.mulf %sub3A_5, %mul3A_14 : vector<5120x128xf32>
    %get3A_16 = arith.constant 0 : index
    %get3A_17 = arith.constant 0 : index
    %get3A_18 = vector.load %arg2[%get3A_16, %get3A_17] : memref<1x128xf32, #tpu.memory_space<vmem>>, vector<1x128xf32>
    %mul3A_19 = vector.broadcast %get3A_18 : vector<1x128xf32> to vector<5120x128xf32>
    %mul3A_20 = arith.mulf %mul3A_15, %mul3A_19 : vector<5120x128xf32>
    %get3A_21 = arith.constant 0 : index
    %get3A_22 = arith.constant 0 : index
    %get3A_23 = vector.load %arg3[%get3A_21, %get3A_22] : memref<1x128xf32, #tpu.memory_space<vmem>>, vector<1x128xf32>
    %add3A_24 = vector.broadcast %get3A_23 : vector<1x128xf32> to vector<5120x128xf32>
    %add3A_25 = arith.addf %mul3A_20, %add3A_24 : vector<5120x128xf32>
    %max3A = arith.constant 0.000000e+00 : f32
    %max3A_26 = vector.broadcast %max3A : f32 to vector<5120x128xf32>
    %max3A_27 = arith.maximumf %add3A_25, %max3A_26 : vector<5120x128xf32>
    %get3A_28 = arith.constant 0 : index
    %get3A_29 = arith.constant 0 : index
    %get3A_30 = vector.load %arg4[%get3A_28, %get3A_29] : memref<128x128xf32, #tpu.memory_space<vmem>>, vector<128x128xf32>
    %dot_general3A = arith.constant dense<0.000000e+00> : vector<5120x128xf32>
    %dot_general3A_31 = tpu.matmul %max3A_27, %get3A_30, %dot_general3A {dimension_numbers = #tpu.dot_dimension_numbers<[1], [0], [0], [1], [0, 0, 1, 1], [], []>, transpose_lhs_hint = false} : vector<5120x128xf32>, vector<128x128xf32>, vector<5120x128xf32> -> vector<5120x128xf32>
    %get3A_32 = arith.constant 0 : index
    %get3A_33 = arith.constant 0 : index
    %get3A_34 = arith.constant 0 : index
    %get3A_35 = vector.load %arg5[%get3A_32, %get3A_33, %get3A_34] : memref<2x40x128xf32, #tpu.memory_space<vmem>>, vector<2x40x128xf32>
    %slice3A = vector.extract_strided_slice %get3A_35 {offsets = [0, 0, 0], sizes = [1, 40, 128], strides = [1, 1, 1]} : vector<2x40x128xf32> to vector<1x40x128xf32>
    %squeeze3A = vector.shape_cast %slice3A : vector<1x40x128xf32> to vector<40x128xf32>
    %slice3A_36 = vector.extract_strided_slice %get3A_35 {offsets = [1, 0, 0], sizes = [1, 40, 128], strides = [1, 1, 1]} : vector<2x40x128xf32> to vector<1x40x128xf32>
    %squeeze3A_37 = vector.shape_cast %slice3A_36 : vector<1x40x128xf32> to vector<40x128xf32>
    %add3A_38 = arith.addf %squeeze3A, %squeeze3A_37 : vector<40x128xf32>
    %add3A_39 = arith.constant 1.000000e+00 : f32
    %add3A_40 = vector.broadcast %add3A_39 : f32 to vector<40x128xf32>
    %add3A_41 = arith.addf %add3A_38, %add3A_40 : vector<40x128xf32>
    %rsqrt3A_42 = math.rsqrt %add3A_41 : vector<40x128xf32>
    %iota3A = tpu.iota {dimensions = array<i32: 0>} : vector<128x128xi32>
    %iota3A_43 = tpu.iota {dimensions = array<i32: 1>} : vector<128x128xi32>
    %eq3A = arith.cmpi eq, %iota3A, %iota3A_43 : vector<128x128xi32>
    %convert_element_type3A = arith.extui %eq3A : vector<128x128xi1> to vector<128x128xi32>
    %convert_element_type3A_44 = arith.sitofp %convert_element_type3A : vector<128x128xi32> to vector<128x128xf32>
    %slice3A_45 = vector.extract_strided_slice %rsqrt3A_42 {offsets = [0, 0], sizes = [1, 128], strides = [1, 1]} : vector<40x128xf32> to vector<1x128xf32>
    %squeeze3A_46 = vector.shape_cast %slice3A_45 : vector<1x128xf32> to vector<128xf32>
    %broadcast_in_dim3A_47 = vector.shape_cast %squeeze3A_46 : vector<128xf32> to vector<1x128xf32>
    %mul3A_48 = vector.broadcast %broadcast_in_dim3A_47 : vector<1x128xf32> to vector<128x128xf32>
    %mul3A_49 = arith.mulf %convert_element_type3A_44, %mul3A_48 : vector<128x128xf32>
    %slice3A_50 = vector.extract_strided_slice %dot_general3A_31 {offsets = [0, 0], sizes = [128, 128], strides = [1, 1]} : vector<5120x128xf32> to vector<128x128xf32>
    %dot_general3A_51 = arith.constant dense<0.000000e+00> : vector<128x128xf32>
    %dot_general3A_52 = tpu.matmul %mul3A_49, %slice3A_50, %dot_general3A_51 {dimension_numbers = #tpu.dot_dimension_numbers<[1], [0], [0], [1], [0, 0, 1, 1], [], []>, transpose_lhs_hint = false} : vector<128x128xf32>, vector<128x128xf32>, vector<128x128xf32> -> vector<128x128xf32>
    %swap3A = arith.constant 0 : index
    %swap3A_53 = arith.constant 0 : index
    %swap3A_54 = vector.load %arg6[%swap3A, %swap3A_53] : memref<5120x128xf32, #tpu.memory_space<vmem>>, vector<128x128xf32>
    tpu.vector_store %arg6[%swap3A, %swap3A_53], %dot_general3A_52 {strides = array<i32>} : memref<5120x128xf32, #tpu.memory_space<vmem>>, vector<128x128xf32>,
    %slice3A_55 = vector.extract_strided_slice %rsqrt3A_42 {offsets = [1, 0], sizes = [1, 128], strides = [1, 1]} : vector<40x128xf32> to vector<1x128xf32>
    %squeeze3A_56 = vector.shape_cast %slice3A_55 : vector<1x128xf32> to vector<128xf32>
    %broadcast_in_dim3A_57 = vector.shape_cast %squeeze3A_56 : vector<128xf32> to vector<1x128xf32>
    %mul3A_58 = vector.broadcast %broadcast_in_dim3A_57 : vector<1x128xf32> to vector<128x128xf32>
    %mul3A_59 = arith.mulf %convert_element_type3A_44, %mul3A_58 : vector<128x128xf32>
    %slice3A_60 = vector.extract_strided_slice %dot_general3A_31 {offsets = [128, 0], sizes = [128, 128], strides = [1, 1]} : vector<5120x128xf32> to vector<128x128xf32>
    %dot_general3A_61 = arith.constant dense<0.000000e+00> : vector<128x128xf32>
    %dot_general3A_62 = tpu.matmul %mul3A_59, %slice3A_60, %dot_general3A_61 {dimension_numbers = #tpu.dot_dimension_numbers<[1], [0], [0], [1], [0, 0, 1, 1], [], []>, transpose_lhs_hint = false} : vector<128x128xf32>, vector<128x128xf32>, vector<128x128xf32> -> vector<128x128xf32>
    %swap3A_63 = arith.constant 128 : index
    %swap3A_64 = arith.constant 0 : index
    %swap3A_65 = vector.load %arg6[%swap3A_63, %swap3A_64] : memref<5120x128xf32, #tpu.memory_space<vmem>>, vector<128x128xf32>
    tpu.vector_store %arg6[%swap3A_63, %swap3A_64], %dot_general3A_62 {strides = array<i32>} : memref<5120x128xf32, #tpu.memory_space<vmem>>, vector<128x128xf32>,
    %slice3A_66 = vector.extract_strided_slice %rsqrt3A_42 {offsets = [2, 0], sizes = [1, 128], strides = [1, 1]} : vector<40x128xf32> to vector<1x128xf32>
    %squeeze3A_67 = vector.shape_cast %slice3A_66 : vector<1x128xf32> to vector<128xf32>
    %broadcast_in_dim3A_68 = vector.shape_cast %squeeze3A_67 : vector<128xf32> to vector<1x128xf32>
    %mul3A_69 = vector.broadcast %broadcast_in_dim3A_68 : vector<1x128xf32> to vector<128x128xf32>
    %mul3A_70 = arith.mulf %convert_element_type3A_44, %mul3A_69 : vector<128x128xf32>
    %slice3A_71 = vector.extract_strided_slice %dot_general3A_31 {offsets = [256, 0], sizes = [128, 128], strides = [1, 1]} : vector<5120x128xf32> to vector<128x128xf32>
    %dot_general3A_72 = arith.constant dense<0.000000e+00> : vector<128x128xf32>
    %dot_general3A_73 = tpu.matmul %mul3A_70, %slice3A_71, %dot_general3A_72 {dimension_numbers = #tpu.dot_dimension_numbers<[1], [0], [0], [1], [0, 0, 1, 1], [], []>, transpose_lhs_hint = false} : vector<128x128xf32>, vector<128x128xf32>, vector<128x128xf32> -> vector<128x128xf32>
    %swap3A_74 = arith.constant 256 : index
    %swap3A_75 = arith.constant 0 : index
    %swap3A_76 = vector.load %arg6[%swap3A_74, %swap3A_75] : memref<5120x128xf32, #tpu.memory_space<vmem>>, vector<128x128xf32>
    tpu.vector_store %arg6[%swap3A_74, %swap3A_75], %dot_general3A_73 {strides = array<i32>} : memref<5120x128xf32, #tpu.memory_space<vmem>>, vector<128x128xf32>,
    %slice3A_77 = vector.extract_strided_slice %rsqrt3A_42 {offsets = [3, 0], sizes = [1, 128], strides = [1, 1]} : vector<40x128xf32> to vector<1x128xf32>
    %squeeze3A_78 = vector.shape_cast %slice3A_77 : vector<1x128xf32> to vector<128xf32>
    %broadcast_in_dim3A_79 = vector.shape_cast %squeeze3A_78 : vector<128xf32> to vector<1x128xf32>
    %mul3A_80 = vector.broadcast %broadcast_in_dim3A_79 : vector<1x128xf32> to vector<128x128xf32>
    %mul3A_81 = arith.mulf %convert_element_type3A_44, %mul3A_80 : vector<128x128xf32>
    %slice3A_82 = vector.extract_strided_slice %dot_general3A_31 {offsets = [384, 0], sizes = [128, 128], strides = [1, 1]} : vector<5120x128xf32> to vector<128x128xf32>
    %dot_general3A_83 = arith.constant dense<0.000000e+00> : vector<128x128xf32>
    %dot_general3A_84 = tpu.matmul %mul3A_81, %slice3A_82, %dot_general3A_83 {dimension_numbers = #tpu.dot_dimension_numbers<[1], [0], [0], [1], [0, 0, 1, 1], [], []>, transpose_lhs_hint = false} : vector<128x128xf32>, vector<128x128xf32>, vector<128x128xf32> -> vector<128x128xf32>
    %swap3A_85 = arith.constant 384 : index
    %swap3A_86 = arith.constant 0 : index
    %swap3A_87 = vector.load %arg6[%swap3A_85, %swap3A_86] : memref<5120x128xf32, #tpu.memory_space<vmem>>, vector<128x128xf32>
    tpu.vector_store %arg6[%swap3A_85, %swap3A_86], %dot_general3A_84 {strides = array<i32>} : memref<5120x128xf32, #tpu.memory_space<vmem>>, vector<128x128xf32>,
    %slice3A_88 = vector.extract_strided_slice %rsqrt3A_42 {offsets = [4, 0], sizes = [1, 128], strides = [1, 1]} : vector<40x128xf32> to vector<1x128xf32>
    %squeeze3A_89 = vector.shape_cast %slice3A_88 : vector<1x128xf32> to vector<128xf32>
    %broadcast_in_dim3A_90 = vector.shape_cast %squeeze3A_89 : vector<128xf32> to vector<1x128xf32>
    %mul3A_91 = vector.broadcast %broadcast_in_dim3A_90 : vector<1x128xf32> to vector<128x128xf32>
    %mul3A_92 = arith.mulf %convert_element_type3A_44, %mul3A_91 : vector<128x128xf32>
    %slice3A_93 = vector.extract_strided_slice %dot_general3A_31 {offsets = [512, 0], sizes = [128, 128], strides = [1, 1]} : vector<5120x128xf32> to vector<128x128xf32>
    %dot_general3A_94 = arith.constant dense<0.000000e+00> : vector<128x128xf32>
    %dot_general3A_95 = tpu.matmul %mul3A_92, %slice3A_93, %dot_general3A_94 {dimension_numbers = #tpu.dot_dimension_numbers<[1], [0], [0], [1], [0, 0, 1, 1], [], []>, transpose_lhs_hint = false} : vector<128x128xf32>, vector<128x128xf32>, vector<128x128xf32> -> vector<128x128xf32>
    %swap3A_96 = arith.constant 512 : index
    %swap3A_97 = arith.constant 0 : index
    %swap3A_98 = vector.load %arg6[%swap3A_96, %swap3A_97] : memref<5120x128xf32, #tpu.memory_space<vmem>>, vector<128x128xf32>
    tpu.vector_store %arg6[%swap3A_96, %swap3A_97], %dot_general3A_95 {strides = array<i32>} : memref<5120x128xf32, #tpu.memory_space<vmem>>, vector<128x128xf32>,
    %slice3A_99 = vector.extract_strided_slice %rsqrt3A_42 {offsets = [5, 0], sizes = [1, 128], strides = [1, 1]} : vector<40x128xf32> to vector<1x128xf32>
    %squeeze3A_100 = vector.shape_cast %slice3A_99 : vector<1x128xf32> to vector<128xf32>
    %broadcast_in_dim3A_101 = vector.shape_cast %squeeze3A_100 : vector<128xf32> to vector<1x128xf32>
    %mul3A_102 = vector.broadcast %broadcast_in_dim3A_101 : vector<1x128xf32> to vector<128x128xf32>
    %mul3A_103 = arith.mulf %convert_element_type3A_44, %mul3A_102 : vector<128x128xf32>
    %slice3A_104 = vector.extract_strided_slice %dot_general3A_31 {offsets = [640, 0], sizes = [128, 128], strides = [1, 1]} : vector<5120x128xf32> to vector<128x128xf32>
    %dot_general3A_105 = arith.constant dense<0.000000e+00> : vector<128x128xf32>
    %dot_general3A_106 = tpu.matmul %mul3A_103, %slice3A_104, %dot_general3A_105 {dimension_numbers = #tpu.dot_dimension_numbers<[1], [0], [0], [1], [0, 0, 1, 1], [], []>, transpose_lhs_hint = false} : vector<128x128xf32>, vector<128x128xf32>, vector<128x128xf32> -> vector<128x128xf32>
    %swap3A_107 = arith.constant 640 : index
    %swap3A_108 = arith.constant 0 : index
    %swap3A_109 = vector.load %arg6[%swap3A_107, %swap3A_108] : memref<5120x128xf32, #tpu.memory_space<vmem>>, vector<128x128xf32>
    tpu.vector_store %arg6[%swap3A_107, %swap3A_108], %dot_general3A_106 {strides = array<i32>} : memref<5120x128xf32, #tpu.memory_space<vmem>>, vector<128x128xf32>,
    %slice3A_110 = vector.extract_strided_slice %rsqrt3A_42 {offsets = [6, 0], sizes = [1, 128], strides = [1, 1]} : vector<40x128xf32> to vector<1x128xf32>
    %squeeze3A_111 = vector.shape_cast %slice3A_110 : vector<1x128xf32> to vector<128xf32>
    %broadcast_in_dim3A_112 = vector.shape_cast %squeeze3A_111 : vector<128xf32> to vector<1x128xf32>
    %mul3A_113 = vector.broadcast %broadcast_in_dim3A_112 : vector<1x128xf32> to vector<128x128xf32>
    %mul3A_114 = arith.mulf %convert_element_type3A_44, %mul3A_113 : vector<128x128xf32>
    %slice3A_115 = vector.extract_strided_slice %dot_general3A_31 {offsets = [768, 0], sizes = [128, 128], strides = [1, 1]} : vector<5120x128xf32> to vector<128x128xf32>
    %dot_general3A_116 = arith.constant dense<0.000000e+00> : vector<128x128xf32>
    %dot_general3A_117 = tpu.matmul %mul3A_114, %slice3A_115, %dot_general3A_116 {dimension_numbers = #tpu.dot_dimension_numbers<[1], [0], [0], [1], [0, 0, 1, 1], [], []>, transpose_lhs_hint = false} : vector<128x128xf32>, vector<128x128xf32>, vector<128x128xf32> -> vector<128x128xf32>
    %swap3A_118 = arith.constant 768 : index
    %swap3A_119 = arith.constant 0 : index
    %swap3A_120 = vector.load %arg6[%swap3A_118, %swap3A_119] : memref<5120x128xf32, #tpu.memory_space<vmem>>, vector<128x128xf32>
    tpu.vector_store %arg6[%swap3A_118, %swap3A_119], %dot_general3A_117 {strides = array<i32>} : memref<5120x128xf32, #tpu.memory_space<vmem>>, vector<128x128xf32>,
    %slice3A_121 = vector.extract_strided_slice %rsqrt3A_42 {offsets = [7, 0], sizes = [1, 128], strides = [1, 1]} : vector<40x128xf32> to vector<1x128xf32>
    %squeeze3A_122 = vector.shape_cast %slice3A_121 : vector<1x128xf32> to vector<128xf32>
    %broadcast_in_dim3A_123 = vector.shape_cast %squeeze3A_122 : vector<128xf32> to vector<1x128xf32>
    %mul3A_124 = vector.broadcast %broadcast_in_dim3A_123 : vector<1x128xf32> to vector<128x128xf32>
    %mul3A_125 = arith.mulf %convert_element_type3A_44, %mul3A_124 : vector<128x128xf32>
    %slice3A_126 = vector.extract_strided_slice %dot_general3A_31 {offsets = [896, 0], sizes = [128, 128], strides = [1, 1]} : vector<5120x128xf32> to vector<128x128xf32>
    %dot_general3A_127 = arith.constant dense<0.000000e+00> : vector<128x128xf32>
    %dot_general3A_128 = tpu.matmul %mul3A_125, %slice3A_126, %dot_general3A_127 {dimension_numbers = #tpu.dot_dimension_numbers<[1], [0], [0], [1], [0, 0, 1, 1], [], []>, transpose_lhs_hint = false} : vector<128x128xf32>, vector<128x128xf32>, vector<128x128xf32> -> vector<128x128xf32>
    %swap3A_129 = arith.constant 896 : index
    %swap3A_130 = arith.constant 0 : index
    %swap3A_131 = vector.load %arg6[%swap3A_129, %swap3A_130] : memref<5120x128xf32, #tpu.memory_space<vmem>>, vector<128x128xf32>
    tpu.vector_store %arg6[%swap3A_129, %swap3A_130], %dot_general3A_128 {strides = array<i32>} : memref<5120x128xf32, #tpu.memory_space<vmem>>, vector<128x128xf32>,
    %slice3A_132 = vector.extract_strided_slice %rsqrt3A_42 {offsets = [8, 0], sizes = [1, 128], strides = [1, 1]} : vector<40x128xf32> to vector<1x128xf32>
    %squeeze3A_133 = vector.shape_cast %slice3A_132 : vector<1x128xf32> to vector<128xf32>
    %broadcast_in_dim3A_134 = vector.shape_cast %squeeze3A_133 : vector<128xf32> to vector<1x128xf32>
    %mul3A_135 = vector.broadcast %broadcast_in_dim3A_134 : vector<1x128xf32> to vector<128x128xf32>
    %mul3A_136 = arith.mulf %convert_element_type3A_44, %mul3A_135 : vector<128x128xf32>
    %slice3A_137 = vector.extract_strided_slice %dot_general3A_31 {offsets = [1024, 0], sizes = [128, 128], strides = [1, 1]} : vector<5120x128xf32> to vector<128x128xf32>
    %dot_general3A_138 = arith.constant dense<0.000000e+00> : vector<128x128xf32>
    %dot_general3A_139 = tpu.matmul %mul3A_136, %slice3A_137, %dot_general3A_138 {dimension_numbers = #tpu.dot_dimension_numbers<[1], [0], [0], [1], [0, 0, 1, 1], [], []>, transpose_lhs_hint = false} : vector<128x128xf32>, vector<128x128xf32>, vector<128x128xf32> -> vector<128x128xf32>
    %swap3A_140 = arith.constant 1024 : index
    %swap3A_141 = arith.constant 0 : index
    %swap3A_142 = vector.load %arg6[%swap3A_140, %swap3A_141] : memref<5120x128xf32, #tpu.memory_space<vmem>>, vector<128x128xf32>
    tpu.vector_store %arg6[%swap3A_140, %swap3A_141], %dot_general3A_139 {strides = array<i32>} : memref<5120x128xf32, #tpu.memory_space<vmem>>, vector<128x128xf32>,
    %slice3A_143 = vector.extract_strided_slice %rsqrt3A_42 {offsets = [9, 0], sizes = [1, 128], strides = [1, 1]} : vector<40x128xf32> to vector<1x128xf32>
    %squeeze3A_144 = vector.shape_cast %slice3A_143 : vector<1x128xf32> to vector<128xf32>
    %broadcast_in_dim3A_145 = vector.shape_cast %squeeze3A_144 : vector<128xf32> to vector<1x128xf32>
    %mul3A_146 = vector.broadcast %broadcast_in_dim3A_145 : vector<1x128xf32> to vector<128x128xf32>
    %mul3A_147 = arith.mulf %convert_element_type3A_44, %mul3A_146 : vector<128x128xf32>
    %slice3A_148 = vector.extract_strided_slice %dot_general3A_31 {offsets = [1152, 0], sizes = [128, 128], strides = [1, 1]} : vector<5120x128xf32> to vector<128x128xf32>
    %dot_general3A_149 = arith.constant dense<0.000000e+00> : vector<128x128xf32>
    %dot_general3A_150 = tpu.matmul %mul3A_147, %slice3A_148, %dot_general3A_149 {dimension_numbers = #tpu.dot_dimension_numbers<[1], [0], [0], [1], [0, 0, 1, 1], [], []>, transpose_lhs_hint = false} : vector<128x128xf32>, vector<128x128xf32>, vector<128x128xf32> -> vector<128x128xf32>
    %swap3A_151 = arith.constant 1152 : index
    %swap3A_152 = arith.constant 0 : index
    %swap3A_153 = vector.load %arg6[%swap3A_151, %swap3A_152] : memref<5120x128xf32, #tpu.memory_space<vmem>>, vector<128x128xf32>
    tpu.vector_store %arg6[%swap3A_151, %swap3A_152], %dot_general3A_150 {strides = array<i32>} : memref<5120x128xf32, #tpu.memory_space<vmem>>, vector<128x128xf32>,
    %slice3A_154 = vector.extract_strided_slice %rsqrt3A_42 {offsets = [10, 0], sizes = [1, 128], strides = [1, 1]} : vector<40x128xf32> to vector<1x128xf32>
    %squeeze3A_155 = vector.shape_cast %slice3A_154 : vector<1x128xf32> to vector<128xf32>
    %broadcast_in_dim3A_156 = vector.shape_cast %squeeze3A_155 : vector<128xf32> to vector<1x128xf32>
    %mul3A_157 = vector.broadcast %broadcast_in_dim3A_156 : vector<1x128xf32> to vector<128x128xf32>
    %mul3A_158 = arith.mulf %convert_element_type3A_44, %mul3A_157 : vector<128x128xf32>
    %slice3A_159 = vector.extract_strided_slice %dot_general3A_31 {offsets = [1280, 0], sizes = [128, 128], strides = [1, 1]} : vector<5120x128xf32> to vector<128x128xf32>
    %dot_general3A_160 = arith.constant dense<0.000000e+00> : vector<128x128xf32>
    %dot_general3A_161 = tpu.matmul %mul3A_158, %slice3A_159, %dot_general3A_160 {dimension_numbers = #tpu.dot_dimension_numbers<[1], [0], [0], [1], [0, 0, 1, 1], [], []>, transpose_lhs_hint = false} : vector<128x128xf32>, vector<128x128xf32>, vector<128x128xf32> -> vector<128x128xf32>
    %swap3A_162 = arith.constant 1280 : index
    %swap3A_163 = arith.constant 0 : index
    %swap3A_164 = vector.load %arg6[%swap3A_162, %swap3A_163] : memref<5120x128xf32, #tpu.memory_space<vmem>>, vector<128x128xf32>
    tpu.vector_store %arg6[%swap3A_162, %swap3A_163], %dot_general3A_161 {strides = array<i32>} : memref<5120x128xf32, #tpu.memory_space<vmem>>, vector<128x128xf32>,
    %slice3A_165 = vector.extract_strided_slice %rsqrt3A_42 {offsets = [11, 0], sizes = [1, 128], strides = [1, 1]} : vector<40x128xf32> to vector<1x128xf32>
    %squeeze3A_166 = vector.shape_cast %slice3A_165 : vector<1x128xf32> to vector<128xf32>
    %broadcast_in_dim3A_167 = vector.shape_cast %squeeze3A_166 : vector<128xf32> to vector<1x128xf32>
    %mul3A_168 = vector.broadcast %broadcast_in_dim3A_167 : vector<1x128xf32> to vector<128x128xf32>
    %mul3A_169 = arith.mulf %convert_element_type3A_44, %mul3A_168 : vector<128x128xf32>
    %slice3A_170 = vector.extract_strided_slice %dot_general3A_31 {offsets = [1408, 0], sizes = [128, 128], strides = [1, 1]} : vector<5120x128xf32> to vector<128x128xf32>
    %dot_general3A_171 = arith.constant dense<0.000000e+00> : vector<128x128xf32>
    %dot_general3A_172 = tpu.matmul %mul3A_169, %slice3A_170, %dot_general3A_171 {dimension_numbers = #tpu.dot_dimension_numbers<[1], [0], [0], [1], [0, 0, 1, 1], [], []>, transpose_lhs_hint = false} : vector<128x128xf32>, vector<128x128xf32>, vector<128x128xf32> -> vector<128x128xf32>
    %swap3A_173 = arith.constant 1408 : index
    %swap3A_174 = arith.constant 0 : index
    %swap3A_175 = vector.load %arg6[%swap3A_173, %swap3A_174] : memref<5120x128xf32, #tpu.memory_space<vmem>>, vector<128x128xf32>
    tpu.vector_store %arg6[%swap3A_173, %swap3A_174], %dot_general3A_172 {strides = array<i32>} : memref<5120x128xf32, #tpu.memory_space<vmem>>, vector<128x128xf32>,
    %slice3A_176 = vector.extract_strided_slice %rsqrt3A_42 {offsets = [12, 0], sizes = [1, 128], strides = [1, 1]} : vector<40x128xf32> to vector<1x128xf32>
    %squeeze3A_177 = vector.shape_cast %slice3A_176 : vector<1x128xf32> to vector<128xf32>
    %broadcast_in_dim3A_178 = vector.shape_cast %squeeze3A_177 : vector<128xf32> to vector<1x128xf32>
    %mul3A_179 = vector.broadcast %broadcast_in_dim3A_178 : vector<1x128xf32> to vector<128x128xf32>
    %mul3A_180 = arith.mulf %convert_element_type3A_44, %mul3A_179 : vector<128x128xf32>
    %slice3A_181 = vector.extract_strided_slice %dot_general3A_31 {offsets = [1536, 0], sizes = [128, 128], strides = [1, 1]} : vector<5120x128xf32> to vector<128x128xf32>
    %dot_general3A_182 = arith.constant dense<0.000000e+00> : vector<128x128xf32>
    %dot_general3A_183 = tpu.matmul %mul3A_180, %slice3A_181, %dot_general3A_182 {dimension_numbers = #tpu.dot_dimension_numbers<[1], [0], [0], [1], [0, 0, 1, 1], [], []>, transpose_lhs_hint = false} : vector<128x128xf32>, vector<128x128xf32>, vector<128x128xf32> -> vector<128x128xf32>
    %swap3A_184 = arith.constant 1536 : index
    %swap3A_185 = arith.constant 0 : index
    %swap3A_186 = vector.load %arg6[%swap3A_184, %swap3A_185] : memref<5120x128xf32, #tpu.memory_space<vmem>>, vector<128x128xf32>
    tpu.vector_store %arg6[%swap3A_184, %swap3A_185], %dot_general3A_183 {strides = array<i32>} : memref<5120x128xf32, #tpu.memory_space<vmem>>, vector<128x128xf32>,
    %slice3A_187 = vector.extract_strided_slice %rsqrt3A_42 {offsets = [13, 0], sizes = [1, 128], strides = [1, 1]} : vector<40x128xf32> to vector<1x128xf32>
    %squeeze3A_188 = vector.shape_cast %slice3A_187 : vector<1x128xf32> to vector<128xf32>
    %broadcast_in_dim3A_189 = vector.shape_cast %squeeze3A_188 : vector<128xf32> to vector<1x128xf32>
    %mul3A_190 = vector.broadcast %broadcast_in_dim3A_189 : vector<1x128xf32> to vector<128x128xf32>
    %mul3A_191 = arith.mulf %convert_element_type3A_44, %mul3A_190 : vector<128x128xf32>
    %slice3A_192 = vector.extract_strided_slice %dot_general3A_31 {offsets = [1664, 0], sizes = [128, 128], strides = [1, 1]} : vector<5120x128xf32> to vector<128x128xf32>
    %dot_general3A_193 = arith.constant dense<0.000000e+00> : vector<128x128xf32>
    %dot_general3A_194 = tpu.matmul %mul3A_191, %slice3A_192, %dot_general3A_193 {dimension_numbers = #tpu.dot_dimension_numbers<[1], [0], [0], [1], [0, 0, 1, 1], [], []>, transpose_lhs_hint = false} : vector<128x128xf32>, vector<128x128xf32>, vector<128x128xf32> -> vector<128x128xf32>
    %swap3A_195 = arith.constant 1664 : index
    %swap3A_196 = arith.constant 0 : index
    %swap3A_197 = vector.load %arg6[%swap3A_195, %swap3A_196] : memref<5120x128xf32, #tpu.memory_space<vmem>>, vector<128x128xf32>
    tpu.vector_store %arg6[%swap3A_195, %swap3A_196], %dot_general3A_194 {strides = array<i32>} : memref<5120x128xf32, #tpu.memory_space<vmem>>, vector<128x128xf32>,
    %slice3A_198 = vector.extract_strided_slice %rsqrt3A_42 {offsets = [14, 0], sizes = [1, 128], strides = [1, 1]} : vector<40x128xf32> to vector<1x128xf32>
    %squeeze3A_199 = vector.shape_cast %slice3A_198 : vector<1x128xf32> to vector<128xf32>
    %broadcast_in_dim3A_200 = vector.shape_cast %squeeze3A_199 : vector<128xf32> to vector<1x128xf32>
    %mul3A_201 = vector.broadcast %broadcast_in_dim3A_200 : vector<1x128xf32> to vector<128x128xf32>
    %mul3A_202 = arith.mulf %convert_element_type3A_44, %mul3A_201 : vector<128x128xf32>
    %slice3A_203 = vector.extract_strided_slice %dot_general3A_31 {offsets = [1792, 0], sizes = [128, 128], strides = [1, 1]} : vector<5120x128xf32> to vector<128x128xf32>
    %dot_general3A_204 = arith.constant dense<0.000000e+00> : vector<128x128xf32>
    %dot_general3A_205 = tpu.matmul %mul3A_202, %slice3A_203, %dot_general3A_204 {dimension_numbers = #tpu.dot_dimension_numbers<[1], [0], [0], [1], [0, 0, 1, 1], [], []>, transpose_lhs_hint = false} : vector<128x128xf32>, vector<128x128xf32>, vector<128x128xf32> -> vector<128x128xf32>
    %swap3A_206 = arith.constant 1792 : index
    %swap3A_207 = arith.constant 0 : index
    %swap3A_208 = vector.load %arg6[%swap3A_206, %swap3A_207] : memref<5120x128xf32, #tpu.memory_space<vmem>>, vector<128x128xf32>
    tpu.vector_store %arg6[%swap3A_206, %swap3A_207], %dot_general3A_205 {strides = array<i32>} : memref<5120x128xf32, #tpu.memory_space<vmem>>, vector<128x128xf32>,
    %slice3A_209 = vector.extract_strided_slice %rsqrt3A_42 {offsets = [15, 0], sizes = [1, 128], strides = [1, 1]} : vector<40x128xf32> to vector<1x128xf32>
    %squeeze3A_210 = vector.shape_cast %slice3A_209 : vector<1x128xf32> to vector<128xf32>
    %broadcast_in_dim3A_211 = vector.shape_cast %squeeze3A_210 : vector<128xf32> to vector<1x128xf32>
    %mul3A_212 = vector.broadcast %broadcast_in_dim3A_211 : vector<1x128xf32> to vector<128x128xf32>
    %mul3A_213 = arith.mulf %convert_element_type3A_44, %mul3A_212 : vector<128x128xf32>
    %slice3A_214 = vector.extract_strided_slice %dot_general3A_31 {offsets = [1920, 0], sizes = [128, 128], strides = [1, 1]} : vector<5120x128xf32> to vector<128x128xf32>
    %dot_general3A_215 = arith.constant dense<0.000000e+00> : vector<128x128xf32>
    %dot_general3A_216 = tpu.matmul %mul3A_213, %slice3A_214, %dot_general3A_215 {dimension_numbers = #tpu.dot_dimension_numbers<[1], [0], [0], [1], [0, 0, 1, 1], [], []>, transpose_lhs_hint = false} : vector<128x128xf32>, vector<128x128xf32>, vector<128x128xf32> -> vector<128x128xf32>
    %swap3A_217 = arith.constant 1920 : index
    %swap3A_218 = arith.constant 0 : index
    %swap3A_219 = vector.load %arg6[%swap3A_217, %swap3A_218] : memref<5120x128xf32, #tpu.memory_space<vmem>>, vector<128x128xf32>
    tpu.vector_store %arg6[%swap3A_217, %swap3A_218], %dot_general3A_216 {strides = array<i32>} : memref<5120x128xf32, #tpu.memory_space<vmem>>, vector<128x128xf32>,
    %slice3A_220 = vector.extract_strided_slice %rsqrt3A_42 {offsets = [16, 0], sizes = [1, 128], strides = [1, 1]} : vector<40x128xf32> to vector<1x128xf32>
    %squeeze3A_221 = vector.shape_cast %slice3A_220 : vector<1x128xf32> to vector<128xf32>
    %broadcast_in_dim3A_222 = vector.shape_cast %squeeze3A_221 : vector<128xf32> to vector<1x128xf32>
    %mul3A_223 = vector.broadcast %broadcast_in_dim3A_222 : vector<1x128xf32> to vector<128x128xf32>
    %mul3A_224 = arith.mulf %convert_element_type3A_44, %mul3A_223 : vector<128x128xf32>
    %slice3A_225 = vector.extract_strided_slice %dot_general3A_31 {offsets = [2048, 0], sizes = [128, 128], strides = [1, 1]} : vector<5120x128xf32> to vector<128x128xf32>
    %dot_general3A_226 = arith.constant dense<0.000000e+00> : vector<128x128xf32>
    %dot_general3A_227 = tpu.matmul %mul3A_224, %slice3A_225, %dot_general3A_226 {dimension_numbers = #tpu.dot_dimension_numbers<[1], [0], [0], [1], [0, 0, 1, 1], [], []>, transpose_lhs_hint = false} : vector<128x128xf32>, vector<128x128xf32>, vector<128x128xf32> -> vector<128x128xf32>
    %swap3A_228 = arith.constant 2048 : index
    %swap3A_229 = arith.constant 0 : index
    %swap3A_230 = vector.load %arg6[%swap3A_228, %swap3A_229] : memref<5120x128xf32, #tpu.memory_space<vmem>>, vector<128x128xf32>
    tpu.vector_store %arg6[%swap3A_228, %swap3A_229], %dot_general3A_227 {strides = array<i32>} : memref<5120x128xf32, #tpu.memory_space<vmem>>, vector<128x128xf32>,
    %slice3A_231 = vector.extract_strided_slice %rsqrt3A_42 {offsets = [17, 0], sizes = [1, 128], strides = [1, 1]} : vector<40x128xf32> to vector<1x128xf32>
    %squeeze3A_232 = vector.shape_cast %slice3A_231 : vector<1x128xf32> to vector<128xf32>
    %broadcast_in_dim3A_233 = vector.shape_cast %squeeze3A_232 : vector<128xf32> to vector<1x128xf32>
    %mul3A_234 = vector.broadcast %broadcast_in_dim3A_233 : vector<1x128xf32> to vector<128x128xf32>
    %mul3A_235 = arith.mulf %convert_element_type3A_44, %mul3A_234 : vector<128x128xf32>
    %slice3A_236 = vector.extract_strided_slice %dot_general3A_31 {offsets = [2176, 0], sizes = [128, 128], strides = [1, 1]} : vector<5120x128xf32> to vector<128x128xf32>
    %dot_general3A_237 = arith.constant dense<0.000000e+00> : vector<128x128xf32>
    %dot_general3A_238 = tpu.matmul %mul3A_235, %slice3A_236, %dot_general3A_237 {dimension_numbers = #tpu.dot_dimension_numbers<[1], [0], [0], [1], [0, 0, 1, 1], [], []>, transpose_lhs_hint = false} : vector<128x128xf32>, vector<128x128xf32>, vector<128x128xf32> -> vector<128x128xf32>
    %swap3A_239 = arith.constant 2176 : index
    %swap3A_240 = arith.constant 0 : index
    %swap3A_241 = vector.load %arg6[%swap3A_239, %swap3A_240] : memref<5120x128xf32, #tpu.memory_space<vmem>>, vector<128x128xf32>
    tpu.vector_store %arg6[%swap3A_239, %swap3A_240], %dot_general3A_238 {strides = array<i32>} : memref<5120x128xf32, #tpu.memory_space<vmem>>, vector<128x128xf32>,
    %slice3A_242 = vector.extract_strided_slice %rsqrt3A_42 {offsets = [18, 0], sizes = [1, 128], strides = [1, 1]} : vector<40x128xf32> to vector<1x128xf32>
    %squeeze3A_243 = vector.shape_cast %slice3A_242 : vector<1x128xf32> to vector<128xf32>
    %broadcast_in_dim3A_244 = vector.shape_cast %squeeze3A_243 : vector<128xf32> to vector<1x128xf32>
    %mul3A_245 = vector.broadcast %broadcast_in_dim3A_244 : vector<1x128xf32> to vector<128x128xf32>
    %mul3A_246 = arith.mulf %convert_element_type3A_44, %mul3A_245 : vector<128x128xf32>
    %slice3A_247 = vector.extract_strided_slice %dot_general3A_31 {offsets = [2304, 0], sizes = [128, 128], strides = [1, 1]} : vector<5120x128xf32> to vector<128x128xf32>
    %dot_general3A_248 = arith.constant dense<0.000000e+00> : vector<128x128xf32>
    %dot_general3A_249 = tpu.matmul %mul3A_246, %slice3A_247, %dot_general3A_248 {dimension_numbers = #tpu.dot_dimension_numbers<[1], [0], [0], [1], [0, 0, 1, 1], [], []>, transpose_lhs_hint = false} : vector<128x128xf32>, vector<128x128xf32>, vector<128x128xf32> -> vector<128x128xf32>
    %swap3A_250 = arith.constant 2304 : index
    %swap3A_251 = arith.constant 0 : index
    %swap3A_252 = vector.load %arg6[%swap3A_250, %swap3A_251] : memref<5120x128xf32, #tpu.memory_space<vmem>>, vector<128x128xf32>
    tpu.vector_store %arg6[%swap3A_250, %swap3A_251], %dot_general3A_249 {strides = array<i32>} : memref<5120x128xf32, #tpu.memory_space<vmem>>, vector<128x128xf32>,
    %slice3A_253 = vector.extract_strided_slice %rsqrt3A_42 {offsets = [19, 0], sizes = [1, 128], strides = [1, 1]} : vector<40x128xf32> to vector<1x128xf32>
    %squeeze3A_254 = vector.shape_cast %slice3A_253 : vector<1x128xf32> to vector<128xf32>
    %broadcast_in_dim3A_255 = vector.shape_cast %squeeze3A_254 : vector<128xf32> to vector<1x128xf32>
    %mul3A_256 = vector.broadcast %broadcast_in_dim3A_255 : vector<1x128xf32> to vector<128x128xf32>
    %mul3A_257 = arith.mulf %convert_element_type3A_44, %mul3A_256 : vector<128x128xf32>
    %slice3A_258 = vector.extract_strided_slice %dot_general3A_31 {offsets = [2432, 0], sizes = [128, 128], strides = [1, 1]} : vector<5120x128xf32> to vector<128x128xf32>
    %dot_general3A_259 = arith.constant dense<0.000000e+00> : vector<128x128xf32>
    %dot_general3A_260 = tpu.matmul %mul3A_257, %slice3A_258, %dot_general3A_259 {dimension_numbers = #tpu.dot_dimension_numbers<[1], [0], [0], [1], [0, 0, 1, 1], [], []>, transpose_lhs_hint = false} : vector<128x128xf32>, vector<128x128xf32>, vector<128x128xf32> -> vector<128x128xf32>
    %swap3A_261 = arith.constant 2432 : index
    %swap3A_262 = arith.constant 0 : index
    %swap3A_263 = vector.load %arg6[%swap3A_261, %swap3A_262] : memref<5120x128xf32, #tpu.memory_space<vmem>>, vector<128x128xf32>
    tpu.vector_store %arg6[%swap3A_261, %swap3A_262], %dot_general3A_260 {strides = array<i32>} : memref<5120x128xf32, #tpu.memory_space<vmem>>, vector<128x128xf32>,
    %slice3A_264 = vector.extract_strided_slice %rsqrt3A_42 {offsets = [20, 0], sizes = [1, 128], strides = [1, 1]} : vector<40x128xf32> to vector<1x128xf32>
    %squeeze3A_265 = vector.shape_cast %slice3A_264 : vector<1x128xf32> to vector<128xf32>
    %broadcast_in_dim3A_266 = vector.shape_cast %squeeze3A_265 : vector<128xf32> to vector<1x128xf32>
    %mul3A_267 = vector.broadcast %broadcast_in_dim3A_266 : vector<1x128xf32> to vector<128x128xf32>
    %mul3A_268 = arith.mulf %convert_element_type3A_44, %mul3A_267 : vector<128x128xf32>
    %slice3A_269 = vector.extract_strided_slice %dot_general3A_31 {offsets = [2560, 0], sizes = [128, 128], strides = [1, 1]} : vector<5120x128xf32> to vector<128x128xf32>
    %dot_general3A_270 = arith.constant dense<0.000000e+00> : vector<128x128xf32>
    %dot_general3A_271 = tpu.matmul %mul3A_268, %slice3A_269, %dot_general3A_270 {dimension_numbers = #tpu.dot_dimension_numbers<[1], [0], [0], [1], [0, 0, 1, 1], [], []>, transpose_lhs_hint = false} : vector<128x128xf32>, vector<128x128xf32>, vector<128x128xf32> -> vector<128x128xf32>
    %swap3A_272 = arith.constant 2560 : index
    %swap3A_273 = arith.constant 0 : index
    %swap3A_274 = vector.load %arg6[%swap3A_272, %swap3A_273] : memref<5120x128xf32, #tpu.memory_space<vmem>>, vector<128x128xf32>
    tpu.vector_store %arg6[%swap3A_272, %swap3A_273], %dot_general3A_271 {strides = array<i32>} : memref<5120x128xf32, #tpu.memory_space<vmem>>, vector<128x128xf32>,
    %slice3A_275 = vector.extract_strided_slice %rsqrt3A_42 {offsets = [21, 0], sizes = [1, 128], strides = [1, 1]} : vector<40x128xf32> to vector<1x128xf32>
    %squeeze3A_276 = vector.shape_cast %slice3A_275 : vector<1x128xf32> to vector<128xf32>
    %broadcast_in_dim3A_277 = vector.shape_cast %squeeze3A_276 : vector<128xf32> to vector<1x128xf32>
    %mul3A_278 = vector.broadcast %broadcast_in_dim3A_277 : vector<1x128xf32> to vector<128x128xf32>
    %mul3A_279 = arith.mulf %convert_element_type3A_44, %mul3A_278 : vector<128x128xf32>
    %slice3A_280 = vector.extract_strided_slice %dot_general3A_31 {offsets = [2688, 0], sizes = [128, 128], strides = [1, 1]} : vector<5120x128xf32> to vector<128x128xf32>
    %dot_general3A_281 = arith.constant dense<0.000000e+00> : vector<128x128xf32>
    %dot_general3A_282 = tpu.matmul %mul3A_279, %slice3A_280, %dot_general3A_281 {dimension_numbers = #tpu.dot_dimension_numbers<[1], [0], [0], [1], [0, 0, 1, 1], [], []>, transpose_lhs_hint = false} : vector<128x128xf32>, vector<128x128xf32>, vector<128x128xf32> -> vector<128x128xf32>
    %swap3A_283 = arith.constant 2688 : index
    %swap3A_284 = arith.constant 0 : index
    %swap3A_285 = vector.load %arg6[%swap3A_283, %swap3A_284] : memref<5120x128xf32, #tpu.memory_space<vmem>>, vector<128x128xf32>
    tpu.vector_store %arg6[%swap3A_283, %swap3A_284], %dot_general3A_282 {strides = array<i32>} : memref<5120x128xf32, #tpu.memory_space<vmem>>, vector<128x128xf32>,
    %slice3A_286 = vector.extract_strided_slice %rsqrt3A_42 {offsets = [22, 0], sizes = [1, 128], strides = [1, 1]} : vector<40x128xf32> to vector<1x128xf32>
    %squeeze3A_287 = vector.shape_cast %slice3A_286 : vector<1x128xf32> to vector<128xf32>
    %broadcast_in_dim3A_288 = vector.shape_cast %squeeze3A_287 : vector<128xf32> to vector<1x128xf32>
    %mul3A_289 = vector.broadcast %broadcast_in_dim3A_288 : vector<1x128xf32> to vector<128x128xf32>
    %mul3A_290 = arith.mulf %convert_element_type3A_44, %mul3A_289 : vector<128x128xf32>
    %slice3A_291 = vector.extract_strided_slice %dot_general3A_31 {offsets = [2816, 0], sizes = [128, 128], strides = [1, 1]} : vector<5120x128xf32> to vector<128x128xf32>
    %dot_general3A_292 = arith.constant dense<0.000000e+00> : vector<128x128xf32>
    %dot_general3A_293 = tpu.matmul %mul3A_290, %slice3A_291, %dot_general3A_292 {dimension_numbers = #tpu.dot_dimension_numbers<[1], [0], [0], [1], [0, 0, 1, 1], [], []>, transpose_lhs_hint = false} : vector<128x128xf32>, vector<128x128xf32>, vector<128x128xf32> -> vector<128x128xf32>
    %swap3A_294 = arith.constant 2816 : index
    %swap3A_295 = arith.constant 0 : index
    %swap3A_296 = vector.load %arg6[%swap3A_294, %swap3A_295] : memref<5120x128xf32, #tpu.memory_space<vmem>>, vector<128x128xf32>
    tpu.vector_store %arg6[%swap3A_294, %swap3A_295], %dot_general3A_293 {strides = array<i32>} : memref<5120x128xf32, #tpu.memory_space<vmem>>, vector<128x128xf32>,
    %slice3A_297 = vector.extract_strided_slice %rsqrt3A_42 {offsets = [23, 0], sizes = [1, 128], strides = [1, 1]} : vector<40x128xf32> to vector<1x128xf32>
    %squeeze3A_298 = vector.shape_cast %slice3A_297 : vector<1x128xf32> to vector<128xf32>
    %broadcast_in_dim3A_299 = vector.shape_cast %squeeze3A_298 : vector<128xf32> to vector<1x128xf32>
    %mul3A_300 = vector.broadcast %broadcast_in_dim3A_299 : vector<1x128xf32> to vector<128x128xf32>
    %mul3A_301 = arith.mulf %convert_element_type3A_44, %mul3A_300 : vector<128x128xf32>
    %slice3A_302 = vector.extract_strided_slice %dot_general3A_31 {offsets = [2944, 0], sizes = [128, 128], strides = [1, 1]} : vector<5120x128xf32> to vector<128x128xf32>
    %dot_general3A_303 = arith.constant dense<0.000000e+00> : vector<128x128xf32>
    %dot_general3A_304 = tpu.matmul %mul3A_301, %slice3A_302, %dot_general3A_303 {dimension_numbers = #tpu.dot_dimension_numbers<[1], [0], [0], [1], [0, 0, 1, 1], [], []>, transpose_lhs_hint = false} : vector<128x128xf32>, vector<128x128xf32>, vector<128x128xf32> -> vector<128x128xf32>
    %swap3A_305 = arith.constant 2944 : index
    %swap3A_306 = arith.constant 0 : index
    %swap3A_307 = vector.load %arg6[%swap3A_305, %swap3A_306] : memref<5120x128xf32, #tpu.memory_space<vmem>>, vector<128x128xf32>
    tpu.vector_store %arg6[%swap3A_305, %swap3A_306], %dot_general3A_304 {strides = array<i32>} : memref<5120x128xf32, #tpu.memory_space<vmem>>, vector<128x128xf32>,
    %slice3A_308 = vector.extract_strided_slice %rsqrt3A_42 {offsets = [24, 0], sizes = [1, 128], strides = [1, 1]} : vector<40x128xf32> to vector<1x128xf32>
    %squeeze3A_309 = vector.shape_cast %slice3A_308 : vector<1x128xf32> to vector<128xf32>
    %broadcast_in_dim3A_310 = vector.shape_cast %squeeze3A_309 : vector<128xf32> to vector<1x128xf32>
    %mul3A_311 = vector.broadcast %broadcast_in_dim3A_310 : vector<1x128xf32> to vector<128x128xf32>
    %mul3A_312 = arith.mulf %convert_element_type3A_44, %mul3A_311 : vector<128x128xf32>
    %slice3A_313 = vector.extract_strided_slice %dot_general3A_31 {offsets = [3072, 0], sizes = [128, 128], strides = [1, 1]} : vector<5120x128xf32> to vector<128x128xf32>
    %dot_general3A_314 = arith.constant dense<0.000000e+00> : vector<128x128xf32>
    %dot_general3A_315 = tpu.matmul %mul3A_312, %slice3A_313, %dot_general3A_314 {dimension_numbers = #tpu.dot_dimension_numbers<[1], [0], [0], [1], [0, 0, 1, 1], [], []>, transpose_lhs_hint = false} : vector<128x128xf32>, vector<128x128xf32>, vector<128x128xf32> -> vector<128x128xf32>
    %swap3A_316 = arith.constant 3072 : index
    %swap3A_317 = arith.constant 0 : index
    %swap3A_318 = vector.load %arg6[%swap3A_316, %swap3A_317] : memref<5120x128xf32, #tpu.memory_space<vmem>>, vector<128x128xf32>
    tpu.vector_store %arg6[%swap3A_316, %swap3A_317], %dot_general3A_315 {strides = array<i32>} : memref<5120x128xf32, #tpu.memory_space<vmem>>, vector<128x128xf32>,
    %slice3A_319 = vector.extract_strided_slice %rsqrt3A_42 {offsets = [25, 0], sizes = [1, 128], strides = [1, 1]} : vector<40x128xf32> to vector<1x128xf32>
    %squeeze3A_320 = vector.shape_cast %slice3A_319 : vector<1x128xf32> to vector<128xf32>
    %broadcast_in_dim3A_321 = vector.shape_cast %squeeze3A_320 : vector<128xf32> to vector<1x128xf32>
    %mul3A_322 = vector.broadcast %broadcast_in_dim3A_321 : vector<1x128xf32> to vector<128x128xf32>
    %mul3A_323 = arith.mulf %convert_element_type3A_44, %mul3A_322 : vector<128x128xf32>
    %slice3A_324 = vector.extract_strided_slice %dot_general3A_31 {offsets = [3200, 0], sizes = [128, 128], strides = [1, 1]} : vector<5120x128xf32> to vector<128x128xf32>
    %dot_general3A_325 = arith.constant dense<0.000000e+00> : vector<128x128xf32>
    %dot_general3A_326 = tpu.matmul %mul3A_323, %slice3A_324, %dot_general3A_325 {dimension_numbers = #tpu.dot_dimension_numbers<[1], [0], [0], [1], [0, 0, 1, 1], [], []>, transpose_lhs_hint = false} : vector<128x128xf32>, vector<128x128xf32>, vector<128x128xf32> -> vector<128x128xf32>
    %swap3A_327 = arith.constant 3200 : index
    %swap3A_328 = arith.constant 0 : index
    %swap3A_329 = vector.load %arg6[%swap3A_327, %swap3A_328] : memref<5120x128xf32, #tpu.memory_space<vmem>>, vector<128x128xf32>
    tpu.vector_store %arg6[%swap3A_327, %swap3A_328], %dot_general3A_326 {strides = array<i32>} : memref<5120x128xf32, #tpu.memory_space<vmem>>, vector<128x128xf32>,
    %slice3A_330 = vector.extract_strided_slice %rsqrt3A_42 {offsets = [26, 0], sizes = [1, 128], strides = [1, 1]} : vector<40x128xf32> to vector<1x128xf32>
    %squeeze3A_331 = vector.shape_cast %slice3A_330 : vector<1x128xf32> to vector<128xf32>
    %broadcast_in_dim3A_332 = vector.shape_cast %squeeze3A_331 : vector<128xf32> to vector<1x128xf32>
    %mul3A_333 = vector.broadcast %broadcast_in_dim3A_332 : vector<1x128xf32> to vector<128x128xf32>
    %mul3A_334 = arith.mulf %convert_element_type3A_44, %mul3A_333 : vector<128x128xf32>
    %slice3A_335 = vector.extract_strided_slice %dot_general3A_31 {offsets = [3328, 0], sizes = [128, 128], strides = [1, 1]} : vector<5120x128xf32> to vector<128x128xf32>
    %dot_general3A_336 = arith.constant dense<0.000000e+00> : vector<128x128xf32>
    %dot_general3A_337 = tpu.matmul %mul3A_334, %slice3A_335, %dot_general3A_336 {dimension_numbers = #tpu.dot_dimension_numbers<[1], [0], [0], [1], [0, 0, 1, 1], [], []>, transpose_lhs_hint = false} : vector<128x128xf32>, vector<128x128xf32>, vector<128x128xf32> -> vector<128x128xf32>
    %swap3A_338 = arith.constant 3328 : index
    %swap3A_339 = arith.constant 0 : index
    %swap3A_340 = vector.load %arg6[%swap3A_338, %swap3A_339] : memref<5120x128xf32, #tpu.memory_space<vmem>>, vector<128x128xf32>
    tpu.vector_store %arg6[%swap3A_338, %swap3A_339], %dot_general3A_337 {strides = array<i32>} : memref<5120x128xf32, #tpu.memory_space<vmem>>, vector<128x128xf32>,
    %slice3A_341 = vector.extract_strided_slice %rsqrt3A_42 {offsets = [27, 0], sizes = [1, 128], strides = [1, 1]} : vector<40x128xf32> to vector<1x128xf32>
    %squeeze3A_342 = vector.shape_cast %slice3A_341 : vector<1x128xf32> to vector<128xf32>
    %broadcast_in_dim3A_343 = vector.shape_cast %squeeze3A_342 : vector<128xf32> to vector<1x128xf32>
    %mul3A_344 = vector.broadcast %broadcast_in_dim3A_343 : vector<1x128xf32> to vector<128x128xf32>
    %mul3A_345 = arith.mulf %convert_element_type3A_44, %mul3A_344 : vector<128x128xf32>
    %slice3A_346 = vector.extract_strided_slice %dot_general3A_31 {offsets = [3456, 0], sizes = [128, 128], strides = [1, 1]} : vector<5120x128xf32> to vector<128x128xf32>
    %dot_general3A_347 = arith.constant dense<0.000000e+00> : vector<128x128xf32>
    %dot_general3A_348 = tpu.matmul %mul3A_345, %slice3A_346, %dot_general3A_347 {dimension_numbers = #tpu.dot_dimension_numbers<[1], [0], [0], [1], [0, 0, 1, 1], [], []>, transpose_lhs_hint = false} : vector<128x128xf32>, vector<128x128xf32>, vector<128x128xf32> -> vector<128x128xf32>
    %swap3A_349 = arith.constant 3456 : index
    %swap3A_350 = arith.constant 0 : index
    %swap3A_351 = vector.load %arg6[%swap3A_349, %swap3A_350] : memref<5120x128xf32, #tpu.memory_space<vmem>>, vector<128x128xf32>
    tpu.vector_store %arg6[%swap3A_349, %swap3A_350], %dot_general3A_348 {strides = array<i32>} : memref<5120x128xf32, #tpu.memory_space<vmem>>, vector<128x128xf32>,
    %slice3A_352 = vector.extract_strided_slice %rsqrt3A_42 {offsets = [28, 0], sizes = [1, 128], strides = [1, 1]} : vector<40x128xf32> to vector<1x128xf32>
    %squeeze3A_353 = vector.shape_cast %slice3A_352 : vector<1x128xf32> to vector<128xf32>
    %broadcast_in_dim3A_354 = vector.shape_cast %squeeze3A_353 : vector<128xf32> to vector<1x128xf32>
    %mul3A_355 = vector.broadcast %broadcast_in_dim3A_354 : vector<1x128xf32> to vector<128x128xf32>
    %mul3A_356 = arith.mulf %convert_element_type3A_44, %mul3A_355 : vector<128x128xf32>
    %slice3A_357 = vector.extract_strided_slice %dot_general3A_31 {offsets = [3584, 0], sizes = [128, 128], strides = [1, 1]} : vector<5120x128xf32> to vector<128x128xf32>
    %dot_general3A_358 = arith.constant dense<0.000000e+00> : vector<128x128xf32>
    %dot_general3A_359 = tpu.matmul %mul3A_356, %slice3A_357, %dot_general3A_358 {dimension_numbers = #tpu.dot_dimension_numbers<[1], [0], [0], [1], [0, 0, 1, 1], [], []>, transpose_lhs_hint = false} : vector<128x128xf32>, vector<128x128xf32>, vector<128x128xf32> -> vector<128x128xf32>
    %swap3A_360 = arith.constant 3584 : index
    %swap3A_361 = arith.constant 0 : index
    %swap3A_362 = vector.load %arg6[%swap3A_360, %swap3A_361] : memref<5120x128xf32, #tpu.memory_space<vmem>>, vector<128x128xf32>
    tpu.vector_store %arg6[%swap3A_360, %swap3A_361], %dot_general3A_359 {strides = array<i32>} : memref<5120x128xf32, #tpu.memory_space<vmem>>, vector<128x128xf32>,
    %slice3A_363 = vector.extract_strided_slice %rsqrt3A_42 {offsets = [29, 0], sizes = [1, 128], strides = [1, 1]} : vector<40x128xf32> to vector<1x128xf32>
    %squeeze3A_364 = vector.shape_cast %slice3A_363 : vector<1x128xf32> to vector<128xf32>
    %broadcast_in_dim3A_365 = vector.shape_cast %squeeze3A_364 : vector<128xf32> to vector<1x128xf32>
    %mul3A_366 = vector.broadcast %broadcast_in_dim3A_365 : vector<1x128xf32> to vector<128x128xf32>
    %mul3A_367 = arith.mulf %convert_element_type3A_44, %mul3A_366 : vector<128x128xf32>
    %slice3A_368 = vector.extract_strided_slice %dot_general3A_31 {offsets = [3712, 0], sizes = [128, 128], strides = [1, 1]} : vector<5120x128xf32> to vector<128x128xf32>
    %dot_general3A_369 = arith.constant dense<0.000000e+00> : vector<128x128xf32>
    %dot_general3A_370 = tpu.matmul %mul3A_367, %slice3A_368, %dot_general3A_369 {dimension_numbers = #tpu.dot_dimension_numbers<[1], [0], [0], [1], [0, 0, 1, 1], [], []>, transpose_lhs_hint = false} : vector<128x128xf32>, vector<128x128xf32>, vector<128x128xf32> -> vector<128x128xf32>
    %swap3A_371 = arith.constant 3712 : index
    %swap3A_372 = arith.constant 0 : index
    %swap3A_373 = vector.load %arg6[%swap3A_371, %swap3A_372] : memref<5120x128xf32, #tpu.memory_space<vmem>>, vector<128x128xf32>
    tpu.vector_store %arg6[%swap3A_371, %swap3A_372], %dot_general3A_370 {strides = array<i32>} : memref<5120x128xf32, #tpu.memory_space<vmem>>, vector<128x128xf32>,
    %slice3A_374 = vector.extract_strided_slice %rsqrt3A_42 {offsets = [30, 0], sizes = [1, 128], strides = [1, 1]} : vector<40x128xf32> to vector<1x128xf32>
    %squeeze3A_375 = vector.shape_cast %slice3A_374 : vector<1x128xf32> to vector<128xf32>
    %broadcast_in_dim3A_376 = vector.shape_cast %squeeze3A_375 : vector<128xf32> to vector<1x128xf32>
    %mul3A_377 = vector.broadcast %broadcast_in_dim3A_376 : vector<1x128xf32> to vector<128x128xf32>
    %mul3A_378 = arith.mulf %convert_element_type3A_44, %mul3A_377 : vector<128x128xf32>
    %slice3A_379 = vector.extract_strided_slice %dot_general3A_31 {offsets = [3840, 0], sizes = [128, 128], strides = [1, 1]} : vector<5120x128xf32> to vector<128x128xf32>
    %dot_general3A_380 = arith.constant dense<0.000000e+00> : vector<128x128xf32>
    %dot_general3A_381 = tpu.matmul %mul3A_378, %slice3A_379, %dot_general3A_380 {dimension_numbers = #tpu.dot_dimension_numbers<[1], [0], [0], [1], [0, 0, 1, 1], [], []>, transpose_lhs_hint = false} : vector<128x128xf32>, vector<128x128xf32>, vector<128x128xf32> -> vector<128x128xf32>
    %swap3A_382 = arith.constant 3840 : index
    %swap3A_383 = arith.constant 0 : index
    %swap3A_384 = vector.load %arg6[%swap3A_382, %swap3A_383] : memref<5120x128xf32, #tpu.memory_space<vmem>>, vector<128x128xf32>
    tpu.vector_store %arg6[%swap3A_382, %swap3A_383], %dot_general3A_381 {strides = array<i32>} : memref<5120x128xf32, #tpu.memory_space<vmem>>, vector<128x128xf32>,
    %slice3A_385 = vector.extract_strided_slice %rsqrt3A_42 {offsets = [31, 0], sizes = [1, 128], strides = [1, 1]} : vector<40x128xf32> to vector<1x128xf32>
    %squeeze3A_386 = vector.shape_cast %slice3A_385 : vector<1x128xf32> to vector<128xf32>
    %broadcast_in_dim3A_387 = vector.shape_cast %squeeze3A_386 : vector<128xf32> to vector<1x128xf32>
    %mul3A_388 = vector.broadcast %broadcast_in_dim3A_387 : vector<1x128xf32> to vector<128x128xf32>
    %mul3A_389 = arith.mulf %convert_element_type3A_44, %mul3A_388 : vector<128x128xf32>
    %slice3A_390 = vector.extract_strided_slice %dot_general3A_31 {offsets = [3968, 0], sizes = [128, 128], strides = [1, 1]} : vector<5120x128xf32> to vector<128x128xf32>
    %dot_general3A_391 = arith.constant dense<0.000000e+00> : vector<128x128xf32>
    %dot_general3A_392 = tpu.matmul %mul3A_389, %slice3A_390, %dot_general3A_391 {dimension_numbers = #tpu.dot_dimension_numbers<[1], [0], [0], [1], [0, 0, 1, 1], [], []>, transpose_lhs_hint = false} : vector<128x128xf32>, vector<128x128xf32>, vector<128x128xf32> -> vector<128x128xf32>
    %swap3A_393 = arith.constant 3968 : index
    %swap3A_394 = arith.constant 0 : index
    %swap3A_395 = vector.load %arg6[%swap3A_393, %swap3A_394] : memref<5120x128xf32, #tpu.memory_space<vmem>>, vector<128x128xf32>
    tpu.vector_store %arg6[%swap3A_393, %swap3A_394], %dot_general3A_392 {strides = array<i32>} : memref<5120x128xf32, #tpu.memory_space<vmem>>, vector<128x128xf32>,
    %slice3A_396 = vector.extract_strided_slice %rsqrt3A_42 {offsets = [32, 0], sizes = [1, 128], strides = [1, 1]} : vector<40x128xf32> to vector<1x128xf32>
    %squeeze3A_397 = vector.shape_cast %slice3A_396 : vector<1x128xf32> to vector<128xf32>
    %broadcast_in_dim3A_398 = vector.shape_cast %squeeze3A_397 : vector<128xf32> to vector<1x128xf32>
    %mul3A_399 = vector.broadcast %broadcast_in_dim3A_398 : vector<1x128xf32> to vector<128x128xf32>
    %mul3A_400 = arith.mulf %convert_element_type3A_44, %mul3A_399 : vector<128x128xf32>
    %slice3A_401 = vector.extract_strided_slice %dot_general3A_31 {offsets = [4096, 0], sizes = [128, 128], strides = [1, 1]} : vector<5120x128xf32> to vector<128x128xf32>
    %dot_general3A_402 = arith.constant dense<0.000000e+00> : vector<128x128xf32>
    %dot_general3A_403 = tpu.matmul %mul3A_400, %slice3A_401, %dot_general3A_402 {dimension_numbers = #tpu.dot_dimension_numbers<[1], [0], [0], [1], [0, 0, 1, 1], [], []>, transpose_lhs_hint = false} : vector<128x128xf32>, vector<128x128xf32>, vector<128x128xf32> -> vector<128x128xf32>
    %swap3A_404 = arith.constant 4096 : index
    %swap3A_405 = arith.constant 0 : index
    %swap3A_406 = vector.load %arg6[%swap3A_404, %swap3A_405] : memref<5120x128xf32, #tpu.memory_space<vmem>>, vector<128x128xf32>
    tpu.vector_store %arg6[%swap3A_404, %swap3A_405], %dot_general3A_403 {strides = array<i32>} : memref<5120x128xf32, #tpu.memory_space<vmem>>, vector<128x128xf32>,
    %slice3A_407 = vector.extract_strided_slice %rsqrt3A_42 {offsets = [33, 0], sizes = [1, 128], strides = [1, 1]} : vector<40x128xf32> to vector<1x128xf32>
    %squeeze3A_408 = vector.shape_cast %slice3A_407 : vector<1x128xf32> to vector<128xf32>
    %broadcast_in_dim3A_409 = vector.shape_cast %squeeze3A_408 : vector<128xf32> to vector<1x128xf32>
    %mul3A_410 = vector.broadcast %broadcast_in_dim3A_409 : vector<1x128xf32> to vector<128x128xf32>
    %mul3A_411 = arith.mulf %convert_element_type3A_44, %mul3A_410 : vector<128x128xf32>
    %slice3A_412 = vector.extract_strided_slice %dot_general3A_31 {offsets = [4224, 0], sizes = [128, 128], strides = [1, 1]} : vector<5120x128xf32> to vector<128x128xf32>
    %dot_general3A_413 = arith.constant dense<0.000000e+00> : vector<128x128xf32>
    %dot_general3A_414 = tpu.matmul %mul3A_411, %slice3A_412, %dot_general3A_413 {dimension_numbers = #tpu.dot_dimension_numbers<[1], [0], [0], [1], [0, 0, 1, 1], [], []>, transpose_lhs_hint = false} : vector<128x128xf32>, vector<128x128xf32>, vector<128x128xf32> -> vector<128x128xf32>
    %swap3A_415 = arith.constant 4224 : index
    %swap3A_416 = arith.constant 0 : index
    %swap3A_417 = vector.load %arg6[%swap3A_415, %swap3A_416] : memref<5120x128xf32, #tpu.memory_space<vmem>>, vector<128x128xf32>
    tpu.vector_store %arg6[%swap3A_415, %swap3A_416], %dot_general3A_414 {strides = array<i32>} : memref<5120x128xf32, #tpu.memory_space<vmem>>, vector<128x128xf32>,
    %slice3A_418 = vector.extract_strided_slice %rsqrt3A_42 {offsets = [34, 0], sizes = [1, 128], strides = [1, 1]} : vector<40x128xf32> to vector<1x128xf32>
    %squeeze3A_419 = vector.shape_cast %slice3A_418 : vector<1x128xf32> to vector<128xf32>
    %broadcast_in_dim3A_420 = vector.shape_cast %squeeze3A_419 : vector<128xf32> to vector<1x128xf32>
    %mul3A_421 = vector.broadcast %broadcast_in_dim3A_420 : vector<1x128xf32> to vector<128x128xf32>
    %mul3A_422 = arith.mulf %convert_element_type3A_44, %mul3A_421 : vector<128x128xf32>
    %slice3A_423 = vector.extract_strided_slice %dot_general3A_31 {offsets = [4352, 0], sizes = [128, 128], strides = [1, 1]} : vector<5120x128xf32> to vector<128x128xf32>
    %dot_general3A_424 = arith.constant dense<0.000000e+00> : vector<128x128xf32>
    %dot_general3A_425 = tpu.matmul %mul3A_422, %slice3A_423, %dot_general3A_424 {dimension_numbers = #tpu.dot_dimension_numbers<[1], [0], [0], [1], [0, 0, 1, 1], [], []>, transpose_lhs_hint = false} : vector<128x128xf32>, vector<128x128xf32>, vector<128x128xf32> -> vector<128x128xf32>
    %swap3A_426 = arith.constant 4352 : index
    %swap3A_427 = arith.constant 0 : index
    %swap3A_428 = vector.load %arg6[%swap3A_426, %swap3A_427] : memref<5120x128xf32, #tpu.memory_space<vmem>>, vector<128x128xf32>
    tpu.vector_store %arg6[%swap3A_426, %swap3A_427], %dot_general3A_425 {strides = array<i32>} : memref<5120x128xf32, #tpu.memory_space<vmem>>, vector<128x128xf32>,
    %slice3A_429 = vector.extract_strided_slice %rsqrt3A_42 {offsets = [35, 0], sizes = [1, 128], strides = [1, 1]} : vector<40x128xf32> to vector<1x128xf32>
    %squeeze3A_430 = vector.shape_cast %slice3A_429 : vector<1x128xf32> to vector<128xf32>
    %broadcast_in_dim3A_431 = vector.shape_cast %squeeze3A_430 : vector<128xf32> to vector<1x128xf32>
    %mul3A_432 = vector.broadcast %broadcast_in_dim3A_431 : vector<1x128xf32> to vector<128x128xf32>
    %mul3A_433 = arith.mulf %convert_element_type3A_44, %mul3A_432 : vector<128x128xf32>
    %slice3A_434 = vector.extract_strided_slice %dot_general3A_31 {offsets = [4480, 0], sizes = [128, 128], strides = [1, 1]} : vector<5120x128xf32> to vector<128x128xf32>
    %dot_general3A_435 = arith.constant dense<0.000000e+00> : vector<128x128xf32>
    %dot_general3A_436 = tpu.matmul %mul3A_433, %slice3A_434, %dot_general3A_435 {dimension_numbers = #tpu.dot_dimension_numbers<[1], [0], [0], [1], [0, 0, 1, 1], [], []>, transpose_lhs_hint = false} : vector<128x128xf32>, vector<128x128xf32>, vector<128x128xf32> -> vector<128x128xf32>
    %swap3A_437 = arith.constant 4480 : index
    %swap3A_438 = arith.constant 0 : index
    %swap3A_439 = vector.load %arg6[%swap3A_437, %swap3A_438] : memref<5120x128xf32, #tpu.memory_space<vmem>>, vector<128x128xf32>
    tpu.vector_store %arg6[%swap3A_437, %swap3A_438], %dot_general3A_436 {strides = array<i32>} : memref<5120x128xf32, #tpu.memory_space<vmem>>, vector<128x128xf32>,
    %slice3A_440 = vector.extract_strided_slice %rsqrt3A_42 {offsets = [36, 0], sizes = [1, 128], strides = [1, 1]} : vector<40x128xf32> to vector<1x128xf32>
    %squeeze3A_441 = vector.shape_cast %slice3A_440 : vector<1x128xf32> to vector<128xf32>
    %broadcast_in_dim3A_442 = vector.shape_cast %squeeze3A_441 : vector<128xf32> to vector<1x128xf32>
    %mul3A_443 = vector.broadcast %broadcast_in_dim3A_442 : vector<1x128xf32> to vector<128x128xf32>
    %mul3A_444 = arith.mulf %convert_element_type3A_44, %mul3A_443 : vector<128x128xf32>
    %slice3A_445 = vector.extract_strided_slice %dot_general3A_31 {offsets = [4608, 0], sizes = [128, 128], strides = [1, 1]} : vector<5120x128xf32> to vector<128x128xf32>
    %dot_general3A_446 = arith.constant dense<0.000000e+00> : vector<128x128xf32>
    %dot_general3A_447 = tpu.matmul %mul3A_444, %slice3A_445, %dot_general3A_446 {dimension_numbers = #tpu.dot_dimension_numbers<[1], [0], [0], [1], [0, 0, 1, 1], [], []>, transpose_lhs_hint = false} : vector<128x128xf32>, vector<128x128xf32>, vector<128x128xf32> -> vector<128x128xf32>
    %swap3A_448 = arith.constant 4608 : index
    %swap3A_449 = arith.constant 0 : index
    %swap3A_450 = vector.load %arg6[%swap3A_448, %swap3A_449] : memref<5120x128xf32, #tpu.memory_space<vmem>>, vector<128x128xf32>
    tpu.vector_store %arg6[%swap3A_448, %swap3A_449], %dot_general3A_447 {strides = array<i32>} : memref<5120x128xf32, #tpu.memory_space<vmem>>, vector<128x128xf32>,
    %slice3A_451 = vector.extract_strided_slice %rsqrt3A_42 {offsets = [37, 0], sizes = [1, 128], strides = [1, 1]} : vector<40x128xf32> to vector<1x128xf32>
    %squeeze3A_452 = vector.shape_cast %slice3A_451 : vector<1x128xf32> to vector<128xf32>
    %broadcast_in_dim3A_453 = vector.shape_cast %squeeze3A_452 : vector<128xf32> to vector<1x128xf32>
    %mul3A_454 = vector.broadcast %broadcast_in_dim3A_453 : vector<1x128xf32> to vector<128x128xf32>
    %mul3A_455 = arith.mulf %convert_element_type3A_44, %mul3A_454 : vector<128x128xf32>
    %slice3A_456 = vector.extract_strided_slice %dot_general3A_31 {offsets = [4736, 0], sizes = [128, 128], strides = [1, 1]} : vector<5120x128xf32> to vector<128x128xf32>
    %dot_general3A_457 = arith.constant dense<0.000000e+00> : vector<128x128xf32>
    %dot_general3A_458 = tpu.matmul %mul3A_455, %slice3A_456, %dot_general3A_457 {dimension_numbers = #tpu.dot_dimension_numbers<[1], [0], [0], [1], [0, 0, 1, 1], [], []>, transpose_lhs_hint = false} : vector<128x128xf32>, vector<128x128xf32>, vector<128x128xf32> -> vector<128x128xf32>
    %swap3A_459 = arith.constant 4736 : index
    %swap3A_460 = arith.constant 0 : index
    %swap3A_461 = vector.load %arg6[%swap3A_459, %swap3A_460] : memref<5120x128xf32, #tpu.memory_space<vmem>>, vector<128x128xf32>
    tpu.vector_store %arg6[%swap3A_459, %swap3A_460], %dot_general3A_458 {strides = array<i32>} : memref<5120x128xf32, #tpu.memory_space<vmem>>, vector<128x128xf32>,
    %slice3A_462 = vector.extract_strided_slice %rsqrt3A_42 {offsets = [38, 0], sizes = [1, 128], strides = [1, 1]} : vector<40x128xf32> to vector<1x128xf32>
    %squeeze3A_463 = vector.shape_cast %slice3A_462 : vector<1x128xf32> to vector<128xf32>
    %broadcast_in_dim3A_464 = vector.shape_cast %squeeze3A_463 : vector<128xf32> to vector<1x128xf32>
    %mul3A_465 = vector.broadcast %broadcast_in_dim3A_464 : vector<1x128xf32> to vector<128x128xf32>
    %mul3A_466 = arith.mulf %convert_element_type3A_44, %mul3A_465 : vector<128x128xf32>
    %slice3A_467 = vector.extract_strided_slice %dot_general3A_31 {offsets = [4864, 0], sizes = [128, 128], strides = [1, 1]} : vector<5120x128xf32> to vector<128x128xf32>
    %dot_general3A_468 = arith.constant dense<0.000000e+00> : vector<128x128xf32>
    %dot_general3A_469 = tpu.matmul %mul3A_466, %slice3A_467, %dot_general3A_468 {dimension_numbers = #tpu.dot_dimension_numbers<[1], [0], [0], [1], [0, 0, 1, 1], [], []>, transpose_lhs_hint = false} : vector<128x128xf32>, vector<128x128xf32>, vector<128x128xf32> -> vector<128x128xf32>
    %swap3A_470 = arith.constant 4864 : index
    %swap3A_471 = arith.constant 0 : index
    %swap3A_472 = vector.load %arg6[%swap3A_470, %swap3A_471] : memref<5120x128xf32, #tpu.memory_space<vmem>>, vector<128x128xf32>
    tpu.vector_store %arg6[%swap3A_470, %swap3A_471], %dot_general3A_469 {strides = array<i32>} : memref<5120x128xf32, #tpu.memory_space<vmem>>, vector<128x128xf32>,
    %slice3A_473 = vector.extract_strided_slice %rsqrt3A_42 {offsets = [39, 0], sizes = [1, 128], strides = [1, 1]} : vector<40x128xf32> to vector<1x128xf32>
    %squeeze3A_474 = vector.shape_cast %slice3A_473 : vector<1x128xf32> to vector<128xf32>
    %broadcast_in_dim3A_475 = vector.shape_cast %squeeze3A_474 : vector<128xf32> to vector<1x128xf32>
    %mul3A_476 = vector.broadcast %broadcast_in_dim3A_475 : vector<1x128xf32> to vector<128x128xf32>
    %mul3A_477 = arith.mulf %convert_element_type3A_44, %mul3A_476 : vector<128x128xf32>
    %slice3A_478 = vector.extract_strided_slice %dot_general3A_31 {offsets = [4992, 0], sizes = [128, 128], strides = [1, 1]} : vector<5120x128xf32> to vector<128x128xf32>
    %dot_general3A_479 = arith.constant dense<0.000000e+00> : vector<128x128xf32>
    %dot_general3A_480 = tpu.matmul %mul3A_477, %slice3A_478, %dot_general3A_479 {dimension_numbers = #tpu.dot_dimension_numbers<[1], [0], [0], [1], [0, 0, 1, 1], [], []>, transpose_lhs_hint = false} : vector<128x128xf32>, vector<128x128xf32>, vector<128x128xf32> -> vector<128x128xf32>
    %swap3A_481 = arith.constant 4992 : index
    %swap3A_482 = arith.constant 0 : index
    %swap3A_483 = vector.load %arg6[%swap3A_481, %swap3A_482] : memref<5120x128xf32, #tpu.memory_space<vmem>>, vector<128x128xf32>
    tpu.vector_store %arg6[%swap3A_481, %swap3A_482], %dot_general3A_480 {strides = array<i32>} : memref<5120x128xf32, #tpu.memory_space<vmem>>, vector<128x128xf32>,
    return
  }
  func.func @transform_0(%arg0: i32) -> (i32, i32) {
    %c0_i32 = arith.constant 0 : i32
    %c0_i32_0 = arith.constant 0 : i32
    return %arg0, %c0_i32 : i32, i32
  }
  func.func @transform_1(%arg0: i32) -> (i32, i32) {
    %c0_i32 = arith.constant 0 : i32
    %c0_i32_0 = arith.constant 0 : i32
    %c0_i32_1 = arith.constant 0 : i32
    return %c0_i32, %c0_i32_0 : i32, i32
  }
  func.func @transform_2(%arg0: i32) -> (i32, i32) {
    %c0_i32 = arith.constant 0 : i32
    %c0_i32_0 = arith.constant 0 : i32
    %c0_i32_1 = arith.constant 0 : i32
    return %c0_i32, %c0_i32_0 : i32, i32
  }
  func.func @transform_3(%arg0: i32) -> (i32, i32) {
    %c0_i32 = arith.constant 0 : i32
    %c0_i32_0 = arith.constant 0 : i32
    %c0_i32_1 = arith.constant 0 : i32
    return %c0_i32, %c0_i32_0 : i32, i32
  }
  func.func @transform_4(%arg0: i32) -> (i32, i32, i32) {
    %c0_i32 = arith.constant 0 : i32
    %c0_i32_0 = arith.constant 0 : i32
    %c0_i32_1 = arith.constant 0 : i32
    return %c0_i32, %arg0, %c0_i32_0 : i32, i32, i32
  }
  func.func @transform_5(%arg0: i32) -> (i32, i32) {
    %c0_i32 = arith.constant 0 : i32
    %c0_i32_0 = arith.constant 0 : i32
    return %arg0, %c0_i32 : i32, i32
  }
}

module attributes {stable_mosaic.version = 14 : i64} {
  func.func @_final_body(%arg0: i32, %arg1: memref<2x5120x128xf32, #tpu.memory_space<vmem>>, %arg2: memref<5120x128xf32, #tpu.memory_space<vmem>>, %arg3: memref<2x40x128xf32, #tpu.memory_space<vmem>>, %arg4: memref<1x128xf32, #tpu.memory_space<vmem>>, %arg5: memref<5120x128xf32, #tpu.memory_space<vmem>>) attributes {dimension_semantics = [#tpu.dimension_semantics<arbitrary>], iteration_bounds = array<i64: 2>, scalar_prefetch = 0 : i64, scratch_operands = 0 : i64, tpu.core_type = #tpu.core_type<tc>, window_params = [{transform_indices = @transform_0, window_bounds = array<i64: 2, 5120, 128>}, {transform_indices = @transform_1, window_bounds = array<i64: 5120, 128>}, {transform_indices = @transform_2, window_bounds = array<i64: 2, 40, 128>}, {pipeline_mode = #tpu.pipeline_mode<synchronous>, transform_indices = @transform_3, window_bounds = array<i64: 1, 128>}, {transform_indices = @transform_4, window_bounds = array<i64: 5120, 128>}]} {
    %get3A = arith.constant 0 : index
    %get3A_0 = arith.constant 0 : index
    %get3A_1 = arith.constant 0 : index
    %get3A_2 = vector.load %arg1[%get3A, %get3A_0, %get3A_1] : memref<2x5120x128xf32, #tpu.memory_space<vmem>>, vector<2x5120x128xf32>
    %slice3A = vector.extract_strided_slice %get3A_2 {offsets = [0, 0, 0], sizes = [1, 5120, 128], strides = [1, 1, 1]} : vector<2x5120x128xf32> to vector<1x5120x128xf32>
    %squeeze3A = vector.shape_cast %slice3A : vector<1x5120x128xf32> to vector<5120x128xf32>
    %slice3A_3 = vector.extract_strided_slice %get3A_2 {offsets = [1, 0, 0], sizes = [1, 5120, 128], strides = [1, 1, 1]} : vector<2x5120x128xf32> to vector<1x5120x128xf32>
    %squeeze3A_4 = vector.shape_cast %slice3A_3 : vector<1x5120x128xf32> to vector<5120x128xf32>
    %add3A = arith.addf %squeeze3A, %squeeze3A_4 : vector<5120x128xf32>
    %get3A_5 = arith.constant 0 : index
    %get3A_6 = arith.constant 0 : index
    %get3A_7 = vector.load %arg2[%get3A_5, %get3A_6] : memref<5120x128xf32, #tpu.memory_space<vmem>>, vector<5120x128xf32>
    %add3A_8 = arith.addf %add3A, %get3A_7 : vector<5120x128xf32>
    %get3A_9 = arith.constant 0 : index
    %get3A_10 = arith.constant 0 : index
    %get3A_11 = arith.constant 0 : index
    %get3A_12 = vector.load %arg3[%get3A_9, %get3A_10, %get3A_11] : memref<2x40x128xf32, #tpu.memory_space<vmem>>, vector<2x40x128xf32>
    %slice3A_13 = vector.extract_strided_slice %get3A_12 {offsets = [0, 0, 0], sizes = [1, 40, 128], strides = [1, 1, 1]} : vector<2x40x128xf32> to vector<1x40x128xf32>
    %squeeze3A_14 = vector.shape_cast %slice3A_13 : vector<1x40x128xf32> to vector<40x128xf32>
    %slice3A_15 = vector.extract_strided_slice %get3A_12 {offsets = [1, 0, 0], sizes = [1, 40, 128], strides = [1, 1, 1]} : vector<2x40x128xf32> to vector<1x40x128xf32>
    %squeeze3A_16 = vector.shape_cast %slice3A_15 : vector<1x40x128xf32> to vector<40x128xf32>
    %add3A_17 = arith.addf %squeeze3A_14, %squeeze3A_16 : vector<40x128xf32>
    %add3A_18 = arith.constant 1.000000e+00 : f32
    %add3A_19 = vector.broadcast %add3A_18 : f32 to vector<40x128xf32>
    %add3A_20 = arith.addf %add3A_17, %add3A_19 : vector<40x128xf32>
    %rsqrt3A = math.rsqrt %add3A_20 : vector<40x128xf32>
    %iota3A = tpu.iota {dimensions = array<i32: 0>} : vector<128x128xi32>
    %iota3A_21 = tpu.iota {dimensions = array<i32: 1>} : vector<128x128xi32>
    %eq3A = arith.cmpi eq, %iota3A, %iota3A_21 : vector<128x128xi32>
    %convert_element_type3A = arith.extui %eq3A : vector<128x128xi1> to vector<128x128xi32>
    %convert_element_type3A_22 = arith.sitofp %convert_element_type3A : vector<128x128xi32> to vector<128x128xf32>
    %get3A_23 = arith.constant 0 : index
    %get3A_24 = arith.constant 0 : index
    %get3A_25 = vector.load %arg4[%get3A_23, %get3A_24] : memref<1x128xf32, #tpu.memory_space<vmem>>, vector<1x128xf32>
    %slice3A_26 = vector.extract_strided_slice %rsqrt3A {offsets = [0, 0], sizes = [1, 128], strides = [1, 1]} : vector<40x128xf32> to vector<1x128xf32>
    %squeeze3A_27 = vector.shape_cast %slice3A_26 : vector<1x128xf32> to vector<128xf32>
    %broadcast_in_dim3A = vector.shape_cast %squeeze3A_27 : vector<128xf32> to vector<1x128xf32>
    %mul3A = vector.broadcast %broadcast_in_dim3A : vector<1x128xf32> to vector<128x128xf32>
    %mul3A_28 = arith.mulf %convert_element_type3A_22, %mul3A : vector<128x128xf32>
    %slice3A_29 = vector.extract_strided_slice %add3A_8 {offsets = [0, 0], sizes = [128, 128], strides = [1, 1]} : vector<5120x128xf32> to vector<128x128xf32>
    %dot_general3A = arith.constant dense<0.000000e+00> : vector<128x128xf32>
    %dot_general3A_30 = tpu.matmul %mul3A_28, %slice3A_29, %dot_general3A {dimension_numbers = #tpu.dot_dimension_numbers<[1], [0], [0], [1], [0, 0, 1, 1], [], []>, transpose_lhs_hint = false} : vector<128x128xf32>, vector<128x128xf32>, vector<128x128xf32> -> vector<128x128xf32>
    %add3A_31 = vector.broadcast %get3A_25 : vector<1x128xf32> to vector<128x128xf32>
    %add3A_32 = arith.addf %dot_general3A_30, %add3A_31 : vector<128x128xf32>
    %swap3A = arith.constant 0 : index
    %swap3A_33 = arith.constant 0 : index
    %swap3A_34 = vector.load %arg5[%swap3A, %swap3A_33] : memref<5120x128xf32, #tpu.memory_space<vmem>>, vector<128x128xf32>
    tpu.vector_store %arg5[%swap3A, %swap3A_33], %add3A_32 {strides = array<i32>} : memref<5120x128xf32, #tpu.memory_space<vmem>>, vector<128x128xf32>,
    %slice3A_35 = vector.extract_strided_slice %rsqrt3A {offsets = [1, 0], sizes = [1, 128], strides = [1, 1]} : vector<40x128xf32> to vector<1x128xf32>
    %squeeze3A_36 = vector.shape_cast %slice3A_35 : vector<1x128xf32> to vector<128xf32>
    %broadcast_in_dim3A_37 = vector.shape_cast %squeeze3A_36 : vector<128xf32> to vector<1x128xf32>
    %mul3A_38 = vector.broadcast %broadcast_in_dim3A_37 : vector<1x128xf32> to vector<128x128xf32>
    %mul3A_39 = arith.mulf %convert_element_type3A_22, %mul3A_38 : vector<128x128xf32>
    %slice3A_40 = vector.extract_strided_slice %add3A_8 {offsets = [128, 0], sizes = [128, 128], strides = [1, 1]} : vector<5120x128xf32> to vector<128x128xf32>
    %dot_general3A_41 = arith.constant dense<0.000000e+00> : vector<128x128xf32>
    %dot_general3A_42 = tpu.matmul %mul3A_39, %slice3A_40, %dot_general3A_41 {dimension_numbers = #tpu.dot_dimension_numbers<[1], [0], [0], [1], [0, 0, 1, 1], [], []>, transpose_lhs_hint = false} : vector<128x128xf32>, vector<128x128xf32>, vector<128x128xf32> -> vector<128x128xf32>
    %add3A_43 = vector.broadcast %get3A_25 : vector<1x128xf32> to vector<128x128xf32>
    %add3A_44 = arith.addf %dot_general3A_42, %add3A_43 : vector<128x128xf32>
    %swap3A_45 = arith.constant 128 : index
    %swap3A_46 = arith.constant 0 : index
    %swap3A_47 = vector.load %arg5[%swap3A_45, %swap3A_46] : memref<5120x128xf32, #tpu.memory_space<vmem>>, vector<128x128xf32>
    tpu.vector_store %arg5[%swap3A_45, %swap3A_46], %add3A_44 {strides = array<i32>} : memref<5120x128xf32, #tpu.memory_space<vmem>>, vector<128x128xf32>,
    %slice3A_48 = vector.extract_strided_slice %rsqrt3A {offsets = [2, 0], sizes = [1, 128], strides = [1, 1]} : vector<40x128xf32> to vector<1x128xf32>
    %squeeze3A_49 = vector.shape_cast %slice3A_48 : vector<1x128xf32> to vector<128xf32>
    %broadcast_in_dim3A_50 = vector.shape_cast %squeeze3A_49 : vector<128xf32> to vector<1x128xf32>
    %mul3A_51 = vector.broadcast %broadcast_in_dim3A_50 : vector<1x128xf32> to vector<128x128xf32>
    %mul3A_52 = arith.mulf %convert_element_type3A_22, %mul3A_51 : vector<128x128xf32>
    %slice3A_53 = vector.extract_strided_slice %add3A_8 {offsets = [256, 0], sizes = [128, 128], strides = [1, 1]} : vector<5120x128xf32> to vector<128x128xf32>
    %dot_general3A_54 = arith.constant dense<0.000000e+00> : vector<128x128xf32>
    %dot_general3A_55 = tpu.matmul %mul3A_52, %slice3A_53, %dot_general3A_54 {dimension_numbers = #tpu.dot_dimension_numbers<[1], [0], [0], [1], [0, 0, 1, 1], [], []>, transpose_lhs_hint = false} : vector<128x128xf32>, vector<128x128xf32>, vector<128x128xf32> -> vector<128x128xf32>
    %add3A_56 = vector.broadcast %get3A_25 : vector<1x128xf32> to vector<128x128xf32>
    %add3A_57 = arith.addf %dot_general3A_55, %add3A_56 : vector<128x128xf32>
    %swap3A_58 = arith.constant 256 : index
    %swap3A_59 = arith.constant 0 : index
    %swap3A_60 = vector.load %arg5[%swap3A_58, %swap3A_59] : memref<5120x128xf32, #tpu.memory_space<vmem>>, vector<128x128xf32>
    tpu.vector_store %arg5[%swap3A_58, %swap3A_59], %add3A_57 {strides = array<i32>} : memref<5120x128xf32, #tpu.memory_space<vmem>>, vector<128x128xf32>,
    %slice3A_61 = vector.extract_strided_slice %rsqrt3A {offsets = [3, 0], sizes = [1, 128], strides = [1, 1]} : vector<40x128xf32> to vector<1x128xf32>
    %squeeze3A_62 = vector.shape_cast %slice3A_61 : vector<1x128xf32> to vector<128xf32>
    %broadcast_in_dim3A_63 = vector.shape_cast %squeeze3A_62 : vector<128xf32> to vector<1x128xf32>
    %mul3A_64 = vector.broadcast %broadcast_in_dim3A_63 : vector<1x128xf32> to vector<128x128xf32>
    %mul3A_65 = arith.mulf %convert_element_type3A_22, %mul3A_64 : vector<128x128xf32>
    %slice3A_66 = vector.extract_strided_slice %add3A_8 {offsets = [384, 0], sizes = [128, 128], strides = [1, 1]} : vector<5120x128xf32> to vector<128x128xf32>
    %dot_general3A_67 = arith.constant dense<0.000000e+00> : vector<128x128xf32>
    %dot_general3A_68 = tpu.matmul %mul3A_65, %slice3A_66, %dot_general3A_67 {dimension_numbers = #tpu.dot_dimension_numbers<[1], [0], [0], [1], [0, 0, 1, 1], [], []>, transpose_lhs_hint = false} : vector<128x128xf32>, vector<128x128xf32>, vector<128x128xf32> -> vector<128x128xf32>
    %add3A_69 = vector.broadcast %get3A_25 : vector<1x128xf32> to vector<128x128xf32>
    %add3A_70 = arith.addf %dot_general3A_68, %add3A_69 : vector<128x128xf32>
    %swap3A_71 = arith.constant 384 : index
    %swap3A_72 = arith.constant 0 : index
    %swap3A_73 = vector.load %arg5[%swap3A_71, %swap3A_72] : memref<5120x128xf32, #tpu.memory_space<vmem>>, vector<128x128xf32>
    tpu.vector_store %arg5[%swap3A_71, %swap3A_72], %add3A_70 {strides = array<i32>} : memref<5120x128xf32, #tpu.memory_space<vmem>>, vector<128x128xf32>,
    %slice3A_74 = vector.extract_strided_slice %rsqrt3A {offsets = [4, 0], sizes = [1, 128], strides = [1, 1]} : vector<40x128xf32> to vector<1x128xf32>
    %squeeze3A_75 = vector.shape_cast %slice3A_74 : vector<1x128xf32> to vector<128xf32>
    %broadcast_in_dim3A_76 = vector.shape_cast %squeeze3A_75 : vector<128xf32> to vector<1x128xf32>
    %mul3A_77 = vector.broadcast %broadcast_in_dim3A_76 : vector<1x128xf32> to vector<128x128xf32>
    %mul3A_78 = arith.mulf %convert_element_type3A_22, %mul3A_77 : vector<128x128xf32>
    %slice3A_79 = vector.extract_strided_slice %add3A_8 {offsets = [512, 0], sizes = [128, 128], strides = [1, 1]} : vector<5120x128xf32> to vector<128x128xf32>
    %dot_general3A_80 = arith.constant dense<0.000000e+00> : vector<128x128xf32>
    %dot_general3A_81 = tpu.matmul %mul3A_78, %slice3A_79, %dot_general3A_80 {dimension_numbers = #tpu.dot_dimension_numbers<[1], [0], [0], [1], [0, 0, 1, 1], [], []>, transpose_lhs_hint = false} : vector<128x128xf32>, vector<128x128xf32>, vector<128x128xf32> -> vector<128x128xf32>
    %add3A_82 = vector.broadcast %get3A_25 : vector<1x128xf32> to vector<128x128xf32>
    %add3A_83 = arith.addf %dot_general3A_81, %add3A_82 : vector<128x128xf32>
    %swap3A_84 = arith.constant 512 : index
    %swap3A_85 = arith.constant 0 : index
    %swap3A_86 = vector.load %arg5[%swap3A_84, %swap3A_85] : memref<5120x128xf32, #tpu.memory_space<vmem>>, vector<128x128xf32>
    tpu.vector_store %arg5[%swap3A_84, %swap3A_85], %add3A_83 {strides = array<i32>} : memref<5120x128xf32, #tpu.memory_space<vmem>>, vector<128x128xf32>,
    %slice3A_87 = vector.extract_strided_slice %rsqrt3A {offsets = [5, 0], sizes = [1, 128], strides = [1, 1]} : vector<40x128xf32> to vector<1x128xf32>
    %squeeze3A_88 = vector.shape_cast %slice3A_87 : vector<1x128xf32> to vector<128xf32>
    %broadcast_in_dim3A_89 = vector.shape_cast %squeeze3A_88 : vector<128xf32> to vector<1x128xf32>
    %mul3A_90 = vector.broadcast %broadcast_in_dim3A_89 : vector<1x128xf32> to vector<128x128xf32>
    %mul3A_91 = arith.mulf %convert_element_type3A_22, %mul3A_90 : vector<128x128xf32>
    %slice3A_92 = vector.extract_strided_slice %add3A_8 {offsets = [640, 0], sizes = [128, 128], strides = [1, 1]} : vector<5120x128xf32> to vector<128x128xf32>
    %dot_general3A_93 = arith.constant dense<0.000000e+00> : vector<128x128xf32>
    %dot_general3A_94 = tpu.matmul %mul3A_91, %slice3A_92, %dot_general3A_93 {dimension_numbers = #tpu.dot_dimension_numbers<[1], [0], [0], [1], [0, 0, 1, 1], [], []>, transpose_lhs_hint = false} : vector<128x128xf32>, vector<128x128xf32>, vector<128x128xf32> -> vector<128x128xf32>
    %add3A_95 = vector.broadcast %get3A_25 : vector<1x128xf32> to vector<128x128xf32>
    %add3A_96 = arith.addf %dot_general3A_94, %add3A_95 : vector<128x128xf32>
    %swap3A_97 = arith.constant 640 : index
    %swap3A_98 = arith.constant 0 : index
    %swap3A_99 = vector.load %arg5[%swap3A_97, %swap3A_98] : memref<5120x128xf32, #tpu.memory_space<vmem>>, vector<128x128xf32>
    tpu.vector_store %arg5[%swap3A_97, %swap3A_98], %add3A_96 {strides = array<i32>} : memref<5120x128xf32, #tpu.memory_space<vmem>>, vector<128x128xf32>,
    %slice3A_100 = vector.extract_strided_slice %rsqrt3A {offsets = [6, 0], sizes = [1, 128], strides = [1, 1]} : vector<40x128xf32> to vector<1x128xf32>
    %squeeze3A_101 = vector.shape_cast %slice3A_100 : vector<1x128xf32> to vector<128xf32>
    %broadcast_in_dim3A_102 = vector.shape_cast %squeeze3A_101 : vector<128xf32> to vector<1x128xf32>
    %mul3A_103 = vector.broadcast %broadcast_in_dim3A_102 : vector<1x128xf32> to vector<128x128xf32>
    %mul3A_104 = arith.mulf %convert_element_type3A_22, %mul3A_103 : vector<128x128xf32>
    %slice3A_105 = vector.extract_strided_slice %add3A_8 {offsets = [768, 0], sizes = [128, 128], strides = [1, 1]} : vector<5120x128xf32> to vector<128x128xf32>
    %dot_general3A_106 = arith.constant dense<0.000000e+00> : vector<128x128xf32>
    %dot_general3A_107 = tpu.matmul %mul3A_104, %slice3A_105, %dot_general3A_106 {dimension_numbers = #tpu.dot_dimension_numbers<[1], [0], [0], [1], [0, 0, 1, 1], [], []>, transpose_lhs_hint = false} : vector<128x128xf32>, vector<128x128xf32>, vector<128x128xf32> -> vector<128x128xf32>
    %add3A_108 = vector.broadcast %get3A_25 : vector<1x128xf32> to vector<128x128xf32>
    %add3A_109 = arith.addf %dot_general3A_107, %add3A_108 : vector<128x128xf32>
    %swap3A_110 = arith.constant 768 : index
    %swap3A_111 = arith.constant 0 : index
    %swap3A_112 = vector.load %arg5[%swap3A_110, %swap3A_111] : memref<5120x128xf32, #tpu.memory_space<vmem>>, vector<128x128xf32>
    tpu.vector_store %arg5[%swap3A_110, %swap3A_111], %add3A_109 {strides = array<i32>} : memref<5120x128xf32, #tpu.memory_space<vmem>>, vector<128x128xf32>,
    %slice3A_113 = vector.extract_strided_slice %rsqrt3A {offsets = [7, 0], sizes = [1, 128], strides = [1, 1]} : vector<40x128xf32> to vector<1x128xf32>
    %squeeze3A_114 = vector.shape_cast %slice3A_113 : vector<1x128xf32> to vector<128xf32>
    %broadcast_in_dim3A_115 = vector.shape_cast %squeeze3A_114 : vector<128xf32> to vector<1x128xf32>
    %mul3A_116 = vector.broadcast %broadcast_in_dim3A_115 : vector<1x128xf32> to vector<128x128xf32>
    %mul3A_117 = arith.mulf %convert_element_type3A_22, %mul3A_116 : vector<128x128xf32>
    %slice3A_118 = vector.extract_strided_slice %add3A_8 {offsets = [896, 0], sizes = [128, 128], strides = [1, 1]} : vector<5120x128xf32> to vector<128x128xf32>
    %dot_general3A_119 = arith.constant dense<0.000000e+00> : vector<128x128xf32>
    %dot_general3A_120 = tpu.matmul %mul3A_117, %slice3A_118, %dot_general3A_119 {dimension_numbers = #tpu.dot_dimension_numbers<[1], [0], [0], [1], [0, 0, 1, 1], [], []>, transpose_lhs_hint = false} : vector<128x128xf32>, vector<128x128xf32>, vector<128x128xf32> -> vector<128x128xf32>
    %add3A_121 = vector.broadcast %get3A_25 : vector<1x128xf32> to vector<128x128xf32>
    %add3A_122 = arith.addf %dot_general3A_120, %add3A_121 : vector<128x128xf32>
    %swap3A_123 = arith.constant 896 : index
    %swap3A_124 = arith.constant 0 : index
    %swap3A_125 = vector.load %arg5[%swap3A_123, %swap3A_124] : memref<5120x128xf32, #tpu.memory_space<vmem>>, vector<128x128xf32>
    tpu.vector_store %arg5[%swap3A_123, %swap3A_124], %add3A_122 {strides = array<i32>} : memref<5120x128xf32, #tpu.memory_space<vmem>>, vector<128x128xf32>,
    %slice3A_126 = vector.extract_strided_slice %rsqrt3A {offsets = [8, 0], sizes = [1, 128], strides = [1, 1]} : vector<40x128xf32> to vector<1x128xf32>
    %squeeze3A_127 = vector.shape_cast %slice3A_126 : vector<1x128xf32> to vector<128xf32>
    %broadcast_in_dim3A_128 = vector.shape_cast %squeeze3A_127 : vector<128xf32> to vector<1x128xf32>
    %mul3A_129 = vector.broadcast %broadcast_in_dim3A_128 : vector<1x128xf32> to vector<128x128xf32>
    %mul3A_130 = arith.mulf %convert_element_type3A_22, %mul3A_129 : vector<128x128xf32>
    %slice3A_131 = vector.extract_strided_slice %add3A_8 {offsets = [1024, 0], sizes = [128, 128], strides = [1, 1]} : vector<5120x128xf32> to vector<128x128xf32>
    %dot_general3A_132 = arith.constant dense<0.000000e+00> : vector<128x128xf32>
    %dot_general3A_133 = tpu.matmul %mul3A_130, %slice3A_131, %dot_general3A_132 {dimension_numbers = #tpu.dot_dimension_numbers<[1], [0], [0], [1], [0, 0, 1, 1], [], []>, transpose_lhs_hint = false} : vector<128x128xf32>, vector<128x128xf32>, vector<128x128xf32> -> vector<128x128xf32>
    %add3A_134 = vector.broadcast %get3A_25 : vector<1x128xf32> to vector<128x128xf32>
    %add3A_135 = arith.addf %dot_general3A_133, %add3A_134 : vector<128x128xf32>
    %swap3A_136 = arith.constant 1024 : index
    %swap3A_137 = arith.constant 0 : index
    %swap3A_138 = vector.load %arg5[%swap3A_136, %swap3A_137] : memref<5120x128xf32, #tpu.memory_space<vmem>>, vector<128x128xf32>
    tpu.vector_store %arg5[%swap3A_136, %swap3A_137], %add3A_135 {strides = array<i32>} : memref<5120x128xf32, #tpu.memory_space<vmem>>, vector<128x128xf32>,
    %slice3A_139 = vector.extract_strided_slice %rsqrt3A {offsets = [9, 0], sizes = [1, 128], strides = [1, 1]} : vector<40x128xf32> to vector<1x128xf32>
    %squeeze3A_140 = vector.shape_cast %slice3A_139 : vector<1x128xf32> to vector<128xf32>
    %broadcast_in_dim3A_141 = vector.shape_cast %squeeze3A_140 : vector<128xf32> to vector<1x128xf32>
    %mul3A_142 = vector.broadcast %broadcast_in_dim3A_141 : vector<1x128xf32> to vector<128x128xf32>
    %mul3A_143 = arith.mulf %convert_element_type3A_22, %mul3A_142 : vector<128x128xf32>
    %slice3A_144 = vector.extract_strided_slice %add3A_8 {offsets = [1152, 0], sizes = [128, 128], strides = [1, 1]} : vector<5120x128xf32> to vector<128x128xf32>
    %dot_general3A_145 = arith.constant dense<0.000000e+00> : vector<128x128xf32>
    %dot_general3A_146 = tpu.matmul %mul3A_143, %slice3A_144, %dot_general3A_145 {dimension_numbers = #tpu.dot_dimension_numbers<[1], [0], [0], [1], [0, 0, 1, 1], [], []>, transpose_lhs_hint = false} : vector<128x128xf32>, vector<128x128xf32>, vector<128x128xf32> -> vector<128x128xf32>
    %add3A_147 = vector.broadcast %get3A_25 : vector<1x128xf32> to vector<128x128xf32>
    %add3A_148 = arith.addf %dot_general3A_146, %add3A_147 : vector<128x128xf32>
    %swap3A_149 = arith.constant 1152 : index
    %swap3A_150 = arith.constant 0 : index
    %swap3A_151 = vector.load %arg5[%swap3A_149, %swap3A_150] : memref<5120x128xf32, #tpu.memory_space<vmem>>, vector<128x128xf32>
    tpu.vector_store %arg5[%swap3A_149, %swap3A_150], %add3A_148 {strides = array<i32>} : memref<5120x128xf32, #tpu.memory_space<vmem>>, vector<128x128xf32>,
    %slice3A_152 = vector.extract_strided_slice %rsqrt3A {offsets = [10, 0], sizes = [1, 128], strides = [1, 1]} : vector<40x128xf32> to vector<1x128xf32>
    %squeeze3A_153 = vector.shape_cast %slice3A_152 : vector<1x128xf32> to vector<128xf32>
    %broadcast_in_dim3A_154 = vector.shape_cast %squeeze3A_153 : vector<128xf32> to vector<1x128xf32>
    %mul3A_155 = vector.broadcast %broadcast_in_dim3A_154 : vector<1x128xf32> to vector<128x128xf32>
    %mul3A_156 = arith.mulf %convert_element_type3A_22, %mul3A_155 : vector<128x128xf32>
    %slice3A_157 = vector.extract_strided_slice %add3A_8 {offsets = [1280, 0], sizes = [128, 128], strides = [1, 1]} : vector<5120x128xf32> to vector<128x128xf32>
    %dot_general3A_158 = arith.constant dense<0.000000e+00> : vector<128x128xf32>
    %dot_general3A_159 = tpu.matmul %mul3A_156, %slice3A_157, %dot_general3A_158 {dimension_numbers = #tpu.dot_dimension_numbers<[1], [0], [0], [1], [0, 0, 1, 1], [], []>, transpose_lhs_hint = false} : vector<128x128xf32>, vector<128x128xf32>, vector<128x128xf32> -> vector<128x128xf32>
    %add3A_160 = vector.broadcast %get3A_25 : vector<1x128xf32> to vector<128x128xf32>
    %add3A_161 = arith.addf %dot_general3A_159, %add3A_160 : vector<128x128xf32>
    %swap3A_162 = arith.constant 1280 : index
    %swap3A_163 = arith.constant 0 : index
    %swap3A_164 = vector.load %arg5[%swap3A_162, %swap3A_163] : memref<5120x128xf32, #tpu.memory_space<vmem>>, vector<128x128xf32>
    tpu.vector_store %arg5[%swap3A_162, %swap3A_163], %add3A_161 {strides = array<i32>} : memref<5120x128xf32, #tpu.memory_space<vmem>>, vector<128x128xf32>,
    %slice3A_165 = vector.extract_strided_slice %rsqrt3A {offsets = [11, 0], sizes = [1, 128], strides = [1, 1]} : vector<40x128xf32> to vector<1x128xf32>
    %squeeze3A_166 = vector.shape_cast %slice3A_165 : vector<1x128xf32> to vector<128xf32>
    %broadcast_in_dim3A_167 = vector.shape_cast %squeeze3A_166 : vector<128xf32> to vector<1x128xf32>
    %mul3A_168 = vector.broadcast %broadcast_in_dim3A_167 : vector<1x128xf32> to vector<128x128xf32>
    %mul3A_169 = arith.mulf %convert_element_type3A_22, %mul3A_168 : vector<128x128xf32>
    %slice3A_170 = vector.extract_strided_slice %add3A_8 {offsets = [1408, 0], sizes = [128, 128], strides = [1, 1]} : vector<5120x128xf32> to vector<128x128xf32>
    %dot_general3A_171 = arith.constant dense<0.000000e+00> : vector<128x128xf32>
    %dot_general3A_172 = tpu.matmul %mul3A_169, %slice3A_170, %dot_general3A_171 {dimension_numbers = #tpu.dot_dimension_numbers<[1], [0], [0], [1], [0, 0, 1, 1], [], []>, transpose_lhs_hint = false} : vector<128x128xf32>, vector<128x128xf32>, vector<128x128xf32> -> vector<128x128xf32>
    %add3A_173 = vector.broadcast %get3A_25 : vector<1x128xf32> to vector<128x128xf32>
    %add3A_174 = arith.addf %dot_general3A_172, %add3A_173 : vector<128x128xf32>
    %swap3A_175 = arith.constant 1408 : index
    %swap3A_176 = arith.constant 0 : index
    %swap3A_177 = vector.load %arg5[%swap3A_175, %swap3A_176] : memref<5120x128xf32, #tpu.memory_space<vmem>>, vector<128x128xf32>
    tpu.vector_store %arg5[%swap3A_175, %swap3A_176], %add3A_174 {strides = array<i32>} : memref<5120x128xf32, #tpu.memory_space<vmem>>, vector<128x128xf32>,
    %slice3A_178 = vector.extract_strided_slice %rsqrt3A {offsets = [12, 0], sizes = [1, 128], strides = [1, 1]} : vector<40x128xf32> to vector<1x128xf32>
    %squeeze3A_179 = vector.shape_cast %slice3A_178 : vector<1x128xf32> to vector<128xf32>
    %broadcast_in_dim3A_180 = vector.shape_cast %squeeze3A_179 : vector<128xf32> to vector<1x128xf32>
    %mul3A_181 = vector.broadcast %broadcast_in_dim3A_180 : vector<1x128xf32> to vector<128x128xf32>
    %mul3A_182 = arith.mulf %convert_element_type3A_22, %mul3A_181 : vector<128x128xf32>
    %slice3A_183 = vector.extract_strided_slice %add3A_8 {offsets = [1536, 0], sizes = [128, 128], strides = [1, 1]} : vector<5120x128xf32> to vector<128x128xf32>
    %dot_general3A_184 = arith.constant dense<0.000000e+00> : vector<128x128xf32>
    %dot_general3A_185 = tpu.matmul %mul3A_182, %slice3A_183, %dot_general3A_184 {dimension_numbers = #tpu.dot_dimension_numbers<[1], [0], [0], [1], [0, 0, 1, 1], [], []>, transpose_lhs_hint = false} : vector<128x128xf32>, vector<128x128xf32>, vector<128x128xf32> -> vector<128x128xf32>
    %add3A_186 = vector.broadcast %get3A_25 : vector<1x128xf32> to vector<128x128xf32>
    %add3A_187 = arith.addf %dot_general3A_185, %add3A_186 : vector<128x128xf32>
    %swap3A_188 = arith.constant 1536 : index
    %swap3A_189 = arith.constant 0 : index
    %swap3A_190 = vector.load %arg5[%swap3A_188, %swap3A_189] : memref<5120x128xf32, #tpu.memory_space<vmem>>, vector<128x128xf32>
    tpu.vector_store %arg5[%swap3A_188, %swap3A_189], %add3A_187 {strides = array<i32>} : memref<5120x128xf32, #tpu.memory_space<vmem>>, vector<128x128xf32>,
    %slice3A_191 = vector.extract_strided_slice %rsqrt3A {offsets = [13, 0], sizes = [1, 128], strides = [1, 1]} : vector<40x128xf32> to vector<1x128xf32>
    %squeeze3A_192 = vector.shape_cast %slice3A_191 : vector<1x128xf32> to vector<128xf32>
    %broadcast_in_dim3A_193 = vector.shape_cast %squeeze3A_192 : vector<128xf32> to vector<1x128xf32>
    %mul3A_194 = vector.broadcast %broadcast_in_dim3A_193 : vector<1x128xf32> to vector<128x128xf32>
    %mul3A_195 = arith.mulf %convert_element_type3A_22, %mul3A_194 : vector<128x128xf32>
    %slice3A_196 = vector.extract_strided_slice %add3A_8 {offsets = [1664, 0], sizes = [128, 128], strides = [1, 1]} : vector<5120x128xf32> to vector<128x128xf32>
    %dot_general3A_197 = arith.constant dense<0.000000e+00> : vector<128x128xf32>
    %dot_general3A_198 = tpu.matmul %mul3A_195, %slice3A_196, %dot_general3A_197 {dimension_numbers = #tpu.dot_dimension_numbers<[1], [0], [0], [1], [0, 0, 1, 1], [], []>, transpose_lhs_hint = false} : vector<128x128xf32>, vector<128x128xf32>, vector<128x128xf32> -> vector<128x128xf32>
    %add3A_199 = vector.broadcast %get3A_25 : vector<1x128xf32> to vector<128x128xf32>
    %add3A_200 = arith.addf %dot_general3A_198, %add3A_199 : vector<128x128xf32>
    %swap3A_201 = arith.constant 1664 : index
    %swap3A_202 = arith.constant 0 : index
    %swap3A_203 = vector.load %arg5[%swap3A_201, %swap3A_202] : memref<5120x128xf32, #tpu.memory_space<vmem>>, vector<128x128xf32>
    tpu.vector_store %arg5[%swap3A_201, %swap3A_202], %add3A_200 {strides = array<i32>} : memref<5120x128xf32, #tpu.memory_space<vmem>>, vector<128x128xf32>,
    %slice3A_204 = vector.extract_strided_slice %rsqrt3A {offsets = [14, 0], sizes = [1, 128], strides = [1, 1]} : vector<40x128xf32> to vector<1x128xf32>
    %squeeze3A_205 = vector.shape_cast %slice3A_204 : vector<1x128xf32> to vector<128xf32>
    %broadcast_in_dim3A_206 = vector.shape_cast %squeeze3A_205 : vector<128xf32> to vector<1x128xf32>
    %mul3A_207 = vector.broadcast %broadcast_in_dim3A_206 : vector<1x128xf32> to vector<128x128xf32>
    %mul3A_208 = arith.mulf %convert_element_type3A_22, %mul3A_207 : vector<128x128xf32>
    %slice3A_209 = vector.extract_strided_slice %add3A_8 {offsets = [1792, 0], sizes = [128, 128], strides = [1, 1]} : vector<5120x128xf32> to vector<128x128xf32>
    %dot_general3A_210 = arith.constant dense<0.000000e+00> : vector<128x128xf32>
    %dot_general3A_211 = tpu.matmul %mul3A_208, %slice3A_209, %dot_general3A_210 {dimension_numbers = #tpu.dot_dimension_numbers<[1], [0], [0], [1], [0, 0, 1, 1], [], []>, transpose_lhs_hint = false} : vector<128x128xf32>, vector<128x128xf32>, vector<128x128xf32> -> vector<128x128xf32>
    %add3A_212 = vector.broadcast %get3A_25 : vector<1x128xf32> to vector<128x128xf32>
    %add3A_213 = arith.addf %dot_general3A_211, %add3A_212 : vector<128x128xf32>
    %swap3A_214 = arith.constant 1792 : index
    %swap3A_215 = arith.constant 0 : index
    %swap3A_216 = vector.load %arg5[%swap3A_214, %swap3A_215] : memref<5120x128xf32, #tpu.memory_space<vmem>>, vector<128x128xf32>
    tpu.vector_store %arg5[%swap3A_214, %swap3A_215], %add3A_213 {strides = array<i32>} : memref<5120x128xf32, #tpu.memory_space<vmem>>, vector<128x128xf32>,
    %slice3A_217 = vector.extract_strided_slice %rsqrt3A {offsets = [15, 0], sizes = [1, 128], strides = [1, 1]} : vector<40x128xf32> to vector<1x128xf32>
    %squeeze3A_218 = vector.shape_cast %slice3A_217 : vector<1x128xf32> to vector<128xf32>
    %broadcast_in_dim3A_219 = vector.shape_cast %squeeze3A_218 : vector<128xf32> to vector<1x128xf32>
    %mul3A_220 = vector.broadcast %broadcast_in_dim3A_219 : vector<1x128xf32> to vector<128x128xf32>
    %mul3A_221 = arith.mulf %convert_element_type3A_22, %mul3A_220 : vector<128x128xf32>
    %slice3A_222 = vector.extract_strided_slice %add3A_8 {offsets = [1920, 0], sizes = [128, 128], strides = [1, 1]} : vector<5120x128xf32> to vector<128x128xf32>
    %dot_general3A_223 = arith.constant dense<0.000000e+00> : vector<128x128xf32>
    %dot_general3A_224 = tpu.matmul %mul3A_221, %slice3A_222, %dot_general3A_223 {dimension_numbers = #tpu.dot_dimension_numbers<[1], [0], [0], [1], [0, 0, 1, 1], [], []>, transpose_lhs_hint = false} : vector<128x128xf32>, vector<128x128xf32>, vector<128x128xf32> -> vector<128x128xf32>
    %add3A_225 = vector.broadcast %get3A_25 : vector<1x128xf32> to vector<128x128xf32>
    %add3A_226 = arith.addf %dot_general3A_224, %add3A_225 : vector<128x128xf32>
    %swap3A_227 = arith.constant 1920 : index
    %swap3A_228 = arith.constant 0 : index
    %swap3A_229 = vector.load %arg5[%swap3A_227, %swap3A_228] : memref<5120x128xf32, #tpu.memory_space<vmem>>, vector<128x128xf32>
    tpu.vector_store %arg5[%swap3A_227, %swap3A_228], %add3A_226 {strides = array<i32>} : memref<5120x128xf32, #tpu.memory_space<vmem>>, vector<128x128xf32>,
    %slice3A_230 = vector.extract_strided_slice %rsqrt3A {offsets = [16, 0], sizes = [1, 128], strides = [1, 1]} : vector<40x128xf32> to vector<1x128xf32>
    %squeeze3A_231 = vector.shape_cast %slice3A_230 : vector<1x128xf32> to vector<128xf32>
    %broadcast_in_dim3A_232 = vector.shape_cast %squeeze3A_231 : vector<128xf32> to vector<1x128xf32>
    %mul3A_233 = vector.broadcast %broadcast_in_dim3A_232 : vector<1x128xf32> to vector<128x128xf32>
    %mul3A_234 = arith.mulf %convert_element_type3A_22, %mul3A_233 : vector<128x128xf32>
    %slice3A_235 = vector.extract_strided_slice %add3A_8 {offsets = [2048, 0], sizes = [128, 128], strides = [1, 1]} : vector<5120x128xf32> to vector<128x128xf32>
    %dot_general3A_236 = arith.constant dense<0.000000e+00> : vector<128x128xf32>
    %dot_general3A_237 = tpu.matmul %mul3A_234, %slice3A_235, %dot_general3A_236 {dimension_numbers = #tpu.dot_dimension_numbers<[1], [0], [0], [1], [0, 0, 1, 1], [], []>, transpose_lhs_hint = false} : vector<128x128xf32>, vector<128x128xf32>, vector<128x128xf32> -> vector<128x128xf32>
    %add3A_238 = vector.broadcast %get3A_25 : vector<1x128xf32> to vector<128x128xf32>
    %add3A_239 = arith.addf %dot_general3A_237, %add3A_238 : vector<128x128xf32>
    %swap3A_240 = arith.constant 2048 : index
    %swap3A_241 = arith.constant 0 : index
    %swap3A_242 = vector.load %arg5[%swap3A_240, %swap3A_241] : memref<5120x128xf32, #tpu.memory_space<vmem>>, vector<128x128xf32>
    tpu.vector_store %arg5[%swap3A_240, %swap3A_241], %add3A_239 {strides = array<i32>} : memref<5120x128xf32, #tpu.memory_space<vmem>>, vector<128x128xf32>,
    %slice3A_243 = vector.extract_strided_slice %rsqrt3A {offsets = [17, 0], sizes = [1, 128], strides = [1, 1]} : vector<40x128xf32> to vector<1x128xf32>
    %squeeze3A_244 = vector.shape_cast %slice3A_243 : vector<1x128xf32> to vector<128xf32>
    %broadcast_in_dim3A_245 = vector.shape_cast %squeeze3A_244 : vector<128xf32> to vector<1x128xf32>
    %mul3A_246 = vector.broadcast %broadcast_in_dim3A_245 : vector<1x128xf32> to vector<128x128xf32>
    %mul3A_247 = arith.mulf %convert_element_type3A_22, %mul3A_246 : vector<128x128xf32>
    %slice3A_248 = vector.extract_strided_slice %add3A_8 {offsets = [2176, 0], sizes = [128, 128], strides = [1, 1]} : vector<5120x128xf32> to vector<128x128xf32>
    %dot_general3A_249 = arith.constant dense<0.000000e+00> : vector<128x128xf32>
    %dot_general3A_250 = tpu.matmul %mul3A_247, %slice3A_248, %dot_general3A_249 {dimension_numbers = #tpu.dot_dimension_numbers<[1], [0], [0], [1], [0, 0, 1, 1], [], []>, transpose_lhs_hint = false} : vector<128x128xf32>, vector<128x128xf32>, vector<128x128xf32> -> vector<128x128xf32>
    %add3A_251 = vector.broadcast %get3A_25 : vector<1x128xf32> to vector<128x128xf32>
    %add3A_252 = arith.addf %dot_general3A_250, %add3A_251 : vector<128x128xf32>
    %swap3A_253 = arith.constant 2176 : index
    %swap3A_254 = arith.constant 0 : index
    %swap3A_255 = vector.load %arg5[%swap3A_253, %swap3A_254] : memref<5120x128xf32, #tpu.memory_space<vmem>>, vector<128x128xf32>
    tpu.vector_store %arg5[%swap3A_253, %swap3A_254], %add3A_252 {strides = array<i32>} : memref<5120x128xf32, #tpu.memory_space<vmem>>, vector<128x128xf32>,
    %slice3A_256 = vector.extract_strided_slice %rsqrt3A {offsets = [18, 0], sizes = [1, 128], strides = [1, 1]} : vector<40x128xf32> to vector<1x128xf32>
    %squeeze3A_257 = vector.shape_cast %slice3A_256 : vector<1x128xf32> to vector<128xf32>
    %broadcast_in_dim3A_258 = vector.shape_cast %squeeze3A_257 : vector<128xf32> to vector<1x128xf32>
    %mul3A_259 = vector.broadcast %broadcast_in_dim3A_258 : vector<1x128xf32> to vector<128x128xf32>
    %mul3A_260 = arith.mulf %convert_element_type3A_22, %mul3A_259 : vector<128x128xf32>
    %slice3A_261 = vector.extract_strided_slice %add3A_8 {offsets = [2304, 0], sizes = [128, 128], strides = [1, 1]} : vector<5120x128xf32> to vector<128x128xf32>
    %dot_general3A_262 = arith.constant dense<0.000000e+00> : vector<128x128xf32>
    %dot_general3A_263 = tpu.matmul %mul3A_260, %slice3A_261, %dot_general3A_262 {dimension_numbers = #tpu.dot_dimension_numbers<[1], [0], [0], [1], [0, 0, 1, 1], [], []>, transpose_lhs_hint = false} : vector<128x128xf32>, vector<128x128xf32>, vector<128x128xf32> -> vector<128x128xf32>
    %add3A_264 = vector.broadcast %get3A_25 : vector<1x128xf32> to vector<128x128xf32>
    %add3A_265 = arith.addf %dot_general3A_263, %add3A_264 : vector<128x128xf32>
    %swap3A_266 = arith.constant 2304 : index
    %swap3A_267 = arith.constant 0 : index
    %swap3A_268 = vector.load %arg5[%swap3A_266, %swap3A_267] : memref<5120x128xf32, #tpu.memory_space<vmem>>, vector<128x128xf32>
    tpu.vector_store %arg5[%swap3A_266, %swap3A_267], %add3A_265 {strides = array<i32>} : memref<5120x128xf32, #tpu.memory_space<vmem>>, vector<128x128xf32>,
    %slice3A_269 = vector.extract_strided_slice %rsqrt3A {offsets = [19, 0], sizes = [1, 128], strides = [1, 1]} : vector<40x128xf32> to vector<1x128xf32>
    %squeeze3A_270 = vector.shape_cast %slice3A_269 : vector<1x128xf32> to vector<128xf32>
    %broadcast_in_dim3A_271 = vector.shape_cast %squeeze3A_270 : vector<128xf32> to vector<1x128xf32>
    %mul3A_272 = vector.broadcast %broadcast_in_dim3A_271 : vector<1x128xf32> to vector<128x128xf32>
    %mul3A_273 = arith.mulf %convert_element_type3A_22, %mul3A_272 : vector<128x128xf32>
    %slice3A_274 = vector.extract_strided_slice %add3A_8 {offsets = [2432, 0], sizes = [128, 128], strides = [1, 1]} : vector<5120x128xf32> to vector<128x128xf32>
    %dot_general3A_275 = arith.constant dense<0.000000e+00> : vector<128x128xf32>
    %dot_general3A_276 = tpu.matmul %mul3A_273, %slice3A_274, %dot_general3A_275 {dimension_numbers = #tpu.dot_dimension_numbers<[1], [0], [0], [1], [0, 0, 1, 1], [], []>, transpose_lhs_hint = false} : vector<128x128xf32>, vector<128x128xf32>, vector<128x128xf32> -> vector<128x128xf32>
    %add3A_277 = vector.broadcast %get3A_25 : vector<1x128xf32> to vector<128x128xf32>
    %add3A_278 = arith.addf %dot_general3A_276, %add3A_277 : vector<128x128xf32>
    %swap3A_279 = arith.constant 2432 : index
    %swap3A_280 = arith.constant 0 : index
    %swap3A_281 = vector.load %arg5[%swap3A_279, %swap3A_280] : memref<5120x128xf32, #tpu.memory_space<vmem>>, vector<128x128xf32>
    tpu.vector_store %arg5[%swap3A_279, %swap3A_280], %add3A_278 {strides = array<i32>} : memref<5120x128xf32, #tpu.memory_space<vmem>>, vector<128x128xf32>,
    %slice3A_282 = vector.extract_strided_slice %rsqrt3A {offsets = [20, 0], sizes = [1, 128], strides = [1, 1]} : vector<40x128xf32> to vector<1x128xf32>
    %squeeze3A_283 = vector.shape_cast %slice3A_282 : vector<1x128xf32> to vector<128xf32>
    %broadcast_in_dim3A_284 = vector.shape_cast %squeeze3A_283 : vector<128xf32> to vector<1x128xf32>
    %mul3A_285 = vector.broadcast %broadcast_in_dim3A_284 : vector<1x128xf32> to vector<128x128xf32>
    %mul3A_286 = arith.mulf %convert_element_type3A_22, %mul3A_285 : vector<128x128xf32>
    %slice3A_287 = vector.extract_strided_slice %add3A_8 {offsets = [2560, 0], sizes = [128, 128], strides = [1, 1]} : vector<5120x128xf32> to vector<128x128xf32>
    %dot_general3A_288 = arith.constant dense<0.000000e+00> : vector<128x128xf32>
    %dot_general3A_289 = tpu.matmul %mul3A_286, %slice3A_287, %dot_general3A_288 {dimension_numbers = #tpu.dot_dimension_numbers<[1], [0], [0], [1], [0, 0, 1, 1], [], []>, transpose_lhs_hint = false} : vector<128x128xf32>, vector<128x128xf32>, vector<128x128xf32> -> vector<128x128xf32>
    %add3A_290 = vector.broadcast %get3A_25 : vector<1x128xf32> to vector<128x128xf32>
    %add3A_291 = arith.addf %dot_general3A_289, %add3A_290 : vector<128x128xf32>
    %swap3A_292 = arith.constant 2560 : index
    %swap3A_293 = arith.constant 0 : index
    %swap3A_294 = vector.load %arg5[%swap3A_292, %swap3A_293] : memref<5120x128xf32, #tpu.memory_space<vmem>>, vector<128x128xf32>
    tpu.vector_store %arg5[%swap3A_292, %swap3A_293], %add3A_291 {strides = array<i32>} : memref<5120x128xf32, #tpu.memory_space<vmem>>, vector<128x128xf32>,
    %slice3A_295 = vector.extract_strided_slice %rsqrt3A {offsets = [21, 0], sizes = [1, 128], strides = [1, 1]} : vector<40x128xf32> to vector<1x128xf32>
    %squeeze3A_296 = vector.shape_cast %slice3A_295 : vector<1x128xf32> to vector<128xf32>
    %broadcast_in_dim3A_297 = vector.shape_cast %squeeze3A_296 : vector<128xf32> to vector<1x128xf32>
    %mul3A_298 = vector.broadcast %broadcast_in_dim3A_297 : vector<1x128xf32> to vector<128x128xf32>
    %mul3A_299 = arith.mulf %convert_element_type3A_22, %mul3A_298 : vector<128x128xf32>
    %slice3A_300 = vector.extract_strided_slice %add3A_8 {offsets = [2688, 0], sizes = [128, 128], strides = [1, 1]} : vector<5120x128xf32> to vector<128x128xf32>
    %dot_general3A_301 = arith.constant dense<0.000000e+00> : vector<128x128xf32>
    %dot_general3A_302 = tpu.matmul %mul3A_299, %slice3A_300, %dot_general3A_301 {dimension_numbers = #tpu.dot_dimension_numbers<[1], [0], [0], [1], [0, 0, 1, 1], [], []>, transpose_lhs_hint = false} : vector<128x128xf32>, vector<128x128xf32>, vector<128x128xf32> -> vector<128x128xf32>
    %add3A_303 = vector.broadcast %get3A_25 : vector<1x128xf32> to vector<128x128xf32>
    %add3A_304 = arith.addf %dot_general3A_302, %add3A_303 : vector<128x128xf32>
    %swap3A_305 = arith.constant 2688 : index
    %swap3A_306 = arith.constant 0 : index
    %swap3A_307 = vector.load %arg5[%swap3A_305, %swap3A_306] : memref<5120x128xf32, #tpu.memory_space<vmem>>, vector<128x128xf32>
    tpu.vector_store %arg5[%swap3A_305, %swap3A_306], %add3A_304 {strides = array<i32>} : memref<5120x128xf32, #tpu.memory_space<vmem>>, vector<128x128xf32>,
    %slice3A_308 = vector.extract_strided_slice %rsqrt3A {offsets = [22, 0], sizes = [1, 128], strides = [1, 1]} : vector<40x128xf32> to vector<1x128xf32>
    %squeeze3A_309 = vector.shape_cast %slice3A_308 : vector<1x128xf32> to vector<128xf32>
    %broadcast_in_dim3A_310 = vector.shape_cast %squeeze3A_309 : vector<128xf32> to vector<1x128xf32>
    %mul3A_311 = vector.broadcast %broadcast_in_dim3A_310 : vector<1x128xf32> to vector<128x128xf32>
    %mul3A_312 = arith.mulf %convert_element_type3A_22, %mul3A_311 : vector<128x128xf32>
    %slice3A_313 = vector.extract_strided_slice %add3A_8 {offsets = [2816, 0], sizes = [128, 128], strides = [1, 1]} : vector<5120x128xf32> to vector<128x128xf32>
    %dot_general3A_314 = arith.constant dense<0.000000e+00> : vector<128x128xf32>
    %dot_general3A_315 = tpu.matmul %mul3A_312, %slice3A_313, %dot_general3A_314 {dimension_numbers = #tpu.dot_dimension_numbers<[1], [0], [0], [1], [0, 0, 1, 1], [], []>, transpose_lhs_hint = false} : vector<128x128xf32>, vector<128x128xf32>, vector<128x128xf32> -> vector<128x128xf32>
    %add3A_316 = vector.broadcast %get3A_25 : vector<1x128xf32> to vector<128x128xf32>
    %add3A_317 = arith.addf %dot_general3A_315, %add3A_316 : vector<128x128xf32>
    %swap3A_318 = arith.constant 2816 : index
    %swap3A_319 = arith.constant 0 : index
    %swap3A_320 = vector.load %arg5[%swap3A_318, %swap3A_319] : memref<5120x128xf32, #tpu.memory_space<vmem>>, vector<128x128xf32>
    tpu.vector_store %arg5[%swap3A_318, %swap3A_319], %add3A_317 {strides = array<i32>} : memref<5120x128xf32, #tpu.memory_space<vmem>>, vector<128x128xf32>,
    %slice3A_321 = vector.extract_strided_slice %rsqrt3A {offsets = [23, 0], sizes = [1, 128], strides = [1, 1]} : vector<40x128xf32> to vector<1x128xf32>
    %squeeze3A_322 = vector.shape_cast %slice3A_321 : vector<1x128xf32> to vector<128xf32>
    %broadcast_in_dim3A_323 = vector.shape_cast %squeeze3A_322 : vector<128xf32> to vector<1x128xf32>
    %mul3A_324 = vector.broadcast %broadcast_in_dim3A_323 : vector<1x128xf32> to vector<128x128xf32>
    %mul3A_325 = arith.mulf %convert_element_type3A_22, %mul3A_324 : vector<128x128xf32>
    %slice3A_326 = vector.extract_strided_slice %add3A_8 {offsets = [2944, 0], sizes = [128, 128], strides = [1, 1]} : vector<5120x128xf32> to vector<128x128xf32>
    %dot_general3A_327 = arith.constant dense<0.000000e+00> : vector<128x128xf32>
    %dot_general3A_328 = tpu.matmul %mul3A_325, %slice3A_326, %dot_general3A_327 {dimension_numbers = #tpu.dot_dimension_numbers<[1], [0], [0], [1], [0, 0, 1, 1], [], []>, transpose_lhs_hint = false} : vector<128x128xf32>, vector<128x128xf32>, vector<128x128xf32> -> vector<128x128xf32>
    %add3A_329 = vector.broadcast %get3A_25 : vector<1x128xf32> to vector<128x128xf32>
    %add3A_330 = arith.addf %dot_general3A_328, %add3A_329 : vector<128x128xf32>
    %swap3A_331 = arith.constant 2944 : index
    %swap3A_332 = arith.constant 0 : index
    %swap3A_333 = vector.load %arg5[%swap3A_331, %swap3A_332] : memref<5120x128xf32, #tpu.memory_space<vmem>>, vector<128x128xf32>
    tpu.vector_store %arg5[%swap3A_331, %swap3A_332], %add3A_330 {strides = array<i32>} : memref<5120x128xf32, #tpu.memory_space<vmem>>, vector<128x128xf32>,
    %slice3A_334 = vector.extract_strided_slice %rsqrt3A {offsets = [24, 0], sizes = [1, 128], strides = [1, 1]} : vector<40x128xf32> to vector<1x128xf32>
    %squeeze3A_335 = vector.shape_cast %slice3A_334 : vector<1x128xf32> to vector<128xf32>
    %broadcast_in_dim3A_336 = vector.shape_cast %squeeze3A_335 : vector<128xf32> to vector<1x128xf32>
    %mul3A_337 = vector.broadcast %broadcast_in_dim3A_336 : vector<1x128xf32> to vector<128x128xf32>
    %mul3A_338 = arith.mulf %convert_element_type3A_22, %mul3A_337 : vector<128x128xf32>
    %slice3A_339 = vector.extract_strided_slice %add3A_8 {offsets = [3072, 0], sizes = [128, 128], strides = [1, 1]} : vector<5120x128xf32> to vector<128x128xf32>
    %dot_general3A_340 = arith.constant dense<0.000000e+00> : vector<128x128xf32>
    %dot_general3A_341 = tpu.matmul %mul3A_338, %slice3A_339, %dot_general3A_340 {dimension_numbers = #tpu.dot_dimension_numbers<[1], [0], [0], [1], [0, 0, 1, 1], [], []>, transpose_lhs_hint = false} : vector<128x128xf32>, vector<128x128xf32>, vector<128x128xf32> -> vector<128x128xf32>
    %add3A_342 = vector.broadcast %get3A_25 : vector<1x128xf32> to vector<128x128xf32>
    %add3A_343 = arith.addf %dot_general3A_341, %add3A_342 : vector<128x128xf32>
    %swap3A_344 = arith.constant 3072 : index
    %swap3A_345 = arith.constant 0 : index
    %swap3A_346 = vector.load %arg5[%swap3A_344, %swap3A_345] : memref<5120x128xf32, #tpu.memory_space<vmem>>, vector<128x128xf32>
    tpu.vector_store %arg5[%swap3A_344, %swap3A_345], %add3A_343 {strides = array<i32>} : memref<5120x128xf32, #tpu.memory_space<vmem>>, vector<128x128xf32>,
    %slice3A_347 = vector.extract_strided_slice %rsqrt3A {offsets = [25, 0], sizes = [1, 128], strides = [1, 1]} : vector<40x128xf32> to vector<1x128xf32>
    %squeeze3A_348 = vector.shape_cast %slice3A_347 : vector<1x128xf32> to vector<128xf32>
    %broadcast_in_dim3A_349 = vector.shape_cast %squeeze3A_348 : vector<128xf32> to vector<1x128xf32>
    %mul3A_350 = vector.broadcast %broadcast_in_dim3A_349 : vector<1x128xf32> to vector<128x128xf32>
    %mul3A_351 = arith.mulf %convert_element_type3A_22, %mul3A_350 : vector<128x128xf32>
    %slice3A_352 = vector.extract_strided_slice %add3A_8 {offsets = [3200, 0], sizes = [128, 128], strides = [1, 1]} : vector<5120x128xf32> to vector<128x128xf32>
    %dot_general3A_353 = arith.constant dense<0.000000e+00> : vector<128x128xf32>
    %dot_general3A_354 = tpu.matmul %mul3A_351, %slice3A_352, %dot_general3A_353 {dimension_numbers = #tpu.dot_dimension_numbers<[1], [0], [0], [1], [0, 0, 1, 1], [], []>, transpose_lhs_hint = false} : vector<128x128xf32>, vector<128x128xf32>, vector<128x128xf32> -> vector<128x128xf32>
    %add3A_355 = vector.broadcast %get3A_25 : vector<1x128xf32> to vector<128x128xf32>
    %add3A_356 = arith.addf %dot_general3A_354, %add3A_355 : vector<128x128xf32>
    %swap3A_357 = arith.constant 3200 : index
    %swap3A_358 = arith.constant 0 : index
    %swap3A_359 = vector.load %arg5[%swap3A_357, %swap3A_358] : memref<5120x128xf32, #tpu.memory_space<vmem>>, vector<128x128xf32>
    tpu.vector_store %arg5[%swap3A_357, %swap3A_358], %add3A_356 {strides = array<i32>} : memref<5120x128xf32, #tpu.memory_space<vmem>>, vector<128x128xf32>,
    %slice3A_360 = vector.extract_strided_slice %rsqrt3A {offsets = [26, 0], sizes = [1, 128], strides = [1, 1]} : vector<40x128xf32> to vector<1x128xf32>
    %squeeze3A_361 = vector.shape_cast %slice3A_360 : vector<1x128xf32> to vector<128xf32>
    %broadcast_in_dim3A_362 = vector.shape_cast %squeeze3A_361 : vector<128xf32> to vector<1x128xf32>
    %mul3A_363 = vector.broadcast %broadcast_in_dim3A_362 : vector<1x128xf32> to vector<128x128xf32>
    %mul3A_364 = arith.mulf %convert_element_type3A_22, %mul3A_363 : vector<128x128xf32>
    %slice3A_365 = vector.extract_strided_slice %add3A_8 {offsets = [3328, 0], sizes = [128, 128], strides = [1, 1]} : vector<5120x128xf32> to vector<128x128xf32>
    %dot_general3A_366 = arith.constant dense<0.000000e+00> : vector<128x128xf32>
    %dot_general3A_367 = tpu.matmul %mul3A_364, %slice3A_365, %dot_general3A_366 {dimension_numbers = #tpu.dot_dimension_numbers<[1], [0], [0], [1], [0, 0, 1, 1], [], []>, transpose_lhs_hint = false} : vector<128x128xf32>, vector<128x128xf32>, vector<128x128xf32> -> vector<128x128xf32>
    %add3A_368 = vector.broadcast %get3A_25 : vector<1x128xf32> to vector<128x128xf32>
    %add3A_369 = arith.addf %dot_general3A_367, %add3A_368 : vector<128x128xf32>
    %swap3A_370 = arith.constant 3328 : index
    %swap3A_371 = arith.constant 0 : index
    %swap3A_372 = vector.load %arg5[%swap3A_370, %swap3A_371] : memref<5120x128xf32, #tpu.memory_space<vmem>>, vector<128x128xf32>
    tpu.vector_store %arg5[%swap3A_370, %swap3A_371], %add3A_369 {strides = array<i32>} : memref<5120x128xf32, #tpu.memory_space<vmem>>, vector<128x128xf32>,
    %slice3A_373 = vector.extract_strided_slice %rsqrt3A {offsets = [27, 0], sizes = [1, 128], strides = [1, 1]} : vector<40x128xf32> to vector<1x128xf32>
    %squeeze3A_374 = vector.shape_cast %slice3A_373 : vector<1x128xf32> to vector<128xf32>
    %broadcast_in_dim3A_375 = vector.shape_cast %squeeze3A_374 : vector<128xf32> to vector<1x128xf32>
    %mul3A_376 = vector.broadcast %broadcast_in_dim3A_375 : vector<1x128xf32> to vector<128x128xf32>
    %mul3A_377 = arith.mulf %convert_element_type3A_22, %mul3A_376 : vector<128x128xf32>
    %slice3A_378 = vector.extract_strided_slice %add3A_8 {offsets = [3456, 0], sizes = [128, 128], strides = [1, 1]} : vector<5120x128xf32> to vector<128x128xf32>
    %dot_general3A_379 = arith.constant dense<0.000000e+00> : vector<128x128xf32>
    %dot_general3A_380 = tpu.matmul %mul3A_377, %slice3A_378, %dot_general3A_379 {dimension_numbers = #tpu.dot_dimension_numbers<[1], [0], [0], [1], [0, 0, 1, 1], [], []>, transpose_lhs_hint = false} : vector<128x128xf32>, vector<128x128xf32>, vector<128x128xf32> -> vector<128x128xf32>
    %add3A_381 = vector.broadcast %get3A_25 : vector<1x128xf32> to vector<128x128xf32>
    %add3A_382 = arith.addf %dot_general3A_380, %add3A_381 : vector<128x128xf32>
    %swap3A_383 = arith.constant 3456 : index
    %swap3A_384 = arith.constant 0 : index
    %swap3A_385 = vector.load %arg5[%swap3A_383, %swap3A_384] : memref<5120x128xf32, #tpu.memory_space<vmem>>, vector<128x128xf32>
    tpu.vector_store %arg5[%swap3A_383, %swap3A_384], %add3A_382 {strides = array<i32>} : memref<5120x128xf32, #tpu.memory_space<vmem>>, vector<128x128xf32>,
    %slice3A_386 = vector.extract_strided_slice %rsqrt3A {offsets = [28, 0], sizes = [1, 128], strides = [1, 1]} : vector<40x128xf32> to vector<1x128xf32>
    %squeeze3A_387 = vector.shape_cast %slice3A_386 : vector<1x128xf32> to vector<128xf32>
    %broadcast_in_dim3A_388 = vector.shape_cast %squeeze3A_387 : vector<128xf32> to vector<1x128xf32>
    %mul3A_389 = vector.broadcast %broadcast_in_dim3A_388 : vector<1x128xf32> to vector<128x128xf32>
    %mul3A_390 = arith.mulf %convert_element_type3A_22, %mul3A_389 : vector<128x128xf32>
    %slice3A_391 = vector.extract_strided_slice %add3A_8 {offsets = [3584, 0], sizes = [128, 128], strides = [1, 1]} : vector<5120x128xf32> to vector<128x128xf32>
    %dot_general3A_392 = arith.constant dense<0.000000e+00> : vector<128x128xf32>
    %dot_general3A_393 = tpu.matmul %mul3A_390, %slice3A_391, %dot_general3A_392 {dimension_numbers = #tpu.dot_dimension_numbers<[1], [0], [0], [1], [0, 0, 1, 1], [], []>, transpose_lhs_hint = false} : vector<128x128xf32>, vector<128x128xf32>, vector<128x128xf32> -> vector<128x128xf32>
    %add3A_394 = vector.broadcast %get3A_25 : vector<1x128xf32> to vector<128x128xf32>
    %add3A_395 = arith.addf %dot_general3A_393, %add3A_394 : vector<128x128xf32>
    %swap3A_396 = arith.constant 3584 : index
    %swap3A_397 = arith.constant 0 : index
    %swap3A_398 = vector.load %arg5[%swap3A_396, %swap3A_397] : memref<5120x128xf32, #tpu.memory_space<vmem>>, vector<128x128xf32>
    tpu.vector_store %arg5[%swap3A_396, %swap3A_397], %add3A_395 {strides = array<i32>} : memref<5120x128xf32, #tpu.memory_space<vmem>>, vector<128x128xf32>,
    %slice3A_399 = vector.extract_strided_slice %rsqrt3A {offsets = [29, 0], sizes = [1, 128], strides = [1, 1]} : vector<40x128xf32> to vector<1x128xf32>
    %squeeze3A_400 = vector.shape_cast %slice3A_399 : vector<1x128xf32> to vector<128xf32>
    %broadcast_in_dim3A_401 = vector.shape_cast %squeeze3A_400 : vector<128xf32> to vector<1x128xf32>
    %mul3A_402 = vector.broadcast %broadcast_in_dim3A_401 : vector<1x128xf32> to vector<128x128xf32>
    %mul3A_403 = arith.mulf %convert_element_type3A_22, %mul3A_402 : vector<128x128xf32>
    %slice3A_404 = vector.extract_strided_slice %add3A_8 {offsets = [3712, 0], sizes = [128, 128], strides = [1, 1]} : vector<5120x128xf32> to vector<128x128xf32>
    %dot_general3A_405 = arith.constant dense<0.000000e+00> : vector<128x128xf32>
    %dot_general3A_406 = tpu.matmul %mul3A_403, %slice3A_404, %dot_general3A_405 {dimension_numbers = #tpu.dot_dimension_numbers<[1], [0], [0], [1], [0, 0, 1, 1], [], []>, transpose_lhs_hint = false} : vector<128x128xf32>, vector<128x128xf32>, vector<128x128xf32> -> vector<128x128xf32>
    %add3A_407 = vector.broadcast %get3A_25 : vector<1x128xf32> to vector<128x128xf32>
    %add3A_408 = arith.addf %dot_general3A_406, %add3A_407 : vector<128x128xf32>
    %swap3A_409 = arith.constant 3712 : index
    %swap3A_410 = arith.constant 0 : index
    %swap3A_411 = vector.load %arg5[%swap3A_409, %swap3A_410] : memref<5120x128xf32, #tpu.memory_space<vmem>>, vector<128x128xf32>
    tpu.vector_store %arg5[%swap3A_409, %swap3A_410], %add3A_408 {strides = array<i32>} : memref<5120x128xf32, #tpu.memory_space<vmem>>, vector<128x128xf32>,
    %slice3A_412 = vector.extract_strided_slice %rsqrt3A {offsets = [30, 0], sizes = [1, 128], strides = [1, 1]} : vector<40x128xf32> to vector<1x128xf32>
    %squeeze3A_413 = vector.shape_cast %slice3A_412 : vector<1x128xf32> to vector<128xf32>
    %broadcast_in_dim3A_414 = vector.shape_cast %squeeze3A_413 : vector<128xf32> to vector<1x128xf32>
    %mul3A_415 = vector.broadcast %broadcast_in_dim3A_414 : vector<1x128xf32> to vector<128x128xf32>
    %mul3A_416 = arith.mulf %convert_element_type3A_22, %mul3A_415 : vector<128x128xf32>
    %slice3A_417 = vector.extract_strided_slice %add3A_8 {offsets = [3840, 0], sizes = [128, 128], strides = [1, 1]} : vector<5120x128xf32> to vector<128x128xf32>
    %dot_general3A_418 = arith.constant dense<0.000000e+00> : vector<128x128xf32>
    %dot_general3A_419 = tpu.matmul %mul3A_416, %slice3A_417, %dot_general3A_418 {dimension_numbers = #tpu.dot_dimension_numbers<[1], [0], [0], [1], [0, 0, 1, 1], [], []>, transpose_lhs_hint = false} : vector<128x128xf32>, vector<128x128xf32>, vector<128x128xf32> -> vector<128x128xf32>
    %add3A_420 = vector.broadcast %get3A_25 : vector<1x128xf32> to vector<128x128xf32>
    %add3A_421 = arith.addf %dot_general3A_419, %add3A_420 : vector<128x128xf32>
    %swap3A_422 = arith.constant 3840 : index
    %swap3A_423 = arith.constant 0 : index
    %swap3A_424 = vector.load %arg5[%swap3A_422, %swap3A_423] : memref<5120x128xf32, #tpu.memory_space<vmem>>, vector<128x128xf32>
    tpu.vector_store %arg5[%swap3A_422, %swap3A_423], %add3A_421 {strides = array<i32>} : memref<5120x128xf32, #tpu.memory_space<vmem>>, vector<128x128xf32>,
    %slice3A_425 = vector.extract_strided_slice %rsqrt3A {offsets = [31, 0], sizes = [1, 128], strides = [1, 1]} : vector<40x128xf32> to vector<1x128xf32>
    %squeeze3A_426 = vector.shape_cast %slice3A_425 : vector<1x128xf32> to vector<128xf32>
    %broadcast_in_dim3A_427 = vector.shape_cast %squeeze3A_426 : vector<128xf32> to vector<1x128xf32>
    %mul3A_428 = vector.broadcast %broadcast_in_dim3A_427 : vector<1x128xf32> to vector<128x128xf32>
    %mul3A_429 = arith.mulf %convert_element_type3A_22, %mul3A_428 : vector<128x128xf32>
    %slice3A_430 = vector.extract_strided_slice %add3A_8 {offsets = [3968, 0], sizes = [128, 128], strides = [1, 1]} : vector<5120x128xf32> to vector<128x128xf32>
    %dot_general3A_431 = arith.constant dense<0.000000e+00> : vector<128x128xf32>
    %dot_general3A_432 = tpu.matmul %mul3A_429, %slice3A_430, %dot_general3A_431 {dimension_numbers = #tpu.dot_dimension_numbers<[1], [0], [0], [1], [0, 0, 1, 1], [], []>, transpose_lhs_hint = false} : vector<128x128xf32>, vector<128x128xf32>, vector<128x128xf32> -> vector<128x128xf32>
    %add3A_433 = vector.broadcast %get3A_25 : vector<1x128xf32> to vector<128x128xf32>
    %add3A_434 = arith.addf %dot_general3A_432, %add3A_433 : vector<128x128xf32>
    %swap3A_435 = arith.constant 3968 : index
    %swap3A_436 = arith.constant 0 : index
    %swap3A_437 = vector.load %arg5[%swap3A_435, %swap3A_436] : memref<5120x128xf32, #tpu.memory_space<vmem>>, vector<128x128xf32>
    tpu.vector_store %arg5[%swap3A_435, %swap3A_436], %add3A_434 {strides = array<i32>} : memref<5120x128xf32, #tpu.memory_space<vmem>>, vector<128x128xf32>,
    %slice3A_438 = vector.extract_strided_slice %rsqrt3A {offsets = [32, 0], sizes = [1, 128], strides = [1, 1]} : vector<40x128xf32> to vector<1x128xf32>
    %squeeze3A_439 = vector.shape_cast %slice3A_438 : vector<1x128xf32> to vector<128xf32>
    %broadcast_in_dim3A_440 = vector.shape_cast %squeeze3A_439 : vector<128xf32> to vector<1x128xf32>
    %mul3A_441 = vector.broadcast %broadcast_in_dim3A_440 : vector<1x128xf32> to vector<128x128xf32>
    %mul3A_442 = arith.mulf %convert_element_type3A_22, %mul3A_441 : vector<128x128xf32>
    %slice3A_443 = vector.extract_strided_slice %add3A_8 {offsets = [4096, 0], sizes = [128, 128], strides = [1, 1]} : vector<5120x128xf32> to vector<128x128xf32>
    %dot_general3A_444 = arith.constant dense<0.000000e+00> : vector<128x128xf32>
    %dot_general3A_445 = tpu.matmul %mul3A_442, %slice3A_443, %dot_general3A_444 {dimension_numbers = #tpu.dot_dimension_numbers<[1], [0], [0], [1], [0, 0, 1, 1], [], []>, transpose_lhs_hint = false} : vector<128x128xf32>, vector<128x128xf32>, vector<128x128xf32> -> vector<128x128xf32>
    %add3A_446 = vector.broadcast %get3A_25 : vector<1x128xf32> to vector<128x128xf32>
    %add3A_447 = arith.addf %dot_general3A_445, %add3A_446 : vector<128x128xf32>
    %swap3A_448 = arith.constant 4096 : index
    %swap3A_449 = arith.constant 0 : index
    %swap3A_450 = vector.load %arg5[%swap3A_448, %swap3A_449] : memref<5120x128xf32, #tpu.memory_space<vmem>>, vector<128x128xf32>
    tpu.vector_store %arg5[%swap3A_448, %swap3A_449], %add3A_447 {strides = array<i32>} : memref<5120x128xf32, #tpu.memory_space<vmem>>, vector<128x128xf32>,
    %slice3A_451 = vector.extract_strided_slice %rsqrt3A {offsets = [33, 0], sizes = [1, 128], strides = [1, 1]} : vector<40x128xf32> to vector<1x128xf32>
    %squeeze3A_452 = vector.shape_cast %slice3A_451 : vector<1x128xf32> to vector<128xf32>
    %broadcast_in_dim3A_453 = vector.shape_cast %squeeze3A_452 : vector<128xf32> to vector<1x128xf32>
    %mul3A_454 = vector.broadcast %broadcast_in_dim3A_453 : vector<1x128xf32> to vector<128x128xf32>
    %mul3A_455 = arith.mulf %convert_element_type3A_22, %mul3A_454 : vector<128x128xf32>
    %slice3A_456 = vector.extract_strided_slice %add3A_8 {offsets = [4224, 0], sizes = [128, 128], strides = [1, 1]} : vector<5120x128xf32> to vector<128x128xf32>
    %dot_general3A_457 = arith.constant dense<0.000000e+00> : vector<128x128xf32>
    %dot_general3A_458 = tpu.matmul %mul3A_455, %slice3A_456, %dot_general3A_457 {dimension_numbers = #tpu.dot_dimension_numbers<[1], [0], [0], [1], [0, 0, 1, 1], [], []>, transpose_lhs_hint = false} : vector<128x128xf32>, vector<128x128xf32>, vector<128x128xf32> -> vector<128x128xf32>
    %add3A_459 = vector.broadcast %get3A_25 : vector<1x128xf32> to vector<128x128xf32>
    %add3A_460 = arith.addf %dot_general3A_458, %add3A_459 : vector<128x128xf32>
    %swap3A_461 = arith.constant 4224 : index
    %swap3A_462 = arith.constant 0 : index
    %swap3A_463 = vector.load %arg5[%swap3A_461, %swap3A_462] : memref<5120x128xf32, #tpu.memory_space<vmem>>, vector<128x128xf32>
    tpu.vector_store %arg5[%swap3A_461, %swap3A_462], %add3A_460 {strides = array<i32>} : memref<5120x128xf32, #tpu.memory_space<vmem>>, vector<128x128xf32>,
    %slice3A_464 = vector.extract_strided_slice %rsqrt3A {offsets = [34, 0], sizes = [1, 128], strides = [1, 1]} : vector<40x128xf32> to vector<1x128xf32>
    %squeeze3A_465 = vector.shape_cast %slice3A_464 : vector<1x128xf32> to vector<128xf32>
    %broadcast_in_dim3A_466 = vector.shape_cast %squeeze3A_465 : vector<128xf32> to vector<1x128xf32>
    %mul3A_467 = vector.broadcast %broadcast_in_dim3A_466 : vector<1x128xf32> to vector<128x128xf32>
    %mul3A_468 = arith.mulf %convert_element_type3A_22, %mul3A_467 : vector<128x128xf32>
    %slice3A_469 = vector.extract_strided_slice %add3A_8 {offsets = [4352, 0], sizes = [128, 128], strides = [1, 1]} : vector<5120x128xf32> to vector<128x128xf32>
    %dot_general3A_470 = arith.constant dense<0.000000e+00> : vector<128x128xf32>
    %dot_general3A_471 = tpu.matmul %mul3A_468, %slice3A_469, %dot_general3A_470 {dimension_numbers = #tpu.dot_dimension_numbers<[1], [0], [0], [1], [0, 0, 1, 1], [], []>, transpose_lhs_hint = false} : vector<128x128xf32>, vector<128x128xf32>, vector<128x128xf32> -> vector<128x128xf32>
    %add3A_472 = vector.broadcast %get3A_25 : vector<1x128xf32> to vector<128x128xf32>
    %add3A_473 = arith.addf %dot_general3A_471, %add3A_472 : vector<128x128xf32>
    %swap3A_474 = arith.constant 4352 : index
    %swap3A_475 = arith.constant 0 : index
    %swap3A_476 = vector.load %arg5[%swap3A_474, %swap3A_475] : memref<5120x128xf32, #tpu.memory_space<vmem>>, vector<128x128xf32>
    tpu.vector_store %arg5[%swap3A_474, %swap3A_475], %add3A_473 {strides = array<i32>} : memref<5120x128xf32, #tpu.memory_space<vmem>>, vector<128x128xf32>,
    %slice3A_477 = vector.extract_strided_slice %rsqrt3A {offsets = [35, 0], sizes = [1, 128], strides = [1, 1]} : vector<40x128xf32> to vector<1x128xf32>
    %squeeze3A_478 = vector.shape_cast %slice3A_477 : vector<1x128xf32> to vector<128xf32>
    %broadcast_in_dim3A_479 = vector.shape_cast %squeeze3A_478 : vector<128xf32> to vector<1x128xf32>
    %mul3A_480 = vector.broadcast %broadcast_in_dim3A_479 : vector<1x128xf32> to vector<128x128xf32>
    %mul3A_481 = arith.mulf %convert_element_type3A_22, %mul3A_480 : vector<128x128xf32>
    %slice3A_482 = vector.extract_strided_slice %add3A_8 {offsets = [4480, 0], sizes = [128, 128], strides = [1, 1]} : vector<5120x128xf32> to vector<128x128xf32>
    %dot_general3A_483 = arith.constant dense<0.000000e+00> : vector<128x128xf32>
    %dot_general3A_484 = tpu.matmul %mul3A_481, %slice3A_482, %dot_general3A_483 {dimension_numbers = #tpu.dot_dimension_numbers<[1], [0], [0], [1], [0, 0, 1, 1], [], []>, transpose_lhs_hint = false} : vector<128x128xf32>, vector<128x128xf32>, vector<128x128xf32> -> vector<128x128xf32>
    %add3A_485 = vector.broadcast %get3A_25 : vector<1x128xf32> to vector<128x128xf32>
    %add3A_486 = arith.addf %dot_general3A_484, %add3A_485 : vector<128x128xf32>
    %swap3A_487 = arith.constant 4480 : index
    %swap3A_488 = arith.constant 0 : index
    %swap3A_489 = vector.load %arg5[%swap3A_487, %swap3A_488] : memref<5120x128xf32, #tpu.memory_space<vmem>>, vector<128x128xf32>
    tpu.vector_store %arg5[%swap3A_487, %swap3A_488], %add3A_486 {strides = array<i32>} : memref<5120x128xf32, #tpu.memory_space<vmem>>, vector<128x128xf32>,
    %slice3A_490 = vector.extract_strided_slice %rsqrt3A {offsets = [36, 0], sizes = [1, 128], strides = [1, 1]} : vector<40x128xf32> to vector<1x128xf32>
    %squeeze3A_491 = vector.shape_cast %slice3A_490 : vector<1x128xf32> to vector<128xf32>
    %broadcast_in_dim3A_492 = vector.shape_cast %squeeze3A_491 : vector<128xf32> to vector<1x128xf32>
    %mul3A_493 = vector.broadcast %broadcast_in_dim3A_492 : vector<1x128xf32> to vector<128x128xf32>
    %mul3A_494 = arith.mulf %convert_element_type3A_22, %mul3A_493 : vector<128x128xf32>
    %slice3A_495 = vector.extract_strided_slice %add3A_8 {offsets = [4608, 0], sizes = [128, 128], strides = [1, 1]} : vector<5120x128xf32> to vector<128x128xf32>
    %dot_general3A_496 = arith.constant dense<0.000000e+00> : vector<128x128xf32>
    %dot_general3A_497 = tpu.matmul %mul3A_494, %slice3A_495, %dot_general3A_496 {dimension_numbers = #tpu.dot_dimension_numbers<[1], [0], [0], [1], [0, 0, 1, 1], [], []>, transpose_lhs_hint = false} : vector<128x128xf32>, vector<128x128xf32>, vector<128x128xf32> -> vector<128x128xf32>
    %add3A_498 = vector.broadcast %get3A_25 : vector<1x128xf32> to vector<128x128xf32>
    %add3A_499 = arith.addf %dot_general3A_497, %add3A_498 : vector<128x128xf32>
    %swap3A_500 = arith.constant 4608 : index
    %swap3A_501 = arith.constant 0 : index
    %swap3A_502 = vector.load %arg5[%swap3A_500, %swap3A_501] : memref<5120x128xf32, #tpu.memory_space<vmem>>, vector<128x128xf32>
    tpu.vector_store %arg5[%swap3A_500, %swap3A_501], %add3A_499 {strides = array<i32>} : memref<5120x128xf32, #tpu.memory_space<vmem>>, vector<128x128xf32>,
    %slice3A_503 = vector.extract_strided_slice %rsqrt3A {offsets = [37, 0], sizes = [1, 128], strides = [1, 1]} : vector<40x128xf32> to vector<1x128xf32>
    %squeeze3A_504 = vector.shape_cast %slice3A_503 : vector<1x128xf32> to vector<128xf32>
    %broadcast_in_dim3A_505 = vector.shape_cast %squeeze3A_504 : vector<128xf32> to vector<1x128xf32>
    %mul3A_506 = vector.broadcast %broadcast_in_dim3A_505 : vector<1x128xf32> to vector<128x128xf32>
    %mul3A_507 = arith.mulf %convert_element_type3A_22, %mul3A_506 : vector<128x128xf32>
    %slice3A_508 = vector.extract_strided_slice %add3A_8 {offsets = [4736, 0], sizes = [128, 128], strides = [1, 1]} : vector<5120x128xf32> to vector<128x128xf32>
    %dot_general3A_509 = arith.constant dense<0.000000e+00> : vector<128x128xf32>
    %dot_general3A_510 = tpu.matmul %mul3A_507, %slice3A_508, %dot_general3A_509 {dimension_numbers = #tpu.dot_dimension_numbers<[1], [0], [0], [1], [0, 0, 1, 1], [], []>, transpose_lhs_hint = false} : vector<128x128xf32>, vector<128x128xf32>, vector<128x128xf32> -> vector<128x128xf32>
    %add3A_511 = vector.broadcast %get3A_25 : vector<1x128xf32> to vector<128x128xf32>
    %add3A_512 = arith.addf %dot_general3A_510, %add3A_511 : vector<128x128xf32>
    %swap3A_513 = arith.constant 4736 : index
    %swap3A_514 = arith.constant 0 : index
    %swap3A_515 = vector.load %arg5[%swap3A_513, %swap3A_514] : memref<5120x128xf32, #tpu.memory_space<vmem>>, vector<128x128xf32>
    tpu.vector_store %arg5[%swap3A_513, %swap3A_514], %add3A_512 {strides = array<i32>} : memref<5120x128xf32, #tpu.memory_space<vmem>>, vector<128x128xf32>,
    %slice3A_516 = vector.extract_strided_slice %rsqrt3A {offsets = [38, 0], sizes = [1, 128], strides = [1, 1]} : vector<40x128xf32> to vector<1x128xf32>
    %squeeze3A_517 = vector.shape_cast %slice3A_516 : vector<1x128xf32> to vector<128xf32>
    %broadcast_in_dim3A_518 = vector.shape_cast %squeeze3A_517 : vector<128xf32> to vector<1x128xf32>
    %mul3A_519 = vector.broadcast %broadcast_in_dim3A_518 : vector<1x128xf32> to vector<128x128xf32>
    %mul3A_520 = arith.mulf %convert_element_type3A_22, %mul3A_519 : vector<128x128xf32>
    %slice3A_521 = vector.extract_strided_slice %add3A_8 {offsets = [4864, 0], sizes = [128, 128], strides = [1, 1]} : vector<5120x128xf32> to vector<128x128xf32>
    %dot_general3A_522 = arith.constant dense<0.000000e+00> : vector<128x128xf32>
    %dot_general3A_523 = tpu.matmul %mul3A_520, %slice3A_521, %dot_general3A_522 {dimension_numbers = #tpu.dot_dimension_numbers<[1], [0], [0], [1], [0, 0, 1, 1], [], []>, transpose_lhs_hint = false} : vector<128x128xf32>, vector<128x128xf32>, vector<128x128xf32> -> vector<128x128xf32>
    %add3A_524 = vector.broadcast %get3A_25 : vector<1x128xf32> to vector<128x128xf32>
    %add3A_525 = arith.addf %dot_general3A_523, %add3A_524 : vector<128x128xf32>
    %swap3A_526 = arith.constant 4864 : index
    %swap3A_527 = arith.constant 0 : index
    %swap3A_528 = vector.load %arg5[%swap3A_526, %swap3A_527] : memref<5120x128xf32, #tpu.memory_space<vmem>>, vector<128x128xf32>
    tpu.vector_store %arg5[%swap3A_526, %swap3A_527], %add3A_525 {strides = array<i32>} : memref<5120x128xf32, #tpu.memory_space<vmem>>, vector<128x128xf32>,
    %slice3A_529 = vector.extract_strided_slice %rsqrt3A {offsets = [39, 0], sizes = [1, 128], strides = [1, 1]} : vector<40x128xf32> to vector<1x128xf32>
    %squeeze3A_530 = vector.shape_cast %slice3A_529 : vector<1x128xf32> to vector<128xf32>
    %broadcast_in_dim3A_531 = vector.shape_cast %squeeze3A_530 : vector<128xf32> to vector<1x128xf32>
    %mul3A_532 = vector.broadcast %broadcast_in_dim3A_531 : vector<1x128xf32> to vector<128x128xf32>
    %mul3A_533 = arith.mulf %convert_element_type3A_22, %mul3A_532 : vector<128x128xf32>
    %slice3A_534 = vector.extract_strided_slice %add3A_8 {offsets = [4992, 0], sizes = [128, 128], strides = [1, 1]} : vector<5120x128xf32> to vector<128x128xf32>
    %dot_general3A_535 = arith.constant dense<0.000000e+00> : vector<128x128xf32>
    %dot_general3A_536 = tpu.matmul %mul3A_533, %slice3A_534, %dot_general3A_535 {dimension_numbers = #tpu.dot_dimension_numbers<[1], [0], [0], [1], [0, 0, 1, 1], [], []>, transpose_lhs_hint = false} : vector<128x128xf32>, vector<128x128xf32>, vector<128x128xf32> -> vector<128x128xf32>
    %add3A_537 = vector.broadcast %get3A_25 : vector<1x128xf32> to vector<128x128xf32>
    %add3A_538 = arith.addf %dot_general3A_536, %add3A_537 : vector<128x128xf32>
    %swap3A_539 = arith.constant 4992 : index
    %swap3A_540 = arith.constant 0 : index
    %swap3A_541 = vector.load %arg5[%swap3A_539, %swap3A_540] : memref<5120x128xf32, #tpu.memory_space<vmem>>, vector<128x128xf32>
    tpu.vector_store %arg5[%swap3A_539, %swap3A_540], %add3A_538 {strides = array<i32>} : memref<5120x128xf32, #tpu.memory_space<vmem>>, vector<128x128xf32>,
    return
  }
  func.func @transform_0(%arg0: i32) -> (i32, i32, i32) {
    %c0_i32 = arith.constant 0 : i32
    %c0_i32_0 = arith.constant 0 : i32
    %c0_i32_1 = arith.constant 0 : i32
    return %c0_i32, %arg0, %c0_i32_0 : i32, i32, i32
  }
  func.func @transform_1(%arg0: i32) -> (i32, i32) {
    %c0_i32 = arith.constant 0 : i32
    %c0_i32_0 = arith.constant 0 : i32
    return %arg0, %c0_i32 : i32, i32
  }
  func.func @transform_2(%arg0: i32) -> (i32, i32, i32) {
    %c0_i32 = arith.constant 0 : i32
    %c0_i32_0 = arith.constant 0 : i32
    %c0_i32_1 = arith.constant 0 : i32
    return %c0_i32, %arg0, %c0_i32_0 : i32, i32, i32
  }
  func.func @transform_3(%arg0: i32) -> (i32, i32) {
    %c0_i32 = arith.constant 0 : i32
    %c0_i32_0 = arith.constant 0 : i32
    %c0_i32_1 = arith.constant 0 : i32
    return %c0_i32, %c0_i32_0 : i32, i32
  }
  func.func @transform_4(%arg0: i32) -> (i32, i32) {
    %c0_i32 = arith.constant 0 : i32
    %c0_i32_0 = arith.constant 0 : i32
    return %arg0, %c0_i32 : i32, i32
  }
}

</mosaic_0001>

<sc_bundles>
// kernel: kernel.6.cloned.1.call-start
scs
__scs_entry_jumppad:
0x0: {  	(pc) =	sbr.rel $0x88, $3  }
0x1: {  	(tag) =	ssettag $0x0;
	lr =	simm.s32 $0x1  }
0x2: {  	[smem:$0x3F9B] =	sst lr;
	_ =	strace $0xD0000000  }
0x3: {  	_ = 	snop  }
0x4: {  	_ = 	snop  }
0x5: {  	_ = 	snop  }
0x6: {  	_ = 	snop  }
0x7: {  	_ = 	snop  }
__scs_overlays_trampoline_lowered:
0x8: {  	[smem:$0x3FAA] =	sst s0  }
0x9: {  	[smem:$0x3FAB] =	sst s1  }
0xa: {  	[smem:$0x3FAC] =	sst s2  }
0xb: {  	[smem:$0x3FAD] =	sst s3  }
0xc: {  	[smem:$0x3FAE] =	sst s4  }
0xd: {  	[smem:$0x3FAF] =	sst s5  }
0xe: {  	[smem:$0x3FB0] =	sst s6  }
0xf: {  	[smem:$0x3FB1] =	sst s7  }
0x10: {  	[smem:$0x3FB2] =	sst s8  }
0x11: {  	[smem:$0x3FB3] =	sst s9;
	s0 =	simm.s32 @!p0 $0x0  }
0x12: {  	s1 =	sld [smem:$0x3F99];
	s0 =	simm.s32 @p0 $0x1  }
0x13: {  	[smem:$0x3FB4] =	sst s0;
	s0 =	simm.s32 @!p1 $0x0  }
0x14: {  	s2 =	sld [smem:$0x3F98];
	s0 =	simm.s32 @p1 $0x1  }
0x15: {  	[smem:$0x3FB5] =	sst s0;
	s0 =	simm.s32 @!p2 $0x0  }
0x16: {  	s3 =	sld [smem:$0x3FDB];
	s0 =	simm.s32 @p2 $0x1  }
0x17: {  	s4 =	simm.s32 $0x1BF5;
	[smem:$0x3FB7] =	sst s0  }
0x18: {  	s0 =	sld [smem:$0x3F9A];
	_ =	swait.ge [sflag:s4], $0x0  }
0x19: {  	s7 =	sld [smem:$0x3F9B]  }
0x1a: {  	s8 =	sadd.s32 $0xFFFFE003, lr  }
0x1b: {  	s9 =	sadd.s32 $0xFFFFFEF7, lr;
	s5 =	simm.s32 $0xFFFFFFFF;
	p2 =	slt.u32 s8, $0xFFFFF086  }
0x1c: {  	p1 =	slt.u32 s9, $0xF7A;
	s5 =	simm.s32 @!p2 $0x0  }
0x1d: {  	s5 =	simm.s32 @p1 $0x1;
	p0 =	seq.s32 s7, s2  }
0x1e: {  	s7 =	smul.u32 @!p0 $0xF7A, s2;
	p2 =	seq.s32 @!p0 s5, $0x0  }
0x1f: {  	s9 =	smul.u32 $0xF7A, s1;
	s8 =	simm.s32 @!p0 $0x1BF5;
	p2 =	por !p2, p0  }
0x20: {  	[sflag:s8] =	ssyncset.s32 @!p0 $0xFFFFF086;
	s6 =	sadd.s32 @!p0 s3, s7;
	s7 =	simm.s32 @!p0 $0x108  }
0x21: {  	s3 =	sadd.s32 s3, s9;
	s6 =	sadd.s32 @!p0 $0x88, s6;
	s7 =	simm.s32 @p2 $0x1082  }
0x22: {  	[simem:s7], [sflag:s8] =	dma.local @!p0 [hbm:s6], $0xF7A  }
0x23: {  	s9 =	sor.u32 $0xD0000000, s2;
	s6 =	simm.s32 $0x108;
	_ =	swait.ge @!p0 [sflag:s8], $0x0  }
0x24: {  	s3 =	sadd.s32 $0x88, s3;
	s6 =	simm.s32 @!p1 $0x1082;
	[sflag:s4] =	ssyncset.s32 $0xFFFFF086  }
0x25: {  	[simem:s6], [sflag:s4] =	dma.local [hbm:s3], $0xF7A  }
0x26: {  	[smem:$0x3F9B] =	sst s1;
	(tag) =	ssettag s2;
	_ =	strace s9  }
0x27: {  	s1 =	sld [smem:$0x3FAB]  }
0x28: {  	s2 =	sld [smem:$0x3FAC]  }
0x29: {  	s4 =	sld [smem:$0x3FAE]  }
0x2a: {  	p0 =	seq.s32 s5, $0x0;
	s5 =	sld [smem:$0x3FAF]  }
0x2b: {  	s6 =	sld [smem:$0x3FB0]  }
0x2c: {  	s7 =	sld [smem:$0x3FB1]  }
0x2d: {  	s3 =	simm.s32 $0x108;
	s8 =	sld [smem:$0x3FB2]  }
0x2e: {  	s3 =	simm.s32 @!p0 $0x1082;
	s9 =	sld [smem:$0x3FB3]  }
0x2f: {  	lr =	sadd.s32 s0, s3;
	s0 =	sld [smem:$0x3FAA]  }
0x30: {  	s3 =	sld [smem:$0x3FAD]  }
0x31: {  	[smem:$0x3FB6] =	sst s10  }
0x32: {  	s10 =	sld [smem:$0x3FB4];
	_ =	sdelay $0x3  }
0x33: {  	p0 =	seq.s32 s10, $0x1;
	s10 =	sld [smem:$0x3FB6];
	_ =	sdelay $0x3  }
0x34: {  	[smem:$0x3FB6] =	sst s10  }
0x35: {  	s10 =	sld [smem:$0x3FB5];
	_ =	sdelay $0x3  }
0x36: {  	p1 =	seq.s32 s10, $0x1;
	s10 =	sld [smem:$0x3FB6];
	_ =	sdelay $0x3  }
0x37: {  	[smem:$0x3FB6] =	sst s10  }
0x38: {  	s10 =	sld [smem:$0x3FB7]  }
0x39: {  	_ = 	snop;
	(pc) =	sbr.ind lr, $3  }
0x3a: {  	_ = 	snop  }
0x3b: {  	_ = 	snop  }
0x3c: {  	p2 =	seq.s32 s10, $0x1;
	s10 =	sld [smem:$0x3FB6]  }
0x3d: {  	_ =	shalt  }
0x3e: {  	_ =	shalt  }
0x3f: {  	_ =	shalt  }
0x40: {  	_ =	shalt  }
0x41: {  	_ =	shalt  }
0x42: {  	_ =	shalt  }
0x43: {  	_ =	shalt  }
0x44: {  	_ =	shalt  }
0x45: {  	_ =	shalt  }
0x46: {  	_ =	shalt  }
0x47: {  	_ =	shalt  }
0x48: {  	_ =	shalt  }
0x49: {  	_ =	shalt  }
0x4a: {  	_ =	shalt  }
0x4b: {  	_ =	shalt  }
0x4c: {  	_ =	shalt  }
0x4d: {  	_ =	shalt  }
0x4e: {  	_ =	shalt  }
0x4f: {  	_ =	shalt  }
0x50: {  	_ =	shalt  }
0x51: {  	_ =	shalt  }
0x52: {  	_ =	shalt  }
0x53: {  	_ =	shalt  }
0x54: {  	_ =	shalt  }
0x55: {  	_ =	shalt  }
0x56: {  	_ =	shalt  }
0x57: {  	_ =	shalt  }
0x58: {  	_ =	shalt  }
0x59: {  	_ =	shalt  }
0x5a: {  	_ =	shalt  }
0x5b: {  	_ =	shalt  }
0x5c: {  	_ =	shalt  }
0x5d: {  	_ =	shalt  }
0x5e: {  	_ =	shalt  }
0x5f: {  	_ =	shalt  }
0x60: {  	_ =	shalt  }
0x61: {  	_ =	shalt  }
0x62: {  	_ =	shalt  }
0x63: {  	_ =	shalt  }
0x64: {  	_ =	shalt  }
0x65: {  	_ =	shalt  }
0x66: {  	_ =	shalt  }
0x67: {  	_ =	shalt  }
0x68: {  	_ =	shalt  }
0x69: {  	_ =	shalt  }
0x6a: {  	_ =	shalt  }
0x6b: {  	_ =	shalt  }
0x6c: {  	_ =	shalt  }
0x6d: {  	_ =	shalt  }
0x6e: {  	_ =	shalt  }
0x6f: {  	_ =	shalt  }
0x70: {  	_ =	shalt  }
0x71: {  	_ =	shalt  }
0x72: {  	_ =	shalt  }
0x73: {  	_ =	shalt  }
0x74: {  	_ =	shalt  }
0x75: {  	_ =	shalt  }
0x76: {  	_ =	shalt  }
0x77: {  	_ =	shalt  }
0x78: {  	_ =	shalt  }
0x79: {  	_ =	shalt  }
0x7a: {  	_ =	shalt  }
0x7b: {  	_ =	shalt  }
0x7c: {  	_ =	shalt  }
0x7d: {  	_ =	shalt  }
0x7e: {  	_ =	shalt  }
0x7f: {  	_ =	shalt  }
0x80: {  	_ =	shalt  }
0x81: {  	_ =	shalt  }
0x82: {  	_ =	shalt  }
0x83: {  	_ =	shalt  }
0x84: {  	_ =	shalt  }
0x85: {  	_ =	shalt  }
0x86: {  	_ =	shalt  }
0x87: {  	_ =	shalt  }
.Lfunc_end0:
.L_simem_size_0:
called_computation_lowered:
.L_overlay_start_0:
0x88: {  	s2 =	sld [smem:$0x3FD9]  }
0x89: {  	s3 =	sld [smem:$0x3FFE];
	_ =	sdelay $0x1  }
0x8a: {  	s1 =	srdreg.scid  }
0x8b: {  	s0 =	sand.u32 $0x1, s1  }
0x8c: {  	s17 =	sshll.u32 s0, $0xA;
	s2 =	sadd.s32 s3, s2  }
0x8d: {  	s2 =	sadd.s32 s2, s17  }
0x8e: {  	[smem:$0x3FC2] =	sst s2  }
0x8f: {  	_ = 	snop  }
0x90: {  	s2 =	sld [smem:$0x3FD0];
	(tm) =	ssettm $0x1  }
0x91: {  	s18 =	sld [smem:$0x3FFB];
	_ =	sdelay $0x3  }
0x92: {  	_ =	strace s18  }
0x93: {  	s3 =	sld [smem:$0x3FFC];
	_ =	sdelay $0x3  }
0x94: {  	_ =	strace s3  }
0x95: {  	s3 =	sld [smem:$0x3FFD];
	_ =	sdelay $0x3  }
0x96: {  	_ =	strace s3  }
0x97: {  	_ =	strace $0x8FFFFFFF  }
0x98: {  	s19 =	sld [smem:$0x3FDB];
	_ =	sdelay $0x1  }
0x99: {  	s4 =	simm.s32 $_scs_section_size  }
0x9a: {  	s5 =	simm.s32 $_size__tile_overlayer_lowered;
	s6 =	simm.s32 $_tile_overlayer_lowered  }
0x9b: {  	s22 =	simm.s32 $0x1BFF;
	s21 =	sshll.u32 s6, $0x1;
	s3 =	sadd.s32 s4, s19  }
0x9c: {  	s7 =	simm.s32 $0x0;
	s20 =	sshll.u32 s5, $0x1;
	s5 =	sadd.s32 s21, s3  }
0x9d: {  	[timem:s7], [sflag:s22] =	dma.local [hbm:s5], s20  }
0x9e: {  	_ =	swait.ge [sflag:s22], s20  }
0x9f: {  	s4 =	ssub.s32 $0x0, s20;
	[sflag:s22] =	ssyncset.done $0x0  }
0xa0: {  	[sflag:s22] =	ssyncadd.s32 s4;
	_ =	sdelay $0x1  }
0xa1: {  	s23 =	simm.s32 $0x1B8B  }
0xa2: {  	_ =	swait.ge [sflag:s23], $0x1  }
0xa3: {  	[sflag:s23] =	ssyncset.done $0x0  }
0xa4: {  	s25 =	simm.s32 $0x1B8E;
	s24 =	sld [smem:$0x3FFE];
	[sflag:s23] =	ssyncadd.s32 $0xFFFFFFFF  }
0xa5: {  	s26 =	simm.s32 $execute0_lowered;
	[smem:$0x3FD2] =	sst s25  }
0xa6: {  	s5 =	sshll.u32 s26, $0x1;
	_ =	strace $0x80000046;
	[dreg:$0x1] =	wrdreg $0xFFFFFFFF  }
0xa7: {  	s28 =	simm.s32 $_size_execute0_lowered;
	s3 =	sadd.s32 s3, s5;
	[dreg:$0x0] =	wrdreg $0x0  }
0xa8: {  	s5 =	sshll.u32 s28, $0x1;
	[dreg:$0x2] =	wrdreg s3  }
0xa9: {  	[dreg:$0x3] =	wrdreg s5  }
0xaa: {  	[dreg:$0x4] =	wrdreg $0xC0  }
0xab: {  	_ =	task [dreg:s7], $0x5FFFF  }
0xac: {  	[dreg:$0x1] =	wrdreg $0xFFFFFFFF  }
0xad: {  	[dreg:$0x0] =	wrdreg $0x60  }
0xae: {  	[dreg:$0x2] =	wrdreg s2  }
0xaf: {  	[dreg:$0x3] =	wrdreg s24  }
0xb0: {  	[dreg:$0x4] =	wrdreg $0x0  }
0xb1: {  	[dreg:$0x5] =	wrdreg $0x9  }
0xb2: {  	_ =	task.clear_ibuf [dreg:s7], $0x6FFFF;
	_ =	strace $0x90000046  }
0xb3: {  	s29 =	simm.s32 $0x9;
	_ =	strace $0x80000048  }
0xb4: {  	_ =	swait.ge [sflag:s29], $0x1  }
0xb5: {  	[sflag:s29] =	ssyncadd.s32 $0xFFFFFFFF  }
0xb6: {  	_ =	strace $0x90000048  }
0xb7: {  	_ =	sfence  }
0xb8: {  	s30 =	sld [smem:$0x0];
	_ =	sdelay $0x2  }
0xb9: {  	s31 =	sshll.u32 s1, $0xD;
	s1 =	sshrl.u32 s1, $0x2  }
0xba: {  	s3 =	sand.u32 $0x4000, s31;
	s1 =	sadd.s32 s1, s30  }
0xbb: {  	s0 =	sor.u32 s3, s0;
	s1 =	sshll.u32 s1, $0x11  }
0xbc: {  	s0 =	sor.u32 s1, s0  }
0xbd: {  	s0 =	sadd.s32 $0x8F2B, s0  }
0xbe: {  	[sflag:s0] =	ssyncadd.remote.s32 $0x1  }
0xbf: {  	_ =	sfence.sel $0xFFFF  }
0xc0: {  	[dreg:$0x0] =	wrdreg $0xFFFFFFFF;
	(pc) =	sbr.abs _section_cstart, $3  }
0xc1: {  	[dreg:$0x1] =	wrdreg $0xFFFFFFFF  }
0xc2: {  	_ =	task.clear_ibuf [dreg:s7], $0x2FFFF;
	_ =	strace $0x9FFFFFFF  }
0xc3: {  	(tm) =	ssettm $0x7FFFFFFF  }
tec
execute0_lowered:
.L_overlay_start_1:
0x0: {  	(tag) =	ssettag $0x1  }
0x1: {  	s4 =	rddreg [dreg:$0x0]  }
0x2: {  	s5 =	rddreg [dreg:$0x1]  }
0x3: {  	s2 =	rddreg [dreg:$0x2]  }
0x4: {  	s0 =	rddreg [dreg:$0x3]  }
0x5: {  	s3 =	simm.s32 $0x0;
	s6 =	srdreg.scid;
	s1 =	stileid.u32  }
0x6: {  	s11 =	simm.s32 $0x1;
	s12 =	simm.s32 $0x40;
	s13 =	simm.s32 $0x5680  }
0x7: {  	s14 =	simm.s32 $0x300;
	s15 =	simm.s32 $0x380;
	s16 =	simm.s32 $0x400  }
0x8: {  	s17 =	simm.s32 $0x480;
	s18 =	simm.s32 $0x500;
	s19 =	simm.s32 $0x2  }
0x9: {  	s20 =	simm.s32 $0x3;
	s21 =	simm.s32 $0x4;
	s22 =	simm.s32 $0x5  }
0xa: {  	s23 =	simm.s32 $0x6;
	s24 =	simm.s32 $0x80;
	s25 =	simm.s32 $0x100  }
0xb: {  	s26 =	simm.s32 $0x0;
	[smem:$0x7FF] =	sst s3;
	s7 =	smul.u32 $0x500, s1  }
0xc: {  	s6 =	sand.u32 $0x1, s6;
	s30 =	smul.u32 $0xA00, s1;
	_ =	strace $0x80000047  }
0xd: {  	s8 =	sshll.u32 s6, $0x7;
	s9 =	sshll.u32 s6, $0x4;
	s6 =	ssub.s32 $0x2, s6  }
0xe: {  	s7 =	sor.u32 s8, s7;
	s29 =	sor.u32 s1, s9;
	s31 =	sshrl.u32 s6, $0x1  }
0xf: {  	s9 =	sshrl.u32 s30, $0x2;
	s7 =	sshrl.u32 s7, $0x3;
	s8 =	smul.u32 $0xA80, s29  }
0x10: {  	s10 =	ssub.s32 s6, s31;
	s7 =	sadd.s32 s7, s5;
	s5 =	sadd.s32 s9, s2  }
0x11: {  	s9 =	simm.s32 $0x5700;
	s4 =	sadd.s32 s4, s8;
	s6 =	sadd.s32 $0x16400, s7  }
0x12: {  	v0 =	vimm.f32 $0.0e+00;
	v1 =	vimm.f32 $1.000000000e+00;
	s7 =	smax.u32 s10, $0x1;
	s8 =	simm.s32 $0x280;
	s10 =	simm.s32 $0x7  }
.LBB2_1:
0x13: {  	[tilespmem:s8], [sflag:$0x1] =	stream.linear.gather [hbm4b:s4+s3], $0x5100, $0x38;
	[tilespmem:$0x5980] =	vst v63  }
0x14: {  	[tilespmem:$0x5700] =	vst v0  }
0x15: {  	[tilespmem:$0x5710] =	vst v0  }
0x16: {  	[tilespmem:$0x5720] =	vst v0  }
0x17: {  	[tilespmem:$0x5730] =	vst v0  }
0x18: {  	[tilespmem:$0x5740] =	vst v0  }
0x19: {  	[tilespmem:$0x5750] =	vst v0  }
0x1a: {  	[tilespmem:$0x5760] =	vst v0  }
0x1b: {  	[tilespmem:$0x5770] =	vst v0  }
0x1c: {  	[tilespmem:$0x5780] =	vst v0  }
0x1d: {  	[tilespmem:$0x5790] =	vst v0  }
0x1e: {  	[tilespmem:$0x57A0] =	vst v0  }
0x1f: {  	[tilespmem:$0x57B0] =	vst v0  }
0x20: {  	[tilespmem:$0x57C0] =	vst v0  }
0x21: {  	[tilespmem:$0x57D0] =	vst v0  }
0x22: {  	[tilespmem:$0x57E0] =	vst v0  }
0x23: {  	[tilespmem:$0x57F0] =	vst v0  }
0x24: {  	[tilespmem:$0x5800] =	vst v0  }
0x25: {  	[tilespmem:$0x5810] =	vst v0  }
0x26: {  	[tilespmem:$0x5820] =	vst v0  }
0x27: {  	[tilespmem:$0x5830] =	vst v0  }
0x28: {  	[tilespmem:$0x5840] =	vst v0  }
0x29: {  	[tilespmem:$0x5850] =	vst v0  }
0x2a: {  	[tilespmem:$0x5860] =	vst v0  }
0x2b: {  	[tilespmem:$0x5870] =	vst v0  }
0x2c: {  	[tilespmem:$0x5880] =	vst v0  }
0x2d: {  	[tilespmem:$0x5890] =	vst v0  }
0x2e: {  	[tilespmem:$0x58A0] =	vst v0  }
0x2f: {  	[tilespmem:$0x58B0] =	vst v0  }
0x30: {  	[tilespmem:$0x58C0] =	vst v0  }
0x31: {  	[tilespmem:$0x58D0] =	vst v0  }
0x32: {  	[tilespmem:$0x58E0] =	vst v0  }
0x33: {  	[tilespmem:$0x58F0] =	vst v0  }
0x34: {  	[tilespmem:$0x5900] =	vst v0  }
0x35: {  	[tilespmem:$0x5910] =	vst v0  }
0x36: {  	[tilespmem:$0x5920] =	vst v0  }
0x37: {  	[tilespmem:$0x5930] =	vst v0  }
0x38: {  	[tilespmem:$0x5940] =	vst v0  }
0x39: {  	[tilespmem:$0x5950] =	vst v0  }
0x3a: {  	[tilespmem:$0x5960] =	vst v0  }
0x3b: {  	[tilespmem:$0x5970] =	vst v0  }
0x3c: {  	[spmem:s5] =	stream.linear.scatter [tilespmem:s9], [sflag:$0x7], $0x280, $0x38;
	[tilespmem:$0x5980] =	vst v63  }
0x3d: {  	_ =	swait.ge [sflag:s10], $0x280  }
0x3e: {  	[sflag:s10] =	ssyncset.done $0x0  }
0x3f: {  	[sflag:s10] =	ssyncadd.s32 $0xFFFFFD80  }
0x40: {  	[tilespmem:$0x5680] =	vst v1  }
0x41: {  	[tilespmem:$0x5690] =	vst v1  }
0x42: {  	[tilespmem:$0x56A0] =	vst v1  }
0x43: {  	[tilespmem:$0x56B0] =	vst v1  }
0x44: {  	_ =	swait.ge [sflag:s11], $0x5100  }
0x45: {  	[sflag:s11] =	ssyncset.done $0x0  }
0x46: {  	[sflag:s11] =	ssyncadd.s32 $0xFFFFAF00  }
0x47: {  	[bflag:$0x0] =	sbarrier.arrive $0xFFFF  }
0x48: {  	[spmem:s2] =	stream.indirect.scatter.add.f32 [tilespmem:s13], [sflag:$0x1], $0x1, s8, s12, $0xb8;
	[tilespmem:$0x5980] =	vst v63  }
0x49: {  	_ = 	snop  }
0x4a: {  	[spmem:s2] =	stream.indirect.scatter.add.f32 [tilespmem:s13], [sflag:$0x2], $0x1, s14, s12, $0xb8;
	[tilespmem:$0x5980] =	vst v63  }
0x4b: {  	_ = 	snop  }
0x4c: {  	[spmem:s2] =	stream.indirect.scatter.add.f32 [tilespmem:s13], [sflag:$0x3], $0x1, s15, s12, $0xb8;
	[tilespmem:$0x5980] =	vst v63  }
0x4d: {  	_ = 	snop  }
0x4e: {  	[spmem:s2] =	stream.indirect.scatter.add.f32 [tilespmem:s13], [sflag:$0x4], $0x1, s16, s12, $0xb8;
	[tilespmem:$0x5980] =	vst v63  }
0x4f: {  	_ = 	snop  }
0x50: {  	[spmem:s2] =	stream.indirect.scatter.add.f32 [tilespmem:s13], [sflag:$0x5], $0x1, s17, s12, $0xb8;
	[tilespmem:$0x5980] =	vst v63  }
0x51: {  	_ = 	snop  }
0x52: {  	[spmem:s2] =	stream.indirect.scatter.add.f32 [tilespmem:s13], [sflag:$0x6], $0x1, s18, s12, $0xb8;
	[tilespmem:$0x5980] =	vst v63  }
0x53: {  	_ =	swait.ge [sflag:s11], $0x40  }
0x54: {  	[sflag:s11] =	ssyncset.done $0x0  }
0x55: {  	s28 =	simm.s32 $0x580;
	[sflag:s11] =	ssyncadd.s32 $0xFFFFFFC0  }
0x56: {  	[spmem:s2] =	stream.indirect.scatter.add.f32 [tilespmem:s13], [sflag:$0x1], $0x1, s28, s12, $0xb8;
	[tilespmem:$0x5980] =	vst v63  }
0x57: {  	_ =	swait.ge [sflag:s19], $0x40  }
0x58: {  	[sflag:s19] =	ssyncset.done $0x0  }
0x59: {  	s28 =	simm.s32 $0x600;
	[sflag:s19] =	ssyncadd.s32 $0xFFFFFFC0  }
0x5a: {  	[spmem:s2] =	stream.indirect.scatter.add.f32 [tilespmem:s13], [sflag:$0x2], $0x1, s28, s12, $0xb8;
	[tilespmem:$0x5980] =	vst v63  }
0x5b: {  	_ =	swait.ge [sflag:s20], $0x40  }
0x5c: {  	[sflag:s20] =	ssyncset.done $0x0  }
0x5d: {  	s28 =	simm.s32 $0x680;
	[sflag:s20] =	ssyncadd.s32 $0xFFFFFFC0  }
0x5e: {  	[spmem:s2] =	stream.indirect.scatter.add.f32 [tilespmem:s13], [sflag:$0x3], $0x1, s28, s12, $0xb8;
	[tilespmem:$0x5980] =	vst v63  }
0x5f: {  	_ =	swait.ge [sflag:s21], $0x40  }
0x60: {  	[sflag:s21] =	ssyncset.done $0x0  }
0x61: {  	s28 =	simm.s32 $0x700;
	[sflag:s21] =	ssyncadd.s32 $0xFFFFFFC0  }
0x62: {  	[spmem:s2] =	stream.indirect.scatter.add.f32 [tilespmem:s13], [sflag:$0x4], $0x1, s28, s12, $0xb8;
	[tilespmem:$0x5980] =	vst v63  }
0x63: {  	_ =	swait.ge [sflag:s22], $0x40  }
0x64: {  	[sflag:s22] =	ssyncset.done $0x0  }
0x65: {  	s28 =	simm.s32 $0x780;
	[sflag:s22] =	ssyncadd.s32 $0xFFFFFFC0  }
0x66: {  	[spmem:s2] =	stream.indirect.scatter.add.f32 [tilespmem:s13], [sflag:$0x5], $0x1, s28, s12, $0xb8;
	[tilespmem:$0x5980] =	vst v63  }
0x67: {  	_ =	swait.ge [sflag:s23], $0x40  }
0x68: {  	[sflag:s23] =	ssyncset.done $0x0  }
0x69: {  	s29 =	simm.s32 $0x800;
	s28 =	simm.s32 $0xC00;
	[sflag:s23] =	ssyncadd.s32 $0xFFFFFFC0  }
.LBB2_2:
0x6a: {  	[spmem:s2] =	stream.indirect.scatter.add.f32 [tilespmem:s13], [sflag:$0x6], $0x1, s29, s12, $0xb8;
	[tilespmem:$0x5980] =	vst v63  }
0x6b: {  	s29 =	smov.u32 s28  }
0x6c: {  	p0 =	sne.s32 s28, $0x12C00;
	s28 =	sadd.s32 $0xC00, s28;
	_ =	swait.ge [sflag:s11], $0x40  }
0x6d: {  	s29 =	sshra.s32 s29, $0x2;
	[sflag:s11] =	ssyncset.done $0x0  }
0x6e: {  	s30 =	sadd.s32 $0x580, s29;
	[sflag:s11] =	ssyncadd.s32 $0xFFFFFFC0  }
0x6f: {  	[spmem:s2] =	stream.indirect.scatter.add.f32 [tilespmem:s13], [sflag:$0x1], $0x1, s30, s12, $0xb8;
	[tilespmem:$0x5980] =	vst v63  }
0x70: {  	_ =	swait.ge [sflag:s19], $0x40  }
0x71: {  	[sflag:s19] =	ssyncset.done $0x0  }
0x72: {  	s30 =	sadd.s32 $0x600, s29;
	[sflag:s19] =	ssyncadd.s32 $0xFFFFFFC0  }
0x73: {  	[spmem:s2] =	stream.indirect.scatter.add.f32 [tilespmem:s13], [sflag:$0x2], $0x1, s30, s12, $0xb8;
	[tilespmem:$0x5980] =	vst v63  }
0x74: {  	_ =	swait.ge [sflag:s20], $0x40  }
0x75: {  	[sflag:s20] =	ssyncset.done $0x0  }
0x76: {  	s30 =	sadd.s32 $0x680, s29;
	[sflag:s20] =	ssyncadd.s32 $0xFFFFFFC0  }
0x77: {  	[spmem:s2] =	stream.indirect.scatter.add.f32 [tilespmem:s13], [sflag:$0x3], $0x1, s30, s12, $0xb8;
	[tilespmem:$0x5980] =	vst v63  }
0x78: {  	_ =	swait.ge [sflag:s21], $0x40  }
0x79: {  	[sflag:s21] =	ssyncset.done $0x0  }
0x7a: {  	s30 =	sadd.s32 $0x700, s29;
	[sflag:s21] =	ssyncadd.s32 $0xFFFFFFC0  }
0x7b: {  	[spmem:s2] =	stream.indirect.scatter.add.f32 [tilespmem:s13], [sflag:$0x4], $0x1, s30, s12, $0xb8;
	[tilespmem:$0x5980] =	vst v63  }
0x7c: {  	_ =	swait.ge [sflag:s22], $0x40  }
0x7d: {  	[sflag:s22] =	ssyncset.done $0x0  }
.Ltmp0:
0x7e: {  	s30 =	sadd.s32 $0x780, s29;
	[sflag:s22] =	ssyncadd.s32 $0xFFFFFFC0;
	(pc) =	sbr.rel @p0 .LBB2_2-.Ltmp0, $4  }
0x7f: {  	[spmem:s2] =	stream.indirect.scatter.add.f32 [tilespmem:s13], [sflag:$0x5], $0x1, s30, s12, $0xb8;
	[tilespmem:$0x5980] =	vst v63  }
0x80: {  	_ =	swait.ge [sflag:s23], $0x40  }
0x81: {  	[sflag:s23] =	ssyncset.done $0x0  }
0x82: {  	s29 =	sadd.s32 $0x800, s29;
	[sflag:s23] =	ssyncadd.s32 $0xFFFFFFC0  }
0x83: {  	[spmem:s2] =	stream.indirect.scatter.add.f32 [tilespmem:s13], [sflag:$0x6], $0x1, s29, s12, $0xb8;
	[tilespmem:$0x5980] =	vst v63  }
0x84: {  	_ =	swait.ge [sflag:s11], $0x40  }
0x85: {  	[sflag:s11] =	ssyncset.done $0x0  }
0x86: {  	[sflag:s11] =	ssyncadd.s32 $0xFFFFFFC0  }
0x87: {  	_ =	swait.ge [sflag:s19], $0x40  }
0x88: {  	[sflag:s19] =	ssyncset.done $0x0  }
0x89: {  	[sflag:s19] =	ssyncadd.s32 $0xFFFFFFC0  }
0x8a: {  	_ =	swait.ge [sflag:s20], $0x40  }
0x8b: {  	[sflag:s20] =	ssyncset.done $0x0  }
0x8c: {  	[sflag:s20] =	ssyncadd.s32 $0xFFFFFFC0  }
0x8d: {  	_ =	swait.ge [sflag:s21], $0x40  }
0x8e: {  	[sflag:s21] =	ssyncset.done $0x0  }
0x8f: {  	[sflag:s21] =	ssyncadd.s32 $0xFFFFFFC0  }
0x90: {  	_ =	swait.ge [sflag:s22], $0x40  }
0x91: {  	[sflag:s22] =	ssyncset.done $0x0  }
0x92: {  	[sflag:s22] =	ssyncadd.s32 $0xFFFFFFC0  }
0x93: {  	_ =	swait.ge [sflag:s23], $0x40  }
0x94: {  	[sflag:s23] =	ssyncset.done $0x0  }
0x95: {  	[sflag:s23] =	ssyncadd.s32 $0xFFFFFFC0  }
0x96: {  	[bflag:$0x0] =	sbarrier.arrive $0xFFFF  }
0x97: {  	[tilespmem:s9], [sflag:$0x7] =	stream.linear.gather [spmem:s5], $0x280, $0x38;
	[tilespmem:$0x5980] =	vst v63  }
0x98: {  	s26 =	sadd.s32 $0x1, s26;
	_ =	swait.ge [sflag:s10], $0x280  }
0x99: {  	p0 =	sne.s32 s26, s7;
	[sflag:s10] =	ssyncset.done $0x0  }
.Ltmp1:
0x9a: {  	[sflag:s10] =	ssyncadd.s32 $0xFFFFFD80;
	(pc) =	sbr.rel @p0 .LBB2_1-.Ltmp1, $4  }
0x9b: {  	[hbm4b:s6+s24] =	stream.strided.scatter [tilespmem:s9], [sflag:$0x7], $0x280, s25, s24, $0x38;
	[tilespmem:$0x5980] =	vst v63  }
0x9c: {  	_ =	swait.ge [sflag:s10], $0x280  }
0x9d: {  	[sflag:s10] =	ssyncset.done $0x0  }
0x9e: {  	[sflag:s10] =	ssyncadd.s32 $0xFFFFFD80  }
0x9f: {  	_ =	sfence.sel $0x180000  }
0xa0: {  	[bflag:$0x0] =	sbarrier.arrive $0xFFFF  }
0xa1: {  	p0 =	sne.s32 s1, $0x0;
	_ =	strace $0x90000047  }
0xa2: {  	s0 =	sadd.s32 @!p0 $0x100000, s0;
	[bflag:$0x2] =	sbarrier.arrive $0xFFFF  }
0xa3: {  	[sflag:s0] =	ssyncadd.tile.s32 @!p0 $0x1;
	_ =	shalt  }
.Lfunc_end2:
_tile_overlayer_lowered:
.L_overlay_start_2:
0xa4: {  	(tag) =	ssettag $0x2  }
0xa5: {  	s0 =	rddreg [dreg:$0x0];
	s2 =	stileid.u32  }
0xa6: {  	s1 =	rddreg [dreg:$0x1];
	p0 =	sne.s32 s2, $0x0  }
0xa7: {  	s3 =	rddreg [dreg:$0x2];
	[bflag:$0x3] =	sbarrier.arrive $0xFFFF;
	s2 =	simm.s32 @!p0 $0x1C07  }
0xa8: {  	[timem:s3], [sflag:s2] =	dma.local @!p0 [hbm:s0], s1  }
0xa9: {  	s0 =	simm.s32 @!p0 $0x7  }
0xaa: {  	_ =	swait.ge @!p0 [sflag:s0], s1  }
0xab: {  	s1 =	ssub.s32 @!p0 $0x0, s1;
	[sflag:s0] =	ssyncset.done @!p0 $0x0  }
0xac: {  	[sflag:s0] =	ssyncadd.s32 @!p0 s1  }
0xad: {  	[bflag:$0x3] =	sbarrier.arrive $0xFFFF  }
0xae: {  	_ =	shalt  }

// kernel: kernel.9.cloned.1.call-start
scs
__scs_entry_jumppad:
0x0: {  	(pc) =	sbr.rel $0x88, $3  }
0x1: {  	(tag) =	ssettag $0x0;
	lr =	simm.s32 $0x1  }
0x2: {  	[smem:$0x3F9B] =	sst lr;
	_ =	strace $0xD0000000  }
0x3: {  	_ = 	snop  }
0x4: {  	_ = 	snop  }
0x5: {  	_ = 	snop  }
0x6: {  	_ = 	snop  }
0x7: {  	_ = 	snop  }
__scs_overlays_trampoline_lowered:
0x8: {  	[smem:$0x3FAA] =	sst s0  }
0x9: {  	[smem:$0x3FAB] =	sst s1  }
0xa: {  	[smem:$0x3FAC] =	sst s2  }
0xb: {  	[smem:$0x3FAD] =	sst s3  }
0xc: {  	[smem:$0x3FAE] =	sst s4  }
0xd: {  	[smem:$0x3FAF] =	sst s5  }
0xe: {  	[smem:$0x3FB0] =	sst s6  }
0xf: {  	[smem:$0x3FB1] =	sst s7  }
0x10: {  	[smem:$0x3FB2] =	sst s8  }
0x11: {  	[smem:$0x3FB3] =	sst s9;
	s0 =	simm.s32 @!p0 $0x0  }
0x12: {  	s1 =	sld [smem:$0x3F99];
	s0 =	simm.s32 @p0 $0x1  }
0x13: {  	[smem:$0x3FB4] =	sst s0;
	s0 =	simm.s32 @!p1 $0x0  }
0x14: {  	s2 =	sld [smem:$0x3F98];
	s0 =	simm.s32 @p1 $0x1  }
0x15: {  	[smem:$0x3FB5] =	sst s0;
	s0 =	simm.s32 @!p2 $0x0  }
0x16: {  	s3 =	sld [smem:$0x3FDB];
	s0 =	simm.s32 @p2 $0x1  }
0x17: {  	s4 =	simm.s32 $0x1BF5;
	[smem:$0x3FB7] =	sst s0  }
0x18: {  	s0 =	sld [smem:$0x3F9A];
	_ =	swait.ge [sflag:s4], $0x0  }
0x19: {  	s7 =	sld [smem:$0x3F9B]  }
0x1a: {  	s8 =	sadd.s32 $0xFFFFE003, lr  }
0x1b: {  	s9 =	sadd.s32 $0xFFFFFEF7, lr;
	s5 =	simm.s32 $0xFFFFFFFF;
	p2 =	slt.u32 s8, $0xFFFFF086  }
0x1c: {  	p1 =	slt.u32 s9, $0xF7A;
	s5 =	simm.s32 @!p2 $0x0  }
0x1d: {  	s5 =	simm.s32 @p1 $0x1;
	p0 =	seq.s32 s7, s2  }
0x1e: {  	s7 =	smul.u32 @!p0 $0xF7A, s2;
	p2 =	seq.s32 @!p0 s5, $0x0  }
0x1f: {  	s9 =	smul.u32 $0xF7A, s1;
	s8 =	simm.s32 @!p0 $0x1BF5;
	p2 =	por !p2, p0  }
0x20: {  	[sflag:s8] =	ssyncset.s32 @!p0 $0xFFFFF086;
	s6 =	sadd.s32 @!p0 s3, s7;
	s7 =	simm.s32 @!p0 $0x108  }
0x21: {  	s3 =	sadd.s32 s3, s9;
	s6 =	sadd.s32 @!p0 $0x88, s6;
	s7 =	simm.s32 @p2 $0x1082  }
0x22: {  	[simem:s7], [sflag:s8] =	dma.local @!p0 [hbm:s6], $0xF7A  }
0x23: {  	s9 =	sor.u32 $0xD0000000, s2;
	s6 =	simm.s32 $0x108;
	_ =	swait.ge @!p0 [sflag:s8], $0x0  }
0x24: {  	s3 =	sadd.s32 $0x88, s3;
	s6 =	simm.s32 @!p1 $0x1082;
	[sflag:s4] =	ssyncset.s32 $0xFFFFF086  }
0x25: {  	[simem:s6], [sflag:s4] =	dma.local [hbm:s3], $0xF7A  }
0x26: {  	[smem:$0x3F9B] =	sst s1;
	(tag) =	ssettag s2;
	_ =	strace s9  }
0x27: {  	s1 =	sld [smem:$0x3FAB]  }
0x28: {  	s2 =	sld [smem:$0x3FAC]  }
0x29: {  	s4 =	sld [smem:$0x3FAE]  }
0x2a: {  	p0 =	seq.s32 s5, $0x0;
	s5 =	sld [smem:$0x3FAF]  }
0x2b: {  	s6 =	sld [smem:$0x3FB0]  }
0x2c: {  	s7 =	sld [smem:$0x3FB1]  }
0x2d: {  	s3 =	simm.s32 $0x108;
	s8 =	sld [smem:$0x3FB2]  }
0x2e: {  	s3 =	simm.s32 @!p0 $0x1082;
	s9 =	sld [smem:$0x3FB3]  }
0x2f: {  	lr =	sadd.s32 s0, s3;
	s0 =	sld [smem:$0x3FAA]  }
0x30: {  	s3 =	sld [smem:$0x3FAD]  }
0x31: {  	[smem:$0x3FB6] =	sst s10  }
0x32: {  	s10 =	sld [smem:$0x3FB4];
	_ =	sdelay $0x3  }
0x33: {  	p0 =	seq.s32 s10, $0x1;
	s10 =	sld [smem:$0x3FB6];
	_ =	sdelay $0x3  }
0x34: {  	[smem:$0x3FB6] =	sst s10  }
0x35: {  	s10 =	sld [smem:$0x3FB5];
	_ =	sdelay $0x3  }
0x36: {  	p1 =	seq.s32 s10, $0x1;
	s10 =	sld [smem:$0x3FB6];
	_ =	sdelay $0x3  }
0x37: {  	[smem:$0x3FB6] =	sst s10  }
0x38: {  	s10 =	sld [smem:$0x3FB7]  }
0x39: {  	_ = 	snop;
	(pc) =	sbr.ind lr, $3  }
0x3a: {  	_ = 	snop  }
0x3b: {  	_ = 	snop  }
0x3c: {  	p2 =	seq.s32 s10, $0x1;
	s10 =	sld [smem:$0x3FB6]  }
0x3d: {  	_ =	shalt  }
0x3e: {  	_ =	shalt  }
0x3f: {  	_ =	shalt  }
0x40: {  	_ =	shalt  }
0x41: {  	_ =	shalt  }
0x42: {  	_ =	shalt  }
0x43: {  	_ =	shalt  }
0x44: {  	_ =	shalt  }
0x45: {  	_ =	shalt  }
0x46: {  	_ =	shalt  }
0x47: {  	_ =	shalt  }
0x48: {  	_ =	shalt  }
0x49: {  	_ =	shalt  }
0x4a: {  	_ =	shalt  }
0x4b: {  	_ =	shalt  }
0x4c: {  	_ =	shalt  }
0x4d: {  	_ =	shalt  }
0x4e: {  	_ =	shalt  }
0x4f: {  	_ =	shalt  }
0x50: {  	_ =	shalt  }
0x51: {  	_ =	shalt  }
0x52: {  	_ =	shalt  }
0x53: {  	_ =	shalt  }
0x54: {  	_ =	shalt  }
0x55: {  	_ =	shalt  }
0x56: {  	_ =	shalt  }
0x57: {  	_ =	shalt  }
0x58: {  	_ =	shalt  }
0x59: {  	_ =	shalt  }
0x5a: {  	_ =	shalt  }
0x5b: {  	_ =	shalt  }
0x5c: {  	_ =	shalt  }
0x5d: {  	_ =	shalt  }
0x5e: {  	_ =	shalt  }
0x5f: {  	_ =	shalt  }
0x60: {  	_ =	shalt  }
0x61: {  	_ =	shalt  }
0x62: {  	_ =	shalt  }
0x63: {  	_ =	shalt  }
0x64: {  	_ =	shalt  }
0x65: {  	_ =	shalt  }
0x66: {  	_ =	shalt  }
0x67: {  	_ =	shalt  }
0x68: {  	_ =	shalt  }
0x69: {  	_ =	shalt  }
0x6a: {  	_ =	shalt  }
0x6b: {  	_ =	shalt  }
0x6c: {  	_ =	shalt  }
0x6d: {  	_ =	shalt  }
0x6e: {  	_ =	shalt  }
0x6f: {  	_ =	shalt  }
0x70: {  	_ =	shalt  }
0x71: {  	_ =	shalt  }
0x72: {  	_ =	shalt  }
0x73: {  	_ =	shalt  }
0x74: {  	_ =	shalt  }
0x75: {  	_ =	shalt  }
0x76: {  	_ =	shalt  }
0x77: {  	_ =	shalt  }
0x78: {  	_ =	shalt  }
0x79: {  	_ =	shalt  }
0x7a: {  	_ =	shalt  }
0x7b: {  	_ =	shalt  }
0x7c: {  	_ =	shalt  }
0x7d: {  	_ =	shalt  }
0x7e: {  	_ =	shalt  }
0x7f: {  	_ =	shalt  }
0x80: {  	_ =	shalt  }
0x81: {  	_ =	shalt  }
0x82: {  	_ =	shalt  }
0x83: {  	_ =	shalt  }
0x84: {  	_ =	shalt  }
0x85: {  	_ =	shalt  }
0x86: {  	_ =	shalt  }
0x87: {  	_ =	shalt  }
.Lfunc_end0:
.L_simem_size_0:
called_computation.1_lowered:
.L_overlay_start_0:
0x88: {  	s2 =	sld [smem:$0x3FD9]  }
0x89: {  	s3 =	sld [smem:$0x3FFE];
	_ =	sdelay $0x1  }
0x8a: {  	s1 =	srdreg.scid  }
0x8b: {  	s0 =	sand.u32 $0x1, s1  }
0x8c: {  	s16 =	sshll.u32 s0, $0xA;
	s2 =	sadd.s32 s3, s2  }
0x8d: {  	s2 =	sadd.s32 s2, s16  }
0x8e: {  	[smem:$0x3FC2] =	sst s2  }
0x8f: {  	_ = 	snop  }
0x90: {  	(tm) =	ssettm $0x1  }
0x91: {  	s17 =	sld [smem:$0x3FFB];
	_ =	sdelay $0x3  }
0x92: {  	_ =	strace s17  }
0x93: {  	s2 =	sld [smem:$0x3FFC];
	_ =	sdelay $0x3  }
0x94: {  	_ =	strace s2  }
0x95: {  	s2 =	sld [smem:$0x3FFD];
	_ =	sdelay $0x3  }
0x96: {  	_ =	strace s2  }
0x97: {  	_ =	strace $0x8FFFFFFF  }
0x98: {  	s18 =	sld [smem:$0x3FDB];
	_ =	sdelay $0x1  }
0x99: {  	s19 =	simm.s32 $_scs_section_size  }
0x9a: {  	s4 =	simm.s32 $_size__tile_overlayer_lowered;
	s5 =	simm.s32 $_tile_overlayer_lowered  }
0x9b: {  	s22 =	simm.s32 $0x1BFF;
	s21 =	sshll.u32 s5, $0x1;
	s2 =	sadd.s32 s19, s18  }
0x9c: {  	s6 =	simm.s32 $0x0;
	s20 =	sshll.u32 s4, $0x1;
	s4 =	sadd.s32 s21, s2  }
0x9d: {  	[timem:s6], [sflag:s22] =	dma.local [hbm:s4], s20  }
0x9e: {  	_ =	swait.ge [sflag:s22], s20  }
0x9f: {  	s3 =	ssub.s32 $0x0, s20;
	[sflag:s22] =	ssyncset.done $0x0  }
0xa0: {  	[sflag:s22] =	ssyncadd.s32 s3;
	_ =	sdelay $0x1  }
0xa1: {  	s23 =	simm.s32 $0x1B8B  }
0xa2: {  	_ =	swait.ge [sflag:s23], $0x1  }
0xa3: {  	[sflag:s23] =	ssyncset.done $0x0  }
0xa4: {  	s25 =	simm.s32 $0x1B8E;
	s24 =	sld [smem:$0x3FFE];
	[sflag:s23] =	ssyncadd.s32 $0xFFFFFFFF  }
0xa5: {  	s26 =	simm.s32 $execute0_lowered;
	[smem:$0x3FD2] =	sst s25  }
0xa6: {  	s4 =	sshll.u32 s26, $0x1;
	_ =	strace $0x80000049;
	[dreg:$0x1] =	wrdreg $0xFFFFFFFF  }
0xa7: {  	s28 =	simm.s32 $_size_execute0_lowered;
	s2 =	sadd.s32 s2, s4;
	[dreg:$0x0] =	wrdreg $0x0  }
0xa8: {  	s4 =	sshll.u32 s28, $0x1;
	[dreg:$0x2] =	wrdreg s2  }
0xa9: {  	[dreg:$0x3] =	wrdreg s4  }
0xaa: {  	[dreg:$0x4] =	wrdreg $0xC0  }
0xab: {  	_ =	task [dreg:s6], $0x5FFFF  }
0xac: {  	[dreg:$0x1] =	wrdreg $0xFFFFFFFF  }
0xad: {  	[dreg:$0x0] =	wrdreg $0x60  }
0xae: {  	[dreg:$0x2] =	wrdreg s24  }
0xaf: {  	[dreg:$0x3] =	wrdreg $0x0  }
0xb0: {  	[dreg:$0x4] =	wrdreg $0x9  }
0xb1: {  	_ =	task.clear_ibuf [dreg:s6], $0x5FFFF;
	_ =	strace $0x90000049  }
0xb2: {  	s29 =	simm.s32 $0x9;
	_ =	strace $0x8000004B  }
0xb3: {  	_ =	swait.ge [sflag:s29], $0x1  }
0xb4: {  	[sflag:s29] =	ssyncadd.s32 $0xFFFFFFFF  }
0xb5: {  	_ =	strace $0x9000004B  }
0xb6: {  	_ =	sfence  }
0xb7: {  	s30 =	sld [smem:$0x0];
	_ =	sdelay $0x2  }
0xb8: {  	s31 =	sshll.u32 s1, $0xD;
	s1 =	sshrl.u32 s1, $0x2  }
0xb9: {  	s3 =	sand.u32 $0x4000, s31;
	s1 =	sadd.s32 s1, s30  }
0xba: {  	s0 =	sor.u32 s3, s0;
	s1 =	sshll.u32 s1, $0x11  }
0xbb: {  	s0 =	sor.u32 s1, s0  }
0xbc: {  	s0 =	sadd.s32 $0x8F2B, s0  }
0xbd: {  	[sflag:s0] =	ssyncadd.remote.s32 $0x1  }
0xbe: {  	_ =	sfence.sel $0xFFFF  }
0xbf: {  	[dreg:$0x0] =	wrdreg $0xFFFFFFFF;
	(pc) =	sbr.abs _section_cstart, $3  }
0xc0: {  	[dreg:$0x1] =	wrdreg $0xFFFFFFFF  }
0xc1: {  	_ =	task.clear_ibuf [dreg:s6], $0x2FFFF;
	_ =	strace $0x9FFFFFFF  }
0xc2: {  	(tm) =	ssettm $0x7FFFFFFF  }
0xc3: {  	_ =	shalt  }
tec
execute0_lowered:
.L_overlay_start_1:
0x0: {  	(tag) =	ssettag $0x1  }
0x1: {  	s2 =	rddreg [dreg:$0x0];
	s20 =	simm.s32 $0x0  }
0x2: {  	s0 =	srdreg.scid;
	s1 =	stileid.u32;
	s28 =	simm.s32 $0x14000  }
0x3: {  	s29 =	simm.s32 $0x16A80;
	s30 =	simm.s32 $0x16B00;
	s31 =	simm.s32 $0x16C80  }
0x4: {  	[smem:$0x7FF] =	sst s20;
	s3 =	sand.u32 $0x1, s0;
	s6 =	smul.u32 $0x14000, s1  }
0x5: {  	s8 =	sadd.s32 $0x3E400, s2;
	s0 =	sshll.u32 s3, $0x4;
	s9 =	smul.u32 $0x140000, s3  }
0x6: {  	s4 =	ssub.s32 $0x2, s3;
	s3 =	smul.u32 $0x28800, s3;
	s0 =	sor.u32 s1, s0  }
0x7: {  	s5 =	sshrl.u32 s4, $0x1;
	s10 =	sadd.s32 $0x6000, s6;
	s11 =	sadd.s32 $0x8000, s6  }
0x8: {  	s13 =	sadd.s32 $0xA000, s6;
	s16 =	sadd.s32 $0xC000, s6;
	s17 =	sadd.s32 $0xE000, s6  }
0x9: {  	s18 =	sadd.s32 $0x10000, s6;
	s7 =	smul.u32 $0x2880, s0;
	s0 =	ssub.s32 s4, s5  }
0xa: {  	s4 =	sor.u32 $0x2000, s6;
	s5 =	sadd.s32 $0x4000, s6;
	s12 =	sadd.s32 s6, s9  }
0xb: {  	s6 =	sadd.s32 $0x12000, s6;
	s21 =	sadd.s32 s9, s10;
	s24 =	sadd.s32 s9, s13  }
0xc: {  	s25 =	sadd.s32 s9, s16;
	s12 =	sshrl.u32 s12, $0x3;
	s14 =	sadd.s32 s9, s4  }
0xd: {  	s26 =	sadd.s32 s9, s17;
	s12 =	sadd.s32 s8, s12;
	s15 =	sshrl.u32 s14, $0x3  }
0xe: {  	s19 =	sadd.s32 s9, s5;
	[dreg:$0x3] =	wrdreg s12;
	s12 =	sadd.s32 s8, s15  }
0xf: {  	s15 =	sadd.s32 s9, s11;
	[dreg:$0x4] =	wrdreg s12;
	s12 =	sshrl.u32 s19, $0x3  }
0x10: {  	s14 =	sshrl.u32 s21, $0x3;
	s23 =	sshrl.u32 s15, $0x3;
	s12 =	sadd.s32 s8, s12  }
0x11: {  	s21 =	sadd.s32 s9, s18;
	[dreg:$0x5] =	wrdreg s12;
	s12 =	sadd.s32 s8, s23  }
0x12: {  	s22 =	sadd.s32 s8, s14;
	[dreg:$0x7] =	wrdreg s12;
	s12 =	sshrl.u32 s24, $0x3  }
0x13: {  	[dreg:$0x6] =	wrdreg s22;
	s19 =	sshrl.u32 s26, $0x3;
	s12 =	sadd.s32 s8, s12  }
0x14: {  	s14 =	sshrl.u32 s25, $0x3;
	[dreg:$0x8] =	wrdreg s12;
	s12 =	sadd.s32 s8, s19  }
0x15: {  	s14 =	sadd.s32 s8, s14;
	[dreg:$0xa] =	wrdreg s12;
	s12 =	sshrl.u32 s21, $0x3  }
0x16: {  	s9 =	sadd.s32 s9, s6;
	[dreg:$0x9] =	wrdreg s14;
	s12 =	sadd.s32 s8, s12  }
0x17: {  	s7 =	sshrl.u32 s7, $0x3;
	s9 =	sshrl.u32 s9, $0x3;
	[dreg:$0xb] =	wrdreg s12  }
0x18: {  	s24 =	sadd.s32 s7, s2;
	s8 =	sadd.s32 s8, s9;
	s12 =	rddreg [dreg:$0x1]  }
0x19: {  	s0 =	smax.u32 s0, $0x1;
	s25 =	sadd.s32 $0x2000, s24;
	[dreg:$0xc] =	wrdreg s8  }
0x1a: {  	s23 =	smul.u32 $0x50000, s1;
	_ =	strace $0x8000004A;
	[dreg:$0xe] =	wrdreg s25  }
0x1b: {  	s22 =	smul.u32 $0x2880, s1;
	s1 =	sadd.s32 $0xC200, s2;
	[dreg:$0x1a] =	wrdreg s0  }
0x1c: {  	s7 =	sadd.s32 s1, s7;
	s26 =	sshrl.u32 s23, $0x2;
	[dreg:$0xd] =	wrdreg s1  }
0x1d: {  	s15 =	sadd.s32 $0x16400, s2;
	s14 =	sadd.s32 s26, s12;
	[dreg:$0xf] =	wrdreg s7  }
0x1e: {  	s3 =	sadd.s32 s22, s3;
	s21 =	sadd.s32 s4, s12;
	[dreg:$0x10] =	wrdreg s14  }
0x1f: {  	s19 =	sadd.s32 $0x1C0, s3;
	s22 =	sadd.s32 s5, s12;
	[dreg:$0x11] =	wrdreg s21  }
0x20: {  	s23 =	sadd.s32 s10, s12;
	s11 =	sadd.s32 s11, s12;
	[dreg:$0x12] =	wrdreg s22  }
0x21: {  	s13 =	sadd.s32 s13, s12;
	s16 =	sadd.s32 s16, s12;
	[dreg:$0x13] =	wrdreg s23  }
0x22: {  	s24 =	sadd.s32 s17, s12;
	s25 =	sadd.s32 s18, s12;
	[dreg:$0x14] =	wrdreg s11  }
0x23: {  	s26 =	sadd.s32 s6, s12;
	s5 =	sadd.s32 $0x2C0, s3;
	[dreg:$0x15] =	wrdreg s13  }
0x24: {  	s6 =	sadd.s32 $0x280, s3;
	s17 =	sadd.s32 $0x240, s3;
	[dreg:$0x16] =	wrdreg s16  }
0x25: {  	s18 =	sadd.s32 $0x200, s3;
	s4 =	simm.s32 $0x40;
	[dreg:$0x17] =	wrdreg s24  }
0x26: {  	s8 =	sshrl.u32 s5, $0x3;
	s9 =	sshrl.u32 s6, $0x3;
	[dreg:$0x18] =	wrdreg s25  }
0x27: {  	s2 =	sshrl.u32 s18, $0x3;
	s18 =	sadd.s32 $0x20, s7;
	[dreg:$0x19] =	wrdreg s26  }
0x28: {  	s5 =	sshrl.u32 s19, $0x3;
	s19 =	sadd.s32 $0x28, s7;
	[smem:$0x7FC] =	sst s18  }
0x29: {  	s0 =	sadd.s32 s8, s1;
	s10 =	sadd.s32 s9, s1;
	[smem:$0x7FD] =	sst s19  }
0x2a: {  	s6 =	sadd.s32 s5, s1;
	s8 =	sadd.s32 $0x180, s3;
	[dreg:$0x1b] =	wrdreg s0  }
0x2b: {  	s9 =	sadd.s32 $0x8, s7;
	s5 =	simm.s32 $0x1AC80;
	[dreg:$0x1c] =	wrdreg s10  }
0x2c: {  	s3 =	simm.s32 $0xC;
	s18 =	simm.s32 $0x8;
	[dreg:$0x1f] =	wrdreg s6  }
0x2d: {  	s19 =	simm.s32 $0x9;
	s0 =	sshrl.u32 s17, $0x3;
	[smem:$0x7F8] =	sst s8  }
0x2e: {  	[smem:$0x7F9] =	sst s9;
	s10 =	sadd.s32 $0x10, s7;
	s17 =	sadd.s32 $0x18, s7  }
.Ltmp0:
0x2f: {  	s6 =	simm.s32 $0x1;
	s7 =	simm.s32 $0x5;
	(pc) =	sbr.rel .LBB2_1-.Ltmp0, $4  }
0x30: {  	s8 =	simm.s32 $0x2;
	s9 =	simm.s32 $0x3;
	[smem:$0x7FA] =	sst s10  }
0x31: {  	s0 =	sadd.s32 s0, s1;
	[smem:$0x7FB] =	sst s17;
	s17 =	simm.s32 $0x6  }
0x32: {  	s10 =	simm.s32 $0x0;
	[dreg:$0x1d] =	wrdreg s0;
	s0 =	sadd.s32 s2, s1  }
0x33: {  	v0 =	vimm.f32 $0.0e+00;
	s2 =	simm.s32 $0x4;
	[dreg:$0x1e] =	wrdreg s0;
	s0 =	simm.s32 $0x18C80  }
.LBB2_6:
0x34: {  	_ =	swait.ge [sflag:s19], $0x40  }
0x35: {  	[sflag:s19] =	ssyncset.done $0x0  }
0x36: {  	[sflag:s19] =	ssyncadd.s32 $0xFFFFFFC0  }
0x37: {  	_ =	swait.ge [sflag:s9], $0x2000  }
0x38: {  	[sflag:s9] =	ssyncset.done $0x0  }
0x39: {  	[sflag:s9] =	ssyncadd.s32 $0xFFFFE000  }
0x3a: {  	[spmem:s12] =	stream.indirect.scatter.add.f32 [tilespmem:s5], [sflag:$0xC], $0x80, s30, s4, $0xb8;
	[tilespmem:$0x1CC80] =	vst v63  }
0x3b: {  	_ =	swait.ge [sflag:s3], $0x2000  }
0x3c: {  	[sflag:s3] =	ssyncset.done $0x0  }
0x3d: {  	[sflag:s3] =	ssyncadd.s32 $0xFFFFE000  }
0x3e: {  	[bflag:$0x0] =	sbarrier.arrive $0xFFFF  }
0x3f: {  	s14 =	rddreg [dreg:$0x10]  }
0x40: {  	[tilespmem:s31], [sflag:$0xC] =	stream.linear.gather [spmem:s14], $0x2000, $0x38;
	[tilespmem:$0x1CC80] =	vst v63  }
0x41: {  	_ =	swait.ge [sflag:s3], $0x2000  }
0x42: {  	[sflag:s3] =	ssyncset.done $0x0  }
0x43: {  	s20 =	simm.s32 $0x0;
	s1 =	rddreg [dreg:$0x3];
	[sflag:s3] =	ssyncadd.s32 $0xFFFFE000  }
0x44: {  	[hbm4b:s1+s20] =	stream.linear.scatter [tilespmem:s31], [sflag:$0x1], $0x2000, $0x38;
	[tilespmem:$0x1CC80] =	vst v63  }
0x45: {  	s21 =	rddreg [dreg:$0x11]  }
0x46: {  	[tilespmem:s0], [sflag:$0xC] =	stream.linear.gather [spmem:s21], $0x2000, $0x38;
	[tilespmem:$0x1CC80] =	vst v63  }
0x47: {  	_ =	swait.ge [sflag:s3], $0x2000  }
0x48: {  	[sflag:s3] =	ssyncset.done $0x0  }
0x49: {  	s26 =	rddreg [dreg:$0x4];
	[sflag:s3] =	ssyncadd.s32 $0xFFFFE000  }
0x4a: {  	[hbm4b:s26+s20] =	stream.linear.scatter [tilespmem:s0], [sflag:$0x2], $0x2000, $0x38;
	[tilespmem:$0x1CC80] =	vst v63  }
0x4b: {  	_ =	swait.ge [sflag:s6], $0x2000  }
0x4c: {  	[sflag:s6] =	ssyncset.done $0x0  }
0x4d: {  	s22 =	rddreg [dreg:$0x12];
	[sflag:s6] =	ssyncadd.s32 $0xFFFFE000  }
0x4e: {  	[tilespmem:s31], [sflag:$0xC] =	stream.linear.gather [spmem:s22], $0x2000, $0x38;
	[tilespmem:$0x1CC80] =	vst v63  }
0x4f: {  	_ =	swait.ge [sflag:s3], $0x2000  }
0x50: {  	[sflag:s3] =	ssyncset.done $0x0  }
0x51: {  	s10 =	rddreg [dreg:$0x5];
	[sflag:s3] =	ssyncadd.s32 $0xFFFFE000  }
0x52: {  	[hbm4b:s10+s20] =	stream.linear.scatter [tilespmem:s31], [sflag:$0x1], $0x2000, $0x38;
	[tilespmem:$0x1CC80] =	vst v63  }
0x53: {  	_ =	swait.ge [sflag:s8], $0x2000  }
0x54: {  	[sflag:s8] =	ssyncset.done $0x0  }
0x55: {  	s23 =	rddreg [dreg:$0x13];
	[sflag:s8] =	ssyncadd.s32 $0xFFFFE000  }
0x56: {  	[tilespmem:s0], [sflag:$0xC] =	stream.linear.gather [spmem:s23], $0x2000, $0x38;
	[tilespmem:$0x1CC80] =	vst v63  }
0x57: {  	_ =	swait.ge [sflag:s3], $0x2000  }
0x58: {  	[sflag:s3] =	ssyncset.done $0x0  }
0x59: {  	s11 =	rddreg [dreg:$0x6];
	[sflag:s3] =	ssyncadd.s32 $0xFFFFE000  }
0x5a: {  	[hbm4b:s11+s20] =	stream.linear.scatter [tilespmem:s0], [sflag:$0x2], $0x2000, $0x38;
	[tilespmem:$0x1CC80] =	vst v63  }
0x5b: {  	_ =	swait.ge [sflag:s6], $0x2000  }
0x5c: {  	[sflag:s6] =	ssyncset.done $0x0  }
0x5d: {  	s11 =	rddreg [dreg:$0x14];
	[sflag:s6] =	ssyncadd.s32 $0xFFFFE000  }
0x5e: {  	[tilespmem:s31], [sflag:$0xC] =	stream.linear.gather [spmem:s11], $0x2000, $0x38;
	[tilespmem:$0x1CC80] =	vst v63  }
0x5f: {  	_ =	swait.ge [sflag:s3], $0x2000  }
0x60: {  	[sflag:s3] =	ssyncset.done $0x0  }
0x61: {  	s13 =	rddreg [dreg:$0x7];
	[sflag:s3] =	ssyncadd.s32 $0xFFFFE000  }
0x62: {  	[hbm4b:s13+s20] =	stream.linear.scatter [tilespmem:s31], [sflag:$0x1], $0x2000, $0x38;
	[tilespmem:$0x1CC80] =	vst v63  }
0x63: {  	_ =	swait.ge [sflag:s8], $0x2000  }
0x64: {  	[sflag:s8] =	ssyncset.done $0x0  }
0x65: {  	s13 =	rddreg [dreg:$0x15];
	[sflag:s8] =	ssyncadd.s32 $0xFFFFE000  }
0x66: {  	[tilespmem:s0], [sflag:$0xC] =	stream.linear.gather [spmem:s13], $0x2000, $0x38;
	[tilespmem:$0x1CC80] =	vst v63  }
0x67: {  	_ =	swait.ge [sflag:s3], $0x2000  }
0x68: {  	[sflag:s3] =	ssyncset.done $0x0  }
0x69: {  	s16 =	rddreg [dreg:$0x8];
	[sflag:s3] =	ssyncadd.s32 $0xFFFFE000  }
0x6a: {  	[hbm4b:s16+s20] =	stream.linear.scatter [tilespmem:s0], [sflag:$0x2], $0x2000, $0x38;
	[tilespmem:$0x1CC80] =	vst v63  }
0x6b: {  	_ =	swait.ge [sflag:s6], $0x2000  }
0x6c: {  	[sflag:s6] =	ssyncset.done $0x0  }
0x6d: {  	s16 =	rddreg [dreg:$0x16];
	[sflag:s6] =	ssyncadd.s32 $0xFFFFE000  }
0x6e: {  	[tilespmem:s31], [sflag:$0xC] =	stream.linear.gather [spmem:s16], $0x2000, $0x38;
	[tilespmem:$0x1CC80] =	vst v63  }
0x6f: {  	_ =	swait.ge [sflag:s3], $0x2000  }
0x70: {  	[sflag:s3] =	ssyncset.done $0x0  }
0x71: {  	s24 =	rddreg [dreg:$0x9];
	[sflag:s3] =	ssyncadd.s32 $0xFFFFE000  }
0x72: {  	[hbm4b:s24+s20] =	stream.linear.scatter [tilespmem:s31], [sflag:$0x1], $0x2000, $0x38;
	[tilespmem:$0x1CC80] =	vst v63  }
0x73: {  	_ =	swait.ge [sflag:s8], $0x2000  }
0x74: {  	[sflag:s8] =	ssyncset.done $0x0  }
0x75: {  	s24 =	rddreg [dreg:$0x17];
	[sflag:s8] =	ssyncadd.s32 $0xFFFFE000  }
0x76: {  	[tilespmem:s0], [sflag:$0xC] =	stream.linear.gather [spmem:s24], $0x2000, $0x38;
	[tilespmem:$0x1CC80] =	vst v63  }
0x77: {  	_ =	swait.ge [sflag:s3], $0x2000  }
0x78: {  	[sflag:s3] =	ssyncset.done $0x0  }
0x79: {  	s25 =	rddreg [dreg:$0xa];
	[sflag:s3] =	ssyncadd.s32 $0xFFFFE000  }
0x7a: {  	[hbm4b:s25+s20] =	stream.linear.scatter [tilespmem:s0], [sflag:$0x2], $0x2000, $0x38;
	[tilespmem:$0x1CC80] =	vst v63  }
0x7b: {  	_ =	swait.ge [sflag:s6], $0x2000  }
0x7c: {  	[sflag:s6] =	ssyncset.done $0x0  }
0x7d: {  	s25 =	rddreg [dreg:$0x18];
	[sflag:s6] =	ssyncadd.s32 $0xFFFFE000  }
0x7e: {  	[tilespmem:s31], [sflag:$0xC] =	stream.linear.gather [spmem:s25], $0x2000, $0x38;
	[tilespmem:$0x1CC80] =	vst v63  }
0x7f: {  	_ =	swait.ge [sflag:s3], $0x2000  }
0x80: {  	[sflag:s3] =	ssyncset.done $0x0  }
0x81: {  	s26 =	rddreg [dreg:$0xb];
	[sflag:s3] =	ssyncadd.s32 $0xFFFFE000  }
0x82: {  	[hbm4b:s26+s20] =	stream.linear.scatter [tilespmem:s31], [sflag:$0x1], $0x2000, $0x38;
	[tilespmem:$0x1CC80] =	vst v63  }
0x83: {  	_ =	swait.ge [sflag:s8], $0x2000  }
0x84: {  	[sflag:s8] =	ssyncset.done $0x0  }
0x85: {  	s26 =	rddreg [dreg:$0x19];
	[sflag:s8] =	ssyncadd.s32 $0xFFFFE000  }
0x86: {  	[tilespmem:s0], [sflag:$0xC] =	stream.linear.gather [spmem:s26], $0x2000, $0x38;
	[tilespmem:$0x1CC80] =	vst v63  }
0x87: {  	_ =	swait.ge [sflag:s3], $0x2000  }
0x88: {  	[sflag:s3] =	ssyncset.done $0x0  }
0x89: {  	s10 =	rddreg [dreg:$0xc];
	[sflag:s3] =	ssyncadd.s32 $0xFFFFE000  }
0x8a: {  	[hbm4b:s10+s20] =	stream.linear.scatter [tilespmem:s0], [sflag:$0x2], $0x2000, $0x38;
	[tilespmem:$0x1CC80] =	vst v63  }
0x8b: {  	_ =	swait.ge [sflag:s6], $0x2000  }
0x8c: {  	[sflag:s6] =	ssyncset.done $0x0  }
0x8d: {  	[sflag:s6] =	ssyncadd.s32 $0xFFFFE000  }
0x8e: {  	_ =	swait.ge [sflag:s8], $0x2000  }
0x8f: {  	s10 =	sld [smem:$0x7F7];
	_ =	sdelay $0x2  }
0x90: {  	s1 =	rddreg [dreg:$0x1a];
	s10 =	sadd.s32 $0x1, s10  }
0x91: {  	p0 =	sne.s32 s10, s1  }
.Ltmp1:
0x92: {  	_ = 	snop;
	(pc) =	sbr.rel @!p0 .LBB2_7-.Ltmp1, $3  }
0x93: {  	_ =	sdelay $0x1  }
0x94: {  	[sflag:s8] =	ssyncset.done $0x0  }
0x95: {  	s28 =	simm.s32 $0x14000;
	[sflag:s8] =	ssyncadd.s32 $0xFFFFE000  }
.LBB2_1:
0x96: {  	[smem:$0x7F7] =	sst s10  }
0x97: {  	s1 =	rddreg [dreg:$0xe]  }
0x98: {  	[tilespmem:s28], [sflag:$0xB] =	stream.linear.gather [hbm4b:s1+s20], $0x2880, $0x38;
	[tilespmem:$0x1CC80] =	vst v63  }
0x99: {  	s10 =	simm.s32 $0x16880;
	s1 =	rddreg [dreg:$0xf]  }
0x9a: {  	[tilespmem:s10], [sflag:$0x4] =	stream.linear.gather [hbm4b:s1+s20], $0x40, $0x38;
	[tilespmem:$0x1CC80] =	vst v63  }
0x9b: {  	s1 =	sld [smem:$0x7F9];
	_ =	sdelay $0x1  }
0x9c: {  	s10 =	simm.s32 $0x16900  }
0x9d: {  	[tilespmem:s10], [sflag:$0x5] =	stream.linear.gather [hbm4b:s1+s20], $0x40, $0x38;
	[tilespmem:$0x1CC80] =	vst v63  }
0x9e: {  	s1 =	sld [smem:$0x7FA];
	_ =	sdelay $0x1  }
0x9f: {  	s10 =	simm.s32 $0x16980  }
0xa0: {  	[tilespmem:s10], [sflag:$0x6] =	stream.linear.gather [hbm4b:s1+s20], $0x40, $0x38;
	[tilespmem:$0x1CC80] =	vst v63  }
0xa1: {  	s1 =	sld [smem:$0x7FB];
	_ =	sdelay $0x1  }
0xa2: {  	s10 =	simm.s32 $0x16A00  }
0xa3: {  	[tilespmem:s10], [sflag:$0x7] =	stream.linear.gather [hbm4b:s1+s20], $0x40, $0x38;
	[tilespmem:$0x1CC80] =	vst v63  }
0xa4: {  	s10 =	sld [smem:$0x7FC];
	_ =	sdelay $0x2  }
0xa5: {  	[tilespmem:s29], [sflag:$0x8] =	stream.linear.gather [hbm4b:s10+s20], $0x40, $0x38;
	[tilespmem:$0x1CC80] =	vst v63  }
0xa6: {  	s10 =	sld [smem:$0x7FD];
	_ =	sdelay $0x2  }
0xa7: {  	[tilespmem:s30], [sflag:$0x9] =	stream.linear.gather [hbm4b:s10+s20], $0x40, $0x38;
	[tilespmem:$0x1CC80] =	vst v63  }
0xa8: {  	s10 =	simm.s32 $0x0;
	s20 =	simm.s32 $0x200  }
.LBB2_2:
0xa9: {  	p0 =	sne.s32 s20, $0x7E00;
	[tilespmem:s10+$0x16CF0] =	vst v0  }
0xaa: {  	[tilespmem:s10+$0x16C80] =	vst v0  }
0xab: {  	[tilespmem:s10+$0x16C90] =	vst v0  }
.Ltmp2:
0xac: {  	[tilespmem:s10+$0x16CA0] =	vst v0;
	(pc) =	sbr.rel @p0 .LBB2_2-.Ltmp2, $4  }
0xad: {  	[tilespmem:s10+$0x16CB0] =	vst v0  }
0xae: {  	[tilespmem:s10+$0x16CC0] =	vst v0  }
0xaf: {  	[tilespmem:s10+$0x16CD0] =	vst v0  }
0xb0: {  	[tilespmem:s10+$0x16CE0] =	vst v0;
	s10 =	sshra.s32 s20, $0x2;
	s20 =	sadd.s32 $0x200, s20  }
0xb1: {  	[tilespmem:s10+$0x16CF0] =	vst v0  }
0xb2: {  	[tilespmem:s10+$0x16C80] =	vst v0  }
0xb3: {  	[tilespmem:s10+$0x16C90] =	vst v0  }
0xb4: {  	[tilespmem:s10+$0x16CA0] =	vst v0  }
0xb5: {  	[tilespmem:s10+$0x16CB0] =	vst v0  }
0xb6: {  	[tilespmem:s10+$0x16CC0] =	vst v0  }
0xb7: {  	[tilespmem:s10+$0x16CD0] =	vst v0  }
0xb8: {  	[tilespmem:s10+$0x16CE0] =	vst v0  }
0xb9: {  	[spmem:s14] =	stream.linear.scatter [tilespmem:s31], [sflag:$0xA], $0x2000, $0x38;
	[tilespmem:$0x1CC80] =	vst v63  }
0xba: {  	_ = 	snop  }
0xbb: {  	[spmem:s21] =	stream.linear.scatter [tilespmem:s31], [sflag:$0xA], $0x2000, $0x38;
	[tilespmem:$0x1CC80] =	vst v63  }
0xbc: {  	_ = 	snop  }
0xbd: {  	[spmem:s22] =	stream.linear.scatter [tilespmem:s31], [sflag:$0xA], $0x2000, $0x38;
	[tilespmem:$0x1CC80] =	vst v63  }
0xbe: {  	_ = 	snop  }
0xbf: {  	[spmem:s23] =	stream.linear.scatter [tilespmem:s31], [sflag:$0xA], $0x2000, $0x38;
	[tilespmem:$0x1CC80] =	vst v63  }
0xc0: {  	_ = 	snop  }
0xc1: {  	[spmem:s11] =	stream.linear.scatter [tilespmem:s31], [sflag:$0xA], $0x2000, $0x38;
	[tilespmem:$0x1CC80] =	vst v63  }
0xc2: {  	_ = 	snop  }
0xc3: {  	[spmem:s13] =	stream.linear.scatter [tilespmem:s31], [sflag:$0xA], $0x2000, $0x38;
	[tilespmem:$0x1CC80] =	vst v63  }
0xc4: {  	_ = 	snop  }
0xc5: {  	[spmem:s16] =	stream.linear.scatter [tilespmem:s31], [sflag:$0xA], $0x2000, $0x38;
	[tilespmem:$0x1CC80] =	vst v63  }
0xc6: {  	_ = 	snop  }
0xc7: {  	[spmem:s24] =	stream.linear.scatter [tilespmem:s31], [sflag:$0xA], $0x2000, $0x38;
	[tilespmem:$0x1CC80] =	vst v63  }
0xc8: {  	_ = 	snop  }
0xc9: {  	[spmem:s25] =	stream.linear.scatter [tilespmem:s31], [sflag:$0xA], $0x2000, $0x38;
	[tilespmem:$0x1CC80] =	vst v63  }
0xca: {  	s1 =	simm.s32 $0xA  }
0xcb: {  	[spmem:s26] =	stream.linear.scatter [tilespmem:s31], [sflag:$0xA], $0x2000, $0x38;
	[tilespmem:$0x1CC80] =	vst v63  }
0xcc: {  	_ =	swait.ge [sflag:s1], $0x2000  }
0xcd: {  	[sflag:s1] =	ssyncset.done $0x0  }
0xce: {  	[sflag:s1] =	ssyncadd.s32 $0xFFFFE000  }
0xcf: {  	_ =	swait.ge [sflag:s1], $0x2000  }
0xd0: {  	[sflag:s1] =	ssyncset.done $0x0  }
0xd1: {  	[sflag:s1] =	ssyncadd.s32 $0xFFFFE000  }
0xd2: {  	_ =	swait.ge [sflag:s1], $0x2000  }
0xd3: {  	[sflag:s1] =	ssyncset.done $0x0  }
0xd4: {  	[sflag:s1] =	ssyncadd.s32 $0xFFFFE000  }
0xd5: {  	_ =	swait.ge [sflag:s1], $0x2000  }
0xd6: {  	[sflag:s1] =	ssyncset.done $0x0  }
0xd7: {  	[sflag:s1] =	ssyncadd.s32 $0xFFFFE000  }
0xd8: {  	_ =	swait.ge [sflag:s1], $0x2000  }
0xd9: {  	[sflag:s1] =	ssyncset.done $0x0  }
0xda: {  	[sflag:s1] =	ssyncadd.s32 $0xFFFFE000  }
0xdb: {  	_ =	swait.ge [sflag:s1], $0x2000  }
0xdc: {  	[sflag:s1] =	ssyncset.done $0x0  }
0xdd: {  	[sflag:s1] =	ssyncadd.s32 $0xFFFFE000  }
0xde: {  	_ =	swait.ge [sflag:s1], $0x2000  }
0xdf: {  	[sflag:s1] =	ssyncset.done $0x0  }
0xe0: {  	[sflag:s1] =	ssyncadd.s32 $0xFFFFE000  }
0xe1: {  	_ =	swait.ge [sflag:s1], $0x2000  }
0xe2: {  	[sflag:s1] =	ssyncset.done $0x0  }
0xe3: {  	[sflag:s1] =	ssyncadd.s32 $0xFFFFE000  }
0xe4: {  	_ =	swait.ge [sflag:s1], $0x2000  }
0xe5: {  	[sflag:s1] =	ssyncset.done $0x0  }
0xe6: {  	[sflag:s1] =	ssyncadd.s32 $0xFFFFE000  }
0xe7: {  	_ =	swait.ge [sflag:s1], $0x2000  }
0xe8: {  	[sflag:s1] =	ssyncset.done $0x0  }
0xe9: {  	s24 =	simm.s32 $0xB;
	[sflag:s1] =	ssyncadd.s32 $0xFFFFE000  }
0xea: {  	_ =	swait.ge [sflag:s24], $0x2880  }
0xeb: {  	[sflag:s24] =	ssyncset.done $0x0  }
0xec: {  	[sflag:s24] =	ssyncadd.s32 $0xFFFFD780  }
0xed: {  	[tilespmem:s31], [sflag:$0x1] =	stream.indirect.gather [hbm4b:s15+s4], $0x80, s28, s4, $0xb8;
	[tilespmem:$0x1CC80] =	vst v63  }
0xee: {  	s25 =	simm.s32 $0x14040  }
0xef: {  	[tilespmem:s0], [sflag:$0x2] =	stream.indirect.gather [hbm4b:s15+s4], $0x80, s25, s4, $0xb8;
	[tilespmem:$0x1CC80] =	vst v63  }
0xf0: {  	s26 =	simm.s32 $0x14080  }
0xf1: {  	[tilespmem:s5], [sflag:$0x3] =	stream.indirect.gather [hbm4b:s15+s4], $0x80, s26, s4, $0xb8;
	[tilespmem:$0x1CC80] =	vst v63  }
0xf2: {  	[bflag:$0x0] =	sbarrier.arrive $0xFFFF  }
0xf3: {  	s22 =	sld [smem:$0x7F8]  }
0xf4: {  	s23 =	rddreg [dreg:$0x1f]  }
0xf5: {  	s24 =	rddreg [dreg:$0x1e]  }
0xf6: {  	s25 =	rddreg [dreg:$0x1d]  }
0xf7: {  	s26 =	rddreg [dreg:$0x1c]  }
0xf8: {  	s21 =	simm.s32 $0x0;
	s28 =	rddreg [dreg:$0x1b]  }
.LBB2_4:
0xf9: {  	_ =	swait.ge [sflag:s2], $0x40  }
0xfa: {  	[sflag:s2] =	ssyncset.done $0x0  }
0xfb: {  	[sflag:s2] =	ssyncadd.s32 $0xFFFFFFC0  }
0xfc: {  	_ =	swait.ge [sflag:s6], $0x2000  }
0xfd: {  	[sflag:s6] =	ssyncset.done $0x0  }
0xfe: {  	s1 =	simm.s32 $0x16880;
	[sflag:s6] =	ssyncadd.s32 $0xFFFFE000  }
0xff: {  	[spmem:s12] =	stream.indirect.scatter.add.f32 [tilespmem:s31], [sflag:$0xC], $0x80, s1, s4, $0xb8;
	[tilespmem:$0x1CC80] =	vst v63  }
0x100: {  	_ =	swait.ge [sflag:s3], $0x2000  }
0x101: {  	s20 =	sshra.s32 s21, $0x2;
	[sflag:s3] =	ssyncset.done $0x0  }
0x102: {  	p0 =	seq.s32 s21, $0x9C00;
	s10 =	sadd.s32 $0x140C0, s20;
	[sflag:s3] =	ssyncadd.s32 $0xFFFFE000  }
0x103: {  	[tilespmem:s31], [sflag:$0x1] =	stream.indirect.gather [hbm4b:s15+s4], $0x80, s10, s4, $0xb8;
	[tilespmem:$0x1CC80] =	vst v63  }
0x104: {  	s1 =	rddreg [dreg:$0xd];
	s10 =	sshrl.u32 @!p0 s22, $0x3  }
0x105: {  	s13 =	simm.s32 @!p0 $0x16880;
	s11 =	sadd.s32 @!p0 s1, s10;
	s10 =	simm.s32 @!p0 $0x0  }
0x106: {  	[tilespmem:s13], [sflag:$0x4] =	stream.linear.gather @!p0 [hbm4b:s11+s10], $0x40, $0x38;
	[tilespmem:$0x1CC80] =	vst v63  }
0x107: {  	_ =	swait.ge [sflag:s7], $0x40  }
0x108: {  	[sflag:s7] =	ssyncset.done $0x0  }
0x109: {  	[sflag:s7] =	ssyncadd.s32 $0xFFFFFFC0  }
0x10a: {  	_ =	swait.ge [sflag:s8], $0x2000  }
0x10b: {  	[sflag:s8] =	ssyncset.done $0x0  }
0x10c: {  	s11 =	simm.s32 $0x16900;
	[sflag:s8] =	ssyncadd.s32 $0xFFFFE000  }
0x10d: {  	[spmem:s12] =	stream.indirect.scatter.add.f32 [tilespmem:s0], [sflag:$0xC], $0x80, s11, s4, $0xb8;
	[tilespmem:$0x1CC80] =	vst v63  }
0x10e: {  	_ =	swait.ge [sflag:s3], $0x2000  }
0x10f: {  	[sflag:s3] =	ssyncset.done $0x0  }
0x110: {  	s13 =	sadd.s32 $0x14100, s20;
	[sflag:s3] =	ssyncadd.s32 $0xFFFFE000  }
0x111: {  	[tilespmem:s0], [sflag:$0x2] =	stream.indirect.gather [hbm4b:s15+s4], $0x80, s13, s4, $0xb8;
	[tilespmem:$0x1CC80] =	vst v63  }
0x112: {  	s11 =	simm.s32 @!p0 $0x16900  }
0x113: {  	[tilespmem:s11], [sflag:$0x5] =	stream.linear.gather @!p0 [hbm4b:s23+s10], $0x40, $0x38;
	[tilespmem:$0x1CC80] =	vst v63  }
0x114: {  	_ =	swait.ge [sflag:s17], $0x40  }
0x115: {  	[sflag:s17] =	ssyncset.done $0x0  }
0x116: {  	[sflag:s17] =	ssyncadd.s32 $0xFFFFFFC0  }
0x117: {  	_ =	swait.ge [sflag:s9], $0x2000  }
0x118: {  	[sflag:s9] =	ssyncset.done $0x0  }
0x119: {  	s14 =	simm.s32 $0x16980;
	[sflag:s9] =	ssyncadd.s32 $0xFFFFE000  }
0x11a: {  	[spmem:s12] =	stream.indirect.scatter.add.f32 [tilespmem:s5], [sflag:$0xC], $0x80, s14, s4, $0xb8;
	[tilespmem:$0x1CC80] =	vst v63  }
0x11b: {  	_ =	swait.ge [sflag:s3], $0x2000  }
0x11c: {  	[sflag:s3] =	ssyncset.done $0x0  }
0x11d: {  	s16 =	sadd.s32 $0x14140, s20;
	s11 =	simm.s32 @p0 $0x7;
	[sflag:s3] =	ssyncadd.s32 $0xFFFFE000  }
0x11e: {  	[tilespmem:s5], [sflag:$0x3] =	stream.indirect.gather [hbm4b:s15+s4], $0x80, s16, s4, $0xb8;
	[tilespmem:$0x1CC80] =	vst v63  }
0x11f: {  	_ =	swait.ge @p0 [sflag:s11], $0x40  }
0x120: {  	[sflag:s11] =	ssyncset.done @p0 $0x0  }
0x121: {  	[sflag:s11] =	ssyncadd.s32 @p0 $0xFFFFFFC0;
	s11 =	simm.s32 @p0 $0x1  }
0x122: {  	_ =	swait.ge @p0 [sflag:s11], $0x2000  }
0x123: {  	s13 =	simm.s32 @p0 $0x16A00;
	[sflag:s11] =	ssyncset.done @p0 $0x0  }
0x124: {  	s16 =	simm.s32 @p0 $0x16C80;
	[sflag:s11] =	ssyncadd.s32 @p0 $0xFFFFE000;
	s11 =	simm.s32 @p0 $0x40  }
0x125: {  	[spmem:s12] =	stream.indirect.scatter.add.f32 @p0 [tilespmem:s16], [sflag:$0xC], $0x80, s13, s11, $0xb8;
	[tilespmem:$0x1CC80] =	vst v63  }
0x126: {  	s11 =	simm.s32 @p0 $0xC  }
0x127: {  	_ =	swait.ge @p0 [sflag:s11], $0x2000  }
0x128: {  	[sflag:s11] =	ssyncset.done @p0 $0x0  }
0x129: {  	[sflag:s11] =	ssyncadd.s32 @p0 $0xFFFFE000;
	s11 =	simm.s32 @!p0 $0x16980  }
0x12a: {  	[tilespmem:s11], [sflag:$0x6] =	stream.linear.gather @!p0 [hbm4b:s24+s10], $0x40, $0x38;
	[tilespmem:$0x1CC80] =	vst v63  }
0x12b: {  	s11 =	simm.s32 @!p0 $0x7  }
0x12c: {  	_ =	swait.ge @!p0 [sflag:s11], $0x40  }
0x12d: {  	[sflag:s11] =	ssyncset.done @!p0 $0x0  }
0x12e: {  	[sflag:s11] =	ssyncadd.s32 @!p0 $0xFFFFFFC0;
	s11 =	simm.s32 @!p0 $0x1  }
0x12f: {  	_ =	swait.ge @!p0 [sflag:s11], $0x2000  }
0x130: {  	s14 =	simm.s32 @!p0 $0xC;
	s13 =	simm.s32 @!p0 $0x16A00;
	[sflag:s11] =	ssyncset.done @!p0 $0x0  }
0x131: {  	s16 =	simm.s32 @!p0 $0x16C80;
	[sflag:s11] =	ssyncadd.s32 @!p0 $0xFFFFE000;
	s11 =	simm.s32 @!p0 $0x40  }
0x132: {  	[spmem:s12] =	stream.indirect.scatter.add.f32 @!p0 [tilespmem:s16], [sflag:$0xC], $0x80, s13, s11, $0xb8;
	[tilespmem:$0x1CC80] =	vst v63  }
0x133: {  	_ =	swait.ge @!p0 [sflag:s14], $0x2000  }
0x134: {  	s1 =	sshra.s32 @!p0 s21, $0x2;
	[sflag:s14] =	ssyncset.done @!p0 $0x0  }
0x135: {  	s1 =	sadd.s32 @!p0 $0x14180, s1;
	[sflag:s14] =	ssyncadd.s32 @!p0 $0xFFFFE000  }
0x136: {  	[tilespmem:s16], [sflag:$0x1] =	stream.indirect.gather @!p0 [hbm4b:s15+s11], $0x80, s1, s11, $0xb8;
	[tilespmem:$0x1CC80] =	vst v63  }
0x137: {  	_ = 	snop  }
0x138: {  	[tilespmem:s13], [sflag:$0x7] =	stream.linear.gather @!p0 [hbm4b:s25+s10], $0x40, $0x38;
	[tilespmem:$0x1CC80] =	vst v63  }
0x139: {  	_ =	swait.ge [sflag:s18], $0x40  }
0x13a: {  	[sflag:s18] =	ssyncset.done $0x0  }
0x13b: {  	[sflag:s18] =	ssyncadd.s32 $0xFFFFFFC0  }
0x13c: {  	_ =	swait.ge [sflag:s8], $0x2000  }
0x13d: {  	[sflag:s8] =	ssyncset.done $0x0  }
.Ltmp3:
0x13e: {  	[sflag:s8] =	ssyncadd.s32 $0xFFFFE000;
	(pc) =	sbr.rel @p0 .LBB2_6-.Ltmp3, $4  }
0x13f: {  	[spmem:s12] =	stream.indirect.scatter.add.f32 [tilespmem:s0], [sflag:$0xC], $0x80, s29, s4, $0xb8;
	[tilespmem:$0x1CC80] =	vst v63  }
0x140: {  	_ =	swait.ge [sflag:s3], $0x2000  }
0x141: {  	[sflag:s3] =	ssyncset.done $0x0  }
0x142: {  	[sflag:s3] =	ssyncadd.s32 $0xFFFFE000  }
0x143: {  	s1 =	sadd.s32 $0x141C0, s20  }
0x144: {  	[tilespmem:s0], [sflag:$0x2] =	stream.indirect.gather [hbm4b:s15+s4], $0x80, s1, s4, $0xb8;
	[tilespmem:$0x1CC80] =	vst v63  }
0x145: {  	s10 =	simm.s32 $0x0  }
0x146: {  	[tilespmem:s29], [sflag:$0x8] =	stream.linear.gather [hbm4b:s26+s10], $0x40, $0x38;
	[tilespmem:$0x1CC80] =	vst v63  }
0x147: {  	_ =	swait.ge [sflag:s19], $0x40  }
0x148: {  	[sflag:s19] =	ssyncset.done $0x0  }
0x149: {  	[sflag:s19] =	ssyncadd.s32 $0xFFFFFFC0  }
0x14a: {  	_ =	swait.ge [sflag:s9], $0x2000  }
0x14b: {  	[sflag:s9] =	ssyncset.done $0x0  }
0x14c: {  	[sflag:s9] =	ssyncadd.s32 $0xFFFFE000  }
0x14d: {  	[spmem:s12] =	stream.indirect.scatter.add.f32 [tilespmem:s5], [sflag:$0xC], $0x80, s30, s4, $0xb8;
	[tilespmem:$0x1CC80] =	vst v63  }
0x14e: {  	_ =	swait.ge [sflag:s3], $0x2000  }
0x14f: {  	s20 =	sadd.s32 $0x14200, s20;
	[sflag:s3] =	ssyncset.done $0x0  }
.Ltmp4:
0x150: {  	s25 =	sadd.s32 $0x30, s25;
	[sflag:s3] =	ssyncadd.s32 $0xFFFFE000;
	(pc) =	sbr.rel .LBB2_4-.Ltmp4, $4  }
0x151: {  	[tilespmem:s5], [sflag:$0x3] =	stream.indirect.gather [hbm4b:s15+s4], $0x80, s20, s4, $0xb8;
	[tilespmem:$0x1CC80] =	vst v63  }
0x152: {  	s24 =	sadd.s32 $0x30, s24;
	s21 =	sadd.s32 $0x600, s21;
	s23 =	sadd.s32 $0x30, s23  }
0x153: {  	[tilespmem:s30], [sflag:$0x9] =	stream.linear.gather [hbm4b:s28+s10], $0x40, $0x38;
	[tilespmem:$0x1CC80] =	vst v63  }
0x154: {  	s22 =	sadd.s32 $0x180, s22;
	s26 =	sadd.s32 $0x30, s26;
	s28 =	sadd.s32 $0x30, s28  }
.LBB2_7:
0x155: {  	_ =	sfence.sel $0x180000  }
0x156: {  	[bflag:$0x0] =	sbarrier.arrive $0xFFFF  }
0x157: {  	_ =	strace $0x9000004A  }
0x158: {  	s0 =	stileid.u32;
	[bflag:$0x2] =	sbarrier.arrive $0xFFFF  }
0x159: {  	p0 =	sne.s32 s0, $0x0;
	s0 =	rddreg [dreg:$0x2]  }
0x15a: {  	s0 =	sadd.s32 @!p0 $0x100000, s0  }
0x15b: {  	[sflag:s0] =	ssyncadd.tile.s32 @!p0 $0x1;
	_ =	shalt  }
.Lfunc_end2:
_tile_overlayer_lowered:
.L_overlay_start_2:
0x15c: {  	(tag) =	ssettag $0x2  }
0x15d: {  	s0 =	rddreg [dreg:$0x0];
	s2 =	stileid.u32  }
0x15e: {  	s1 =	rddreg [dreg:$0x1];
	p0 =	sne.s32 s2, $0x0  }
0x15f: {  	s3 =	rddreg [dreg:$0x2];
	[bflag:$0x3] =	sbarrier.arrive $0xFFFF;
	s2 =	simm.s32 @!p0 $0x1C0C  }
0x160: {  	[timem:s3], [sflag:s2] =	dma.local @!p0 [hbm:s0], s1  }
0x161: {  	s0 =	simm.s32 @!p0 $0xC  }
0x162: {  	_ =	swait.ge @!p0 [sflag:s0], s1  }
0x163: {  	s1 =	ssub.s32 @!p0 $0x0, s1;
	[sflag:s0] =	ssyncset.done @!p0 $0x0  }
0x164: {  	[sflag:s0] =	ssyncadd.s32 @!p0 s1  }
0x165: {  	[bflag:$0x3] =	sbarrier.arrive $0xFFFF  }
0x166: {  	_ =	shalt  }

</sc_bundles>
